<compile_context>
chip_gen: v7x
topology: tpu7x:2x2x1
jax: 0.10.2.dev20260603
libtpu: 0.0.44.dev20260713+nightly
codegen_flags: <defaults>
</compile_context>

<pallas_src>
import functools

import jax
import jax.numpy as jnp
from jax import lax
from jax.experimental import pallas as pl
from jax.experimental.pallas import tpu as pltpu
from jax.experimental.pallas import tpu_sc as plsc

_NC = 2
_NS = 16
_NW = _NC * _NS
_LANES = 16
_CH = 64
_NB = 4
_NPH = 4
_ZR = 16
_G = 64
_BM = 1024


def _sc_segment_gather_add(h_pad, src_t, dst_t, n_pad, nch):
    d = h_pad.shape[1]
    rows_per_tile = n_pad // _NS
    nch2 = nch // _NPH
    mesh = plsc.VectorSubcoreMesh(core_axis_name="c", subcore_axis_name="s")

    @functools.partial(
        pl.kernel,
        mesh=mesh,
        out_type=jax.ShapeDtypeStruct((_NC, n_pad, d), jnp.float32),
        scratch_types=(
            [
                pltpu.VMEM((nch2, _CH), jnp.int32),
                pltpu.VMEM((nch2, _CH), jnp.int32),
            ]
            + [pltpu.VMEM((_CH, d), jnp.float32)] * _NB
            + [
                pltpu.VMEM((_ZR, d), jnp.float32),
                pltpu.VMEM_SHARED((n_pad, d), jnp.float32),
            ]
            + [pltpu.SemaphoreType.DMA] * (2 * _NB)
        ),
    )
    def k(h_hbm, src_hbm, dst_hbm, out_hbm, srcv, dstv, *rest):
        rows_bufs = rest[:_NB]
        zbuf = rest[_NB]
        acc = rest[_NB + 1]
        gsems = rest[_NB + 2 : 2 * _NB + 2]
        ssems = rest[2 * _NB + 2 :]
        cid = lax.axis_index("c")
        sid = lax.axis_index("s")
        wid = sid * _NC + cid

        zv = jnp.zeros((_LANES,), jnp.float32)

        @pl.loop(0, _ZR)
        def _(r):
            @pl.loop(0, d, step=_LANES)
            def _(j):
                zbuf[r, pl.ds(j, _LANES)] = zv

        base = sid * rows_per_tile

        @pl.loop(0, rows_per_tile, step=_ZR)
        def _(r):
            pltpu.sync_copy(zbuf, acc.at[pl.ds(base + r, _ZR)])

        plsc.subcore_barrier()

        nb = len(rows_bufs)
        for phase in range(_NPH):
            pltpu.sync_copy(src_hbm.at[wid].at[pl.ds(phase * nch2, nch2)], srcv)
            pltpu.sync_copy(dst_hbm.at[wid].at[pl.ds(phase * nch2, nch2)], dstv)

            for k in range(nb):
                pltpu.async_copy(h_hbm.at[srcv.at[k]], rows_bufs[k], gsems[k])

            @pl.loop(0, nch2 - nb, step=nb)
            def _(c):
                for k in range(nb):
                    pltpu.make_async_copy(
                        h_hbm.at[srcv.at[c + k]], rows_bufs[k], gsems[k]).wait()
                    pltpu.async_copy(
                        rows_bufs[k], acc.at[dstv.at[c + k]], ssems[k], add=True)
                for k in range(nb):
                    pltpu.make_async_copy(
                        rows_bufs[k], acc.at[dstv.at[c + k]], ssems[k]).wait()
                    pltpu.async_copy(
                        h_hbm.at[srcv.at[c + nb + k]], rows_bufs[k], gsems[k])

            for k in range(nb):
                pltpu.make_async_copy(
                    h_hbm.at[srcv.at[nch2 - nb + k]], rows_bufs[k], gsems[k]).wait()
                pltpu.sync_copy(rows_bufs[k], acc.at[dstv.at[nch2 - nb + k]], add=True)

        plsc.subcore_barrier()
        pltpu.sync_copy(
            acc.at[pl.ds(base, rows_per_tile)],
            out_hbm.at[cid].at[pl.ds(base, rows_per_tile)],
        )

    return k(h_pad, src_t, dst_t)


def _round_bf16(a):
    return a.astype(jnp.bfloat16).astype(jnp.float32)


def _tc_layer(p0, p1, h, w, n_pad):
    d = h.shape[1]

    def body(p0_ref, p1_ref, h_ref, w_ref, o_ref, or_ref):
        s = p0_ref[...] + p1_ref[...]
        v = (
            jnp.maximum(
                jnp.dot(
                    s,
                    w_ref[...],
                    preferred_element_type=jnp.float32,
                    precision=lax.Precision.HIGHEST,
                ),
                0.0,
            )
            + h_ref[...]
        )
        o_ref[...] = v
        or_ref[...] = _round_bf16(v)

    return pl.pallas_call(
        body,
        grid=(n_pad // _BM,),
        in_specs=[
            pl.BlockSpec((_BM, d), lambda i: (i, 0)),
            pl.BlockSpec((_BM, d), lambda i: (i, 0)),
            pl.BlockSpec((_BM, d), lambda i: (i, 0)),
            pl.BlockSpec((d, d), lambda i: (0, 0)),
        ],
        out_specs=[
            pl.BlockSpec((_BM, d), lambda i: (i, 0)),
            pl.BlockSpec((_BM, d), lambda i: (i, 0)),
        ],
        out_shape=[
            jax.ShapeDtypeStruct((n_pad, d), jnp.float32),
            jax.ShapeDtypeStruct((n_pad, d), jnp.float32),
        ],
    )(p0, p1, h, w)


def _tc_layer2_pool(p0, p1, h, w, w_out, batch2d, n_pad, t_std, t_mean):
    d = h.shape[1]
    nsteps = n_pad // _BM

    def body(p0_ref, p1_ref, h_ref, w_ref, wo_ref, b_ref, o_ref, pool_ref):
        i = pl.program_id(0)
        s = p0_ref[...] + p1_ref[...]
        h2 = (
            jnp.maximum(
                jnp.dot(
                    s,
                    w_ref[...],
                    preferred_element_type=jnp.float32,
                    precision=lax.Precision.HIGHEST,
                ),
                0.0,
            )
            + h_ref[...]
        )
        b = b_ref[...]
        gids = lax.broadcasted_iota(jnp.int32, (_G, _BM), 0)
        mask = (b == gids).astype(jnp.float32)
        contrib = jnp.dot(
            mask,
            h2,
            preferred_element_type=jnp.float32,
            precision=lax.Precision.HIGHEST,
        )

        @pl.when(i == 0)
        def _():
            pool_ref[...] = jnp.zeros((_G, d), jnp.float32)

        pool_ref[...] += contrib

        @pl.when(i == nsteps - 1)
        def _():
            g = _round_bf16(pool_ref[...])
            y = jnp.dot(
                g,
                wo_ref[...],
                preferred_element_type=jnp.float32,
                precision=lax.Precision.HIGHEST,
            )
            o_ref[...] = y[:, 0][None, :] * t_std + t_mean

    return pl.pallas_call(
        body,
        grid=(nsteps,),
        in_specs=[
            pl.BlockSpec((_BM, d), lambda i: (i, 0)),
            pl.BlockSpec((_BM, d), lambda i: (i, 0)),
            pl.BlockSpec((_BM, d), lambda i: (i, 0)),
            pl.BlockSpec((d, d), lambda i: (0, 0)),
            pl.BlockSpec((d, 1), lambda i: (0, 0)),
            pl.BlockSpec((1, _BM), lambda i: (0, i)),
        ],
        out_specs=pl.BlockSpec((1, _G), lambda i: (0, 0)),
        out_shape=jax.ShapeDtypeStruct((1, _G), jnp.float32),
        scratch_shapes=[pltpu.VMEM((_G, d), jnp.float32)],
    )(p0, p1, h, w, w_out, batch2d)


def kernel(x, edge_index, batch, W1, W2, W_out):
    n, d = x.shape
    e = edge_index.shape[1]

    n_pad = ((n + 1 + _BM - 1) // _BM) * _BM
    nch = -(-e // (_NW * _CH))
    m = _NPH * _NB
    nch = ((nch + m - 1) // m) * m
    cap = _NW * nch * _CH

    src = edge_index[0].astype(jnp.int32)
    dst = edge_index[1].astype(jnp.int32)
    pad_idx = n + (jnp.arange(cap - e, dtype=jnp.int32) % (n_pad - n))
    src_t = jnp.concatenate([src, pad_idx]).reshape(_NW, nch, _CH)
    dst_t = jnp.concatenate([dst, pad_idx]).reshape(_NW, nch, _CH)
    batch2d = jnp.concatenate(
        [batch.astype(jnp.int32), jnp.full((n_pad - n,), _G, jnp.int32)]
    ).reshape(1, n_pad)

    zpad = jnp.zeros((n_pad - n, d), jnp.float32)
    h0 = jnp.concatenate([x, zpad], axis=0)
    h0r = jnp.concatenate([_round_bf16(x), zpad], axis=0)
    w1r = _round_bf16(W1)
    w2r = _round_bf16(W2)
    wor = _round_bf16(W_out)

    p = _sc_segment_gather_add(h0r, src_t, dst_t, n_pad, nch)
    h1, h1r = _tc_layer(p[0], p[1], h0, w1r, n_pad)
    q = _sc_segment_gather_add(h1r, src_t, dst_t, n_pad, nch)
    out = _tc_layer2_pool(
        q[0], q[1], h1, w2r, wor, batch2d, n_pad, 25.0, 500.0
    )
    return out.reshape(_G)

# --- scband reference (transcript-rebuilt; emitter-appended) ---
"""Pipeline reference for scband-density-predictor-66786741453377 (READ-ONLY COPY).

The authoritative reference and input builder live on the scoring server;
editing this copy changes nothing except your own understanding.
"""

import jax, jax.numpy as jnp
import numpy as np

N = 10000
E = 320000
D = 128
G = 64
TARGET_STD = 25.0
TARGET_MEAN = 500.0

def setup_inputs(seed: int = 0) -> dict:
    key = jax.random.key(seed)
    k1, k2, k3, k4, k5, k6 = jax.random.split(key, 6)
    x = jax.random.normal(k1, (N, D), dtype=jnp.float32)
    edge_index = jax.random.randint(k2, (2, E), 0, N)
    batch = jnp.sort(jax.random.randint(k3, (N,), 0, G))
    W1 = jax.random.normal(k4, (D, D), dtype=jnp.float32) * (1.0 / np.sqrt(D))
    W2 = jax.random.normal(k5, (D, D), dtype=jnp.float32) * (1.0 / np.sqrt(D))
    W_out = jax.random.normal(k6, (D, 1), dtype=jnp.float32) * (1.0 / np.sqrt(D))
    return {"x": x, "edge_index": edge_index, "batch": batch, "W1": W1, "W2": W2, "W_out": W_out}

def reference(x, edge_index, batch, W1, W2, W_out):
    # Message-passing GNN scalar regressor (core of MoleculeScalarRegressor inside DensityPredictor.predict)
    src = edge_index[0]
    dst = edge_index[1]
    h = x
    for W in (W1, W2):
        msg = jnp.take(h, src, axis=0) @ W            # gather source node features
        agg = jax.ops.segment_sum(msg, dst, num_segments=N)  # scatter-add to destination nodes
        h = jax.nn.relu(agg) + h                      # residual update
    g = jax.ops.segment_sum(h, batch, num_segments=G)  # per-graph pooling over molecule batch
    out = (g @ W_out).squeeze(-1)                      # scalar per graph
    # denormalize like gnn(mol_batch) * target_std + target_mean
    return out * TARGET_STD + TARGET_MEAN

if __name__ == "__main__":
    import jax
    _d = setup_inputs()
    print(jax.jit(kernel)(*tuple(_d.values())))

</pallas_src>

<mosaic_0001>
#map = affine_map<(d0, d1) -> (0, 0)>
#map1 = affine_map<(d0, d1) -> (0, 0, 0)>
module attributes {stable_mosaic.version = 14 : i64} {
  func.func @k(%arg0: i32, %arg1: i32, %arg2: memref<10240x128xf32, #tpu.memory_space<hbm>>, %arg3: memref<32x160x64xi32, #tpu.memory_space<hbm>>, %arg4: memref<32x160x64xi32, #tpu.memory_space<hbm>>, %arg5: memref<2x10240x128xf32, #tpu.memory_space<hbm>>, %arg6: memref<40x64xi32, #tpu.memory_space<vmem>>, %arg7: memref<40x64xi32, #tpu.memory_space<vmem>>, %arg8: memref<64x128xf32, #tpu.memory_space<vmem>>, %arg9: memref<64x128xf32, #tpu.memory_space<vmem>>, %arg10: memref<64x128xf32, #tpu.memory_space<vmem>>, %arg11: memref<64x128xf32, #tpu.memory_space<vmem>>, %arg12: memref<16x128xf32, #tpu.memory_space<vmem>>, %arg13: memref<10240x128xf32, #tpu.memory_space<vmem_shared>>, %arg14: memref<!tpu.dma_semaphore, #tpu.memory_space<semaphore_mem>>, %arg15: memref<!tpu.dma_semaphore, #tpu.memory_space<semaphore_mem>>, %arg16: memref<!tpu.dma_semaphore, #tpu.memory_space<semaphore_mem>>, %arg17: memref<!tpu.dma_semaphore, #tpu.memory_space<semaphore_mem>>, %arg18: memref<!tpu.dma_semaphore, #tpu.memory_space<semaphore_mem>>, %arg19: memref<!tpu.dma_semaphore, #tpu.memory_space<semaphore_mem>>, %arg20: memref<!tpu.dma_semaphore, #tpu.memory_space<semaphore_mem>>, %arg21: memref<!tpu.dma_semaphore, #tpu.memory_space<semaphore_mem>>) attributes {dimension_semantics = [#tpu.dimension_semantics<core_parallel>, #tpu.dimension_semantics<subcore_parallel>], iteration_bounds = array<i64: 2, 16>, scalar_prefetch = 0 : i64, scratch_operands = 16 : i64, tpu.core_type = #tpu.core_type<sc_vector_subcore>, window_params = [{transform_indices = #map}, {transform_indices = #map1}, {transform_indices = #map1}, {transform_indices = #map1}]} {
    %mul3A = arith.constant 2 : i32
    %mul3A_0 = arith.muli %arg1, %mul3A : i32
    %add3A = arith.addi %mul3A_0, %arg0 : i32
    %broadcast_in_dim3A = arith.constant 0.000000e+00 : f32
    %broadcast_in_dim3A_1 = vector.broadcast %broadcast_in_dim3A : f32 to vector<16xf32>
    %scan3A = arith.constant 0 : i32
    %scan3A_2 = arith.constant 16 : i32
    %scan3A_3 = arith.addi %scan3A, %scan3A_2 : i32
    %scan3A_4 = arith.constant 1 : i32
    scf.for %scan3A_271 = %scan3A to %scan3A_3 step %scan3A_4  : i32 {
      %mul3A_272 = arith.constant 1 : i32
      %mul3A_273 = arith.muli %scan3A_271, %mul3A_272 : i32
      %add3A_274 = arith.constant 0 : i32
      %add3A_275 = arith.addi %add3A_274, %mul3A_273 : i32
      %scan3A_276 = arith.constant 0 : i32
      %scan3A_277 = arith.constant 8 : i32
      %scan3A_278 = arith.addi %scan3A_276, %scan3A_277 : i32
      %scan3A_279 = arith.constant 1 : i32
      scf.for %scan3A_281 = %scan3A_276 to %scan3A_278 step %scan3A_279  : i32 {
        %mul3A_282 = arith.constant 16 : i32
        %mul3A_283 = arith.muli %scan3A_281, %mul3A_282 : i32
        %add3A_284 = arith.constant 0 : i32
        %add3A_285 = arith.addi %add3A_284, %mul3A_283 : i32
        %swap3A = arith.index_cast %add3A_275 : i32 to index
        %swap3A_286 = arith.index_cast %add3A_285 : i32 to index
        %swap3A_287 = tpu.vector_load %arg12[%swap3A, %swap3A_286] {strides = array<i32>} : memref<16x128xf32, #tpu.memory_space<vmem>>, vector<1x16xf32>,
        %swap3A_288 = vector.shape_cast %swap3A_287 : vector<1x16xf32> to vector<16xf32>
        %swap3A_289 = vector.shape_cast %broadcast_in_dim3A_1 : vector<16xf32> to vector<1x16xf32>
        tpu.vector_store %arg12[%swap3A, %swap3A_286], %swap3A_289 {strides = array<i32>} : memref<16x128xf32, #tpu.memory_space<vmem>>, vector<1x16xf32>,
      }
      %scan3A_280 = arith.constant 8 : i32
    }
    %scan3A_5 = arith.constant 16 : i32
    %mul3A_6 = arith.constant 640 : i32
    %mul3A_7 = arith.muli %arg1, %mul3A_6 : i32
    %scan3A_8 = arith.constant 0 : i32
    %scan3A_9 = arith.constant 40 : i32
    %scan3A_10 = arith.addi %scan3A_8, %scan3A_9 : i32
    %scan3A_11 = arith.constant 1 : i32
    scf.for %scan3A_271 = %scan3A_8 to %scan3A_10 step %scan3A_11  : i32 {
      %mul3A_272 = arith.constant 16 : i32
      %mul3A_273 = arith.muli %scan3A_271, %mul3A_272 : i32
      %add3A_274 = arith.constant 0 : i32
      %add3A_275 = arith.addi %add3A_274, %mul3A_273 : i32
      %add3A_276 = arith.addi %mul3A_7, %add3A_275 : i32
      "tpu.region"() ({
        %run_scoped3A_277 = tpu.sem_alloc : memref<!tpu.dma_semaphore, #tpu.memory_space<semaphore_mem>>
        %dma_start3A_278 = arith.constant 0 : i32
        %dma_start3A_279 = tpu.memref_slice %arg13[%add3A_276, %dma_start3A_278] : memref<10240x128xf32, #tpu.memory_space<vmem_shared>> -> memref<16x128xf32, #tpu.memory_space<vmem_shared>>
        %dma_start3A_280 = arith.constant 0 : i32
        %dma_start3A_281 = tpu.memref_slice %arg13[%add3A_276, %dma_start3A_280] : memref<10240x128xf32, #tpu.memory_space<vmem_shared>> -> memref<16x128xf32, #tpu.memory_space<vmem_shared>>
        tpu.enqueue_dma source(%arg12 : memref<16x128xf32, #tpu.memory_space<vmem>>) target(%dma_start3A_281 : memref<16x128xf32, #tpu.memory_space<vmem_shared>>) target_semaphore(%run_scoped3A_277 : memref<!tpu.dma_semaphore, #tpu.memory_space<semaphore_mem>>)
        %dma_wait3A_282 = arith.constant 0 : i32
        %dma_wait3A_283 = tpu.memref_slice %arg13[%add3A_276, %dma_wait3A_282] : memref<10240x128xf32, #tpu.memory_space<vmem_shared>> -> memref<16x128xf32, #tpu.memory_space<vmem_shared>>
        %dma_wait3A_284 = arith.constant 0 : i32
        %dma_wait3A_285 = tpu.memref_slice %arg13[%add3A_276, %dma_wait3A_284] : memref<10240x128xf32, #tpu.memory_space<vmem_shared>> -> memref<16x128xf32, #tpu.memory_space<vmem_shared>>
        tpu.wait_dma2 semaphore(%run_scoped3A_277 : memref<!tpu.dma_semaphore, #tpu.memory_space<semaphore_mem>>) src(%arg12 : memref<16x128xf32, #tpu.memory_space<vmem>>) dst(%dma_wait3A_285 : memref<16x128xf32, #tpu.memory_space<vmem_shared>>)
        tpu.yield
      }) : () -> ()
    }
    %scan3A_12 = arith.constant 40 : i32
    %barrier3A = arith.constant 0 : index
    tpu.barrier barrier_id(%barrier3A)
    "tpu.region"() ({
      %run_scoped3A_271 = tpu.sem_alloc : memref<!tpu.dma_semaphore, #tpu.memory_space<semaphore_mem>>
      %dma_start3A_272 = arith.constant 0 : i32
      %dma_start3A_273 = arith.constant 0 : i32
      %dma_start3A_274 = tpu.memref_slice %arg3[%add3A, %dma_start3A_272, %dma_start3A_273] : memref<32x160x64xi32, #tpu.memory_space<hbm>> -> memref<1x160x64xi32, #tpu.memory_space<hbm>>
      %dma_start3A_275 = tpu.memref_squeeze %dma_start3A_274 : memref<1x160x64xi32, #tpu.memory_space<hbm>> -> memref<160x64xi32, #tpu.memory_space<hbm>>
      %dma_start3A_276 = arith.constant 0 : i32
      %dma_start3A_277 = arith.constant 0 : i32
      %dma_start3A_278 = tpu.memref_slice %dma_start3A_275[%dma_start3A_276, %dma_start3A_277] : memref<160x64xi32, #tpu.memory_space<hbm>> -> memref<40x64xi32, #tpu.memory_space<hbm>>
      %dma_start3A_279 = arith.constant 0 : i32
      %dma_start3A_280 = arith.constant 0 : i32
      %dma_start3A_281 = tpu.memref_slice %arg3[%add3A, %dma_start3A_279, %dma_start3A_280] : memref<32x160x64xi32, #tpu.memory_space<hbm>> -> memref<1x160x64xi32, #tpu.memory_space<hbm>>
      %dma_start3A_282 = tpu.memref_squeeze %dma_start3A_281 : memref<1x160x64xi32, #tpu.memory_space<hbm>> -> memref<160x64xi32, #tpu.memory_space<hbm>>
      %dma_start3A_283 = arith.constant 0 : i32
      %dma_start3A_284 = arith.constant 0 : i32
      %dma_start3A_285 = tpu.memref_slice %dma_start3A_282[%dma_start3A_283, %dma_start3A_284] : memref<160x64xi32, #tpu.memory_space<hbm>> -> memref<40x64xi32, #tpu.memory_space<hbm>>
      tpu.enqueue_dma source(%dma_start3A_285 : memref<40x64xi32, #tpu.memory_space<hbm>>) target(%arg6 : memref<40x64xi32, #tpu.memory_space<vmem>>) target_semaphore(%run_scoped3A_271 : memref<!tpu.dma_semaphore, #tpu.memory_space<semaphore_mem>>)
      %dma_wait3A_286 = arith.constant 0 : i32
      %dma_wait3A_287 = arith.constant 0 : i32
      %dma_wait3A_288 = tpu.memref_slice %arg3[%add3A, %dma_wait3A_286, %dma_wait3A_287] : memref<32x160x64xi32, #tpu.memory_space<hbm>> -> memref<1x160x64xi32, #tpu.memory_space<hbm>>
      %dma_wait3A_289 = tpu.memref_squeeze %dma_wait3A_288 : memref<1x160x64xi32, #tpu.memory_space<hbm>> -> memref<160x64xi32, #tpu.memory_space<hbm>>
      %dma_wait3A_290 = arith.constant 0 : i32
      %dma_wait3A_291 = arith.constant 0 : i32
      %dma_wait3A_292 = tpu.memref_slice %dma_wait3A_289[%dma_wait3A_290, %dma_wait3A_291] : memref<160x64xi32, #tpu.memory_space<hbm>> -> memref<40x64xi32, #tpu.memory_space<hbm>>
      %dma_wait3A_293 = arith.constant 0 : i32
      %dma_wait3A_294 = arith.constant 0 : i32
      %dma_wait3A_295 = tpu.memref_slice %arg3[%add3A, %dma_wait3A_293, %dma_wait3A_294] : memref<32x160x64xi32, #tpu.memory_space<hbm>> -> memref<1x160x64xi32, #tpu.memory_space<hbm>>
      %dma_wait3A_296 = tpu.memref_squeeze %dma_wait3A_295 : memref<1x160x64xi32, #tpu.memory_space<hbm>> -> memref<160x64xi32, #tpu.memory_space<hbm>>
      %dma_wait3A_297 = arith.constant 0 : i32
      %dma_wait3A_298 = arith.constant 0 : i32
      %dma_wait3A_299 = tpu.memref_slice %dma_wait3A_296[%dma_wait3A_297, %dma_wait3A_298] : memref<160x64xi32, #tpu.memory_space<hbm>> -> memref<40x64xi32, #tpu.memory_space<hbm>>
      tpu.wait_dma2 semaphore(%run_scoped3A_271 : memref<!tpu.dma_semaphore, #tpu.memory_space<semaphore_mem>>) src(%dma_wait3A_299 : memref<40x64xi32, #tpu.memory_space<hbm>>) dst(%arg6 : memref<40x64xi32, #tpu.memory_space<vmem>>)
      tpu.yield
    }) : () -> ()
    "tpu.region"() ({
      %run_scoped3A_271 = tpu.sem_alloc : memref<!tpu.dma_semaphore, #tpu.memory_space<semaphore_mem>>
      %dma_start3A_272 = arith.constant 0 : i32
      %dma_start3A_273 = arith.constant 0 : i32
      %dma_start3A_274 = tpu.memref_slice %arg4[%add3A, %dma_start3A_272, %dma_start3A_273] : memref<32x160x64xi32, #tpu.memory_space<hbm>> -> memref<1x160x64xi32, #tpu.memory_space<hbm>>
      %dma_start3A_275 = tpu.memref_squeeze %dma_start3A_274 : memref<1x160x64xi32, #tpu.memory_space<hbm>> -> memref<160x64xi32, #tpu.memory_space<hbm>>
      %dma_start3A_276 = arith.constant 0 : i32
      %dma_start3A_277 = arith.constant 0 : i32
      %dma_start3A_278 = tpu.memref_slice %dma_start3A_275[%dma_start3A_276, %dma_start3A_277] : memref<160x64xi32, #tpu.memory_space<hbm>> -> memref<40x64xi32, #tpu.memory_space<hbm>>
      %dma_start3A_279 = arith.constant 0 : i32
      %dma_start3A_280 = arith.constant 0 : i32
      %dma_start3A_281 = tpu.memref_slice %arg4[%add3A, %dma_start3A_279, %dma_start3A_280] : memref<32x160x64xi32, #tpu.memory_space<hbm>> -> memref<1x160x64xi32, #tpu.memory_space<hbm>>
      %dma_start3A_282 = tpu.memref_squeeze %dma_start3A_281 : memref<1x160x64xi32, #tpu.memory_space<hbm>> -> memref<160x64xi32, #tpu.memory_space<hbm>>
      %dma_start3A_283 = arith.constant 0 : i32
      %dma_start3A_284 = arith.constant 0 : i32
      %dma_start3A_285 = tpu.memref_slice %dma_start3A_282[%dma_start3A_283, %dma_start3A_284] : memref<160x64xi32, #tpu.memory_space<hbm>> -> memref<40x64xi32, #tpu.memory_space<hbm>>
      tpu.enqueue_dma source(%dma_start3A_285 : memref<40x64xi32, #tpu.memory_space<hbm>>) target(%arg7 : memref<40x64xi32, #tpu.memory_space<vmem>>) target_semaphore(%run_scoped3A_271 : memref<!tpu.dma_semaphore, #tpu.memory_space<semaphore_mem>>)
      %dma_wait3A_286 = arith.constant 0 : i32
      %dma_wait3A_287 = arith.constant 0 : i32
      %dma_wait3A_288 = tpu.memref_slice %arg4[%add3A, %dma_wait3A_286, %dma_wait3A_287] : memref<32x160x64xi32, #tpu.memory_space<hbm>> -> memref<1x160x64xi32, #tpu.memory_space<hbm>>
      %dma_wait3A_289 = tpu.memref_squeeze %dma_wait3A_288 : memref<1x160x64xi32, #tpu.memory_space<hbm>> -> memref<160x64xi32, #tpu.memory_space<hbm>>
      %dma_wait3A_290 = arith.constant 0 : i32
      %dma_wait3A_291 = arith.constant 0 : i32
      %dma_wait3A_292 = tpu.memref_slice %dma_wait3A_289[%dma_wait3A_290, %dma_wait3A_291] : memref<160x64xi32, #tpu.memory_space<hbm>> -> memref<40x64xi32, #tpu.memory_space<hbm>>
      %dma_wait3A_293 = arith.constant 0 : i32
      %dma_wait3A_294 = arith.constant 0 : i32
      %dma_wait3A_295 = tpu.memref_slice %arg4[%add3A, %dma_wait3A_293, %dma_wait3A_294] : memref<32x160x64xi32, #tpu.memory_space<hbm>> -> memref<1x160x64xi32, #tpu.memory_space<hbm>>
      %dma_wait3A_296 = tpu.memref_squeeze %dma_wait3A_295 : memref<1x160x64xi32, #tpu.memory_space<hbm>> -> memref<160x64xi32, #tpu.memory_space<hbm>>
      %dma_wait3A_297 = arith.constant 0 : i32
      %dma_wait3A_298 = arith.constant 0 : i32
      %dma_wait3A_299 = tpu.memref_slice %dma_wait3A_296[%dma_wait3A_297, %dma_wait3A_298] : memref<160x64xi32, #tpu.memory_space<hbm>> -> memref<40x64xi32, #tpu.memory_space<hbm>>
      tpu.wait_dma2 semaphore(%run_scoped3A_271 : memref<!tpu.dma_semaphore, #tpu.memory_space<semaphore_mem>>) src(%dma_wait3A_299 : memref<40x64xi32, #tpu.memory_space<hbm>>) dst(%arg7 : memref<40x64xi32, #tpu.memory_space<vmem>>)
      tpu.yield
    }) : () -> ()
    %dma_start3A = arith.constant 0 : i32
    %dma_start3A_13 = arith.constant 0 : i32
    %dma_start3A_14 = tpu.memref_slice %arg6[%dma_start3A, %dma_start3A_13] : memref<40x64xi32, #tpu.memory_space<vmem>> -> memref<1x64xi32, #tpu.memory_space<vmem>>
    %dma_start3A_15 = tpu.memref_squeeze %dma_start3A_14 : memref<1x64xi32, #tpu.memory_space<vmem>> -> memref<64xi32, #tpu.memory_space<vmem>>
    %dma_start3A_16 = arith.constant 0 : i32
    %dma_start3A_17 = arith.constant 0 : i32
    %dma_start3A_18 = tpu.memref_slice %arg2[%dma_start3A_16, %dma_start3A_17] : memref<10240x128xf32, #tpu.memory_space<hbm>> -> memref<10240x128xf32, #tpu.memory_space<hbm>>
    tpu.enqueue_indirect_dma source(%dma_start3A_18 : memref<10240x128xf32, #tpu.memory_space<hbm>>) target(%arg8 : memref<64x128xf32, #tpu.memory_space<vmem>>) offsets(%dma_start3A_15 : memref<64xi32, #tpu.memory_space<vmem>>) semaphore(%arg14 : memref<!tpu.dma_semaphore, #tpu.memory_space<semaphore_mem>>)
    %dma_start3A_19 = arith.constant 1 : i32
    %dma_start3A_20 = arith.constant 0 : i32
    %dma_start3A_21 = tpu.memref_slice %arg6[%dma_start3A_19, %dma_start3A_20] : memref<40x64xi32, #tpu.memory_space<vmem>> -> memref<1x64xi32, #tpu.memory_space<vmem>>
    %dma_start3A_22 = tpu.memref_squeeze %dma_start3A_21 : memref<1x64xi32, #tpu.memory_space<vmem>> -> memref<64xi32, #tpu.memory_space<vmem>>
    %dma_start3A_23 = arith.constant 0 : i32
    %dma_start3A_24 = arith.constant 0 : i32
    %dma_start3A_25 = tpu.memref_slice %arg2[%dma_start3A_23, %dma_start3A_24] : memref<10240x128xf32, #tpu.memory_space<hbm>> -> memref<10240x128xf32, #tpu.memory_space<hbm>>
    tpu.enqueue_indirect_dma source(%dma_start3A_25 : memref<10240x128xf32, #tpu.memory_space<hbm>>) target(%arg9 : memref<64x128xf32, #tpu.memory_space<vmem>>) offsets(%dma_start3A_22 : memref<64xi32, #tpu.memory_space<vmem>>) semaphore(%arg15 : memref<!tpu.dma_semaphore, #tpu.memory_space<semaphore_mem>>)
    %dma_start3A_26 = arith.constant 2 : i32
    %dma_start3A_27 = arith.constant 0 : i32
    %dma_start3A_28 = tpu.memref_slice %arg6[%dma_start3A_26, %dma_start3A_27] : memref<40x64xi32, #tpu.memory_space<vmem>> -> memref<1x64xi32, #tpu.memory_space<vmem>>
    %dma_start3A_29 = tpu.memref_squeeze %dma_start3A_28 : memref<1x64xi32, #tpu.memory_space<vmem>> -> memref<64xi32, #tpu.memory_space<vmem>>
    %dma_start3A_30 = arith.constant 0 : i32
    %dma_start3A_31 = arith.constant 0 : i32
    %dma_start3A_32 = tpu.memref_slice %arg2[%dma_start3A_30, %dma_start3A_31] : memref<10240x128xf32, #tpu.memory_space<hbm>> -> memref<10240x128xf32, #tpu.memory_space<hbm>>
    tpu.enqueue_indirect_dma source(%dma_start3A_32 : memref<10240x128xf32, #tpu.memory_space<hbm>>) target(%arg10 : memref<64x128xf32, #tpu.memory_space<vmem>>) offsets(%dma_start3A_29 : memref<64xi32, #tpu.memory_space<vmem>>) semaphore(%arg16 : memref<!tpu.dma_semaphore, #tpu.memory_space<semaphore_mem>>)
    %dma_start3A_33 = arith.constant 3 : i32
    %dma_start3A_34 = arith.constant 0 : i32
    %dma_start3A_35 = tpu.memref_slice %arg6[%dma_start3A_33, %dma_start3A_34] : memref<40x64xi32, #tpu.memory_space<vmem>> -> memref<1x64xi32, #tpu.memory_space<vmem>>
    %dma_start3A_36 = tpu.memref_squeeze %dma_start3A_35 : memref<1x64xi32, #tpu.memory_space<vmem>> -> memref<64xi32, #tpu.memory_space<vmem>>
    %dma_start3A_37 = arith.constant 0 : i32
    %dma_start3A_38 = arith.constant 0 : i32
    %dma_start3A_39 = tpu.memref_slice %arg2[%dma_start3A_37, %dma_start3A_38] : memref<10240x128xf32, #tpu.memory_space<hbm>> -> memref<10240x128xf32, #tpu.memory_space<hbm>>
    tpu.enqueue_indirect_dma source(%dma_start3A_39 : memref<10240x128xf32, #tpu.memory_space<hbm>>) target(%arg11 : memref<64x128xf32, #tpu.memory_space<vmem>>) offsets(%dma_start3A_36 : memref<64xi32, #tpu.memory_space<vmem>>) semaphore(%arg17 : memref<!tpu.dma_semaphore, #tpu.memory_space<semaphore_mem>>)
    %scan3A_40 = arith.constant 0 : i32
    %scan3A_41 = arith.constant 9 : i32
    %scan3A_42 = arith.addi %scan3A_40, %scan3A_41 : i32
    %scan3A_43 = arith.constant 1 : i32
    scf.for %scan3A_271 = %scan3A_40 to %scan3A_42 step %scan3A_43  : i32 {
      %mul3A_272 = arith.constant 4 : i32
      %mul3A_273 = arith.muli %scan3A_271, %mul3A_272 : i32
      %add3A_274 = arith.constant 0 : i32
      %add3A_275 = arith.addi %add3A_274, %mul3A_273 : i32
      %add3A_276 = arith.constant 0 : i32
      %add3A_277 = arith.addi %add3A_275, %add3A_276 : i32
      %dma_wait3A_278 = arith.constant 0 : i32
      %dma_wait3A_279 = tpu.memref_slice %arg6[%add3A_277, %dma_wait3A_278] : memref<40x64xi32, #tpu.memory_space<vmem>> -> memref<1x64xi32, #tpu.memory_space<vmem>>
      %dma_wait3A_280 = tpu.memref_squeeze %dma_wait3A_279 : memref<1x64xi32, #tpu.memory_space<vmem>> -> memref<64xi32, #tpu.memory_space<vmem>>
      %dma_wait3A_281 = arith.constant 0 : i32
      %dma_wait3A_282 = arith.constant 0 : i32
      %dma_wait3A_283 = tpu.memref_slice %arg2[%dma_wait3A_281, %dma_wait3A_282] : memref<10240x128xf32, #tpu.memory_space<hbm>> -> memref<10240x128xf32, #tpu.memory_space<hbm>>
      tpu.wait_indirect_dma semaphore(%arg14 : memref<!tpu.dma_semaphore, #tpu.memory_space<semaphore_mem>>) src(%dma_wait3A_283 : memref<10240x128xf32, #tpu.memory_space<hbm>>) dst(%arg8 : memref<64x128xf32, #tpu.memory_space<vmem>>)
      %add3A_284 = arith.constant 0 : i32
      %add3A_285 = arith.addi %add3A_275, %add3A_284 : i32
      %dma_start3A_286 = arith.constant 0 : i32
      %dma_start3A_287 = tpu.memref_slice %arg7[%add3A_285, %dma_start3A_286] : memref<40x64xi32, #tpu.memory_space<vmem>> -> memref<1x64xi32, #tpu.memory_space<vmem>>
      %dma_start3A_288 = tpu.memref_squeeze %dma_start3A_287 : memref<1x64xi32, #tpu.memory_space<vmem>> -> memref<64xi32, #tpu.memory_space<vmem>>
      %dma_start3A_289 = arith.constant 0 : i32
      %dma_start3A_290 = arith.constant 0 : i32
      %dma_start3A_291 = tpu.memref_slice %arg13[%dma_start3A_289, %dma_start3A_290] : memref<10240x128xf32, #tpu.memory_space<vmem_shared>> -> memref<10240x128xf32, #tpu.memory_space<vmem_shared>>
      tpu.enqueue_indirect_dma source(%arg8 : memref<64x128xf32, #tpu.memory_space<vmem>>) target(%dma_start3A_291 : memref<10240x128xf32, #tpu.memory_space<vmem_shared>>) offsets(%dma_start3A_288 : memref<64xi32, #tpu.memory_space<vmem>>) semaphore(%arg18 : memref<!tpu.dma_semaphore, #tpu.memory_space<semaphore_mem>>) {add = true}
      %add3A_292 = arith.constant 1 : i32
      %add3A_293 = arith.addi %add3A_275, %add3A_292 : i32
      %dma_wait3A_294 = arith.constant 0 : i32
      %dma_wait3A_295 = tpu.memref_slice %arg6[%add3A_293, %dma_wait3A_294] : memref<40x64xi32, #tpu.memory_space<vmem>> -> memref<1x64xi32, #tpu.memory_space<vmem>>
      %dma_wait3A_296 = tpu.memref_squeeze %dma_wait3A_295 : memref<1x64xi32, #tpu.memory_space<vmem>> -> memref<64xi32, #tpu.memory_space<vmem>>
      %dma_wait3A_297 = arith.constant 0 : i32
      %dma_wait3A_298 = arith.constant 0 : i32
      %dma_wait3A_299 = tpu.memref_slice %arg2[%dma_wait3A_297, %dma_wait3A_298] : memref<10240x128xf32, #tpu.memory_space<hbm>> -> memref<10240x128xf32, #tpu.memory_space<hbm>>
      tpu.wait_indirect_dma semaphore(%arg15 : memref<!tpu.dma_semaphore, #tpu.memory_space<semaphore_mem>>) src(%dma_wait3A_299 : memref<10240x128xf32, #tpu.memory_space<hbm>>) dst(%arg9 : memref<64x128xf32, #tpu.memory_space<vmem>>)
      %add3A_300 = arith.constant 1 : i32
      %add3A_301 = arith.addi %add3A_275, %add3A_300 : i32
      %dma_start3A_302 = arith.constant 0 : i32
      %dma_start3A_303 = tpu.memref_slice %arg7[%add3A_301, %dma_start3A_302] : memref<40x64xi32, #tpu.memory_space<vmem>> -> memref<1x64xi32, #tpu.memory_space<vmem>>
      %dma_start3A_304 = tpu.memref_squeeze %dma_start3A_303 : memref<1x64xi32, #tpu.memory_space<vmem>> -> memref<64xi32, #tpu.memory_space<vmem>>
      %dma_start3A_305 = arith.constant 0 : i32
      %dma_start3A_306 = arith.constant 0 : i32
      %dma_start3A_307 = tpu.memref_slice %arg13[%dma_start3A_305, %dma_start3A_306] : memref<10240x128xf32, #tpu.memory_space<vmem_shared>> -> memref<10240x128xf32, #tpu.memory_space<vmem_shared>>
      tpu.enqueue_indirect_dma source(%arg9 : memref<64x128xf32, #tpu.memory_space<vmem>>) target(%dma_start3A_307 : memref<10240x128xf32, #tpu.memory_space<vmem_shared>>) offsets(%dma_start3A_304 : memref<64xi32, #tpu.memory_space<vmem>>) semaphore(%arg19 : memref<!tpu.dma_semaphore, #tpu.memory_space<semaphore_mem>>) {add = true}
      %add3A_308 = arith.constant 2 : i32
      %add3A_309 = arith.addi %add3A_275, %add3A_308 : i32
      %dma_wait3A_310 = arith.constant 0 : i32
      %dma_wait3A_311 = tpu.memref_slice %arg6[%add3A_309, %dma_wait3A_310] : memref<40x64xi32, #tpu.memory_space<vmem>> -> memref<1x64xi32, #tpu.memory_space<vmem>>
      %dma_wait3A_312 = tpu.memref_squeeze %dma_wait3A_311 : memref<1x64xi32, #tpu.memory_space<vmem>> -> memref<64xi32, #tpu.memory_space<vmem>>
      %dma_wait3A_313 = arith.constant 0 : i32
      %dma_wait3A_314 = arith.constant 0 : i32
      %dma_wait3A_315 = tpu.memref_slice %arg2[%dma_wait3A_313, %dma_wait3A_314] : memref<10240x128xf32, #tpu.memory_space<hbm>> -> memref<10240x128xf32, #tpu.memory_space<hbm>>
      tpu.wait_indirect_dma semaphore(%arg16 : memref<!tpu.dma_semaphore, #tpu.memory_space<semaphore_mem>>) src(%dma_wait3A_315 : memref<10240x128xf32, #tpu.memory_space<hbm>>) dst(%arg10 : memref<64x128xf32, #tpu.memory_space<vmem>>)
      %add3A_316 = arith.constant 2 : i32
      %add3A_317 = arith.addi %add3A_275, %add3A_316 : i32
      %dma_start3A_318 = arith.constant 0 : i32
      %dma_start3A_319 = tpu.memref_slice %arg7[%add3A_317, %dma_start3A_318] : memref<40x64xi32, #tpu.memory_space<vmem>> -> memref<1x64xi32, #tpu.memory_space<vmem>>
      %dma_start3A_320 = tpu.memref_squeeze %dma_start3A_319 : memref<1x64xi32, #tpu.memory_space<vmem>> -> memref<64xi32, #tpu.memory_space<vmem>>
      %dma_start3A_321 = arith.constant 0 : i32
      %dma_start3A_322 = arith.constant 0 : i32
      %dma_start3A_323 = tpu.memref_slice %arg13[%dma_start3A_321, %dma_start3A_322] : memref<10240x128xf32, #tpu.memory_space<vmem_shared>> -> memref<10240x128xf32, #tpu.memory_space<vmem_shared>>
      tpu.enqueue_indirect_dma source(%arg10 : memref<64x128xf32, #tpu.memory_space<vmem>>) target(%dma_start3A_323 : memref<10240x128xf32, #tpu.memory_space<vmem_shared>>) offsets(%dma_start3A_320 : memref<64xi32, #tpu.memory_space<vmem>>) semaphore(%arg20 : memref<!tpu.dma_semaphore, #tpu.memory_space<semaphore_mem>>) {add = true}
      %add3A_324 = arith.constant 3 : i32
      %add3A_325 = arith.addi %add3A_275, %add3A_324 : i32
      %dma_wait3A_326 = arith.constant 0 : i32
      %dma_wait3A_327 = tpu.memref_slice %arg6[%add3A_325, %dma_wait3A_326] : memref<40x64xi32, #tpu.memory_space<vmem>> -> memref<1x64xi32, #tpu.memory_space<vmem>>
      %dma_wait3A_328 = tpu.memref_squeeze %dma_wait3A_327 : memref<1x64xi32, #tpu.memory_space<vmem>> -> memref<64xi32, #tpu.memory_space<vmem>>
      %dma_wait3A_329 = arith.constant 0 : i32
      %dma_wait3A_330 = arith.constant 0 : i32
      %dma_wait3A_331 = tpu.memref_slice %arg2[%dma_wait3A_329, %dma_wait3A_330] : memref<10240x128xf32, #tpu.memory_space<hbm>> -> memref<10240x128xf32, #tpu.memory_space<hbm>>
      tpu.wait_indirect_dma semaphore(%arg17 : memref<!tpu.dma_semaphore, #tpu.memory_space<semaphore_mem>>) src(%dma_wait3A_331 : memref<10240x128xf32, #tpu.memory_space<hbm>>) dst(%arg11 : memref<64x128xf32, #tpu.memory_space<vmem>>)
      %add3A_332 = arith.constant 3 : i32
      %add3A_333 = arith.addi %add3A_275, %add3A_332 : i32
      %dma_start3A_334 = arith.constant 0 : i32
      %dma_start3A_335 = tpu.memref_slice %arg7[%add3A_333, %dma_start3A_334] : memref<40x64xi32, #tpu.memory_space<vmem>> -> memref<1x64xi32, #tpu.memory_space<vmem>>
      %dma_start3A_336 = tpu.memref_squeeze %dma_start3A_335 : memref<1x64xi32, #tpu.memory_space<vmem>> -> memref<64xi32, #tpu.memory_space<vmem>>
      %dma_start3A_337 = arith.constant 0 : i32
      %dma_start3A_338 = arith.constant 0 : i32
      %dma_start3A_339 = tpu.memref_slice %arg13[%dma_start3A_337, %dma_start3A_338] : memref<10240x128xf32, #tpu.memory_space<vmem_shared>> -> memref<10240x128xf32, #tpu.memory_space<vmem_shared>>
      tpu.enqueue_indirect_dma source(%arg11 : memref<64x128xf32, #tpu.memory_space<vmem>>) target(%dma_start3A_339 : memref<10240x128xf32, #tpu.memory_space<vmem_shared>>) offsets(%dma_start3A_336 : memref<64xi32, #tpu.memory_space<vmem>>) semaphore(%arg21 : memref<!tpu.dma_semaphore, #tpu.memory_space<semaphore_mem>>) {add = true}
      %add3A_340 = arith.constant 0 : i32
      %add3A_341 = arith.addi %add3A_275, %add3A_340 : i32
      %dma_wait3A_342 = arith.constant 0 : i32
      %dma_wait3A_343 = tpu.memref_slice %arg7[%add3A_341, %dma_wait3A_342] : memref<40x64xi32, #tpu.memory_space<vmem>> -> memref<1x64xi32, #tpu.memory_space<vmem>>
      %dma_wait3A_344 = tpu.memref_squeeze %dma_wait3A_343 : memref<1x64xi32, #tpu.memory_space<vmem>> -> memref<64xi32, #tpu.memory_space<vmem>>
      %dma_wait3A_345 = arith.constant 0 : i32
      %dma_wait3A_346 = arith.constant 0 : i32
      %dma_wait3A_347 = tpu.memref_slice %arg13[%dma_wait3A_345, %dma_wait3A_346] : memref<10240x128xf32, #tpu.memory_space<vmem_shared>> -> memref<10240x128xf32, #tpu.memory_space<vmem_shared>>
      tpu.wait_indirect_dma semaphore(%arg18 : memref<!tpu.dma_semaphore, #tpu.memory_space<semaphore_mem>>) src(%arg8 : memref<64x128xf32, #tpu.memory_space<vmem>>) dst(%dma_wait3A_347 : memref<10240x128xf32, #tpu.memory_space<vmem_shared>>)
      %add3A_348 = arith.constant 4 : i32
      %add3A_349 = arith.addi %add3A_275, %add3A_348 : i32
      %add3A_350 = arith.constant 0 : i32
      %add3A_351 = arith.addi %add3A_349, %add3A_350 : i32
      %dma_start3A_352 = arith.constant 0 : i32
      %dma_start3A_353 = tpu.memref_slice %arg6[%add3A_351, %dma_start3A_352] : memref<40x64xi32, #tpu.memory_space<vmem>> -> memref<1x64xi32, #tpu.memory_space<vmem>>
      %dma_start3A_354 = tpu.memref_squeeze %dma_start3A_353 : memref<1x64xi32, #tpu.memory_space<vmem>> -> memref<64xi32, #tpu.memory_space<vmem>>
      %dma_start3A_355 = arith.constant 0 : i32
      %dma_start3A_356 = arith.constant 0 : i32
      %dma_start3A_357 = tpu.memref_slice %arg2[%dma_start3A_355, %dma_start3A_356] : memref<10240x128xf32, #tpu.memory_space<hbm>> -> memref<10240x128xf32, #tpu.memory_space<hbm>>
      tpu.enqueue_indirect_dma source(%dma_start3A_357 : memref<10240x128xf32, #tpu.memory_space<hbm>>) target(%arg8 : memref<64x128xf32, #tpu.memory_space<vmem>>) offsets(%dma_start3A_354 : memref<64xi32, #tpu.memory_space<vmem>>) semaphore(%arg14 : memref<!tpu.dma_semaphore, #tpu.memory_space<semaphore_mem>>)
      %add3A_358 = arith.constant 1 : i32
      %add3A_359 = arith.addi %add3A_275, %add3A_358 : i32
      %dma_wait3A_360 = arith.constant 0 : i32
      %dma_wait3A_361 = tpu.memref_slice %arg7[%add3A_359, %dma_wait3A_360] : memref<40x64xi32, #tpu.memory_space<vmem>> -> memref<1x64xi32, #tpu.memory_space<vmem>>
      %dma_wait3A_362 = tpu.memref_squeeze %dma_wait3A_361 : memref<1x64xi32, #tpu.memory_space<vmem>> -> memref<64xi32, #tpu.memory_space<vmem>>
      %dma_wait3A_363 = arith.constant 0 : i32
      %dma_wait3A_364 = arith.constant 0 : i32
      %dma_wait3A_365 = tpu.memref_slice %arg13[%dma_wait3A_363, %dma_wait3A_364] : memref<10240x128xf32, #tpu.memory_space<vmem_shared>> -> memref<10240x128xf32, #tpu.memory_space<vmem_shared>>
      tpu.wait_indirect_dma semaphore(%arg19 : memref<!tpu.dma_semaphore, #tpu.memory_space<semaphore_mem>>) src(%arg9 : memref<64x128xf32, #tpu.memory_space<vmem>>) dst(%dma_wait3A_365 : memref<10240x128xf32, #tpu.memory_space<vmem_shared>>)
      %add3A_366 = arith.constant 4 : i32
      %add3A_367 = arith.addi %add3A_275, %add3A_366 : i32
      %add3A_368 = arith.constant 1 : i32
      %add3A_369 = arith.addi %add3A_367, %add3A_368 : i32
      %dma_start3A_370 = arith.constant 0 : i32
      %dma_start3A_371 = tpu.memref_slice %arg6[%add3A_369, %dma_start3A_370] : memref<40x64xi32, #tpu.memory_space<vmem>> -> memref<1x64xi32, #tpu.memory_space<vmem>>
      %dma_start3A_372 = tpu.memref_squeeze %dma_start3A_371 : memref<1x64xi32, #tpu.memory_space<vmem>> -> memref<64xi32, #tpu.memory_space<vmem>>
      %dma_start3A_373 = arith.constant 0 : i32
      %dma_start3A_374 = arith.constant 0 : i32
      %dma_start3A_375 = tpu.memref_slice %arg2[%dma_start3A_373, %dma_start3A_374] : memref<10240x128xf32, #tpu.memory_space<hbm>> -> memref<10240x128xf32, #tpu.memory_space<hbm>>
      tpu.enqueue_indirect_dma source(%dma_start3A_375 : memref<10240x128xf32, #tpu.memory_space<hbm>>) target(%arg9 : memref<64x128xf32, #tpu.memory_space<vmem>>) offsets(%dma_start3A_372 : memref<64xi32, #tpu.memory_space<vmem>>) semaphore(%arg15 : memref<!tpu.dma_semaphore, #tpu.memory_space<semaphore_mem>>)
      %add3A_376 = arith.constant 2 : i32
      %add3A_377 = arith.addi %add3A_275, %add3A_376 : i32
      %dma_wait3A_378 = arith.constant 0 : i32
      %dma_wait3A_379 = tpu.memref_slice %arg7[%add3A_377, %dma_wait3A_378] : memref<40x64xi32, #tpu.memory_space<vmem>> -> memref<1x64xi32, #tpu.memory_space<vmem>>
      %dma_wait3A_380 = tpu.memref_squeeze %dma_wait3A_379 : memref<1x64xi32, #tpu.memory_space<vmem>> -> memref<64xi32, #tpu.memory_space<vmem>>
      %dma_wait3A_381 = arith.constant 0 : i32
      %dma_wait3A_382 = arith.constant 0 : i32
      %dma_wait3A_383 = tpu.memref_slice %arg13[%dma_wait3A_381, %dma_wait3A_382] : memref<10240x128xf32, #tpu.memory_space<vmem_shared>> -> memref<10240x128xf32, #tpu.memory_space<vmem_shared>>
      tpu.wait_indirect_dma semaphore(%arg20 : memref<!tpu.dma_semaphore, #tpu.memory_space<semaphore_mem>>) src(%arg10 : memref<64x128xf32, #tpu.memory_space<vmem>>) dst(%dma_wait3A_383 : memref<10240x128xf32, #tpu.memory_space<vmem_shared>>)
      %add3A_384 = arith.constant 4 : i32
      %add3A_385 = arith.addi %add3A_275, %add3A_384 : i32
      %add3A_386 = arith.constant 2 : i32
      %add3A_387 = arith.addi %add3A_385, %add3A_386 : i32
      %dma_start3A_388 = arith.constant 0 : i32
      %dma_start3A_389 = tpu.memref_slice %arg6[%add3A_387, %dma_start3A_388] : memref<40x64xi32, #tpu.memory_space<vmem>> -> memref<1x64xi32, #tpu.memory_space<vmem>>
      %dma_start3A_390 = tpu.memref_squeeze %dma_start3A_389 : memref<1x64xi32, #tpu.memory_space<vmem>> -> memref<64xi32, #tpu.memory_space<vmem>>
      %dma_start3A_391 = arith.constant 0 : i32
      %dma_start3A_392 = arith.constant 0 : i32
      %dma_start3A_393 = tpu.memref_slice %arg2[%dma_start3A_391, %dma_start3A_392] : memref<10240x128xf32, #tpu.memory_space<hbm>> -> memref<10240x128xf32, #tpu.memory_space<hbm>>
      tpu.enqueue_indirect_dma source(%dma_start3A_393 : memref<10240x128xf32, #tpu.memory_space<hbm>>) target(%arg10 : memref<64x128xf32, #tpu.memory_space<vmem>>) offsets(%dma_start3A_390 : memref<64xi32, #tpu.memory_space<vmem>>) semaphore(%arg16 : memref<!tpu.dma_semaphore, #tpu.memory_space<semaphore_mem>>)
      %add3A_394 = arith.constant 3 : i32
      %add3A_395 = arith.addi %add3A_275, %add3A_394 : i32
      %dma_wait3A_396 = arith.constant 0 : i32
      %dma_wait3A_397 = tpu.memref_slice %arg7[%add3A_395, %dma_wait3A_396] : memref<40x64xi32, #tpu.memory_space<vmem>> -> memref<1x64xi32, #tpu.memory_space<vmem>>
      %dma_wait3A_398 = tpu.memref_squeeze %dma_wait3A_397 : memref<1x64xi32, #tpu.memory_space<vmem>> -> memref<64xi32, #tpu.memory_space<vmem>>
      %dma_wait3A_399 = arith.constant 0 : i32
      %dma_wait3A_400 = arith.constant 0 : i32
      %dma_wait3A_401 = tpu.memref_slice %arg13[%dma_wait3A_399, %dma_wait3A_400] : memref<10240x128xf32, #tpu.memory_space<vmem_shared>> -> memref<10240x128xf32, #tpu.memory_space<vmem_shared>>
      tpu.wait_indirect_dma semaphore(%arg21 : memref<!tpu.dma_semaphore, #tpu.memory_space<semaphore_mem>>) src(%arg11 : memref<64x128xf32, #tpu.memory_space<vmem>>) dst(%dma_wait3A_401 : memref<10240x128xf32, #tpu.memory_space<vmem_shared>>)
      %add3A_402 = arith.constant 4 : i32
      %add3A_403 = arith.addi %add3A_275, %add3A_402 : i32
      %add3A_404 = arith.constant 3 : i32
      %add3A_405 = arith.addi %add3A_403, %add3A_404 : i32
      %dma_start3A_406 = arith.constant 0 : i32
      %dma_start3A_407 = tpu.memref_slice %arg6[%add3A_405, %dma_start3A_406] : memref<40x64xi32, #tpu.memory_space<vmem>> -> memref<1x64xi32, #tpu.memory_space<vmem>>
      %dma_start3A_408 = tpu.memref_squeeze %dma_start3A_407 : memref<1x64xi32, #tpu.memory_space<vmem>> -> memref<64xi32, #tpu.memory_space<vmem>>
      %dma_start3A_409 = arith.constant 0 : i32
      %dma_start3A_410 = arith.constant 0 : i32
      %dma_start3A_411 = tpu.memref_slice %arg2[%dma_start3A_409, %dma_start3A_410] : memref<10240x128xf32, #tpu.memory_space<hbm>> -> memref<10240x128xf32, #tpu.memory_space<hbm>>
      tpu.enqueue_indirect_dma source(%dma_start3A_411 : memref<10240x128xf32, #tpu.memory_space<hbm>>) target(%arg11 : memref<64x128xf32, #tpu.memory_space<vmem>>) offsets(%dma_start3A_408 : memref<64xi32, #tpu.memory_space<vmem>>) semaphore(%arg17 : memref<!tpu.dma_semaphore, #tpu.memory_space<semaphore_mem>>)
    }
    %scan3A_44 = arith.constant 9 : i32
    %dma_wait3A = arith.constant 36 : i32
    %dma_wait3A_45 = arith.constant 0 : i32
    %dma_wait3A_46 = tpu.memref_slice %arg6[%dma_wait3A, %dma_wait3A_45] : memref<40x64xi32, #tpu.memory_space<vmem>> -> memref<1x64xi32, #tpu.memory_space<vmem>>
    %dma_wait3A_47 = tpu.memref_squeeze %dma_wait3A_46 : memref<1x64xi32, #tpu.memory_space<vmem>> -> memref<64xi32, #tpu.memory_space<vmem>>
    %dma_wait3A_48 = arith.constant 0 : i32
    %dma_wait3A_49 = arith.constant 0 : i32
    %dma_wait3A_50 = tpu.memref_slice %arg2[%dma_wait3A_48, %dma_wait3A_49] : memref<10240x128xf32, #tpu.memory_space<hbm>> -> memref<10240x128xf32, #tpu.memory_space<hbm>>
    tpu.wait_indirect_dma semaphore(%arg14 : memref<!tpu.dma_semaphore, #tpu.memory_space<semaphore_mem>>) src(%dma_wait3A_50 : memref<10240x128xf32, #tpu.memory_space<hbm>>) dst(%arg8 : memref<64x128xf32, #tpu.memory_space<vmem>>)
    %run_scoped3A = arith.constant 36 : i32
    "tpu.region"() ({
      %run_scoped3A_271 = tpu.sem_alloc : memref<!tpu.dma_semaphore, #tpu.memory_space<semaphore_mem>>
      %dma_start3A_272 = arith.constant 0 : i32
      %dma_start3A_273 = tpu.memref_slice %arg7[%run_scoped3A, %dma_start3A_272] : memref<40x64xi32, #tpu.memory_space<vmem>> -> memref<1x64xi32, #tpu.memory_space<vmem>>
      %dma_start3A_274 = tpu.memref_squeeze %dma_start3A_273 : memref<1x64xi32, #tpu.memory_space<vmem>> -> memref<64xi32, #tpu.memory_space<vmem>>
      %dma_start3A_275 = arith.constant 0 : i32
      %dma_start3A_276 = arith.constant 0 : i32
      %dma_start3A_277 = tpu.memref_slice %arg13[%dma_start3A_275, %dma_start3A_276] : memref<10240x128xf32, #tpu.memory_space<vmem_shared>> -> memref<10240x128xf32, #tpu.memory_space<vmem_shared>>
      tpu.enqueue_indirect_dma source(%arg8 : memref<64x128xf32, #tpu.memory_space<vmem>>) target(%dma_start3A_277 : memref<10240x128xf32, #tpu.memory_space<vmem_shared>>) offsets(%dma_start3A_274 : memref<64xi32, #tpu.memory_space<vmem>>) semaphore(%run_scoped3A_271 : memref<!tpu.dma_semaphore, #tpu.memory_space<semaphore_mem>>) {add = true}
      %dma_wait3A_278 = arith.constant 0 : i32
      %dma_wait3A_279 = tpu.memref_slice %arg7[%run_scoped3A, %dma_wait3A_278] : memref<40x64xi32, #tpu.memory_space<vmem>> -> memref<1x64xi32, #tpu.memory_space<vmem>>
      %dma_wait3A_280 = tpu.memref_squeeze %dma_wait3A_279 : memref<1x64xi32, #tpu.memory_space<vmem>> -> memref<64xi32, #tpu.memory_space<vmem>>
      %dma_wait3A_281 = arith.constant 0 : i32
      %dma_wait3A_282 = arith.constant 0 : i32
      %dma_wait3A_283 = tpu.memref_slice %arg13[%dma_wait3A_281, %dma_wait3A_282] : memref<10240x128xf32, #tpu.memory_space<vmem_shared>> -> memref<10240x128xf32, #tpu.memory_space<vmem_shared>>
      tpu.wait_indirect_dma semaphore(%run_scoped3A_271 : memref<!tpu.dma_semaphore, #tpu.memory_space<semaphore_mem>>) src(%arg8 : memref<64x128xf32, #tpu.memory_space<vmem>>) dst(%dma_wait3A_283 : memref<10240x128xf32, #tpu.memory_space<vmem_shared>>)
      tpu.yield
    }) : () -> ()
    %dma_wait3A_51 = arith.constant 37 : i32
    %dma_wait3A_52 = arith.constant 0 : i32
    %dma_wait3A_53 = tpu.memref_slice %arg6[%dma_wait3A_51, %dma_wait3A_52] : memref<40x64xi32, #tpu.memory_space<vmem>> -> memref<1x64xi32, #tpu.memory_space<vmem>>
    %dma_wait3A_54 = tpu.memref_squeeze %dma_wait3A_53 : memref<1x64xi32, #tpu.memory_space<vmem>> -> memref<64xi32, #tpu.memory_space<vmem>>
    %dma_wait3A_55 = arith.constant 0 : i32
    %dma_wait3A_56 = arith.constant 0 : i32
    %dma_wait3A_57 = tpu.memref_slice %arg2[%dma_wait3A_55, %dma_wait3A_56] : memref<10240x128xf32, #tpu.memory_space<hbm>> -> memref<10240x128xf32, #tpu.memory_space<hbm>>
    tpu.wait_indirect_dma semaphore(%arg15 : memref<!tpu.dma_semaphore, #tpu.memory_space<semaphore_mem>>) src(%dma_wait3A_57 : memref<10240x128xf32, #tpu.memory_space<hbm>>) dst(%arg9 : memref<64x128xf32, #tpu.memory_space<vmem>>)
    %run_scoped3A_58 = arith.constant 37 : i32
    "tpu.region"() ({
      %run_scoped3A_271 = tpu.sem_alloc : memref<!tpu.dma_semaphore, #tpu.memory_space<semaphore_mem>>
      %dma_start3A_272 = arith.constant 0 : i32
      %dma_start3A_273 = tpu.memref_slice %arg7[%run_scoped3A_58, %dma_start3A_272] : memref<40x64xi32, #tpu.memory_space<vmem>> -> memref<1x64xi32, #tpu.memory_space<vmem>>
      %dma_start3A_274 = tpu.memref_squeeze %dma_start3A_273 : memref<1x64xi32, #tpu.memory_space<vmem>> -> memref<64xi32, #tpu.memory_space<vmem>>
      %dma_start3A_275 = arith.constant 0 : i32
      %dma_start3A_276 = arith.constant 0 : i32
      %dma_start3A_277 = tpu.memref_slice %arg13[%dma_start3A_275, %dma_start3A_276] : memref<10240x128xf32, #tpu.memory_space<vmem_shared>> -> memref<10240x128xf32, #tpu.memory_space<vmem_shared>>
      tpu.enqueue_indirect_dma source(%arg9 : memref<64x128xf32, #tpu.memory_space<vmem>>) target(%dma_start3A_277 : memref<10240x128xf32, #tpu.memory_space<vmem_shared>>) offsets(%dma_start3A_274 : memref<64xi32, #tpu.memory_space<vmem>>) semaphore(%run_scoped3A_271 : memref<!tpu.dma_semaphore, #tpu.memory_space<semaphore_mem>>) {add = true}
      %dma_wait3A_278 = arith.constant 0 : i32
      %dma_wait3A_279 = tpu.memref_slice %arg7[%run_scoped3A_58, %dma_wait3A_278] : memref<40x64xi32, #tpu.memory_space<vmem>> -> memref<1x64xi32, #tpu.memory_space<vmem>>
      %dma_wait3A_280 = tpu.memref_squeeze %dma_wait3A_279 : memref<1x64xi32, #tpu.memory_space<vmem>> -> memref<64xi32, #tpu.memory_space<vmem>>
      %dma_wait3A_281 = arith.constant 0 : i32
      %dma_wait3A_282 = arith.constant 0 : i32
      %dma_wait3A_283 = tpu.memref_slice %arg13[%dma_wait3A_281, %dma_wait3A_282] : memref<10240x128xf32, #tpu.memory_space<vmem_shared>> -> memref<10240x128xf32, #tpu.memory_space<vmem_shared>>
      tpu.wait_indirect_dma semaphore(%run_scoped3A_271 : memref<!tpu.dma_semaphore, #tpu.memory_space<semaphore_mem>>) src(%arg9 : memref<64x128xf32, #tpu.memory_space<vmem>>) dst(%dma_wait3A_283 : memref<10240x128xf32, #tpu.memory_space<vmem_shared>>)
      tpu.yield
    }) : () -> ()
    %dma_wait3A_59 = arith.constant 38 : i32
    %dma_wait3A_60 = arith.constant 0 : i32
    %dma_wait3A_61 = tpu.memref_slice %arg6[%dma_wait3A_59, %dma_wait3A_60] : memref<40x64xi32, #tpu.memory_space<vmem>> -> memref<1x64xi32, #tpu.memory_space<vmem>>
    %dma_wait3A_62 = tpu.memref_squeeze %dma_wait3A_61 : memref<1x64xi32, #tpu.memory_space<vmem>> -> memref<64xi32, #tpu.memory_space<vmem>>
    %dma_wait3A_63 = arith.constant 0 : i32
    %dma_wait3A_64 = arith.constant 0 : i32
    %dma_wait3A_65 = tpu.memref_slice %arg2[%dma_wait3A_63, %dma_wait3A_64] : memref<10240x128xf32, #tpu.memory_space<hbm>> -> memref<10240x128xf32, #tpu.memory_space<hbm>>
    tpu.wait_indirect_dma semaphore(%arg16 : memref<!tpu.dma_semaphore, #tpu.memory_space<semaphore_mem>>) src(%dma_wait3A_65 : memref<10240x128xf32, #tpu.memory_space<hbm>>) dst(%arg10 : memref<64x128xf32, #tpu.memory_space<vmem>>)
    %run_scoped3A_66 = arith.constant 38 : i32
    "tpu.region"() ({
      %run_scoped3A_271 = tpu.sem_alloc : memref<!tpu.dma_semaphore, #tpu.memory_space<semaphore_mem>>
      %dma_start3A_272 = arith.constant 0 : i32
      %dma_start3A_273 = tpu.memref_slice %arg7[%run_scoped3A_66, %dma_start3A_272] : memref<40x64xi32, #tpu.memory_space<vmem>> -> memref<1x64xi32, #tpu.memory_space<vmem>>
      %dma_start3A_274 = tpu.memref_squeeze %dma_start3A_273 : memref<1x64xi32, #tpu.memory_space<vmem>> -> memref<64xi32, #tpu.memory_space<vmem>>
      %dma_start3A_275 = arith.constant 0 : i32
      %dma_start3A_276 = arith.constant 0 : i32
      %dma_start3A_277 = tpu.memref_slice %arg13[%dma_start3A_275, %dma_start3A_276] : memref<10240x128xf32, #tpu.memory_space<vmem_shared>> -> memref<10240x128xf32, #tpu.memory_space<vmem_shared>>
      tpu.enqueue_indirect_dma source(%arg10 : memref<64x128xf32, #tpu.memory_space<vmem>>) target(%dma_start3A_277 : memref<10240x128xf32, #tpu.memory_space<vmem_shared>>) offsets(%dma_start3A_274 : memref<64xi32, #tpu.memory_space<vmem>>) semaphore(%run_scoped3A_271 : memref<!tpu.dma_semaphore, #tpu.memory_space<semaphore_mem>>) {add = true}
      %dma_wait3A_278 = arith.constant 0 : i32
      %dma_wait3A_279 = tpu.memref_slice %arg7[%run_scoped3A_66, %dma_wait3A_278] : memref<40x64xi32, #tpu.memory_space<vmem>> -> memref<1x64xi32, #tpu.memory_space<vmem>>
      %dma_wait3A_280 = tpu.memref_squeeze %dma_wait3A_279 : memref<1x64xi32, #tpu.memory_space<vmem>> -> memref<64xi32, #tpu.memory_space<vmem>>
      %dma_wait3A_281 = arith.constant 0 : i32
      %dma_wait3A_282 = arith.constant 0 : i32
      %dma_wait3A_283 = tpu.memref_slice %arg13[%dma_wait3A_281, %dma_wait3A_282] : memref<10240x128xf32, #tpu.memory_space<vmem_shared>> -> memref<10240x128xf32, #tpu.memory_space<vmem_shared>>
      tpu.wait_indirect_dma semaphore(%run_scoped3A_271 : memref<!tpu.dma_semaphore, #tpu.memory_space<semaphore_mem>>) src(%arg10 : memref<64x128xf32, #tpu.memory_space<vmem>>) dst(%dma_wait3A_283 : memref<10240x128xf32, #tpu.memory_space<vmem_shared>>)
      tpu.yield
    }) : () -> ()
    %dma_wait3A_67 = arith.constant 39 : i32
    %dma_wait3A_68 = arith.constant 0 : i32
    %dma_wait3A_69 = tpu.memref_slice %arg6[%dma_wait3A_67, %dma_wait3A_68] : memref<40x64xi32, #tpu.memory_space<vmem>> -> memref<1x64xi32, #tpu.memory_space<vmem>>
    %dma_wait3A_70 = tpu.memref_squeeze %dma_wait3A_69 : memref<1x64xi32, #tpu.memory_space<vmem>> -> memref<64xi32, #tpu.memory_space<vmem>>
    %dma_wait3A_71 = arith.constant 0 : i32
    %dma_wait3A_72 = arith.constant 0 : i32
    %dma_wait3A_73 = tpu.memref_slice %arg2[%dma_wait3A_71, %dma_wait3A_72] : memref<10240x128xf32, #tpu.memory_space<hbm>> -> memref<10240x128xf32, #tpu.memory_space<hbm>>
    tpu.wait_indirect_dma semaphore(%arg17 : memref<!tpu.dma_semaphore, #tpu.memory_space<semaphore_mem>>) src(%dma_wait3A_73 : memref<10240x128xf32, #tpu.memory_space<hbm>>) dst(%arg11 : memref<64x128xf32, #tpu.memory_space<vmem>>)
    %run_scoped3A_74 = arith.constant 39 : i32
    "tpu.region"() ({
      %run_scoped3A_271 = tpu.sem_alloc : memref<!tpu.dma_semaphore, #tpu.memory_space<semaphore_mem>>
      %dma_start3A_272 = arith.constant 0 : i32
      %dma_start3A_273 = tpu.memref_slice %arg7[%run_scoped3A_74, %dma_start3A_272] : memref<40x64xi32, #tpu.memory_space<vmem>> -> memref<1x64xi32, #tpu.memory_space<vmem>>
      %dma_start3A_274 = tpu.memref_squeeze %dma_start3A_273 : memref<1x64xi32, #tpu.memory_space<vmem>> -> memref<64xi32, #tpu.memory_space<vmem>>
      %dma_start3A_275 = arith.constant 0 : i32
      %dma_start3A_276 = arith.constant 0 : i32
      %dma_start3A_277 = tpu.memref_slice %arg13[%dma_start3A_275, %dma_start3A_276] : memref<10240x128xf32, #tpu.memory_space<vmem_shared>> -> memref<10240x128xf32, #tpu.memory_space<vmem_shared>>
      tpu.enqueue_indirect_dma source(%arg11 : memref<64x128xf32, #tpu.memory_space<vmem>>) target(%dma_start3A_277 : memref<10240x128xf32, #tpu.memory_space<vmem_shared>>) offsets(%dma_start3A_274 : memref<64xi32, #tpu.memory_space<vmem>>) semaphore(%run_scoped3A_271 : memref<!tpu.dma_semaphore, #tpu.memory_space<semaphore_mem>>) {add = true}
      %dma_wait3A_278 = arith.constant 0 : i32
      %dma_wait3A_279 = tpu.memref_slice %arg7[%run_scoped3A_74, %dma_wait3A_278] : memref<40x64xi32, #tpu.memory_space<vmem>> -> memref<1x64xi32, #tpu.memory_space<vmem>>
      %dma_wait3A_280 = tpu.memref_squeeze %dma_wait3A_279 : memref<1x64xi32, #tpu.memory_space<vmem>> -> memref<64xi32, #tpu.memory_space<vmem>>
      %dma_wait3A_281 = arith.constant 0 : i32
      %dma_wait3A_282 = arith.constant 0 : i32
      %dma_wait3A_283 = tpu.memref_slice %arg13[%dma_wait3A_281, %dma_wait3A_282] : memref<10240x128xf32, #tpu.memory_space<vmem_shared>> -> memref<10240x128xf32, #tpu.memory_space<vmem_shared>>
      tpu.wait_indirect_dma semaphore(%run_scoped3A_271 : memref<!tpu.dma_semaphore, #tpu.memory_space<semaphore_mem>>) src(%arg11 : memref<64x128xf32, #tpu.memory_space<vmem>>) dst(%dma_wait3A_283 : memref<10240x128xf32, #tpu.memory_space<vmem_shared>>)
      tpu.yield
    }) : () -> ()
    "tpu.region"() ({
      %run_scoped3A_271 = tpu.sem_alloc : memref<!tpu.dma_semaphore, #tpu.memory_space<semaphore_mem>>
      %dma_start3A_272 = arith.constant 0 : i32
      %dma_start3A_273 = arith.constant 0 : i32
      %dma_start3A_274 = tpu.memref_slice %arg3[%add3A, %dma_start3A_272, %dma_start3A_273] : memref<32x160x64xi32, #tpu.memory_space<hbm>> -> memref<1x160x64xi32, #tpu.memory_space<hbm>>
      %dma_start3A_275 = tpu.memref_squeeze %dma_start3A_274 : memref<1x160x64xi32, #tpu.memory_space<hbm>> -> memref<160x64xi32, #tpu.memory_space<hbm>>
      %dma_start3A_276 = arith.constant 40 : i32
      %dma_start3A_277 = arith.constant 0 : i32
      %dma_start3A_278 = tpu.memref_slice %dma_start3A_275[%dma_start3A_276, %dma_start3A_277] : memref<160x64xi32, #tpu.memory_space<hbm>> -> memref<40x64xi32, #tpu.memory_space<hbm>>
      %dma_start3A_279 = arith.constant 0 : i32
      %dma_start3A_280 = arith.constant 0 : i32
      %dma_start3A_281 = tpu.memref_slice %arg3[%add3A, %dma_start3A_279, %dma_start3A_280] : memref<32x160x64xi32, #tpu.memory_space<hbm>> -> memref<1x160x64xi32, #tpu.memory_space<hbm>>
      %dma_start3A_282 = tpu.memref_squeeze %dma_start3A_281 : memref<1x160x64xi32, #tpu.memory_space<hbm>> -> memref<160x64xi32, #tpu.memory_space<hbm>>
      %dma_start3A_283 = arith.constant 40 : i32
      %dma_start3A_284 = arith.constant 0 : i32
      %dma_start3A_285 = tpu.memref_slice %dma_start3A_282[%dma_start3A_283, %dma_start3A_284] : memref<160x64xi32, #tpu.memory_space<hbm>> -> memref<40x64xi32, #tpu.memory_space<hbm>>
      tpu.enqueue_dma source(%dma_start3A_285 : memref<40x64xi32, #tpu.memory_space<hbm>>) target(%arg6 : memref<40x64xi32, #tpu.memory_space<vmem>>) target_semaphore(%run_scoped3A_271 : memref<!tpu.dma_semaphore, #tpu.memory_space<semaphore_mem>>)
      %dma_wait3A_286 = arith.constant 0 : i32
      %dma_wait3A_287 = arith.constant 0 : i32
      %dma_wait3A_288 = tpu.memref_slice %arg3[%add3A, %dma_wait3A_286, %dma_wait3A_287] : memref<32x160x64xi32, #tpu.memory_space<hbm>> -> memref<1x160x64xi32, #tpu.memory_space<hbm>>
      %dma_wait3A_289 = tpu.memref_squeeze %dma_wait3A_288 : memref<1x160x64xi32, #tpu.memory_space<hbm>> -> memref<160x64xi32, #tpu.memory_space<hbm>>
      %dma_wait3A_290 = arith.constant 40 : i32
      %dma_wait3A_291 = arith.constant 0 : i32
      %dma_wait3A_292 = tpu.memref_slice %dma_wait3A_289[%dma_wait3A_290, %dma_wait3A_291] : memref<160x64xi32, #tpu.memory_space<hbm>> -> memref<40x64xi32, #tpu.memory_space<hbm>>
      %dma_wait3A_293 = arith.constant 0 : i32
      %dma_wait3A_294 = arith.constant 0 : i32
      %dma_wait3A_295 = tpu.memref_slice %arg3[%add3A, %dma_wait3A_293, %dma_wait3A_294] : memref<32x160x64xi32, #tpu.memory_space<hbm>> -> memref<1x160x64xi32, #tpu.memory_space<hbm>>
      %dma_wait3A_296 = tpu.memref_squeeze %dma_wait3A_295 : memref<1x160x64xi32, #tpu.memory_space<hbm>> -> memref<160x64xi32, #tpu.memory_space<hbm>>
      %dma_wait3A_297 = arith.constant 40 : i32
      %dma_wait3A_298 = arith.constant 0 : i32
      %dma_wait3A_299 = tpu.memref_slice %dma_wait3A_296[%dma_wait3A_297, %dma_wait3A_298] : memref<160x64xi32, #tpu.memory_space<hbm>> -> memref<40x64xi32, #tpu.memory_space<hbm>>
      tpu.wait_dma2 semaphore(%run_scoped3A_271 : memref<!tpu.dma_semaphore, #tpu.memory_space<semaphore_mem>>) src(%dma_wait3A_299 : memref<40x64xi32, #tpu.memory_space<hbm>>) dst(%arg6 : memref<40x64xi32, #tpu.memory_space<vmem>>)
      tpu.yield
    }) : () -> ()
    "tpu.region"() ({
      %run_scoped3A_271 = tpu.sem_alloc : memref<!tpu.dma_semaphore, #tpu.memory_space<semaphore_mem>>
      %dma_start3A_272 = arith.constant 0 : i32
      %dma_start3A_273 = arith.constant 0 : i32
      %dma_start3A_274 = tpu.memref_slice %arg4[%add3A, %dma_start3A_272, %dma_start3A_273] : memref<32x160x64xi32, #tpu.memory_space<hbm>> -> memref<1x160x64xi32, #tpu.memory_space<hbm>>
      %dma_start3A_275 = tpu.memref_squeeze %dma_start3A_274 : memref<1x160x64xi32, #tpu.memory_space<hbm>> -> memref<160x64xi32, #tpu.memory_space<hbm>>
      %dma_start3A_276 = arith.constant 40 : i32
      %dma_start3A_277 = arith.constant 0 : i32
      %dma_start3A_278 = tpu.memref_slice %dma_start3A_275[%dma_start3A_276, %dma_start3A_277] : memref<160x64xi32, #tpu.memory_space<hbm>> -> memref<40x64xi32, #tpu.memory_space<hbm>>
      %dma_start3A_279 = arith.constant 0 : i32
      %dma_start3A_280 = arith.constant 0 : i32
      %dma_start3A_281 = tpu.memref_slice %arg4[%add3A, %dma_start3A_279, %dma_start3A_280] : memref<32x160x64xi32, #tpu.memory_space<hbm>> -> memref<1x160x64xi32, #tpu.memory_space<hbm>>
      %dma_start3A_282 = tpu.memref_squeeze %dma_start3A_281 : memref<1x160x64xi32, #tpu.memory_space<hbm>> -> memref<160x64xi32, #tpu.memory_space<hbm>>
      %dma_start3A_283 = arith.constant 40 : i32
      %dma_start3A_284 = arith.constant 0 : i32
      %dma_start3A_285 = tpu.memref_slice %dma_start3A_282[%dma_start3A_283, %dma_start3A_284] : memref<160x64xi32, #tpu.memory_space<hbm>> -> memref<40x64xi32, #tpu.memory_space<hbm>>
      tpu.enqueue_dma source(%dma_start3A_285 : memref<40x64xi32, #tpu.memory_space<hbm>>) target(%arg7 : memref<40x64xi32, #tpu.memory_space<vmem>>) target_semaphore(%run_scoped3A_271 : memref<!tpu.dma_semaphore, #tpu.memory_space<semaphore_mem>>)
      %dma_wait3A_286 = arith.constant 0 : i32
      %dma_wait3A_287 = arith.constant 0 : i32
      %dma_wait3A_288 = tpu.memref_slice %arg4[%add3A, %dma_wait3A_286, %dma_wait3A_287] : memref<32x160x64xi32, #tpu.memory_space<hbm>> -> memref<1x160x64xi32, #tpu.memory_space<hbm>>
      %dma_wait3A_289 = tpu.memref_squeeze %dma_wait3A_288 : memref<1x160x64xi32, #tpu.memory_space<hbm>> -> memref<160x64xi32, #tpu.memory_space<hbm>>
      %dma_wait3A_290 = arith.constant 40 : i32
      %dma_wait3A_291 = arith.constant 0 : i32
      %dma_wait3A_292 = tpu.memref_slice %dma_wait3A_289[%dma_wait3A_290, %dma_wait3A_291] : memref<160x64xi32, #tpu.memory_space<hbm>> -> memref<40x64xi32, #tpu.memory_space<hbm>>
      %dma_wait3A_293 = arith.constant 0 : i32
      %dma_wait3A_294 = arith.constant 0 : i32
      %dma_wait3A_295 = tpu.memref_slice %arg4[%add3A, %dma_wait3A_293, %dma_wait3A_294] : memref<32x160x64xi32, #tpu.memory_space<hbm>> -> memref<1x160x64xi32, #tpu.memory_space<hbm>>
      %dma_wait3A_296 = tpu.memref_squeeze %dma_wait3A_295 : memref<1x160x64xi32, #tpu.memory_space<hbm>> -> memref<160x64xi32, #tpu.memory_space<hbm>>
      %dma_wait3A_297 = arith.constant 40 : i32
      %dma_wait3A_298 = arith.constant 0 : i32
      %dma_wait3A_299 = tpu.memref_slice %dma_wait3A_296[%dma_wait3A_297, %dma_wait3A_298] : memref<160x64xi32, #tpu.memory_space<hbm>> -> memref<40x64xi32, #tpu.memory_space<hbm>>
      tpu.wait_dma2 semaphore(%run_scoped3A_271 : memref<!tpu.dma_semaphore, #tpu.memory_space<semaphore_mem>>) src(%dma_wait3A_299 : memref<40x64xi32, #tpu.memory_space<hbm>>) dst(%arg7 : memref<40x64xi32, #tpu.memory_space<vmem>>)
      tpu.yield
    }) : () -> ()
    %dma_start3A_75 = arith.constant 0 : i32
    %dma_start3A_76 = arith.constant 0 : i32
    %dma_start3A_77 = tpu.memref_slice %arg6[%dma_start3A_75, %dma_start3A_76] : memref<40x64xi32, #tpu.memory_space<vmem>> -> memref<1x64xi32, #tpu.memory_space<vmem>>
    %dma_start3A_78 = tpu.memref_squeeze %dma_start3A_77 : memref<1x64xi32, #tpu.memory_space<vmem>> -> memref<64xi32, #tpu.memory_space<vmem>>
    %dma_start3A_79 = arith.constant 0 : i32
    %dma_start3A_80 = arith.constant 0 : i32
    %dma_start3A_81 = tpu.memref_slice %arg2[%dma_start3A_79, %dma_start3A_80] : memref<10240x128xf32, #tpu.memory_space<hbm>> -> memref<10240x128xf32, #tpu.memory_space<hbm>>
    tpu.enqueue_indirect_dma source(%dma_start3A_81 : memref<10240x128xf32, #tpu.memory_space<hbm>>) target(%arg8 : memref<64x128xf32, #tpu.memory_space<vmem>>) offsets(%dma_start3A_78 : memref<64xi32, #tpu.memory_space<vmem>>) semaphore(%arg14 : memref<!tpu.dma_semaphore, #tpu.memory_space<semaphore_mem>>)
    %dma_start3A_82 = arith.constant 1 : i32
    %dma_start3A_83 = arith.constant 0 : i32
    %dma_start3A_84 = tpu.memref_slice %arg6[%dma_start3A_82, %dma_start3A_83] : memref<40x64xi32, #tpu.memory_space<vmem>> -> memref<1x64xi32, #tpu.memory_space<vmem>>
    %dma_start3A_85 = tpu.memref_squeeze %dma_start3A_84 : memref<1x64xi32, #tpu.memory_space<vmem>> -> memref<64xi32, #tpu.memory_space<vmem>>
    %dma_start3A_86 = arith.constant 0 : i32
    %dma_start3A_87 = arith.constant 0 : i32
    %dma_start3A_88 = tpu.memref_slice %arg2[%dma_start3A_86, %dma_start3A_87] : memref<10240x128xf32, #tpu.memory_space<hbm>> -> memref<10240x128xf32, #tpu.memory_space<hbm>>
    tpu.enqueue_indirect_dma source(%dma_start3A_88 : memref<10240x128xf32, #tpu.memory_space<hbm>>) target(%arg9 : memref<64x128xf32, #tpu.memory_space<vmem>>) offsets(%dma_start3A_85 : memref<64xi32, #tpu.memory_space<vmem>>) semaphore(%arg15 : memref<!tpu.dma_semaphore, #tpu.memory_space<semaphore_mem>>)
    %dma_start3A_89 = arith.constant 2 : i32
    %dma_start3A_90 = arith.constant 0 : i32
    %dma_start3A_91 = tpu.memref_slice %arg6[%dma_start3A_89, %dma_start3A_90] : memref<40x64xi32, #tpu.memory_space<vmem>> -> memref<1x64xi32, #tpu.memory_space<vmem>>
    %dma_start3A_92 = tpu.memref_squeeze %dma_start3A_91 : memref<1x64xi32, #tpu.memory_space<vmem>> -> memref<64xi32, #tpu.memory_space<vmem>>
    %dma_start3A_93 = arith.constant 0 : i32
    %dma_start3A_94 = arith.constant 0 : i32
    %dma_start3A_95 = tpu.memref_slice %arg2[%dma_start3A_93, %dma_start3A_94] : memref<10240x128xf32, #tpu.memory_space<hbm>> -> memref<10240x128xf32, #tpu.memory_space<hbm>>
    tpu.enqueue_indirect_dma source(%dma_start3A_95 : memref<10240x128xf32, #tpu.memory_space<hbm>>) target(%arg10 : memref<64x128xf32, #tpu.memory_space<vmem>>) offsets(%dma_start3A_92 : memref<64xi32, #tpu.memory_space<vmem>>) semaphore(%arg16 : memref<!tpu.dma_semaphore, #tpu.memory_space<semaphore_mem>>)
    %dma_start3A_96 = arith.constant 3 : i32
    %dma_start3A_97 = arith.constant 0 : i32
    %dma_start3A_98 = tpu.memref_slice %arg6[%dma_start3A_96, %dma_start3A_97] : memref<40x64xi32, #tpu.memory_space<vmem>> -> memref<1x64xi32, #tpu.memory_space<vmem>>
    %dma_start3A_99 = tpu.memref_squeeze %dma_start3A_98 : memref<1x64xi32, #tpu.memory_space<vmem>> -> memref<64xi32, #tpu.memory_space<vmem>>
    %dma_start3A_100 = arith.constant 0 : i32
    %dma_start3A_101 = arith.constant 0 : i32
    %dma_start3A_102 = tpu.memref_slice %arg2[%dma_start3A_100, %dma_start3A_101] : memref<10240x128xf32, #tpu.memory_space<hbm>> -> memref<10240x128xf32, #tpu.memory_space<hbm>>
    tpu.enqueue_indirect_dma source(%dma_start3A_102 : memref<10240x128xf32, #tpu.memory_space<hbm>>) target(%arg11 : memref<64x128xf32, #tpu.memory_space<vmem>>) offsets(%dma_start3A_99 : memref<64xi32, #tpu.memory_space<vmem>>) semaphore(%arg17 : memref<!tpu.dma_semaphore, #tpu.memory_space<semaphore_mem>>)
    %scan3A_103 = arith.constant 0 : i32
    %scan3A_104 = arith.constant 9 : i32
    %scan3A_105 = arith.addi %scan3A_103, %scan3A_104 : i32
    %scan3A_106 = arith.constant 1 : i32
    scf.for %scan3A_271 = %scan3A_103 to %scan3A_105 step %scan3A_106  : i32 {
      %mul3A_272 = arith.constant 4 : i32
      %mul3A_273 = arith.muli %scan3A_271, %mul3A_272 : i32
      %add3A_274 = arith.constant 0 : i32
      %add3A_275 = arith.addi %add3A_274, %mul3A_273 : i32
      %add3A_276 = arith.constant 0 : i32
      %add3A_277 = arith.addi %add3A_275, %add3A_276 : i32
      %dma_wait3A_278 = arith.constant 0 : i32
      %dma_wait3A_279 = tpu.memref_slice %arg6[%add3A_277, %dma_wait3A_278] : memref<40x64xi32, #tpu.memory_space<vmem>> -> memref<1x64xi32, #tpu.memory_space<vmem>>
      %dma_wait3A_280 = tpu.memref_squeeze %dma_wait3A_279 : memref<1x64xi32, #tpu.memory_space<vmem>> -> memref<64xi32, #tpu.memory_space<vmem>>
      %dma_wait3A_281 = arith.constant 0 : i32
      %dma_wait3A_282 = arith.constant 0 : i32
      %dma_wait3A_283 = tpu.memref_slice %arg2[%dma_wait3A_281, %dma_wait3A_282] : memref<10240x128xf32, #tpu.memory_space<hbm>> -> memref<10240x128xf32, #tpu.memory_space<hbm>>
      tpu.wait_indirect_dma semaphore(%arg14 : memref<!tpu.dma_semaphore, #tpu.memory_space<semaphore_mem>>) src(%dma_wait3A_283 : memref<10240x128xf32, #tpu.memory_space<hbm>>) dst(%arg8 : memref<64x128xf32, #tpu.memory_space<vmem>>)
      %add3A_284 = arith.constant 0 : i32
      %add3A_285 = arith.addi %add3A_275, %add3A_284 : i32
      %dma_start3A_286 = arith.constant 0 : i32
      %dma_start3A_287 = tpu.memref_slice %arg7[%add3A_285, %dma_start3A_286] : memref<40x64xi32, #tpu.memory_space<vmem>> -> memref<1x64xi32, #tpu.memory_space<vmem>>
      %dma_start3A_288 = tpu.memref_squeeze %dma_start3A_287 : memref<1x64xi32, #tpu.memory_space<vmem>> -> memref<64xi32, #tpu.memory_space<vmem>>
      %dma_start3A_289 = arith.constant 0 : i32
      %dma_start3A_290 = arith.constant 0 : i32
      %dma_start3A_291 = tpu.memref_slice %arg13[%dma_start3A_289, %dma_start3A_290] : memref<10240x128xf32, #tpu.memory_space<vmem_shared>> -> memref<10240x128xf32, #tpu.memory_space<vmem_shared>>
      tpu.enqueue_indirect_dma source(%arg8 : memref<64x128xf32, #tpu.memory_space<vmem>>) target(%dma_start3A_291 : memref<10240x128xf32, #tpu.memory_space<vmem_shared>>) offsets(%dma_start3A_288 : memref<64xi32, #tpu.memory_space<vmem>>) semaphore(%arg18 : memref<!tpu.dma_semaphore, #tpu.memory_space<semaphore_mem>>) {add = true}
      %add3A_292 = arith.constant 1 : i32
      %add3A_293 = arith.addi %add3A_275, %add3A_292 : i32
      %dma_wait3A_294 = arith.constant 0 : i32
      %dma_wait3A_295 = tpu.memref_slice %arg6[%add3A_293, %dma_wait3A_294] : memref<40x64xi32, #tpu.memory_space<vmem>> -> memref<1x64xi32, #tpu.memory_space<vmem>>
      %dma_wait3A_296 = tpu.memref_squeeze %dma_wait3A_295 : memref<1x64xi32, #tpu.memory_space<vmem>> -> memref<64xi32, #tpu.memory_space<vmem>>
      %dma_wait3A_297 = arith.constant 0 : i32
      %dma_wait3A_298 = arith.constant 0 : i32
      %dma_wait3A_299 = tpu.memref_slice %arg2[%dma_wait3A_297, %dma_wait3A_298] : memref<10240x128xf32, #tpu.memory_space<hbm>> -> memref<10240x128xf32, #tpu.memory_space<hbm>>
      tpu.wait_indirect_dma semaphore(%arg15 : memref<!tpu.dma_semaphore, #tpu.memory_space<semaphore_mem>>) src(%dma_wait3A_299 : memref<10240x128xf32, #tpu.memory_space<hbm>>) dst(%arg9 : memref<64x128xf32, #tpu.memory_space<vmem>>)
      %add3A_300 = arith.constant 1 : i32
      %add3A_301 = arith.addi %add3A_275, %add3A_300 : i32
      %dma_start3A_302 = arith.constant 0 : i32
      %dma_start3A_303 = tpu.memref_slice %arg7[%add3A_301, %dma_start3A_302] : memref<40x64xi32, #tpu.memory_space<vmem>> -> memref<1x64xi32, #tpu.memory_space<vmem>>
      %dma_start3A_304 = tpu.memref_squeeze %dma_start3A_303 : memref<1x64xi32, #tpu.memory_space<vmem>> -> memref<64xi32, #tpu.memory_space<vmem>>
      %dma_start3A_305 = arith.constant 0 : i32
      %dma_start3A_306 = arith.constant 0 : i32
      %dma_start3A_307 = tpu.memref_slice %arg13[%dma_start3A_305, %dma_start3A_306] : memref<10240x128xf32, #tpu.memory_space<vmem_shared>> -> memref<10240x128xf32, #tpu.memory_space<vmem_shared>>
      tpu.enqueue_indirect_dma source(%arg9 : memref<64x128xf32, #tpu.memory_space<vmem>>) target(%dma_start3A_307 : memref<10240x128xf32, #tpu.memory_space<vmem_shared>>) offsets(%dma_start3A_304 : memref<64xi32, #tpu.memory_space<vmem>>) semaphore(%arg19 : memref<!tpu.dma_semaphore, #tpu.memory_space<semaphore_mem>>) {add = true}
      %add3A_308 = arith.constant 2 : i32
      %add3A_309 = arith.addi %add3A_275, %add3A_308 : i32
      %dma_wait3A_310 = arith.constant 0 : i32
      %dma_wait3A_311 = tpu.memref_slice %arg6[%add3A_309, %dma_wait3A_310] : memref<40x64xi32, #tpu.memory_space<vmem>> -> memref<1x64xi32, #tpu.memory_space<vmem>>
      %dma_wait3A_312 = tpu.memref_squeeze %dma_wait3A_311 : memref<1x64xi32, #tpu.memory_space<vmem>> -> memref<64xi32, #tpu.memory_space<vmem>>
      %dma_wait3A_313 = arith.constant 0 : i32
      %dma_wait3A_314 = arith.constant 0 : i32
      %dma_wait3A_315 = tpu.memref_slice %arg2[%dma_wait3A_313, %dma_wait3A_314] : memref<10240x128xf32, #tpu.memory_space<hbm>> -> memref<10240x128xf32, #tpu.memory_space<hbm>>
      tpu.wait_indirect_dma semaphore(%arg16 : memref<!tpu.dma_semaphore, #tpu.memory_space<semaphore_mem>>) src(%dma_wait3A_315 : memref<10240x128xf32, #tpu.memory_space<hbm>>) dst(%arg10 : memref<64x128xf32, #tpu.memory_space<vmem>>)
      %add3A_316 = arith.constant 2 : i32
      %add3A_317 = arith.addi %add3A_275, %add3A_316 : i32
      %dma_start3A_318 = arith.constant 0 : i32
      %dma_start3A_319 = tpu.memref_slice %arg7[%add3A_317, %dma_start3A_318] : memref<40x64xi32, #tpu.memory_space<vmem>> -> memref<1x64xi32, #tpu.memory_space<vmem>>
      %dma_start3A_320 = tpu.memref_squeeze %dma_start3A_319 : memref<1x64xi32, #tpu.memory_space<vmem>> -> memref<64xi32, #tpu.memory_space<vmem>>
      %dma_start3A_321 = arith.constant 0 : i32
      %dma_start3A_322 = arith.constant 0 : i32
      %dma_start3A_323 = tpu.memref_slice %arg13[%dma_start3A_321, %dma_start3A_322] : memref<10240x128xf32, #tpu.memory_space<vmem_shared>> -> memref<10240x128xf32, #tpu.memory_space<vmem_shared>>
      tpu.enqueue_indirect_dma source(%arg10 : memref<64x128xf32, #tpu.memory_space<vmem>>) target(%dma_start3A_323 : memref<10240x128xf32, #tpu.memory_space<vmem_shared>>) offsets(%dma_start3A_320 : memref<64xi32, #tpu.memory_space<vmem>>) semaphore(%arg20 : memref<!tpu.dma_semaphore, #tpu.memory_space<semaphore_mem>>) {add = true}
      %add3A_324 = arith.constant 3 : i32
      %add3A_325 = arith.addi %add3A_275, %add3A_324 : i32
      %dma_wait3A_326 = arith.constant 0 : i32
      %dma_wait3A_327 = tpu.memref_slice %arg6[%add3A_325, %dma_wait3A_326] : memref<40x64xi32, #tpu.memory_space<vmem>> -> memref<1x64xi32, #tpu.memory_space<vmem>>
      %dma_wait3A_328 = tpu.memref_squeeze %dma_wait3A_327 : memref<1x64xi32, #tpu.memory_space<vmem>> -> memref<64xi32, #tpu.memory_space<vmem>>
      %dma_wait3A_329 = arith.constant 0 : i32
      %dma_wait3A_330 = arith.constant 0 : i32
      %dma_wait3A_331 = tpu.memref_slice %arg2[%dma_wait3A_329, %dma_wait3A_330] : memref<10240x128xf32, #tpu.memory_space<hbm>> -> memref<10240x128xf32, #tpu.memory_space<hbm>>
      tpu.wait_indirect_dma semaphore(%arg17 : memref<!tpu.dma_semaphore, #tpu.memory_space<semaphore_mem>>) src(%dma_wait3A_331 : memref<10240x128xf32, #tpu.memory_space<hbm>>) dst(%arg11 : memref<64x128xf32, #tpu.memory_space<vmem>>)
      %add3A_332 = arith.constant 3 : i32
      %add3A_333 = arith.addi %add3A_275, %add3A_332 : i32
      %dma_start3A_334 = arith.constant 0 : i32
      %dma_start3A_335 = tpu.memref_slice %arg7[%add3A_333, %dma_start3A_334] : memref<40x64xi32, #tpu.memory_space<vmem>> -> memref<1x64xi32, #tpu.memory_space<vmem>>
      %dma_start3A_336 = tpu.memref_squeeze %dma_start3A_335 : memref<1x64xi32, #tpu.memory_space<vmem>> -> memref<64xi32, #tpu.memory_space<vmem>>
      %dma_start3A_337 = arith.constant 0 : i32
      %dma_start3A_338 = arith.constant 0 : i32
      %dma_start3A_339 = tpu.memref_slice %arg13[%dma_start3A_337, %dma_start3A_338] : memref<10240x128xf32, #tpu.memory_space<vmem_shared>> -> memref<10240x128xf32, #tpu.memory_space<vmem_shared>>
      tpu.enqueue_indirect_dma source(%arg11 : memref<64x128xf32, #tpu.memory_space<vmem>>) target(%dma_start3A_339 : memref<10240x128xf32, #tpu.memory_space<vmem_shared>>) offsets(%dma_start3A_336 : memref<64xi32, #tpu.memory_space<vmem>>) semaphore(%arg21 : memref<!tpu.dma_semaphore, #tpu.memory_space<semaphore_mem>>) {add = true}
      %add3A_340 = arith.constant 0 : i32
      %add3A_341 = arith.addi %add3A_275, %add3A_340 : i32
      %dma_wait3A_342 = arith.constant 0 : i32
      %dma_wait3A_343 = tpu.memref_slice %arg7[%add3A_341, %dma_wait3A_342] : memref<40x64xi32, #tpu.memory_space<vmem>> -> memref<1x64xi32, #tpu.memory_space<vmem>>
      %dma_wait3A_344 = tpu.memref_squeeze %dma_wait3A_343 : memref<1x64xi32, #tpu.memory_space<vmem>> -> memref<64xi32, #tpu.memory_space<vmem>>
      %dma_wait3A_345 = arith.constant 0 : i32
      %dma_wait3A_346 = arith.constant 0 : i32
      %dma_wait3A_347 = tpu.memref_slice %arg13[%dma_wait3A_345, %dma_wait3A_346] : memref<10240x128xf32, #tpu.memory_space<vmem_shared>> -> memref<10240x128xf32, #tpu.memory_space<vmem_shared>>
      tpu.wait_indirect_dma semaphore(%arg18 : memref<!tpu.dma_semaphore, #tpu.memory_space<semaphore_mem>>) src(%arg8 : memref<64x128xf32, #tpu.memory_space<vmem>>) dst(%dma_wait3A_347 : memref<10240x128xf32, #tpu.memory_space<vmem_shared>>)
      %add3A_348 = arith.constant 4 : i32
      %add3A_349 = arith.addi %add3A_275, %add3A_348 : i32
      %add3A_350 = arith.constant 0 : i32
      %add3A_351 = arith.addi %add3A_349, %add3A_350 : i32
      %dma_start3A_352 = arith.constant 0 : i32
      %dma_start3A_353 = tpu.memref_slice %arg6[%add3A_351, %dma_start3A_352] : memref<40x64xi32, #tpu.memory_space<vmem>> -> memref<1x64xi32, #tpu.memory_space<vmem>>
      %dma_start3A_354 = tpu.memref_squeeze %dma_start3A_353 : memref<1x64xi32, #tpu.memory_space<vmem>> -> memref<64xi32, #tpu.memory_space<vmem>>
      %dma_start3A_355 = arith.constant 0 : i32
      %dma_start3A_356 = arith.constant 0 : i32
      %dma_start3A_357 = tpu.memref_slice %arg2[%dma_start3A_355, %dma_start3A_356] : memref<10240x128xf32, #tpu.memory_space<hbm>> -> memref<10240x128xf32, #tpu.memory_space<hbm>>
      tpu.enqueue_indirect_dma source(%dma_start3A_357 : memref<10240x128xf32, #tpu.memory_space<hbm>>) target(%arg8 : memref<64x128xf32, #tpu.memory_space<vmem>>) offsets(%dma_start3A_354 : memref<64xi32, #tpu.memory_space<vmem>>) semaphore(%arg14 : memref<!tpu.dma_semaphore, #tpu.memory_space<semaphore_mem>>)
      %add3A_358 = arith.constant 1 : i32
      %add3A_359 = arith.addi %add3A_275, %add3A_358 : i32
      %dma_wait3A_360 = arith.constant 0 : i32
      %dma_wait3A_361 = tpu.memref_slice %arg7[%add3A_359, %dma_wait3A_360] : memref<40x64xi32, #tpu.memory_space<vmem>> -> memref<1x64xi32, #tpu.memory_space<vmem>>
      %dma_wait3A_362 = tpu.memref_squeeze %dma_wait3A_361 : memref<1x64xi32, #tpu.memory_space<vmem>> -> memref<64xi32, #tpu.memory_space<vmem>>
      %dma_wait3A_363 = arith.constant 0 : i32
      %dma_wait3A_364 = arith.constant 0 : i32
      %dma_wait3A_365 = tpu.memref_slice %arg13[%dma_wait3A_363, %dma_wait3A_364] : memref<10240x128xf32, #tpu.memory_space<vmem_shared>> -> memref<10240x128xf32, #tpu.memory_space<vmem_shared>>
      tpu.wait_indirect_dma semaphore(%arg19 : memref<!tpu.dma_semaphore, #tpu.memory_space<semaphore_mem>>) src(%arg9 : memref<64x128xf32, #tpu.memory_space<vmem>>) dst(%dma_wait3A_365 : memref<10240x128xf32, #tpu.memory_space<vmem_shared>>)
      %add3A_366 = arith.constant 4 : i32
      %add3A_367 = arith.addi %add3A_275, %add3A_366 : i32
      %add3A_368 = arith.constant 1 : i32
      %add3A_369 = arith.addi %add3A_367, %add3A_368 : i32
      %dma_start3A_370 = arith.constant 0 : i32
      %dma_start3A_371 = tpu.memref_slice %arg6[%add3A_369, %dma_start3A_370] : memref<40x64xi32, #tpu.memory_space<vmem>> -> memref<1x64xi32, #tpu.memory_space<vmem>>
      %dma_start3A_372 = tpu.memref_squeeze %dma_start3A_371 : memref<1x64xi32, #tpu.memory_space<vmem>> -> memref<64xi32, #tpu.memory_space<vmem>>
      %dma_start3A_373 = arith.constant 0 : i32
      %dma_start3A_374 = arith.constant 0 : i32
      %dma_start3A_375 = tpu.memref_slice %arg2[%dma_start3A_373, %dma_start3A_374] : memref<10240x128xf32, #tpu.memory_space<hbm>> -> memref<10240x128xf32, #tpu.memory_space<hbm>>
      tpu.enqueue_indirect_dma source(%dma_start3A_375 : memref<10240x128xf32, #tpu.memory_space<hbm>>) target(%arg9 : memref<64x128xf32, #tpu.memory_space<vmem>>) offsets(%dma_start3A_372 : memref<64xi32, #tpu.memory_space<vmem>>) semaphore(%arg15 : memref<!tpu.dma_semaphore, #tpu.memory_space<semaphore_mem>>)
      %add3A_376 = arith.constant 2 : i32
      %add3A_377 = arith.addi %add3A_275, %add3A_376 : i32
      %dma_wait3A_378 = arith.constant 0 : i32
      %dma_wait3A_379 = tpu.memref_slice %arg7[%add3A_377, %dma_wait3A_378] : memref<40x64xi32, #tpu.memory_space<vmem>> -> memref<1x64xi32, #tpu.memory_space<vmem>>
      %dma_wait3A_380 = tpu.memref_squeeze %dma_wait3A_379 : memref<1x64xi32, #tpu.memory_space<vmem>> -> memref<64xi32, #tpu.memory_space<vmem>>
      %dma_wait3A_381 = arith.constant 0 : i32
      %dma_wait3A_382 = arith.constant 0 : i32
      %dma_wait3A_383 = tpu.memref_slice %arg13[%dma_wait3A_381, %dma_wait3A_382] : memref<10240x128xf32, #tpu.memory_space<vmem_shared>> -> memref<10240x128xf32, #tpu.memory_space<vmem_shared>>
      tpu.wait_indirect_dma semaphore(%arg20 : memref<!tpu.dma_semaphore, #tpu.memory_space<semaphore_mem>>) src(%arg10 : memref<64x128xf32, #tpu.memory_space<vmem>>) dst(%dma_wait3A_383 : memref<10240x128xf32, #tpu.memory_space<vmem_shared>>)
      %add3A_384 = arith.constant 4 : i32
      %add3A_385 = arith.addi %add3A_275, %add3A_384 : i32
      %add3A_386 = arith.constant 2 : i32
      %add3A_387 = arith.addi %add3A_385, %add3A_386 : i32
      %dma_start3A_388 = arith.constant 0 : i32
      %dma_start3A_389 = tpu.memref_slice %arg6[%add3A_387, %dma_start3A_388] : memref<40x64xi32, #tpu.memory_space<vmem>> -> memref<1x64xi32, #tpu.memory_space<vmem>>
      %dma_start3A_390 = tpu.memref_squeeze %dma_start3A_389 : memref<1x64xi32, #tpu.memory_space<vmem>> -> memref<64xi32, #tpu.memory_space<vmem>>
      %dma_start3A_391 = arith.constant 0 : i32
      %dma_start3A_392 = arith.constant 0 : i32
      %dma_start3A_393 = tpu.memref_slice %arg2[%dma_start3A_391, %dma_start3A_392] : memref<10240x128xf32, #tpu.memory_space<hbm>> -> memref<10240x128xf32, #tpu.memory_space<hbm>>
      tpu.enqueue_indirect_dma source(%dma_start3A_393 : memref<10240x128xf32, #tpu.memory_space<hbm>>) target(%arg10 : memref<64x128xf32, #tpu.memory_space<vmem>>) offsets(%dma_start3A_390 : memref<64xi32, #tpu.memory_space<vmem>>) semaphore(%arg16 : memref<!tpu.dma_semaphore, #tpu.memory_space<semaphore_mem>>)
      %add3A_394 = arith.constant 3 : i32
      %add3A_395 = arith.addi %add3A_275, %add3A_394 : i32
      %dma_wait3A_396 = arith.constant 0 : i32
      %dma_wait3A_397 = tpu.memref_slice %arg7[%add3A_395, %dma_wait3A_396] : memref<40x64xi32, #tpu.memory_space<vmem>> -> memref<1x64xi32, #tpu.memory_space<vmem>>
      %dma_wait3A_398 = tpu.memref_squeeze %dma_wait3A_397 : memref<1x64xi32, #tpu.memory_space<vmem>> -> memref<64xi32, #tpu.memory_space<vmem>>
      %dma_wait3A_399 = arith.constant 0 : i32
      %dma_wait3A_400 = arith.constant 0 : i32
      %dma_wait3A_401 = tpu.memref_slice %arg13[%dma_wait3A_399, %dma_wait3A_400] : memref<10240x128xf32, #tpu.memory_space<vmem_shared>> -> memref<10240x128xf32, #tpu.memory_space<vmem_shared>>
      tpu.wait_indirect_dma semaphore(%arg21 : memref<!tpu.dma_semaphore, #tpu.memory_space<semaphore_mem>>) src(%arg11 : memref<64x128xf32, #tpu.memory_space<vmem>>) dst(%dma_wait3A_401 : memref<10240x128xf32, #tpu.memory_space<vmem_shared>>)
      %add3A_402 = arith.constant 4 : i32
      %add3A_403 = arith.addi %add3A_275, %add3A_402 : i32
      %add3A_404 = arith.constant 3 : i32
      %add3A_405 = arith.addi %add3A_403, %add3A_404 : i32
      %dma_start3A_406 = arith.constant 0 : i32
      %dma_start3A_407 = tpu.memref_slice %arg6[%add3A_405, %dma_start3A_406] : memref<40x64xi32, #tpu.memory_space<vmem>> -> memref<1x64xi32, #tpu.memory_space<vmem>>
      %dma_start3A_408 = tpu.memref_squeeze %dma_start3A_407 : memref<1x64xi32, #tpu.memory_space<vmem>> -> memref<64xi32, #tpu.memory_space<vmem>>
      %dma_start3A_409 = arith.constant 0 : i32
      %dma_start3A_410 = arith.constant 0 : i32
      %dma_start3A_411 = tpu.memref_slice %arg2[%dma_start3A_409, %dma_start3A_410] : memref<10240x128xf32, #tpu.memory_space<hbm>> -> memref<10240x128xf32, #tpu.memory_space<hbm>>
      tpu.enqueue_indirect_dma source(%dma_start3A_411 : memref<10240x128xf32, #tpu.memory_space<hbm>>) target(%arg11 : memref<64x128xf32, #tpu.memory_space<vmem>>) offsets(%dma_start3A_408 : memref<64xi32, #tpu.memory_space<vmem>>) semaphore(%arg17 : memref<!tpu.dma_semaphore, #tpu.memory_space<semaphore_mem>>)
    }
    %scan3A_107 = arith.constant 9 : i32
    %dma_wait3A_108 = arith.constant 36 : i32
    %dma_wait3A_109 = arith.constant 0 : i32
    %dma_wait3A_110 = tpu.memref_slice %arg6[%dma_wait3A_108, %dma_wait3A_109] : memref<40x64xi32, #tpu.memory_space<vmem>> -> memref<1x64xi32, #tpu.memory_space<vmem>>
    %dma_wait3A_111 = tpu.memref_squeeze %dma_wait3A_110 : memref<1x64xi32, #tpu.memory_space<vmem>> -> memref<64xi32, #tpu.memory_space<vmem>>
    %dma_wait3A_112 = arith.constant 0 : i32
    %dma_wait3A_113 = arith.constant 0 : i32
    %dma_wait3A_114 = tpu.memref_slice %arg2[%dma_wait3A_112, %dma_wait3A_113] : memref<10240x128xf32, #tpu.memory_space<hbm>> -> memref<10240x128xf32, #tpu.memory_space<hbm>>
    tpu.wait_indirect_dma semaphore(%arg14 : memref<!tpu.dma_semaphore, #tpu.memory_space<semaphore_mem>>) src(%dma_wait3A_114 : memref<10240x128xf32, #tpu.memory_space<hbm>>) dst(%arg8 : memref<64x128xf32, #tpu.memory_space<vmem>>)
    %run_scoped3A_115 = arith.constant 36 : i32
    "tpu.region"() ({
      %run_scoped3A_271 = tpu.sem_alloc : memref<!tpu.dma_semaphore, #tpu.memory_space<semaphore_mem>>
      %dma_start3A_272 = arith.constant 0 : i32
      %dma_start3A_273 = tpu.memref_slice %arg7[%run_scoped3A_115, %dma_start3A_272] : memref<40x64xi32, #tpu.memory_space<vmem>> -> memref<1x64xi32, #tpu.memory_space<vmem>>
      %dma_start3A_274 = tpu.memref_squeeze %dma_start3A_273 : memref<1x64xi32, #tpu.memory_space<vmem>> -> memref<64xi32, #tpu.memory_space<vmem>>
      %dma_start3A_275 = arith.constant 0 : i32
      %dma_start3A_276 = arith.constant 0 : i32
      %dma_start3A_277 = tpu.memref_slice %arg13[%dma_start3A_275, %dma_start3A_276] : memref<10240x128xf32, #tpu.memory_space<vmem_shared>> -> memref<10240x128xf32, #tpu.memory_space<vmem_shared>>
      tpu.enqueue_indirect_dma source(%arg8 : memref<64x128xf32, #tpu.memory_space<vmem>>) target(%dma_start3A_277 : memref<10240x128xf32, #tpu.memory_space<vmem_shared>>) offsets(%dma_start3A_274 : memref<64xi32, #tpu.memory_space<vmem>>) semaphore(%run_scoped3A_271 : memref<!tpu.dma_semaphore, #tpu.memory_space<semaphore_mem>>) {add = true}
      %dma_wait3A_278 = arith.constant 0 : i32
      %dma_wait3A_279 = tpu.memref_slice %arg7[%run_scoped3A_115, %dma_wait3A_278] : memref<40x64xi32, #tpu.memory_space<vmem>> -> memref<1x64xi32, #tpu.memory_space<vmem>>
      %dma_wait3A_280 = tpu.memref_squeeze %dma_wait3A_279 : memref<1x64xi32, #tpu.memory_space<vmem>> -> memref<64xi32, #tpu.memory_space<vmem>>
      %dma_wait3A_281 = arith.constant 0 : i32
      %dma_wait3A_282 = arith.constant 0 : i32
      %dma_wait3A_283 = tpu.memref_slice %arg13[%dma_wait3A_281, %dma_wait3A_282] : memref<10240x128xf32, #tpu.memory_space<vmem_shared>> -> memref<10240x128xf32, #tpu.memory_space<vmem_shared>>
      tpu.wait_indirect_dma semaphore(%run_scoped3A_271 : memref<!tpu.dma_semaphore, #tpu.memory_space<semaphore_mem>>) src(%arg8 : memref<64x128xf32, #tpu.memory_space<vmem>>) dst(%dma_wait3A_283 : memref<10240x128xf32, #tpu.memory_space<vmem_shared>>)
      tpu.yield
    }) : () -> ()
    %dma_wait3A_116 = arith.constant 37 : i32
    %dma_wait3A_117 = arith.constant 0 : i32
    %dma_wait3A_118 = tpu.memref_slice %arg6[%dma_wait3A_116, %dma_wait3A_117] : memref<40x64xi32, #tpu.memory_space<vmem>> -> memref<1x64xi32, #tpu.memory_space<vmem>>
    %dma_wait3A_119 = tpu.memref_squeeze %dma_wait3A_118 : memref<1x64xi32, #tpu.memory_space<vmem>> -> memref<64xi32, #tpu.memory_space<vmem>>
    %dma_wait3A_120 = arith.constant 0 : i32
    %dma_wait3A_121 = arith.constant 0 : i32
    %dma_wait3A_122 = tpu.memref_slice %arg2[%dma_wait3A_120, %dma_wait3A_121] : memref<10240x128xf32, #tpu.memory_space<hbm>> -> memref<10240x128xf32, #tpu.memory_space<hbm>>
    tpu.wait_indirect_dma semaphore(%arg15 : memref<!tpu.dma_semaphore, #tpu.memory_space<semaphore_mem>>) src(%dma_wait3A_122 : memref<10240x128xf32, #tpu.memory_space<hbm>>) dst(%arg9 : memref<64x128xf32, #tpu.memory_space<vmem>>)
    %run_scoped3A_123 = arith.constant 37 : i32
    "tpu.region"() ({
      %run_scoped3A_271 = tpu.sem_alloc : memref<!tpu.dma_semaphore, #tpu.memory_space<semaphore_mem>>
      %dma_start3A_272 = arith.constant 0 : i32
      %dma_start3A_273 = tpu.memref_slice %arg7[%run_scoped3A_123, %dma_start3A_272] : memref<40x64xi32, #tpu.memory_space<vmem>> -> memref<1x64xi32, #tpu.memory_space<vmem>>
      %dma_start3A_274 = tpu.memref_squeeze %dma_start3A_273 : memref<1x64xi32, #tpu.memory_space<vmem>> -> memref<64xi32, #tpu.memory_space<vmem>>
      %dma_start3A_275 = arith.constant 0 : i32
      %dma_start3A_276 = arith.constant 0 : i32
      %dma_start3A_277 = tpu.memref_slice %arg13[%dma_start3A_275, %dma_start3A_276] : memref<10240x128xf32, #tpu.memory_space<vmem_shared>> -> memref<10240x128xf32, #tpu.memory_space<vmem_shared>>
      tpu.enqueue_indirect_dma source(%arg9 : memref<64x128xf32, #tpu.memory_space<vmem>>) target(%dma_start3A_277 : memref<10240x128xf32, #tpu.memory_space<vmem_shared>>) offsets(%dma_start3A_274 : memref<64xi32, #tpu.memory_space<vmem>>) semaphore(%run_scoped3A_271 : memref<!tpu.dma_semaphore, #tpu.memory_space<semaphore_mem>>) {add = true}
      %dma_wait3A_278 = arith.constant 0 : i32
      %dma_wait3A_279 = tpu.memref_slice %arg7[%run_scoped3A_123, %dma_wait3A_278] : memref<40x64xi32, #tpu.memory_space<vmem>> -> memref<1x64xi32, #tpu.memory_space<vmem>>
      %dma_wait3A_280 = tpu.memref_squeeze %dma_wait3A_279 : memref<1x64xi32, #tpu.memory_space<vmem>> -> memref<64xi32, #tpu.memory_space<vmem>>
      %dma_wait3A_281 = arith.constant 0 : i32
      %dma_wait3A_282 = arith.constant 0 : i32
      %dma_wait3A_283 = tpu.memref_slice %arg13[%dma_wait3A_281, %dma_wait3A_282] : memref<10240x128xf32, #tpu.memory_space<vmem_shared>> -> memref<10240x128xf32, #tpu.memory_space<vmem_shared>>
      tpu.wait_indirect_dma semaphore(%run_scoped3A_271 : memref<!tpu.dma_semaphore, #tpu.memory_space<semaphore_mem>>) src(%arg9 : memref<64x128xf32, #tpu.memory_space<vmem>>) dst(%dma_wait3A_283 : memref<10240x128xf32, #tpu.memory_space<vmem_shared>>)
      tpu.yield
    }) : () -> ()
    %dma_wait3A_124 = arith.constant 38 : i32
    %dma_wait3A_125 = arith.constant 0 : i32
    %dma_wait3A_126 = tpu.memref_slice %arg6[%dma_wait3A_124, %dma_wait3A_125] : memref<40x64xi32, #tpu.memory_space<vmem>> -> memref<1x64xi32, #tpu.memory_space<vmem>>
    %dma_wait3A_127 = tpu.memref_squeeze %dma_wait3A_126 : memref<1x64xi32, #tpu.memory_space<vmem>> -> memref<64xi32, #tpu.memory_space<vmem>>
    %dma_wait3A_128 = arith.constant 0 : i32
    %dma_wait3A_129 = arith.constant 0 : i32
    %dma_wait3A_130 = tpu.memref_slice %arg2[%dma_wait3A_128, %dma_wait3A_129] : memref<10240x128xf32, #tpu.memory_space<hbm>> -> memref<10240x128xf32, #tpu.memory_space<hbm>>
    tpu.wait_indirect_dma semaphore(%arg16 : memref<!tpu.dma_semaphore, #tpu.memory_space<semaphore_mem>>) src(%dma_wait3A_130 : memref<10240x128xf32, #tpu.memory_space<hbm>>) dst(%arg10 : memref<64x128xf32, #tpu.memory_space<vmem>>)
    %run_scoped3A_131 = arith.constant 38 : i32
    "tpu.region"() ({
      %run_scoped3A_271 = tpu.sem_alloc : memref<!tpu.dma_semaphore, #tpu.memory_space<semaphore_mem>>
      %dma_start3A_272 = arith.constant 0 : i32
      %dma_start3A_273 = tpu.memref_slice %arg7[%run_scoped3A_131, %dma_start3A_272] : memref<40x64xi32, #tpu.memory_space<vmem>> -> memref<1x64xi32, #tpu.memory_space<vmem>>
      %dma_start3A_274 = tpu.memref_squeeze %dma_start3A_273 : memref<1x64xi32, #tpu.memory_space<vmem>> -> memref<64xi32, #tpu.memory_space<vmem>>
      %dma_start3A_275 = arith.constant 0 : i32
      %dma_start3A_276 = arith.constant 0 : i32
      %dma_start3A_277 = tpu.memref_slice %arg13[%dma_start3A_275, %dma_start3A_276] : memref<10240x128xf32, #tpu.memory_space<vmem_shared>> -> memref<10240x128xf32, #tpu.memory_space<vmem_shared>>
      tpu.enqueue_indirect_dma source(%arg10 : memref<64x128xf32, #tpu.memory_space<vmem>>) target(%dma_start3A_277 : memref<10240x128xf32, #tpu.memory_space<vmem_shared>>) offsets(%dma_start3A_274 : memref<64xi32, #tpu.memory_space<vmem>>) semaphore(%run_scoped3A_271 : memref<!tpu.dma_semaphore, #tpu.memory_space<semaphore_mem>>) {add = true}
      %dma_wait3A_278 = arith.constant 0 : i32
      %dma_wait3A_279 = tpu.memref_slice %arg7[%run_scoped3A_131, %dma_wait3A_278] : memref<40x64xi32, #tpu.memory_space<vmem>> -> memref<1x64xi32, #tpu.memory_space<vmem>>
      %dma_wait3A_280 = tpu.memref_squeeze %dma_wait3A_279 : memref<1x64xi32, #tpu.memory_space<vmem>> -> memref<64xi32, #tpu.memory_space<vmem>>
      %dma_wait3A_281 = arith.constant 0 : i32
      %dma_wait3A_282 = arith.constant 0 : i32
      %dma_wait3A_283 = tpu.memref_slice %arg13[%dma_wait3A_281, %dma_wait3A_282] : memref<10240x128xf32, #tpu.memory_space<vmem_shared>> -> memref<10240x128xf32, #tpu.memory_space<vmem_shared>>
      tpu.wait_indirect_dma semaphore(%run_scoped3A_271 : memref<!tpu.dma_semaphore, #tpu.memory_space<semaphore_mem>>) src(%arg10 : memref<64x128xf32, #tpu.memory_space<vmem>>) dst(%dma_wait3A_283 : memref<10240x128xf32, #tpu.memory_space<vmem_shared>>)
      tpu.yield
    }) : () -> ()
    %dma_wait3A_132 = arith.constant 39 : i32
    %dma_wait3A_133 = arith.constant 0 : i32
    %dma_wait3A_134 = tpu.memref_slice %arg6[%dma_wait3A_132, %dma_wait3A_133] : memref<40x64xi32, #tpu.memory_space<vmem>> -> memref<1x64xi32, #tpu.memory_space<vmem>>
    %dma_wait3A_135 = tpu.memref_squeeze %dma_wait3A_134 : memref<1x64xi32, #tpu.memory_space<vmem>> -> memref<64xi32, #tpu.memory_space<vmem>>
    %dma_wait3A_136 = arith.constant 0 : i32
    %dma_wait3A_137 = arith.constant 0 : i32
    %dma_wait3A_138 = tpu.memref_slice %arg2[%dma_wait3A_136, %dma_wait3A_137] : memref<10240x128xf32, #tpu.memory_space<hbm>> -> memref<10240x128xf32, #tpu.memory_space<hbm>>
    tpu.wait_indirect_dma semaphore(%arg17 : memref<!tpu.dma_semaphore, #tpu.memory_space<semaphore_mem>>) src(%dma_wait3A_138 : memref<10240x128xf32, #tpu.memory_space<hbm>>) dst(%arg11 : memref<64x128xf32, #tpu.memory_space<vmem>>)
    %run_scoped3A_139 = arith.constant 39 : i32
    "tpu.region"() ({
      %run_scoped3A_271 = tpu.sem_alloc : memref<!tpu.dma_semaphore, #tpu.memory_space<semaphore_mem>>
      %dma_start3A_272 = arith.constant 0 : i32
      %dma_start3A_273 = tpu.memref_slice %arg7[%run_scoped3A_139, %dma_start3A_272] : memref<40x64xi32, #tpu.memory_space<vmem>> -> memref<1x64xi32, #tpu.memory_space<vmem>>
      %dma_start3A_274 = tpu.memref_squeeze %dma_start3A_273 : memref<1x64xi32, #tpu.memory_space<vmem>> -> memref<64xi32, #tpu.memory_space<vmem>>
      %dma_start3A_275 = arith.constant 0 : i32
      %dma_start3A_276 = arith.constant 0 : i32
      %dma_start3A_277 = tpu.memref_slice %arg13[%dma_start3A_275, %dma_start3A_276] : memref<10240x128xf32, #tpu.memory_space<vmem_shared>> -> memref<10240x128xf32, #tpu.memory_space<vmem_shared>>
      tpu.enqueue_indirect_dma source(%arg11 : memref<64x128xf32, #tpu.memory_space<vmem>>) target(%dma_start3A_277 : memref<10240x128xf32, #tpu.memory_space<vmem_shared>>) offsets(%dma_start3A_274 : memref<64xi32, #tpu.memory_space<vmem>>) semaphore(%run_scoped3A_271 : memref<!tpu.dma_semaphore, #tpu.memory_space<semaphore_mem>>) {add = true}
      %dma_wait3A_278 = arith.constant 0 : i32
      %dma_wait3A_279 = tpu.memref_slice %arg7[%run_scoped3A_139, %dma_wait3A_278] : memref<40x64xi32, #tpu.memory_space<vmem>> -> memref<1x64xi32, #tpu.memory_space<vmem>>
      %dma_wait3A_280 = tpu.memref_squeeze %dma_wait3A_279 : memref<1x64xi32, #tpu.memory_space<vmem>> -> memref<64xi32, #tpu.memory_space<vmem>>
      %dma_wait3A_281 = arith.constant 0 : i32
      %dma_wait3A_282 = arith.constant 0 : i32
      %dma_wait3A_283 = tpu.memref_slice %arg13[%dma_wait3A_281, %dma_wait3A_282] : memref<10240x128xf32, #tpu.memory_space<vmem_shared>> -> memref<10240x128xf32, #tpu.memory_space<vmem_shared>>
      tpu.wait_indirect_dma semaphore(%run_scoped3A_271 : memref<!tpu.dma_semaphore, #tpu.memory_space<semaphore_mem>>) src(%arg11 : memref<64x128xf32, #tpu.memory_space<vmem>>) dst(%dma_wait3A_283 : memref<10240x128xf32, #tpu.memory_space<vmem_shared>>)
      tpu.yield
    }) : () -> ()
    "tpu.region"() ({
      %run_scoped3A_271 = tpu.sem_alloc : memref<!tpu.dma_semaphore, #tpu.memory_space<semaphore_mem>>
      %dma_start3A_272 = arith.constant 0 : i32
      %dma_start3A_273 = arith.constant 0 : i32
      %dma_start3A_274 = tpu.memref_slice %arg3[%add3A, %dma_start3A_272, %dma_start3A_273] : memref<32x160x64xi32, #tpu.memory_space<hbm>> -> memref<1x160x64xi32, #tpu.memory_space<hbm>>
      %dma_start3A_275 = tpu.memref_squeeze %dma_start3A_274 : memref<1x160x64xi32, #tpu.memory_space<hbm>> -> memref<160x64xi32, #tpu.memory_space<hbm>>
      %dma_start3A_276 = arith.constant 80 : i32
      %dma_start3A_277 = arith.constant 0 : i32
      %dma_start3A_278 = tpu.memref_slice %dma_start3A_275[%dma_start3A_276, %dma_start3A_277] : memref<160x64xi32, #tpu.memory_space<hbm>> -> memref<40x64xi32, #tpu.memory_space<hbm>>
      %dma_start3A_279 = arith.constant 0 : i32
      %dma_start3A_280 = arith.constant 0 : i32
      %dma_start3A_281 = tpu.memref_slice %arg3[%add3A, %dma_start3A_279, %dma_start3A_280] : memref<32x160x64xi32, #tpu.memory_space<hbm>> -> memref<1x160x64xi32, #tpu.memory_space<hbm>>
      %dma_start3A_282 = tpu.memref_squeeze %dma_start3A_281 : memref<1x160x64xi32, #tpu.memory_space<hbm>> -> memref<160x64xi32, #tpu.memory_space<hbm>>
      %dma_start3A_283 = arith.constant 80 : i32
      %dma_start3A_284 = arith.constant 0 : i32
      %dma_start3A_285 = tpu.memref_slice %dma_start3A_282[%dma_start3A_283, %dma_start3A_284] : memref<160x64xi32, #tpu.memory_space<hbm>> -> memref<40x64xi32, #tpu.memory_space<hbm>>
      tpu.enqueue_dma source(%dma_start3A_285 : memref<40x64xi32, #tpu.memory_space<hbm>>) target(%arg6 : memref<40x64xi32, #tpu.memory_space<vmem>>) target_semaphore(%run_scoped3A_271 : memref<!tpu.dma_semaphore, #tpu.memory_space<semaphore_mem>>)
      %dma_wait3A_286 = arith.constant 0 : i32
      %dma_wait3A_287 = arith.constant 0 : i32
      %dma_wait3A_288 = tpu.memref_slice %arg3[%add3A, %dma_wait3A_286, %dma_wait3A_287] : memref<32x160x64xi32, #tpu.memory_space<hbm>> -> memref<1x160x64xi32, #tpu.memory_space<hbm>>
      %dma_wait3A_289 = tpu.memref_squeeze %dma_wait3A_288 : memref<1x160x64xi32, #tpu.memory_space<hbm>> -> memref<160x64xi32, #tpu.memory_space<hbm>>
      %dma_wait3A_290 = arith.constant 80 : i32
      %dma_wait3A_291 = arith.constant 0 : i32
      %dma_wait3A_292 = tpu.memref_slice %dma_wait3A_289[%dma_wait3A_290, %dma_wait3A_291] : memref<160x64xi32, #tpu.memory_space<hbm>> -> memref<40x64xi32, #tpu.memory_space<hbm>>
      %dma_wait3A_293 = arith.constant 0 : i32
      %dma_wait3A_294 = arith.constant 0 : i32
      %dma_wait3A_295 = tpu.memref_slice %arg3[%add3A, %dma_wait3A_293, %dma_wait3A_294] : memref<32x160x64xi32, #tpu.memory_space<hbm>> -> memref<1x160x64xi32, #tpu.memory_space<hbm>>
      %dma_wait3A_296 = tpu.memref_squeeze %dma_wait3A_295 : memref<1x160x64xi32, #tpu.memory_space<hbm>> -> memref<160x64xi32, #tpu.memory_space<hbm>>
      %dma_wait3A_297 = arith.constant 80 : i32
      %dma_wait3A_298 = arith.constant 0 : i32
      %dma_wait3A_299 = tpu.memref_slice %dma_wait3A_296[%dma_wait3A_297, %dma_wait3A_298] : memref<160x64xi32, #tpu.memory_space<hbm>> -> memref<40x64xi32, #tpu.memory_space<hbm>>
      tpu.wait_dma2 semaphore(%run_scoped3A_271 : memref<!tpu.dma_semaphore, #tpu.memory_space<semaphore_mem>>) src(%dma_wait3A_299 : memref<40x64xi32, #tpu.memory_space<hbm>>) dst(%arg6 : memref<40x64xi32, #tpu.memory_space<vmem>>)
      tpu.yield
    }) : () -> ()
    "tpu.region"() ({
      %run_scoped3A_271 = tpu.sem_alloc : memref<!tpu.dma_semaphore, #tpu.memory_space<semaphore_mem>>
      %dma_start3A_272 = arith.constant 0 : i32
      %dma_start3A_273 = arith.constant 0 : i32
      %dma_start3A_274 = tpu.memref_slice %arg4[%add3A, %dma_start3A_272, %dma_start3A_273] : memref<32x160x64xi32, #tpu.memory_space<hbm>> -> memref<1x160x64xi32, #tpu.memory_space<hbm>>
      %dma_start3A_275 = tpu.memref_squeeze %dma_start3A_274 : memref<1x160x64xi32, #tpu.memory_space<hbm>> -> memref<160x64xi32, #tpu.memory_space<hbm>>
      %dma_start3A_276 = arith.constant 80 : i32
      %dma_start3A_277 = arith.constant 0 : i32
      %dma_start3A_278 = tpu.memref_slice %dma_start3A_275[%dma_start3A_276, %dma_start3A_277] : memref<160x64xi32, #tpu.memory_space<hbm>> -> memref<40x64xi32, #tpu.memory_space<hbm>>
      %dma_start3A_279 = arith.constant 0 : i32
      %dma_start3A_280 = arith.constant 0 : i32
      %dma_start3A_281 = tpu.memref_slice %arg4[%add3A, %dma_start3A_279, %dma_start3A_280] : memref<32x160x64xi32, #tpu.memory_space<hbm>> -> memref<1x160x64xi32, #tpu.memory_space<hbm>>
      %dma_start3A_282 = tpu.memref_squeeze %dma_start3A_281 : memref<1x160x64xi32, #tpu.memory_space<hbm>> -> memref<160x64xi32, #tpu.memory_space<hbm>>
      %dma_start3A_283 = arith.constant 80 : i32
      %dma_start3A_284 = arith.constant 0 : i32
      %dma_start3A_285 = tpu.memref_slice %dma_start3A_282[%dma_start3A_283, %dma_start3A_284] : memref<160x64xi32, #tpu.memory_space<hbm>> -> memref<40x64xi32, #tpu.memory_space<hbm>>
      tpu.enqueue_dma source(%dma_start3A_285 : memref<40x64xi32, #tpu.memory_space<hbm>>) target(%arg7 : memref<40x64xi32, #tpu.memory_space<vmem>>) target_semaphore(%run_scoped3A_271 : memref<!tpu.dma_semaphore, #tpu.memory_space<semaphore_mem>>)
      %dma_wait3A_286 = arith.constant 0 : i32
      %dma_wait3A_287 = arith.constant 0 : i32
      %dma_wait3A_288 = tpu.memref_slice %arg4[%add3A, %dma_wait3A_286, %dma_wait3A_287] : memref<32x160x64xi32, #tpu.memory_space<hbm>> -> memref<1x160x64xi32, #tpu.memory_space<hbm>>
      %dma_wait3A_289 = tpu.memref_squeeze %dma_wait3A_288 : memref<1x160x64xi32, #tpu.memory_space<hbm>> -> memref<160x64xi32, #tpu.memory_space<hbm>>
      %dma_wait3A_290 = arith.constant 80 : i32
      %dma_wait3A_291 = arith.constant 0 : i32
      %dma_wait3A_292 = tpu.memref_slice %dma_wait3A_289[%dma_wait3A_290, %dma_wait3A_291] : memref<160x64xi32, #tpu.memory_space<hbm>> -> memref<40x64xi32, #tpu.memory_space<hbm>>
      %dma_wait3A_293 = arith.constant 0 : i32
      %dma_wait3A_294 = arith.constant 0 : i32
      %dma_wait3A_295 = tpu.memref_slice %arg4[%add3A, %dma_wait3A_293, %dma_wait3A_294] : memref<32x160x64xi32, #tpu.memory_space<hbm>> -> memref<1x160x64xi32, #tpu.memory_space<hbm>>
      %dma_wait3A_296 = tpu.memref_squeeze %dma_wait3A_295 : memref<1x160x64xi32, #tpu.memory_space<hbm>> -> memref<160x64xi32, #tpu.memory_space<hbm>>
      %dma_wait3A_297 = arith.constant 80 : i32
      %dma_wait3A_298 = arith.constant 0 : i32
      %dma_wait3A_299 = tpu.memref_slice %dma_wait3A_296[%dma_wait3A_297, %dma_wait3A_298] : memref<160x64xi32, #tpu.memory_space<hbm>> -> memref<40x64xi32, #tpu.memory_space<hbm>>
      tpu.wait_dma2 semaphore(%run_scoped3A_271 : memref<!tpu.dma_semaphore, #tpu.memory_space<semaphore_mem>>) src(%dma_wait3A_299 : memref<40x64xi32, #tpu.memory_space<hbm>>) dst(%arg7 : memref<40x64xi32, #tpu.memory_space<vmem>>)
      tpu.yield
    }) : () -> ()
    %dma_start3A_140 = arith.constant 0 : i32
    %dma_start3A_141 = arith.constant 0 : i32
    %dma_start3A_142 = tpu.memref_slice %arg6[%dma_start3A_140, %dma_start3A_141] : memref<40x64xi32, #tpu.memory_space<vmem>> -> memref<1x64xi32, #tpu.memory_space<vmem>>
    %dma_start3A_143 = tpu.memref_squeeze %dma_start3A_142 : memref<1x64xi32, #tpu.memory_space<vmem>> -> memref<64xi32, #tpu.memory_space<vmem>>
    %dma_start3A_144 = arith.constant 0 : i32
    %dma_start3A_145 = arith.constant 0 : i32
    %dma_start3A_146 = tpu.memref_slice %arg2[%dma_start3A_144, %dma_start3A_145] : memref<10240x128xf32, #tpu.memory_space<hbm>> -> memref<10240x128xf32, #tpu.memory_space<hbm>>
    tpu.enqueue_indirect_dma source(%dma_start3A_146 : memref<10240x128xf32, #tpu.memory_space<hbm>>) target(%arg8 : memref<64x128xf32, #tpu.memory_space<vmem>>) offsets(%dma_start3A_143 : memref<64xi32, #tpu.memory_space<vmem>>) semaphore(%arg14 : memref<!tpu.dma_semaphore, #tpu.memory_space<semaphore_mem>>)
    %dma_start3A_147 = arith.constant 1 : i32
    %dma_start3A_148 = arith.constant 0 : i32
    %dma_start3A_149 = tpu.memref_slice %arg6[%dma_start3A_147, %dma_start3A_148] : memref<40x64xi32, #tpu.memory_space<vmem>> -> memref<1x64xi32, #tpu.memory_space<vmem>>
    %dma_start3A_150 = tpu.memref_squeeze %dma_start3A_149 : memref<1x64xi32, #tpu.memory_space<vmem>> -> memref<64xi32, #tpu.memory_space<vmem>>
    %dma_start3A_151 = arith.constant 0 : i32
    %dma_start3A_152 = arith.constant 0 : i32
    %dma_start3A_153 = tpu.memref_slice %arg2[%dma_start3A_151, %dma_start3A_152] : memref<10240x128xf32, #tpu.memory_space<hbm>> -> memref<10240x128xf32, #tpu.memory_space<hbm>>
    tpu.enqueue_indirect_dma source(%dma_start3A_153 : memref<10240x128xf32, #tpu.memory_space<hbm>>) target(%arg9 : memref<64x128xf32, #tpu.memory_space<vmem>>) offsets(%dma_start3A_150 : memref<64xi32, #tpu.memory_space<vmem>>) semaphore(%arg15 : memref<!tpu.dma_semaphore, #tpu.memory_space<semaphore_mem>>)
    %dma_start3A_154 = arith.constant 2 : i32
    %dma_start3A_155 = arith.constant 0 : i32
    %dma_start3A_156 = tpu.memref_slice %arg6[%dma_start3A_154, %dma_start3A_155] : memref<40x64xi32, #tpu.memory_space<vmem>> -> memref<1x64xi32, #tpu.memory_space<vmem>>
    %dma_start3A_157 = tpu.memref_squeeze %dma_start3A_156 : memref<1x64xi32, #tpu.memory_space<vmem>> -> memref<64xi32, #tpu.memory_space<vmem>>
    %dma_start3A_158 = arith.constant 0 : i32
    %dma_start3A_159 = arith.constant 0 : i32
    %dma_start3A_160 = tpu.memref_slice %arg2[%dma_start3A_158, %dma_start3A_159] : memref<10240x128xf32, #tpu.memory_space<hbm>> -> memref<10240x128xf32, #tpu.memory_space<hbm>>
    tpu.enqueue_indirect_dma source(%dma_start3A_160 : memref<10240x128xf32, #tpu.memory_space<hbm>>) target(%arg10 : memref<64x128xf32, #tpu.memory_space<vmem>>) offsets(%dma_start3A_157 : memref<64xi32, #tpu.memory_space<vmem>>) semaphore(%arg16 : memref<!tpu.dma_semaphore, #tpu.memory_space<semaphore_mem>>)
    %dma_start3A_161 = arith.constant 3 : i32
    %dma_start3A_162 = arith.constant 0 : i32
    %dma_start3A_163 = tpu.memref_slice %arg6[%dma_start3A_161, %dma_start3A_162] : memref<40x64xi32, #tpu.memory_space<vmem>> -> memref<1x64xi32, #tpu.memory_space<vmem>>
    %dma_start3A_164 = tpu.memref_squeeze %dma_start3A_163 : memref<1x64xi32, #tpu.memory_space<vmem>> -> memref<64xi32, #tpu.memory_space<vmem>>
    %dma_start3A_165 = arith.constant 0 : i32
    %dma_start3A_166 = arith.constant 0 : i32
    %dma_start3A_167 = tpu.memref_slice %arg2[%dma_start3A_165, %dma_start3A_166] : memref<10240x128xf32, #tpu.memory_space<hbm>> -> memref<10240x128xf32, #tpu.memory_space<hbm>>
    tpu.enqueue_indirect_dma source(%dma_start3A_167 : memref<10240x128xf32, #tpu.memory_space<hbm>>) target(%arg11 : memref<64x128xf32, #tpu.memory_space<vmem>>) offsets(%dma_start3A_164 : memref<64xi32, #tpu.memory_space<vmem>>) semaphore(%arg17 : memref<!tpu.dma_semaphore, #tpu.memory_space<semaphore_mem>>)
    %scan3A_168 = arith.constant 0 : i32
    %scan3A_169 = arith.constant 9 : i32
    %scan3A_170 = arith.addi %scan3A_168, %scan3A_169 : i32
    %scan3A_171 = arith.constant 1 : i32
    scf.for %scan3A_271 = %scan3A_168 to %scan3A_170 step %scan3A_171  : i32 {
      %mul3A_272 = arith.constant 4 : i32
      %mul3A_273 = arith.muli %scan3A_271, %mul3A_272 : i32
      %add3A_274 = arith.constant 0 : i32
      %add3A_275 = arith.addi %add3A_274, %mul3A_273 : i32
      %add3A_276 = arith.constant 0 : i32
      %add3A_277 = arith.addi %add3A_275, %add3A_276 : i32
      %dma_wait3A_278 = arith.constant 0 : i32
      %dma_wait3A_279 = tpu.memref_slice %arg6[%add3A_277, %dma_wait3A_278] : memref<40x64xi32, #tpu.memory_space<vmem>> -> memref<1x64xi32, #tpu.memory_space<vmem>>
      %dma_wait3A_280 = tpu.memref_squeeze %dma_wait3A_279 : memref<1x64xi32, #tpu.memory_space<vmem>> -> memref<64xi32, #tpu.memory_space<vmem>>
      %dma_wait3A_281 = arith.constant 0 : i32
      %dma_wait3A_282 = arith.constant 0 : i32
      %dma_wait3A_283 = tpu.memref_slice %arg2[%dma_wait3A_281, %dma_wait3A_282] : memref<10240x128xf32, #tpu.memory_space<hbm>> -> memref<10240x128xf32, #tpu.memory_space<hbm>>
      tpu.wait_indirect_dma semaphore(%arg14 : memref<!tpu.dma_semaphore, #tpu.memory_space<semaphore_mem>>) src(%dma_wait3A_283 : memref<10240x128xf32, #tpu.memory_space<hbm>>) dst(%arg8 : memref<64x128xf32, #tpu.memory_space<vmem>>)
      %add3A_284 = arith.constant 0 : i32
      %add3A_285 = arith.addi %add3A_275, %add3A_284 : i32
      %dma_start3A_286 = arith.constant 0 : i32
      %dma_start3A_287 = tpu.memref_slice %arg7[%add3A_285, %dma_start3A_286] : memref<40x64xi32, #tpu.memory_space<vmem>> -> memref<1x64xi32, #tpu.memory_space<vmem>>
      %dma_start3A_288 = tpu.memref_squeeze %dma_start3A_287 : memref<1x64xi32, #tpu.memory_space<vmem>> -> memref<64xi32, #tpu.memory_space<vmem>>
      %dma_start3A_289 = arith.constant 0 : i32
      %dma_start3A_290 = arith.constant 0 : i32
      %dma_start3A_291 = tpu.memref_slice %arg13[%dma_start3A_289, %dma_start3A_290] : memref<10240x128xf32, #tpu.memory_space<vmem_shared>> -> memref<10240x128xf32, #tpu.memory_space<vmem_shared>>
      tpu.enqueue_indirect_dma source(%arg8 : memref<64x128xf32, #tpu.memory_space<vmem>>) target(%dma_start3A_291 : memref<10240x128xf32, #tpu.memory_space<vmem_shared>>) offsets(%dma_start3A_288 : memref<64xi32, #tpu.memory_space<vmem>>) semaphore(%arg18 : memref<!tpu.dma_semaphore, #tpu.memory_space<semaphore_mem>>) {add = true}
      %add3A_292 = arith.constant 1 : i32
      %add3A_293 = arith.addi %add3A_275, %add3A_292 : i32
      %dma_wait3A_294 = arith.constant 0 : i32
      %dma_wait3A_295 = tpu.memref_slice %arg6[%add3A_293, %dma_wait3A_294] : memref<40x64xi32, #tpu.memory_space<vmem>> -> memref<1x64xi32, #tpu.memory_space<vmem>>
      %dma_wait3A_296 = tpu.memref_squeeze %dma_wait3A_295 : memref<1x64xi32, #tpu.memory_space<vmem>> -> memref<64xi32, #tpu.memory_space<vmem>>
      %dma_wait3A_297 = arith.constant 0 : i32
      %dma_wait3A_298 = arith.constant 0 : i32
      %dma_wait3A_299 = tpu.memref_slice %arg2[%dma_wait3A_297, %dma_wait3A_298] : memref<10240x128xf32, #tpu.memory_space<hbm>> -> memref<10240x128xf32, #tpu.memory_space<hbm>>
      tpu.wait_indirect_dma semaphore(%arg15 : memref<!tpu.dma_semaphore, #tpu.memory_space<semaphore_mem>>) src(%dma_wait3A_299 : memref<10240x128xf32, #tpu.memory_space<hbm>>) dst(%arg9 : memref<64x128xf32, #tpu.memory_space<vmem>>)
      %add3A_300 = arith.constant 1 : i32
      %add3A_301 = arith.addi %add3A_275, %add3A_300 : i32
      %dma_start3A_302 = arith.constant 0 : i32
      %dma_start3A_303 = tpu.memref_slice %arg7[%add3A_301, %dma_start3A_302] : memref<40x64xi32, #tpu.memory_space<vmem>> -> memref<1x64xi32, #tpu.memory_space<vmem>>
      %dma_start3A_304 = tpu.memref_squeeze %dma_start3A_303 : memref<1x64xi32, #tpu.memory_space<vmem>> -> memref<64xi32, #tpu.memory_space<vmem>>
      %dma_start3A_305 = arith.constant 0 : i32
      %dma_start3A_306 = arith.constant 0 : i32
      %dma_start3A_307 = tpu.memref_slice %arg13[%dma_start3A_305, %dma_start3A_306] : memref<10240x128xf32, #tpu.memory_space<vmem_shared>> -> memref<10240x128xf32, #tpu.memory_space<vmem_shared>>
      tpu.enqueue_indirect_dma source(%arg9 : memref<64x128xf32, #tpu.memory_space<vmem>>) target(%dma_start3A_307 : memref<10240x128xf32, #tpu.memory_space<vmem_shared>>) offsets(%dma_start3A_304 : memref<64xi32, #tpu.memory_space<vmem>>) semaphore(%arg19 : memref<!tpu.dma_semaphore, #tpu.memory_space<semaphore_mem>>) {add = true}
      %add3A_308 = arith.constant 2 : i32
      %add3A_309 = arith.addi %add3A_275, %add3A_308 : i32
      %dma_wait3A_310 = arith.constant 0 : i32
      %dma_wait3A_311 = tpu.memref_slice %arg6[%add3A_309, %dma_wait3A_310] : memref<40x64xi32, #tpu.memory_space<vmem>> -> memref<1x64xi32, #tpu.memory_space<vmem>>
      %dma_wait3A_312 = tpu.memref_squeeze %dma_wait3A_311 : memref<1x64xi32, #tpu.memory_space<vmem>> -> memref<64xi32, #tpu.memory_space<vmem>>
      %dma_wait3A_313 = arith.constant 0 : i32
      %dma_wait3A_314 = arith.constant 0 : i32
      %dma_wait3A_315 = tpu.memref_slice %arg2[%dma_wait3A_313, %dma_wait3A_314] : memref<10240x128xf32, #tpu.memory_space<hbm>> -> memref<10240x128xf32, #tpu.memory_space<hbm>>
      tpu.wait_indirect_dma semaphore(%arg16 : memref<!tpu.dma_semaphore, #tpu.memory_space<semaphore_mem>>) src(%dma_wait3A_315 : memref<10240x128xf32, #tpu.memory_space<hbm>>) dst(%arg10 : memref<64x128xf32, #tpu.memory_space<vmem>>)
      %add3A_316 = arith.constant 2 : i32
      %add3A_317 = arith.addi %add3A_275, %add3A_316 : i32
      %dma_start3A_318 = arith.constant 0 : i32
      %dma_start3A_319 = tpu.memref_slice %arg7[%add3A_317, %dma_start3A_318] : memref<40x64xi32, #tpu.memory_space<vmem>> -> memref<1x64xi32, #tpu.memory_space<vmem>>
      %dma_start3A_320 = tpu.memref_squeeze %dma_start3A_319 : memref<1x64xi32, #tpu.memory_space<vmem>> -> memref<64xi32, #tpu.memory_space<vmem>>
      %dma_start3A_321 = arith.constant 0 : i32
      %dma_start3A_322 = arith.constant 0 : i32
      %dma_start3A_323 = tpu.memref_slice %arg13[%dma_start3A_321, %dma_start3A_322] : memref<10240x128xf32, #tpu.memory_space<vmem_shared>> -> memref<10240x128xf32, #tpu.memory_space<vmem_shared>>
      tpu.enqueue_indirect_dma source(%arg10 : memref<64x128xf32, #tpu.memory_space<vmem>>) target(%dma_start3A_323 : memref<10240x128xf32, #tpu.memory_space<vmem_shared>>) offsets(%dma_start3A_320 : memref<64xi32, #tpu.memory_space<vmem>>) semaphore(%arg20 : memref<!tpu.dma_semaphore, #tpu.memory_space<semaphore_mem>>) {add = true}
      %add3A_324 = arith.constant 3 : i32
      %add3A_325 = arith.addi %add3A_275, %add3A_324 : i32
      %dma_wait3A_326 = arith.constant 0 : i32
      %dma_wait3A_327 = tpu.memref_slice %arg6[%add3A_325, %dma_wait3A_326] : memref<40x64xi32, #tpu.memory_space<vmem>> -> memref<1x64xi32, #tpu.memory_space<vmem>>
      %dma_wait3A_328 = tpu.memref_squeeze %dma_wait3A_327 : memref<1x64xi32, #tpu.memory_space<vmem>> -> memref<64xi32, #tpu.memory_space<vmem>>
      %dma_wait3A_329 = arith.constant 0 : i32
      %dma_wait3A_330 = arith.constant 0 : i32
      %dma_wait3A_331 = tpu.memref_slice %arg2[%dma_wait3A_329, %dma_wait3A_330] : memref<10240x128xf32, #tpu.memory_space<hbm>> -> memref<10240x128xf32, #tpu.memory_space<hbm>>
      tpu.wait_indirect_dma semaphore(%arg17 : memref<!tpu.dma_semaphore, #tpu.memory_space<semaphore_mem>>) src(%dma_wait3A_331 : memref<10240x128xf32, #tpu.memory_space<hbm>>) dst(%arg11 : memref<64x128xf32, #tpu.memory_space<vmem>>)
      %add3A_332 = arith.constant 3 : i32
      %add3A_333 = arith.addi %add3A_275, %add3A_332 : i32
      %dma_start3A_334 = arith.constant 0 : i32
      %dma_start3A_335 = tpu.memref_slice %arg7[%add3A_333, %dma_start3A_334] : memref<40x64xi32, #tpu.memory_space<vmem>> -> memref<1x64xi32, #tpu.memory_space<vmem>>
      %dma_start3A_336 = tpu.memref_squeeze %dma_start3A_335 : memref<1x64xi32, #tpu.memory_space<vmem>> -> memref<64xi32, #tpu.memory_space<vmem>>
      %dma_start3A_337 = arith.constant 0 : i32
      %dma_start3A_338 = arith.constant 0 : i32
      %dma_start3A_339 = tpu.memref_slice %arg13[%dma_start3A_337, %dma_start3A_338] : memref<10240x128xf32, #tpu.memory_space<vmem_shared>> -> memref<10240x128xf32, #tpu.memory_space<vmem_shared>>
      tpu.enqueue_indirect_dma source(%arg11 : memref<64x128xf32, #tpu.memory_space<vmem>>) target(%dma_start3A_339 : memref<10240x128xf32, #tpu.memory_space<vmem_shared>>) offsets(%dma_start3A_336 : memref<64xi32, #tpu.memory_space<vmem>>) semaphore(%arg21 : memref<!tpu.dma_semaphore, #tpu.memory_space<semaphore_mem>>) {add = true}
      %add3A_340 = arith.constant 0 : i32
      %add3A_341 = arith.addi %add3A_275, %add3A_340 : i32
      %dma_wait3A_342 = arith.constant 0 : i32
      %dma_wait3A_343 = tpu.memref_slice %arg7[%add3A_341, %dma_wait3A_342] : memref<40x64xi32, #tpu.memory_space<vmem>> -> memref<1x64xi32, #tpu.memory_space<vmem>>
      %dma_wait3A_344 = tpu.memref_squeeze %dma_wait3A_343 : memref<1x64xi32, #tpu.memory_space<vmem>> -> memref<64xi32, #tpu.memory_space<vmem>>
      %dma_wait3A_345 = arith.constant 0 : i32
      %dma_wait3A_346 = arith.constant 0 : i32
      %dma_wait3A_347 = tpu.memref_slice %arg13[%dma_wait3A_345, %dma_wait3A_346] : memref<10240x128xf32, #tpu.memory_space<vmem_shared>> -> memref<10240x128xf32, #tpu.memory_space<vmem_shared>>
      tpu.wait_indirect_dma semaphore(%arg18 : memref<!tpu.dma_semaphore, #tpu.memory_space<semaphore_mem>>) src(%arg8 : memref<64x128xf32, #tpu.memory_space<vmem>>) dst(%dma_wait3A_347 : memref<10240x128xf32, #tpu.memory_space<vmem_shared>>)
      %add3A_348 = arith.constant 4 : i32
      %add3A_349 = arith.addi %add3A_275, %add3A_348 : i32
      %add3A_350 = arith.constant 0 : i32
      %add3A_351 = arith.addi %add3A_349, %add3A_350 : i32
      %dma_start3A_352 = arith.constant 0 : i32
      %dma_start3A_353 = tpu.memref_slice %arg6[%add3A_351, %dma_start3A_352] : memref<40x64xi32, #tpu.memory_space<vmem>> -> memref<1x64xi32, #tpu.memory_space<vmem>>
      %dma_start3A_354 = tpu.memref_squeeze %dma_start3A_353 : memref<1x64xi32, #tpu.memory_space<vmem>> -> memref<64xi32, #tpu.memory_space<vmem>>
      %dma_start3A_355 = arith.constant 0 : i32
      %dma_start3A_356 = arith.constant 0 : i32
      %dma_start3A_357 = tpu.memref_slice %arg2[%dma_start3A_355, %dma_start3A_356] : memref<10240x128xf32, #tpu.memory_space<hbm>> -> memref<10240x128xf32, #tpu.memory_space<hbm>>
      tpu.enqueue_indirect_dma source(%dma_start3A_357 : memref<10240x128xf32, #tpu.memory_space<hbm>>) target(%arg8 : memref<64x128xf32, #tpu.memory_space<vmem>>) offsets(%dma_start3A_354 : memref<64xi32, #tpu.memory_space<vmem>>) semaphore(%arg14 : memref<!tpu.dma_semaphore, #tpu.memory_space<semaphore_mem>>)
      %add3A_358 = arith.constant 1 : i32
      %add3A_359 = arith.addi %add3A_275, %add3A_358 : i32
      %dma_wait3A_360 = arith.constant 0 : i32
      %dma_wait3A_361 = tpu.memref_slice %arg7[%add3A_359, %dma_wait3A_360] : memref<40x64xi32, #tpu.memory_space<vmem>> -> memref<1x64xi32, #tpu.memory_space<vmem>>
      %dma_wait3A_362 = tpu.memref_squeeze %dma_wait3A_361 : memref<1x64xi32, #tpu.memory_space<vmem>> -> memref<64xi32, #tpu.memory_space<vmem>>
      %dma_wait3A_363 = arith.constant 0 : i32
      %dma_wait3A_364 = arith.constant 0 : i32
      %dma_wait3A_365 = tpu.memref_slice %arg13[%dma_wait3A_363, %dma_wait3A_364] : memref<10240x128xf32, #tpu.memory_space<vmem_shared>> -> memref<10240x128xf32, #tpu.memory_space<vmem_shared>>
      tpu.wait_indirect_dma semaphore(%arg19 : memref<!tpu.dma_semaphore, #tpu.memory_space<semaphore_mem>>) src(%arg9 : memref<64x128xf32, #tpu.memory_space<vmem>>) dst(%dma_wait3A_365 : memref<10240x128xf32, #tpu.memory_space<vmem_shared>>)
      %add3A_366 = arith.constant 4 : i32
      %add3A_367 = arith.addi %add3A_275, %add3A_366 : i32
      %add3A_368 = arith.constant 1 : i32
      %add3A_369 = arith.addi %add3A_367, %add3A_368 : i32
      %dma_start3A_370 = arith.constant 0 : i32
      %dma_start3A_371 = tpu.memref_slice %arg6[%add3A_369, %dma_start3A_370] : memref<40x64xi32, #tpu.memory_space<vmem>> -> memref<1x64xi32, #tpu.memory_space<vmem>>
      %dma_start3A_372 = tpu.memref_squeeze %dma_start3A_371 : memref<1x64xi32, #tpu.memory_space<vmem>> -> memref<64xi32, #tpu.memory_space<vmem>>
      %dma_start3A_373 = arith.constant 0 : i32
      %dma_start3A_374 = arith.constant 0 : i32
      %dma_start3A_375 = tpu.memref_slice %arg2[%dma_start3A_373, %dma_start3A_374] : memref<10240x128xf32, #tpu.memory_space<hbm>> -> memref<10240x128xf32, #tpu.memory_space<hbm>>
      tpu.enqueue_indirect_dma source(%dma_start3A_375 : memref<10240x128xf32, #tpu.memory_space<hbm>>) target(%arg9 : memref<64x128xf32, #tpu.memory_space<vmem>>) offsets(%dma_start3A_372 : memref<64xi32, #tpu.memory_space<vmem>>) semaphore(%arg15 : memref<!tpu.dma_semaphore, #tpu.memory_space<semaphore_mem>>)
      %add3A_376 = arith.constant 2 : i32
      %add3A_377 = arith.addi %add3A_275, %add3A_376 : i32
      %dma_wait3A_378 = arith.constant 0 : i32
      %dma_wait3A_379 = tpu.memref_slice %arg7[%add3A_377, %dma_wait3A_378] : memref<40x64xi32, #tpu.memory_space<vmem>> -> memref<1x64xi32, #tpu.memory_space<vmem>>
      %dma_wait3A_380 = tpu.memref_squeeze %dma_wait3A_379 : memref<1x64xi32, #tpu.memory_space<vmem>> -> memref<64xi32, #tpu.memory_space<vmem>>
      %dma_wait3A_381 = arith.constant 0 : i32
      %dma_wait3A_382 = arith.constant 0 : i32
      %dma_wait3A_383 = tpu.memref_slice %arg13[%dma_wait3A_381, %dma_wait3A_382] : memref<10240x128xf32, #tpu.memory_space<vmem_shared>> -> memref<10240x128xf32, #tpu.memory_space<vmem_shared>>
      tpu.wait_indirect_dma semaphore(%arg20 : memref<!tpu.dma_semaphore, #tpu.memory_space<semaphore_mem>>) src(%arg10 : memref<64x128xf32, #tpu.memory_space<vmem>>) dst(%dma_wait3A_383 : memref<10240x128xf32, #tpu.memory_space<vmem_shared>>)
      %add3A_384 = arith.constant 4 : i32
      %add3A_385 = arith.addi %add3A_275, %add3A_384 : i32
      %add3A_386 = arith.constant 2 : i32
      %add3A_387 = arith.addi %add3A_385, %add3A_386 : i32
      %dma_start3A_388 = arith.constant 0 : i32
      %dma_start3A_389 = tpu.memref_slice %arg6[%add3A_387, %dma_start3A_388] : memref<40x64xi32, #tpu.memory_space<vmem>> -> memref<1x64xi32, #tpu.memory_space<vmem>>
      %dma_start3A_390 = tpu.memref_squeeze %dma_start3A_389 : memref<1x64xi32, #tpu.memory_space<vmem>> -> memref<64xi32, #tpu.memory_space<vmem>>
      %dma_start3A_391 = arith.constant 0 : i32
      %dma_start3A_392 = arith.constant 0 : i32
      %dma_start3A_393 = tpu.memref_slice %arg2[%dma_start3A_391, %dma_start3A_392] : memref<10240x128xf32, #tpu.memory_space<hbm>> -> memref<10240x128xf32, #tpu.memory_space<hbm>>
      tpu.enqueue_indirect_dma source(%dma_start3A_393 : memref<10240x128xf32, #tpu.memory_space<hbm>>) target(%arg10 : memref<64x128xf32, #tpu.memory_space<vmem>>) offsets(%dma_start3A_390 : memref<64xi32, #tpu.memory_space<vmem>>) semaphore(%arg16 : memref<!tpu.dma_semaphore, #tpu.memory_space<semaphore_mem>>)
      %add3A_394 = arith.constant 3 : i32
      %add3A_395 = arith.addi %add3A_275, %add3A_394 : i32
      %dma_wait3A_396 = arith.constant 0 : i32
      %dma_wait3A_397 = tpu.memref_slice %arg7[%add3A_395, %dma_wait3A_396] : memref<40x64xi32, #tpu.memory_space<vmem>> -> memref<1x64xi32, #tpu.memory_space<vmem>>
      %dma_wait3A_398 = tpu.memref_squeeze %dma_wait3A_397 : memref<1x64xi32, #tpu.memory_space<vmem>> -> memref<64xi32, #tpu.memory_space<vmem>>
      %dma_wait3A_399 = arith.constant 0 : i32
      %dma_wait3A_400 = arith.constant 0 : i32
      %dma_wait3A_401 = tpu.memref_slice %arg13[%dma_wait3A_399, %dma_wait3A_400] : memref<10240x128xf32, #tpu.memory_space<vmem_shared>> -> memref<10240x128xf32, #tpu.memory_space<vmem_shared>>
      tpu.wait_indirect_dma semaphore(%arg21 : memref<!tpu.dma_semaphore, #tpu.memory_space<semaphore_mem>>) src(%arg11 : memref<64x128xf32, #tpu.memory_space<vmem>>) dst(%dma_wait3A_401 : memref<10240x128xf32, #tpu.memory_space<vmem_shared>>)
      %add3A_402 = arith.constant 4 : i32
      %add3A_403 = arith.addi %add3A_275, %add3A_402 : i32
      %add3A_404 = arith.constant 3 : i32
      %add3A_405 = arith.addi %add3A_403, %add3A_404 : i32
      %dma_start3A_406 = arith.constant 0 : i32
      %dma_start3A_407 = tpu.memref_slice %arg6[%add3A_405, %dma_start3A_406] : memref<40x64xi32, #tpu.memory_space<vmem>> -> memref<1x64xi32, #tpu.memory_space<vmem>>
      %dma_start3A_408 = tpu.memref_squeeze %dma_start3A_407 : memref<1x64xi32, #tpu.memory_space<vmem>> -> memref<64xi32, #tpu.memory_space<vmem>>
      %dma_start3A_409 = arith.constant 0 : i32
      %dma_start3A_410 = arith.constant 0 : i32
      %dma_start3A_411 = tpu.memref_slice %arg2[%dma_start3A_409, %dma_start3A_410] : memref<10240x128xf32, #tpu.memory_space<hbm>> -> memref<10240x128xf32, #tpu.memory_space<hbm>>
      tpu.enqueue_indirect_dma source(%dma_start3A_411 : memref<10240x128xf32, #tpu.memory_space<hbm>>) target(%arg11 : memref<64x128xf32, #tpu.memory_space<vmem>>) offsets(%dma_start3A_408 : memref<64xi32, #tpu.memory_space<vmem>>) semaphore(%arg17 : memref<!tpu.dma_semaphore, #tpu.memory_space<semaphore_mem>>)
    }
    %scan3A_172 = arith.constant 9 : i32
    %dma_wait3A_173 = arith.constant 36 : i32
    %dma_wait3A_174 = arith.constant 0 : i32
    %dma_wait3A_175 = tpu.memref_slice %arg6[%dma_wait3A_173, %dma_wait3A_174] : memref<40x64xi32, #tpu.memory_space<vmem>> -> memref<1x64xi32, #tpu.memory_space<vmem>>
    %dma_wait3A_176 = tpu.memref_squeeze %dma_wait3A_175 : memref<1x64xi32, #tpu.memory_space<vmem>> -> memref<64xi32, #tpu.memory_space<vmem>>
    %dma_wait3A_177 = arith.constant 0 : i32
    %dma_wait3A_178 = arith.constant 0 : i32
    %dma_wait3A_179 = tpu.memref_slice %arg2[%dma_wait3A_177, %dma_wait3A_178] : memref<10240x128xf32, #tpu.memory_space<hbm>> -> memref<10240x128xf32, #tpu.memory_space<hbm>>
    tpu.wait_indirect_dma semaphore(%arg14 : memref<!tpu.dma_semaphore, #tpu.memory_space<semaphore_mem>>) src(%dma_wait3A_179 : memref<10240x128xf32, #tpu.memory_space<hbm>>) dst(%arg8 : memref<64x128xf32, #tpu.memory_space<vmem>>)
    %run_scoped3A_180 = arith.constant 36 : i32
    "tpu.region"() ({
      %run_scoped3A_271 = tpu.sem_alloc : memref<!tpu.dma_semaphore, #tpu.memory_space<semaphore_mem>>
      %dma_start3A_272 = arith.constant 0 : i32
      %dma_start3A_273 = tpu.memref_slice %arg7[%run_scoped3A_180, %dma_start3A_272] : memref<40x64xi32, #tpu.memory_space<vmem>> -> memref<1x64xi32, #tpu.memory_space<vmem>>
      %dma_start3A_274 = tpu.memref_squeeze %dma_start3A_273 : memref<1x64xi32, #tpu.memory_space<vmem>> -> memref<64xi32, #tpu.memory_space<vmem>>
      %dma_start3A_275 = arith.constant 0 : i32
      %dma_start3A_276 = arith.constant 0 : i32
      %dma_start3A_277 = tpu.memref_slice %arg13[%dma_start3A_275, %dma_start3A_276] : memref<10240x128xf32, #tpu.memory_space<vmem_shared>> -> memref<10240x128xf32, #tpu.memory_space<vmem_shared>>
      tpu.enqueue_indirect_dma source(%arg8 : memref<64x128xf32, #tpu.memory_space<vmem>>) target(%dma_start3A_277 : memref<10240x128xf32, #tpu.memory_space<vmem_shared>>) offsets(%dma_start3A_274 : memref<64xi32, #tpu.memory_space<vmem>>) semaphore(%run_scoped3A_271 : memref<!tpu.dma_semaphore, #tpu.memory_space<semaphore_mem>>) {add = true}
      %dma_wait3A_278 = arith.constant 0 : i32
      %dma_wait3A_279 = tpu.memref_slice %arg7[%run_scoped3A_180, %dma_wait3A_278] : memref<40x64xi32, #tpu.memory_space<vmem>> -> memref<1x64xi32, #tpu.memory_space<vmem>>
      %dma_wait3A_280 = tpu.memref_squeeze %dma_wait3A_279 : memref<1x64xi32, #tpu.memory_space<vmem>> -> memref<64xi32, #tpu.memory_space<vmem>>
      %dma_wait3A_281 = arith.constant 0 : i32
      %dma_wait3A_282 = arith.constant 0 : i32
      %dma_wait3A_283 = tpu.memref_slice %arg13[%dma_wait3A_281, %dma_wait3A_282] : memref<10240x128xf32, #tpu.memory_space<vmem_shared>> -> memref<10240x128xf32, #tpu.memory_space<vmem_shared>>
      tpu.wait_indirect_dma semaphore(%run_scoped3A_271 : memref<!tpu.dma_semaphore, #tpu.memory_space<semaphore_mem>>) src(%arg8 : memref<64x128xf32, #tpu.memory_space<vmem>>) dst(%dma_wait3A_283 : memref<10240x128xf32, #tpu.memory_space<vmem_shared>>)
      tpu.yield
    }) : () -> ()
    %dma_wait3A_181 = arith.constant 37 : i32
    %dma_wait3A_182 = arith.constant 0 : i32
    %dma_wait3A_183 = tpu.memref_slice %arg6[%dma_wait3A_181, %dma_wait3A_182] : memref<40x64xi32, #tpu.memory_space<vmem>> -> memref<1x64xi32, #tpu.memory_space<vmem>>
    %dma_wait3A_184 = tpu.memref_squeeze %dma_wait3A_183 : memref<1x64xi32, #tpu.memory_space<vmem>> -> memref<64xi32, #tpu.memory_space<vmem>>
    %dma_wait3A_185 = arith.constant 0 : i32
    %dma_wait3A_186 = arith.constant 0 : i32
    %dma_wait3A_187 = tpu.memref_slice %arg2[%dma_wait3A_185, %dma_wait3A_186] : memref<10240x128xf32, #tpu.memory_space<hbm>> -> memref<10240x128xf32, #tpu.memory_space<hbm>>
    tpu.wait_indirect_dma semaphore(%arg15 : memref<!tpu.dma_semaphore, #tpu.memory_space<semaphore_mem>>) src(%dma_wait3A_187 : memref<10240x128xf32, #tpu.memory_space<hbm>>) dst(%arg9 : memref<64x128xf32, #tpu.memory_space<vmem>>)
    %run_scoped3A_188 = arith.constant 37 : i32
    "tpu.region"() ({
      %run_scoped3A_271 = tpu.sem_alloc : memref<!tpu.dma_semaphore, #tpu.memory_space<semaphore_mem>>
      %dma_start3A_272 = arith.constant 0 : i32
      %dma_start3A_273 = tpu.memref_slice %arg7[%run_scoped3A_188, %dma_start3A_272] : memref<40x64xi32, #tpu.memory_space<vmem>> -> memref<1x64xi32, #tpu.memory_space<vmem>>
      %dma_start3A_274 = tpu.memref_squeeze %dma_start3A_273 : memref<1x64xi32, #tpu.memory_space<vmem>> -> memref<64xi32, #tpu.memory_space<vmem>>
      %dma_start3A_275 = arith.constant 0 : i32
      %dma_start3A_276 = arith.constant 0 : i32
      %dma_start3A_277 = tpu.memref_slice %arg13[%dma_start3A_275, %dma_start3A_276] : memref<10240x128xf32, #tpu.memory_space<vmem_shared>> -> memref<10240x128xf32, #tpu.memory_space<vmem_shared>>
      tpu.enqueue_indirect_dma source(%arg9 : memref<64x128xf32, #tpu.memory_space<vmem>>) target(%dma_start3A_277 : memref<10240x128xf32, #tpu.memory_space<vmem_shared>>) offsets(%dma_start3A_274 : memref<64xi32, #tpu.memory_space<vmem>>) semaphore(%run_scoped3A_271 : memref<!tpu.dma_semaphore, #tpu.memory_space<semaphore_mem>>) {add = true}
      %dma_wait3A_278 = arith.constant 0 : i32
      %dma_wait3A_279 = tpu.memref_slice %arg7[%run_scoped3A_188, %dma_wait3A_278] : memref<40x64xi32, #tpu.memory_space<vmem>> -> memref<1x64xi32, #tpu.memory_space<vmem>>
      %dma_wait3A_280 = tpu.memref_squeeze %dma_wait3A_279 : memref<1x64xi32, #tpu.memory_space<vmem>> -> memref<64xi32, #tpu.memory_space<vmem>>
      %dma_wait3A_281 = arith.constant 0 : i32
      %dma_wait3A_282 = arith.constant 0 : i32
      %dma_wait3A_283 = tpu.memref_slice %arg13[%dma_wait3A_281, %dma_wait3A_282] : memref<10240x128xf32, #tpu.memory_space<vmem_shared>> -> memref<10240x128xf32, #tpu.memory_space<vmem_shared>>
      tpu.wait_indirect_dma semaphore(%run_scoped3A_271 : memref<!tpu.dma_semaphore, #tpu.memory_space<semaphore_mem>>) src(%arg9 : memref<64x128xf32, #tpu.memory_space<vmem>>) dst(%dma_wait3A_283 : memref<10240x128xf32, #tpu.memory_space<vmem_shared>>)
      tpu.yield
    }) : () -> ()
    %dma_wait3A_189 = arith.constant 38 : i32
    %dma_wait3A_190 = arith.constant 0 : i32
    %dma_wait3A_191 = tpu.memref_slice %arg6[%dma_wait3A_189, %dma_wait3A_190] : memref<40x64xi32, #tpu.memory_space<vmem>> -> memref<1x64xi32, #tpu.memory_space<vmem>>
    %dma_wait3A_192 = tpu.memref_squeeze %dma_wait3A_191 : memref<1x64xi32, #tpu.memory_space<vmem>> -> memref<64xi32, #tpu.memory_space<vmem>>
    %dma_wait3A_193 = arith.constant 0 : i32
    %dma_wait3A_194 = arith.constant 0 : i32
    %dma_wait3A_195 = tpu.memref_slice %arg2[%dma_wait3A_193, %dma_wait3A_194] : memref<10240x128xf32, #tpu.memory_space<hbm>> -> memref<10240x128xf32, #tpu.memory_space<hbm>>
    tpu.wait_indirect_dma semaphore(%arg16 : memref<!tpu.dma_semaphore, #tpu.memory_space<semaphore_mem>>) src(%dma_wait3A_195 : memref<10240x128xf32, #tpu.memory_space<hbm>>) dst(%arg10 : memref<64x128xf32, #tpu.memory_space<vmem>>)
    %run_scoped3A_196 = arith.constant 38 : i32
    "tpu.region"() ({
      %run_scoped3A_271 = tpu.sem_alloc : memref<!tpu.dma_semaphore, #tpu.memory_space<semaphore_mem>>
      %dma_start3A_272 = arith.constant 0 : i32
      %dma_start3A_273 = tpu.memref_slice %arg7[%run_scoped3A_196, %dma_start3A_272] : memref<40x64xi32, #tpu.memory_space<vmem>> -> memref<1x64xi32, #tpu.memory_space<vmem>>
      %dma_start3A_274 = tpu.memref_squeeze %dma_start3A_273 : memref<1x64xi32, #tpu.memory_space<vmem>> -> memref<64xi32, #tpu.memory_space<vmem>>
      %dma_start3A_275 = arith.constant 0 : i32
      %dma_start3A_276 = arith.constant 0 : i32
      %dma_start3A_277 = tpu.memref_slice %arg13[%dma_start3A_275, %dma_start3A_276] : memref<10240x128xf32, #tpu.memory_space<vmem_shared>> -> memref<10240x128xf32, #tpu.memory_space<vmem_shared>>
      tpu.enqueue_indirect_dma source(%arg10 : memref<64x128xf32, #tpu.memory_space<vmem>>) target(%dma_start3A_277 : memref<10240x128xf32, #tpu.memory_space<vmem_shared>>) offsets(%dma_start3A_274 : memref<64xi32, #tpu.memory_space<vmem>>) semaphore(%run_scoped3A_271 : memref<!tpu.dma_semaphore, #tpu.memory_space<semaphore_mem>>) {add = true}
      %dma_wait3A_278 = arith.constant 0 : i32
      %dma_wait3A_279 = tpu.memref_slice %arg7[%run_scoped3A_196, %dma_wait3A_278] : memref<40x64xi32, #tpu.memory_space<vmem>> -> memref<1x64xi32, #tpu.memory_space<vmem>>
      %dma_wait3A_280 = tpu.memref_squeeze %dma_wait3A_279 : memref<1x64xi32, #tpu.memory_space<vmem>> -> memref<64xi32, #tpu.memory_space<vmem>>
      %dma_wait3A_281 = arith.constant 0 : i32
      %dma_wait3A_282 = arith.constant 0 : i32
      %dma_wait3A_283 = tpu.memref_slice %arg13[%dma_wait3A_281, %dma_wait3A_282] : memref<10240x128xf32, #tpu.memory_space<vmem_shared>> -> memref<10240x128xf32, #tpu.memory_space<vmem_shared>>
      tpu.wait_indirect_dma semaphore(%run_scoped3A_271 : memref<!tpu.dma_semaphore, #tpu.memory_space<semaphore_mem>>) src(%arg10 : memref<64x128xf32, #tpu.memory_space<vmem>>) dst(%dma_wait3A_283 : memref<10240x128xf32, #tpu.memory_space<vmem_shared>>)
      tpu.yield
    }) : () -> ()
    %dma_wait3A_197 = arith.constant 39 : i32
    %dma_wait3A_198 = arith.constant 0 : i32
    %dma_wait3A_199 = tpu.memref_slice %arg6[%dma_wait3A_197, %dma_wait3A_198] : memref<40x64xi32, #tpu.memory_space<vmem>> -> memref<1x64xi32, #tpu.memory_space<vmem>>
    %dma_wait3A_200 = tpu.memref_squeeze %dma_wait3A_199 : memref<1x64xi32, #tpu.memory_space<vmem>> -> memref<64xi32, #tpu.memory_space<vmem>>
    %dma_wait3A_201 = arith.constant 0 : i32
    %dma_wait3A_202 = arith.constant 0 : i32
    %dma_wait3A_203 = tpu.memref_slice %arg2[%dma_wait3A_201, %dma_wait3A_202] : memref<10240x128xf32, #tpu.memory_space<hbm>> -> memref<10240x128xf32, #tpu.memory_space<hbm>>
    tpu.wait_indirect_dma semaphore(%arg17 : memref<!tpu.dma_semaphore, #tpu.memory_space<semaphore_mem>>) src(%dma_wait3A_203 : memref<10240x128xf32, #tpu.memory_space<hbm>>) dst(%arg11 : memref<64x128xf32, #tpu.memory_space<vmem>>)
    %run_scoped3A_204 = arith.constant 39 : i32
    "tpu.region"() ({
      %run_scoped3A_271 = tpu.sem_alloc : memref<!tpu.dma_semaphore, #tpu.memory_space<semaphore_mem>>
      %dma_start3A_272 = arith.constant 0 : i32
      %dma_start3A_273 = tpu.memref_slice %arg7[%run_scoped3A_204, %dma_start3A_272] : memref<40x64xi32, #tpu.memory_space<vmem>> -> memref<1x64xi32, #tpu.memory_space<vmem>>
      %dma_start3A_274 = tpu.memref_squeeze %dma_start3A_273 : memref<1x64xi32, #tpu.memory_space<vmem>> -> memref<64xi32, #tpu.memory_space<vmem>>
      %dma_start3A_275 = arith.constant 0 : i32
      %dma_start3A_276 = arith.constant 0 : i32
      %dma_start3A_277 = tpu.memref_slice %arg13[%dma_start3A_275, %dma_start3A_276] : memref<10240x128xf32, #tpu.memory_space<vmem_shared>> -> memref<10240x128xf32, #tpu.memory_space<vmem_shared>>
      tpu.enqueue_indirect_dma source(%arg11 : memref<64x128xf32, #tpu.memory_space<vmem>>) target(%dma_start3A_277 : memref<10240x128xf32, #tpu.memory_space<vmem_shared>>) offsets(%dma_start3A_274 : memref<64xi32, #tpu.memory_space<vmem>>) semaphore(%run_scoped3A_271 : memref<!tpu.dma_semaphore, #tpu.memory_space<semaphore_mem>>) {add = true}
      %dma_wait3A_278 = arith.constant 0 : i32
      %dma_wait3A_279 = tpu.memref_slice %arg7[%run_scoped3A_204, %dma_wait3A_278] : memref<40x64xi32, #tpu.memory_space<vmem>> -> memref<1x64xi32, #tpu.memory_space<vmem>>
      %dma_wait3A_280 = tpu.memref_squeeze %dma_wait3A_279 : memref<1x64xi32, #tpu.memory_space<vmem>> -> memref<64xi32, #tpu.memory_space<vmem>>
      %dma_wait3A_281 = arith.constant 0 : i32
      %dma_wait3A_282 = arith.constant 0 : i32
      %dma_wait3A_283 = tpu.memref_slice %arg13[%dma_wait3A_281, %dma_wait3A_282] : memref<10240x128xf32, #tpu.memory_space<vmem_shared>> -> memref<10240x128xf32, #tpu.memory_space<vmem_shared>>
      tpu.wait_indirect_dma semaphore(%run_scoped3A_271 : memref<!tpu.dma_semaphore, #tpu.memory_space<semaphore_mem>>) src(%arg11 : memref<64x128xf32, #tpu.memory_space<vmem>>) dst(%dma_wait3A_283 : memref<10240x128xf32, #tpu.memory_space<vmem_shared>>)
      tpu.yield
    }) : () -> ()
    "tpu.region"() ({
      %run_scoped3A_271 = tpu.sem_alloc : memref<!tpu.dma_semaphore, #tpu.memory_space<semaphore_mem>>
      %dma_start3A_272 = arith.constant 0 : i32
      %dma_start3A_273 = arith.constant 0 : i32
      %dma_start3A_274 = tpu.memref_slice %arg3[%add3A, %dma_start3A_272, %dma_start3A_273] : memref<32x160x64xi32, #tpu.memory_space<hbm>> -> memref<1x160x64xi32, #tpu.memory_space<hbm>>
      %dma_start3A_275 = tpu.memref_squeeze %dma_start3A_274 : memref<1x160x64xi32, #tpu.memory_space<hbm>> -> memref<160x64xi32, #tpu.memory_space<hbm>>
      %dma_start3A_276 = arith.constant 120 : i32
      %dma_start3A_277 = arith.constant 0 : i32
      %dma_start3A_278 = tpu.memref_slice %dma_start3A_275[%dma_start3A_276, %dma_start3A_277] : memref<160x64xi32, #tpu.memory_space<hbm>> -> memref<40x64xi32, #tpu.memory_space<hbm>>
      %dma_start3A_279 = arith.constant 0 : i32
      %dma_start3A_280 = arith.constant 0 : i32
      %dma_start3A_281 = tpu.memref_slice %arg3[%add3A, %dma_start3A_279, %dma_start3A_280] : memref<32x160x64xi32, #tpu.memory_space<hbm>> -> memref<1x160x64xi32, #tpu.memory_space<hbm>>
      %dma_start3A_282 = tpu.memref_squeeze %dma_start3A_281 : memref<1x160x64xi32, #tpu.memory_space<hbm>> -> memref<160x64xi32, #tpu.memory_space<hbm>>
      %dma_start3A_283 = arith.constant 120 : i32
      %dma_start3A_284 = arith.constant 0 : i32
      %dma_start3A_285 = tpu.memref_slice %dma_start3A_282[%dma_start3A_283, %dma_start3A_284] : memref<160x64xi32, #tpu.memory_space<hbm>> -> memref<40x64xi32, #tpu.memory_space<hbm>>
      tpu.enqueue_dma source(%dma_start3A_285 : memref<40x64xi32, #tpu.memory_space<hbm>>) target(%arg6 : memref<40x64xi32, #tpu.memory_space<vmem>>) target_semaphore(%run_scoped3A_271 : memref<!tpu.dma_semaphore, #tpu.memory_space<semaphore_mem>>)
      %dma_wait3A_286 = arith.constant 0 : i32
      %dma_wait3A_287 = arith.constant 0 : i32
      %dma_wait3A_288 = tpu.memref_slice %arg3[%add3A, %dma_wait3A_286, %dma_wait3A_287] : memref<32x160x64xi32, #tpu.memory_space<hbm>> -> memref<1x160x64xi32, #tpu.memory_space<hbm>>
      %dma_wait3A_289 = tpu.memref_squeeze %dma_wait3A_288 : memref<1x160x64xi32, #tpu.memory_space<hbm>> -> memref<160x64xi32, #tpu.memory_space<hbm>>
      %dma_wait3A_290 = arith.constant 120 : i32
      %dma_wait3A_291 = arith.constant 0 : i32
      %dma_wait3A_292 = tpu.memref_slice %dma_wait3A_289[%dma_wait3A_290, %dma_wait3A_291] : memref<160x64xi32, #tpu.memory_space<hbm>> -> memref<40x64xi32, #tpu.memory_space<hbm>>
      %dma_wait3A_293 = arith.constant 0 : i32
      %dma_wait3A_294 = arith.constant 0 : i32
      %dma_wait3A_295 = tpu.memref_slice %arg3[%add3A, %dma_wait3A_293, %dma_wait3A_294] : memref<32x160x64xi32, #tpu.memory_space<hbm>> -> memref<1x160x64xi32, #tpu.memory_space<hbm>>
      %dma_wait3A_296 = tpu.memref_squeeze %dma_wait3A_295 : memref<1x160x64xi32, #tpu.memory_space<hbm>> -> memref<160x64xi32, #tpu.memory_space<hbm>>
      %dma_wait3A_297 = arith.constant 120 : i32
      %dma_wait3A_298 = arith.constant 0 : i32
      %dma_wait3A_299 = tpu.memref_slice %dma_wait3A_296[%dma_wait3A_297, %dma_wait3A_298] : memref<160x64xi32, #tpu.memory_space<hbm>> -> memref<40x64xi32, #tpu.memory_space<hbm>>
      tpu.wait_dma2 semaphore(%run_scoped3A_271 : memref<!tpu.dma_semaphore, #tpu.memory_space<semaphore_mem>>) src(%dma_wait3A_299 : memref<40x64xi32, #tpu.memory_space<hbm>>) dst(%arg6 : memref<40x64xi32, #tpu.memory_space<vmem>>)
      tpu.yield
    }) : () -> ()
    "tpu.region"() ({
      %run_scoped3A_271 = tpu.sem_alloc : memref<!tpu.dma_semaphore, #tpu.memory_space<semaphore_mem>>
      %dma_start3A_272 = arith.constant 0 : i32
      %dma_start3A_273 = arith.constant 0 : i32
      %dma_start3A_274 = tpu.memref_slice %arg4[%add3A, %dma_start3A_272, %dma_start3A_273] : memref<32x160x64xi32, #tpu.memory_space<hbm>> -> memref<1x160x64xi32, #tpu.memory_space<hbm>>
      %dma_start3A_275 = tpu.memref_squeeze %dma_start3A_274 : memref<1x160x64xi32, #tpu.memory_space<hbm>> -> memref<160x64xi32, #tpu.memory_space<hbm>>
      %dma_start3A_276 = arith.constant 120 : i32
      %dma_start3A_277 = arith.constant 0 : i32
      %dma_start3A_278 = tpu.memref_slice %dma_start3A_275[%dma_start3A_276, %dma_start3A_277] : memref<160x64xi32, #tpu.memory_space<hbm>> -> memref<40x64xi32, #tpu.memory_space<hbm>>
      %dma_start3A_279 = arith.constant 0 : i32
      %dma_start3A_280 = arith.constant 0 : i32
      %dma_start3A_281 = tpu.memref_slice %arg4[%add3A, %dma_start3A_279, %dma_start3A_280] : memref<32x160x64xi32, #tpu.memory_space<hbm>> -> memref<1x160x64xi32, #tpu.memory_space<hbm>>
      %dma_start3A_282 = tpu.memref_squeeze %dma_start3A_281 : memref<1x160x64xi32, #tpu.memory_space<hbm>> -> memref<160x64xi32, #tpu.memory_space<hbm>>
      %dma_start3A_283 = arith.constant 120 : i32
      %dma_start3A_284 = arith.constant 0 : i32
      %dma_start3A_285 = tpu.memref_slice %dma_start3A_282[%dma_start3A_283, %dma_start3A_284] : memref<160x64xi32, #tpu.memory_space<hbm>> -> memref<40x64xi32, #tpu.memory_space<hbm>>
      tpu.enqueue_dma source(%dma_start3A_285 : memref<40x64xi32, #tpu.memory_space<hbm>>) target(%arg7 : memref<40x64xi32, #tpu.memory_space<vmem>>) target_semaphore(%run_scoped3A_271 : memref<!tpu.dma_semaphore, #tpu.memory_space<semaphore_mem>>)
      %dma_wait3A_286 = arith.constant 0 : i32
      %dma_wait3A_287 = arith.constant 0 : i32
      %dma_wait3A_288 = tpu.memref_slice %arg4[%add3A, %dma_wait3A_286, %dma_wait3A_287] : memref<32x160x64xi32, #tpu.memory_space<hbm>> -> memref<1x160x64xi32, #tpu.memory_space<hbm>>
      %dma_wait3A_289 = tpu.memref_squeeze %dma_wait3A_288 : memref<1x160x64xi32, #tpu.memory_space<hbm>> -> memref<160x64xi32, #tpu.memory_space<hbm>>
      %dma_wait3A_290 = arith.constant 120 : i32
      %dma_wait3A_291 = arith.constant 0 : i32
      %dma_wait3A_292 = tpu.memref_slice %dma_wait3A_289[%dma_wait3A_290, %dma_wait3A_291] : memref<160x64xi32, #tpu.memory_space<hbm>> -> memref<40x64xi32, #tpu.memory_space<hbm>>
      %dma_wait3A_293 = arith.constant 0 : i32
      %dma_wait3A_294 = arith.constant 0 : i32
      %dma_wait3A_295 = tpu.memref_slice %arg4[%add3A, %dma_wait3A_293, %dma_wait3A_294] : memref<32x160x64xi32, #tpu.memory_space<hbm>> -> memref<1x160x64xi32, #tpu.memory_space<hbm>>
      %dma_wait3A_296 = tpu.memref_squeeze %dma_wait3A_295 : memref<1x160x64xi32, #tpu.memory_space<hbm>> -> memref<160x64xi32, #tpu.memory_space<hbm>>
      %dma_wait3A_297 = arith.constant 120 : i32
      %dma_wait3A_298 = arith.constant 0 : i32
      %dma_wait3A_299 = tpu.memref_slice %dma_wait3A_296[%dma_wait3A_297, %dma_wait3A_298] : memref<160x64xi32, #tpu.memory_space<hbm>> -> memref<40x64xi32, #tpu.memory_space<hbm>>
      tpu.wait_dma2 semaphore(%run_scoped3A_271 : memref<!tpu.dma_semaphore, #tpu.memory_space<semaphore_mem>>) src(%dma_wait3A_299 : memref<40x64xi32, #tpu.memory_space<hbm>>) dst(%arg7 : memref<40x64xi32, #tpu.memory_space<vmem>>)
      tpu.yield
    }) : () -> ()
    %dma_start3A_205 = arith.constant 0 : i32
    %dma_start3A_206 = arith.constant 0 : i32
    %dma_start3A_207 = tpu.memref_slice %arg6[%dma_start3A_205, %dma_start3A_206] : memref<40x64xi32, #tpu.memory_space<vmem>> -> memref<1x64xi32, #tpu.memory_space<vmem>>
    %dma_start3A_208 = tpu.memref_squeeze %dma_start3A_207 : memref<1x64xi32, #tpu.memory_space<vmem>> -> memref<64xi32, #tpu.memory_space<vmem>>
    %dma_start3A_209 = arith.constant 0 : i32
    %dma_start3A_210 = arith.constant 0 : i32
    %dma_start3A_211 = tpu.memref_slice %arg2[%dma_start3A_209, %dma_start3A_210] : memref<10240x128xf32, #tpu.memory_space<hbm>> -> memref<10240x128xf32, #tpu.memory_space<hbm>>
    tpu.enqueue_indirect_dma source(%dma_start3A_211 : memref<10240x128xf32, #tpu.memory_space<hbm>>) target(%arg8 : memref<64x128xf32, #tpu.memory_space<vmem>>) offsets(%dma_start3A_208 : memref<64xi32, #tpu.memory_space<vmem>>) semaphore(%arg14 : memref<!tpu.dma_semaphore, #tpu.memory_space<semaphore_mem>>)
    %dma_start3A_212 = arith.constant 1 : i32
    %dma_start3A_213 = arith.constant 0 : i32
    %dma_start3A_214 = tpu.memref_slice %arg6[%dma_start3A_212, %dma_start3A_213] : memref<40x64xi32, #tpu.memory_space<vmem>> -> memref<1x64xi32, #tpu.memory_space<vmem>>
    %dma_start3A_215 = tpu.memref_squeeze %dma_start3A_214 : memref<1x64xi32, #tpu.memory_space<vmem>> -> memref<64xi32, #tpu.memory_space<vmem>>
    %dma_start3A_216 = arith.constant 0 : i32
    %dma_start3A_217 = arith.constant 0 : i32
    %dma_start3A_218 = tpu.memref_slice %arg2[%dma_start3A_216, %dma_start3A_217] : memref<10240x128xf32, #tpu.memory_space<hbm>> -> memref<10240x128xf32, #tpu.memory_space<hbm>>
    tpu.enqueue_indirect_dma source(%dma_start3A_218 : memref<10240x128xf32, #tpu.memory_space<hbm>>) target(%arg9 : memref<64x128xf32, #tpu.memory_space<vmem>>) offsets(%dma_start3A_215 : memref<64xi32, #tpu.memory_space<vmem>>) semaphore(%arg15 : memref<!tpu.dma_semaphore, #tpu.memory_space<semaphore_mem>>)
    %dma_start3A_219 = arith.constant 2 : i32
    %dma_start3A_220 = arith.constant 0 : i32
    %dma_start3A_221 = tpu.memref_slice %arg6[%dma_start3A_219, %dma_start3A_220] : memref<40x64xi32, #tpu.memory_space<vmem>> -> memref<1x64xi32, #tpu.memory_space<vmem>>
    %dma_start3A_222 = tpu.memref_squeeze %dma_start3A_221 : memref<1x64xi32, #tpu.memory_space<vmem>> -> memref<64xi32, #tpu.memory_space<vmem>>
    %dma_start3A_223 = arith.constant 0 : i32
    %dma_start3A_224 = arith.constant 0 : i32
    %dma_start3A_225 = tpu.memref_slice %arg2[%dma_start3A_223, %dma_start3A_224] : memref<10240x128xf32, #tpu.memory_space<hbm>> -> memref<10240x128xf32, #tpu.memory_space<hbm>>
    tpu.enqueue_indirect_dma source(%dma_start3A_225 : memref<10240x128xf32, #tpu.memory_space<hbm>>) target(%arg10 : memref<64x128xf32, #tpu.memory_space<vmem>>) offsets(%dma_start3A_222 : memref<64xi32, #tpu.memory_space<vmem>>) semaphore(%arg16 : memref<!tpu.dma_semaphore, #tpu.memory_space<semaphore_mem>>)
    %dma_start3A_226 = arith.constant 3 : i32
    %dma_start3A_227 = arith.constant 0 : i32
    %dma_start3A_228 = tpu.memref_slice %arg6[%dma_start3A_226, %dma_start3A_227] : memref<40x64xi32, #tpu.memory_space<vmem>> -> memref<1x64xi32, #tpu.memory_space<vmem>>
    %dma_start3A_229 = tpu.memref_squeeze %dma_start3A_228 : memref<1x64xi32, #tpu.memory_space<vmem>> -> memref<64xi32, #tpu.memory_space<vmem>>
    %dma_start3A_230 = arith.constant 0 : i32
    %dma_start3A_231 = arith.constant 0 : i32
    %dma_start3A_232 = tpu.memref_slice %arg2[%dma_start3A_230, %dma_start3A_231] : memref<10240x128xf32, #tpu.memory_space<hbm>> -> memref<10240x128xf32, #tpu.memory_space<hbm>>
    tpu.enqueue_indirect_dma source(%dma_start3A_232 : memref<10240x128xf32, #tpu.memory_space<hbm>>) target(%arg11 : memref<64x128xf32, #tpu.memory_space<vmem>>) offsets(%dma_start3A_229 : memref<64xi32, #tpu.memory_space<vmem>>) semaphore(%arg17 : memref<!tpu.dma_semaphore, #tpu.memory_space<semaphore_mem>>)
    %scan3A_233 = arith.constant 0 : i32
    %scan3A_234 = arith.constant 9 : i32
    %scan3A_235 = arith.addi %scan3A_233, %scan3A_234 : i32
    %scan3A_236 = arith.constant 1 : i32
    scf.for %scan3A_271 = %scan3A_233 to %scan3A_235 step %scan3A_236  : i32 {
      %mul3A_272 = arith.constant 4 : i32
      %mul3A_273 = arith.muli %scan3A_271, %mul3A_272 : i32
      %add3A_274 = arith.constant 0 : i32
      %add3A_275 = arith.addi %add3A_274, %mul3A_273 : i32
      %add3A_276 = arith.constant 0 : i32
      %add3A_277 = arith.addi %add3A_275, %add3A_276 : i32
      %dma_wait3A_278 = arith.constant 0 : i32
      %dma_wait3A_279 = tpu.memref_slice %arg6[%add3A_277, %dma_wait3A_278] : memref<40x64xi32, #tpu.memory_space<vmem>> -> memref<1x64xi32, #tpu.memory_space<vmem>>
      %dma_wait3A_280 = tpu.memref_squeeze %dma_wait3A_279 : memref<1x64xi32, #tpu.memory_space<vmem>> -> memref<64xi32, #tpu.memory_space<vmem>>
      %dma_wait3A_281 = arith.constant 0 : i32
      %dma_wait3A_282 = arith.constant 0 : i32
      %dma_wait3A_283 = tpu.memref_slice %arg2[%dma_wait3A_281, %dma_wait3A_282] : memref<10240x128xf32, #tpu.memory_space<hbm>> -> memref<10240x128xf32, #tpu.memory_space<hbm>>
      tpu.wait_indirect_dma semaphore(%arg14 : memref<!tpu.dma_semaphore, #tpu.memory_space<semaphore_mem>>) src(%dma_wait3A_283 : memref<10240x128xf32, #tpu.memory_space<hbm>>) dst(%arg8 : memref<64x128xf32, #tpu.memory_space<vmem>>)
      %add3A_284 = arith.constant 0 : i32
      %add3A_285 = arith.addi %add3A_275, %add3A_284 : i32
      %dma_start3A_286 = arith.constant 0 : i32
      %dma_start3A_287 = tpu.memref_slice %arg7[%add3A_285, %dma_start3A_286] : memref<40x64xi32, #tpu.memory_space<vmem>> -> memref<1x64xi32, #tpu.memory_space<vmem>>
      %dma_start3A_288 = tpu.memref_squeeze %dma_start3A_287 : memref<1x64xi32, #tpu.memory_space<vmem>> -> memref<64xi32, #tpu.memory_space<vmem>>
      %dma_start3A_289 = arith.constant 0 : i32
      %dma_start3A_290 = arith.constant 0 : i32
      %dma_start3A_291 = tpu.memref_slice %arg13[%dma_start3A_289, %dma_start3A_290] : memref<10240x128xf32, #tpu.memory_space<vmem_shared>> -> memref<10240x128xf32, #tpu.memory_space<vmem_shared>>
      tpu.enqueue_indirect_dma source(%arg8 : memref<64x128xf32, #tpu.memory_space<vmem>>) target(%dma_start3A_291 : memref<10240x128xf32, #tpu.memory_space<vmem_shared>>) offsets(%dma_start3A_288 : memref<64xi32, #tpu.memory_space<vmem>>) semaphore(%arg18 : memref<!tpu.dma_semaphore, #tpu.memory_space<semaphore_mem>>) {add = true}
      %add3A_292 = arith.constant 1 : i32
      %add3A_293 = arith.addi %add3A_275, %add3A_292 : i32
      %dma_wait3A_294 = arith.constant 0 : i32
      %dma_wait3A_295 = tpu.memref_slice %arg6[%add3A_293, %dma_wait3A_294] : memref<40x64xi32, #tpu.memory_space<vmem>> -> memref<1x64xi32, #tpu.memory_space<vmem>>
      %dma_wait3A_296 = tpu.memref_squeeze %dma_wait3A_295 : memref<1x64xi32, #tpu.memory_space<vmem>> -> memref<64xi32, #tpu.memory_space<vmem>>
      %dma_wait3A_297 = arith.constant 0 : i32
      %dma_wait3A_298 = arith.constant 0 : i32
      %dma_wait3A_299 = tpu.memref_slice %arg2[%dma_wait3A_297, %dma_wait3A_298] : memref<10240x128xf32, #tpu.memory_space<hbm>> -> memref<10240x128xf32, #tpu.memory_space<hbm>>
      tpu.wait_indirect_dma semaphore(%arg15 : memref<!tpu.dma_semaphore, #tpu.memory_space<semaphore_mem>>) src(%dma_wait3A_299 : memref<10240x128xf32, #tpu.memory_space<hbm>>) dst(%arg9 : memref<64x128xf32, #tpu.memory_space<vmem>>)
      %add3A_300 = arith.constant 1 : i32
      %add3A_301 = arith.addi %add3A_275, %add3A_300 : i32
      %dma_start3A_302 = arith.constant 0 : i32
      %dma_start3A_303 = tpu.memref_slice %arg7[%add3A_301, %dma_start3A_302] : memref<40x64xi32, #tpu.memory_space<vmem>> -> memref<1x64xi32, #tpu.memory_space<vmem>>
      %dma_start3A_304 = tpu.memref_squeeze %dma_start3A_303 : memref<1x64xi32, #tpu.memory_space<vmem>> -> memref<64xi32, #tpu.memory_space<vmem>>
      %dma_start3A_305 = arith.constant 0 : i32
      %dma_start3A_306 = arith.constant 0 : i32
      %dma_start3A_307 = tpu.memref_slice %arg13[%dma_start3A_305, %dma_start3A_306] : memref<10240x128xf32, #tpu.memory_space<vmem_shared>> -> memref<10240x128xf32, #tpu.memory_space<vmem_shared>>
      tpu.enqueue_indirect_dma source(%arg9 : memref<64x128xf32, #tpu.memory_space<vmem>>) target(%dma_start3A_307 : memref<10240x128xf32, #tpu.memory_space<vmem_shared>>) offsets(%dma_start3A_304 : memref<64xi32, #tpu.memory_space<vmem>>) semaphore(%arg19 : memref<!tpu.dma_semaphore, #tpu.memory_space<semaphore_mem>>) {add = true}
      %add3A_308 = arith.constant 2 : i32
      %add3A_309 = arith.addi %add3A_275, %add3A_308 : i32
      %dma_wait3A_310 = arith.constant 0 : i32
      %dma_wait3A_311 = tpu.memref_slice %arg6[%add3A_309, %dma_wait3A_310] : memref<40x64xi32, #tpu.memory_space<vmem>> -> memref<1x64xi32, #tpu.memory_space<vmem>>
      %dma_wait3A_312 = tpu.memref_squeeze %dma_wait3A_311 : memref<1x64xi32, #tpu.memory_space<vmem>> -> memref<64xi32, #tpu.memory_space<vmem>>
      %dma_wait3A_313 = arith.constant 0 : i32
      %dma_wait3A_314 = arith.constant 0 : i32
      %dma_wait3A_315 = tpu.memref_slice %arg2[%dma_wait3A_313, %dma_wait3A_314] : memref<10240x128xf32, #tpu.memory_space<hbm>> -> memref<10240x128xf32, #tpu.memory_space<hbm>>
      tpu.wait_indirect_dma semaphore(%arg16 : memref<!tpu.dma_semaphore, #tpu.memory_space<semaphore_mem>>) src(%dma_wait3A_315 : memref<10240x128xf32, #tpu.memory_space<hbm>>) dst(%arg10 : memref<64x128xf32, #tpu.memory_space<vmem>>)
      %add3A_316 = arith.constant 2 : i32
      %add3A_317 = arith.addi %add3A_275, %add3A_316 : i32
      %dma_start3A_318 = arith.constant 0 : i32
      %dma_start3A_319 = tpu.memref_slice %arg7[%add3A_317, %dma_start3A_318] : memref<40x64xi32, #tpu.memory_space<vmem>> -> memref<1x64xi32, #tpu.memory_space<vmem>>
      %dma_start3A_320 = tpu.memref_squeeze %dma_start3A_319 : memref<1x64xi32, #tpu.memory_space<vmem>> -> memref<64xi32, #tpu.memory_space<vmem>>
      %dma_start3A_321 = arith.constant 0 : i32
      %dma_start3A_322 = arith.constant 0 : i32
      %dma_start3A_323 = tpu.memref_slice %arg13[%dma_start3A_321, %dma_start3A_322] : memref<10240x128xf32, #tpu.memory_space<vmem_shared>> -> memref<10240x128xf32, #tpu.memory_space<vmem_shared>>
      tpu.enqueue_indirect_dma source(%arg10 : memref<64x128xf32, #tpu.memory_space<vmem>>) target(%dma_start3A_323 : memref<10240x128xf32, #tpu.memory_space<vmem_shared>>) offsets(%dma_start3A_320 : memref<64xi32, #tpu.memory_space<vmem>>) semaphore(%arg20 : memref<!tpu.dma_semaphore, #tpu.memory_space<semaphore_mem>>) {add = true}
      %add3A_324 = arith.constant 3 : i32
      %add3A_325 = arith.addi %add3A_275, %add3A_324 : i32
      %dma_wait3A_326 = arith.constant 0 : i32
      %dma_wait3A_327 = tpu.memref_slice %arg6[%add3A_325, %dma_wait3A_326] : memref<40x64xi32, #tpu.memory_space<vmem>> -> memref<1x64xi32, #tpu.memory_space<vmem>>
      %dma_wait3A_328 = tpu.memref_squeeze %dma_wait3A_327 : memref<1x64xi32, #tpu.memory_space<vmem>> -> memref<64xi32, #tpu.memory_space<vmem>>
      %dma_wait3A_329 = arith.constant 0 : i32
      %dma_wait3A_330 = arith.constant 0 : i32
      %dma_wait3A_331 = tpu.memref_slice %arg2[%dma_wait3A_329, %dma_wait3A_330] : memref<10240x128xf32, #tpu.memory_space<hbm>> -> memref<10240x128xf32, #tpu.memory_space<hbm>>
      tpu.wait_indirect_dma semaphore(%arg17 : memref<!tpu.dma_semaphore, #tpu.memory_space<semaphore_mem>>) src(%dma_wait3A_331 : memref<10240x128xf32, #tpu.memory_space<hbm>>) dst(%arg11 : memref<64x128xf32, #tpu.memory_space<vmem>>)
      %add3A_332 = arith.constant 3 : i32
      %add3A_333 = arith.addi %add3A_275, %add3A_332 : i32
      %dma_start3A_334 = arith.constant 0 : i32
      %dma_start3A_335 = tpu.memref_slice %arg7[%add3A_333, %dma_start3A_334] : memref<40x64xi32, #tpu.memory_space<vmem>> -> memref<1x64xi32, #tpu.memory_space<vmem>>
      %dma_start3A_336 = tpu.memref_squeeze %dma_start3A_335 : memref<1x64xi32, #tpu.memory_space<vmem>> -> memref<64xi32, #tpu.memory_space<vmem>>
      %dma_start3A_337 = arith.constant 0 : i32
      %dma_start3A_338 = arith.constant 0 : i32
      %dma_start3A_339 = tpu.memref_slice %arg13[%dma_start3A_337, %dma_start3A_338] : memref<10240x128xf32, #tpu.memory_space<vmem_shared>> -> memref<10240x128xf32, #tpu.memory_space<vmem_shared>>
      tpu.enqueue_indirect_dma source(%arg11 : memref<64x128xf32, #tpu.memory_space<vmem>>) target(%dma_start3A_339 : memref<10240x128xf32, #tpu.memory_space<vmem_shared>>) offsets(%dma_start3A_336 : memref<64xi32, #tpu.memory_space<vmem>>) semaphore(%arg21 : memref<!tpu.dma_semaphore, #tpu.memory_space<semaphore_mem>>) {add = true}
      %add3A_340 = arith.constant 0 : i32
      %add3A_341 = arith.addi %add3A_275, %add3A_340 : i32
      %dma_wait3A_342 = arith.constant 0 : i32
      %dma_wait3A_343 = tpu.memref_slice %arg7[%add3A_341, %dma_wait3A_342] : memref<40x64xi32, #tpu.memory_space<vmem>> -> memref<1x64xi32, #tpu.memory_space<vmem>>
      %dma_wait3A_344 = tpu.memref_squeeze %dma_wait3A_343 : memref<1x64xi32, #tpu.memory_space<vmem>> -> memref<64xi32, #tpu.memory_space<vmem>>
      %dma_wait3A_345 = arith.constant 0 : i32
      %dma_wait3A_346 = arith.constant 0 : i32
      %dma_wait3A_347 = tpu.memref_slice %arg13[%dma_wait3A_345, %dma_wait3A_346] : memref<10240x128xf32, #tpu.memory_space<vmem_shared>> -> memref<10240x128xf32, #tpu.memory_space<vmem_shared>>
      tpu.wait_indirect_dma semaphore(%arg18 : memref<!tpu.dma_semaphore, #tpu.memory_space<semaphore_mem>>) src(%arg8 : memref<64x128xf32, #tpu.memory_space<vmem>>) dst(%dma_wait3A_347 : memref<10240x128xf32, #tpu.memory_space<vmem_shared>>)
      %add3A_348 = arith.constant 4 : i32
      %add3A_349 = arith.addi %add3A_275, %add3A_348 : i32
      %add3A_350 = arith.constant 0 : i32
      %add3A_351 = arith.addi %add3A_349, %add3A_350 : i32
      %dma_start3A_352 = arith.constant 0 : i32
      %dma_start3A_353 = tpu.memref_slice %arg6[%add3A_351, %dma_start3A_352] : memref<40x64xi32, #tpu.memory_space<vmem>> -> memref<1x64xi32, #tpu.memory_space<vmem>>
      %dma_start3A_354 = tpu.memref_squeeze %dma_start3A_353 : memref<1x64xi32, #tpu.memory_space<vmem>> -> memref<64xi32, #tpu.memory_space<vmem>>
      %dma_start3A_355 = arith.constant 0 : i32
      %dma_start3A_356 = arith.constant 0 : i32
      %dma_start3A_357 = tpu.memref_slice %arg2[%dma_start3A_355, %dma_start3A_356] : memref<10240x128xf32, #tpu.memory_space<hbm>> -> memref<10240x128xf32, #tpu.memory_space<hbm>>
      tpu.enqueue_indirect_dma source(%dma_start3A_357 : memref<10240x128xf32, #tpu.memory_space<hbm>>) target(%arg8 : memref<64x128xf32, #tpu.memory_space<vmem>>) offsets(%dma_start3A_354 : memref<64xi32, #tpu.memory_space<vmem>>) semaphore(%arg14 : memref<!tpu.dma_semaphore, #tpu.memory_space<semaphore_mem>>)
      %add3A_358 = arith.constant 1 : i32
      %add3A_359 = arith.addi %add3A_275, %add3A_358 : i32
      %dma_wait3A_360 = arith.constant 0 : i32
      %dma_wait3A_361 = tpu.memref_slice %arg7[%add3A_359, %dma_wait3A_360] : memref<40x64xi32, #tpu.memory_space<vmem>> -> memref<1x64xi32, #tpu.memory_space<vmem>>
      %dma_wait3A_362 = tpu.memref_squeeze %dma_wait3A_361 : memref<1x64xi32, #tpu.memory_space<vmem>> -> memref<64xi32, #tpu.memory_space<vmem>>
      %dma_wait3A_363 = arith.constant 0 : i32
      %dma_wait3A_364 = arith.constant 0 : i32
      %dma_wait3A_365 = tpu.memref_slice %arg13[%dma_wait3A_363, %dma_wait3A_364] : memref<10240x128xf32, #tpu.memory_space<vmem_shared>> -> memref<10240x128xf32, #tpu.memory_space<vmem_shared>>
      tpu.wait_indirect_dma semaphore(%arg19 : memref<!tpu.dma_semaphore, #tpu.memory_space<semaphore_mem>>) src(%arg9 : memref<64x128xf32, #tpu.memory_space<vmem>>) dst(%dma_wait3A_365 : memref<10240x128xf32, #tpu.memory_space<vmem_shared>>)
      %add3A_366 = arith.constant 4 : i32
      %add3A_367 = arith.addi %add3A_275, %add3A_366 : i32
      %add3A_368 = arith.constant 1 : i32
      %add3A_369 = arith.addi %add3A_367, %add3A_368 : i32
      %dma_start3A_370 = arith.constant 0 : i32
      %dma_start3A_371 = tpu.memref_slice %arg6[%add3A_369, %dma_start3A_370] : memref<40x64xi32, #tpu.memory_space<vmem>> -> memref<1x64xi32, #tpu.memory_space<vmem>>
      %dma_start3A_372 = tpu.memref_squeeze %dma_start3A_371 : memref<1x64xi32, #tpu.memory_space<vmem>> -> memref<64xi32, #tpu.memory_space<vmem>>
      %dma_start3A_373 = arith.constant 0 : i32
      %dma_start3A_374 = arith.constant 0 : i32
      %dma_start3A_375 = tpu.memref_slice %arg2[%dma_start3A_373, %dma_start3A_374] : memref<10240x128xf32, #tpu.memory_space<hbm>> -> memref<10240x128xf32, #tpu.memory_space<hbm>>
      tpu.enqueue_indirect_dma source(%dma_start3A_375 : memref<10240x128xf32, #tpu.memory_space<hbm>>) target(%arg9 : memref<64x128xf32, #tpu.memory_space<vmem>>) offsets(%dma_start3A_372 : memref<64xi32, #tpu.memory_space<vmem>>) semaphore(%arg15 : memref<!tpu.dma_semaphore, #tpu.memory_space<semaphore_mem>>)
      %add3A_376 = arith.constant 2 : i32
      %add3A_377 = arith.addi %add3A_275, %add3A_376 : i32
      %dma_wait3A_378 = arith.constant 0 : i32
      %dma_wait3A_379 = tpu.memref_slice %arg7[%add3A_377, %dma_wait3A_378] : memref<40x64xi32, #tpu.memory_space<vmem>> -> memref<1x64xi32, #tpu.memory_space<vmem>>
      %dma_wait3A_380 = tpu.memref_squeeze %dma_wait3A_379 : memref<1x64xi32, #tpu.memory_space<vmem>> -> memref<64xi32, #tpu.memory_space<vmem>>
      %dma_wait3A_381 = arith.constant 0 : i32
      %dma_wait3A_382 = arith.constant 0 : i32
      %dma_wait3A_383 = tpu.memref_slice %arg13[%dma_wait3A_381, %dma_wait3A_382] : memref<10240x128xf32, #tpu.memory_space<vmem_shared>> -> memref<10240x128xf32, #tpu.memory_space<vmem_shared>>
      tpu.wait_indirect_dma semaphore(%arg20 : memref<!tpu.dma_semaphore, #tpu.memory_space<semaphore_mem>>) src(%arg10 : memref<64x128xf32, #tpu.memory_space<vmem>>) dst(%dma_wait3A_383 : memref<10240x128xf32, #tpu.memory_space<vmem_shared>>)
      %add3A_384 = arith.constant 4 : i32
      %add3A_385 = arith.addi %add3A_275, %add3A_384 : i32
      %add3A_386 = arith.constant 2 : i32
      %add3A_387 = arith.addi %add3A_385, %add3A_386 : i32
      %dma_start3A_388 = arith.constant 0 : i32
      %dma_start3A_389 = tpu.memref_slice %arg6[%add3A_387, %dma_start3A_388] : memref<40x64xi32, #tpu.memory_space<vmem>> -> memref<1x64xi32, #tpu.memory_space<vmem>>
      %dma_start3A_390 = tpu.memref_squeeze %dma_start3A_389 : memref<1x64xi32, #tpu.memory_space<vmem>> -> memref<64xi32, #tpu.memory_space<vmem>>
      %dma_start3A_391 = arith.constant 0 : i32
      %dma_start3A_392 = arith.constant 0 : i32
      %dma_start3A_393 = tpu.memref_slice %arg2[%dma_start3A_391, %dma_start3A_392] : memref<10240x128xf32, #tpu.memory_space<hbm>> -> memref<10240x128xf32, #tpu.memory_space<hbm>>
      tpu.enqueue_indirect_dma source(%dma_start3A_393 : memref<10240x128xf32, #tpu.memory_space<hbm>>) target(%arg10 : memref<64x128xf32, #tpu.memory_space<vmem>>) offsets(%dma_start3A_390 : memref<64xi32, #tpu.memory_space<vmem>>) semaphore(%arg16 : memref<!tpu.dma_semaphore, #tpu.memory_space<semaphore_mem>>)
      %add3A_394 = arith.constant 3 : i32
      %add3A_395 = arith.addi %add3A_275, %add3A_394 : i32
      %dma_wait3A_396 = arith.constant 0 : i32
      %dma_wait3A_397 = tpu.memref_slice %arg7[%add3A_395, %dma_wait3A_396] : memref<40x64xi32, #tpu.memory_space<vmem>> -> memref<1x64xi32, #tpu.memory_space<vmem>>
      %dma_wait3A_398 = tpu.memref_squeeze %dma_wait3A_397 : memref<1x64xi32, #tpu.memory_space<vmem>> -> memref<64xi32, #tpu.memory_space<vmem>>
      %dma_wait3A_399 = arith.constant 0 : i32
      %dma_wait3A_400 = arith.constant 0 : i32
      %dma_wait3A_401 = tpu.memref_slice %arg13[%dma_wait3A_399, %dma_wait3A_400] : memref<10240x128xf32, #tpu.memory_space<vmem_shared>> -> memref<10240x128xf32, #tpu.memory_space<vmem_shared>>
      tpu.wait_indirect_dma semaphore(%arg21 : memref<!tpu.dma_semaphore, #tpu.memory_space<semaphore_mem>>) src(%arg11 : memref<64x128xf32, #tpu.memory_space<vmem>>) dst(%dma_wait3A_401 : memref<10240x128xf32, #tpu.memory_space<vmem_shared>>)
      %add3A_402 = arith.constant 4 : i32
      %add3A_403 = arith.addi %add3A_275, %add3A_402 : i32
      %add3A_404 = arith.constant 3 : i32
      %add3A_405 = arith.addi %add3A_403, %add3A_404 : i32
      %dma_start3A_406 = arith.constant 0 : i32
      %dma_start3A_407 = tpu.memref_slice %arg6[%add3A_405, %dma_start3A_406] : memref<40x64xi32, #tpu.memory_space<vmem>> -> memref<1x64xi32, #tpu.memory_space<vmem>>
      %dma_start3A_408 = tpu.memref_squeeze %dma_start3A_407 : memref<1x64xi32, #tpu.memory_space<vmem>> -> memref<64xi32, #tpu.memory_space<vmem>>
      %dma_start3A_409 = arith.constant 0 : i32
      %dma_start3A_410 = arith.constant 0 : i32
      %dma_start3A_411 = tpu.memref_slice %arg2[%dma_start3A_409, %dma_start3A_410] : memref<10240x128xf32, #tpu.memory_space<hbm>> -> memref<10240x128xf32, #tpu.memory_space<hbm>>
      tpu.enqueue_indirect_dma source(%dma_start3A_411 : memref<10240x128xf32, #tpu.memory_space<hbm>>) target(%arg11 : memref<64x128xf32, #tpu.memory_space<vmem>>) offsets(%dma_start3A_408 : memref<64xi32, #tpu.memory_space<vmem>>) semaphore(%arg17 : memref<!tpu.dma_semaphore, #tpu.memory_space<semaphore_mem>>)
    }
    %scan3A_237 = arith.constant 9 : i32
    %dma_wait3A_238 = arith.constant 36 : i32
    %dma_wait3A_239 = arith.constant 0 : i32
    %dma_wait3A_240 = tpu.memref_slice %arg6[%dma_wait3A_238, %dma_wait3A_239] : memref<40x64xi32, #tpu.memory_space<vmem>> -> memref<1x64xi32, #tpu.memory_space<vmem>>
    %dma_wait3A_241 = tpu.memref_squeeze %dma_wait3A_240 : memref<1x64xi32, #tpu.memory_space<vmem>> -> memref<64xi32, #tpu.memory_space<vmem>>
    %dma_wait3A_242 = arith.constant 0 : i32
    %dma_wait3A_243 = arith.constant 0 : i32
    %dma_wait3A_244 = tpu.memref_slice %arg2[%dma_wait3A_242, %dma_wait3A_243] : memref<10240x128xf32, #tpu.memory_space<hbm>> -> memref<10240x128xf32, #tpu.memory_space<hbm>>
    tpu.wait_indirect_dma semaphore(%arg14 : memref<!tpu.dma_semaphore, #tpu.memory_space<semaphore_mem>>) src(%dma_wait3A_244 : memref<10240x128xf32, #tpu.memory_space<hbm>>) dst(%arg8 : memref<64x128xf32, #tpu.memory_space<vmem>>)
    %run_scoped3A_245 = arith.constant 36 : i32
    "tpu.region"() ({
      %run_scoped3A_271 = tpu.sem_alloc : memref<!tpu.dma_semaphore, #tpu.memory_space<semaphore_mem>>
      %dma_start3A_272 = arith.constant 0 : i32
      %dma_start3A_273 = tpu.memref_slice %arg7[%run_scoped3A_245, %dma_start3A_272] : memref<40x64xi32, #tpu.memory_space<vmem>> -> memref<1x64xi32, #tpu.memory_space<vmem>>
      %dma_start3A_274 = tpu.memref_squeeze %dma_start3A_273 : memref<1x64xi32, #tpu.memory_space<vmem>> -> memref<64xi32, #tpu.memory_space<vmem>>
      %dma_start3A_275 = arith.constant 0 : i32
      %dma_start3A_276 = arith.constant 0 : i32
      %dma_start3A_277 = tpu.memref_slice %arg13[%dma_start3A_275, %dma_start3A_276] : memref<10240x128xf32, #tpu.memory_space<vmem_shared>> -> memref<10240x128xf32, #tpu.memory_space<vmem_shared>>
      tpu.enqueue_indirect_dma source(%arg8 : memref<64x128xf32, #tpu.memory_space<vmem>>) target(%dma_start3A_277 : memref<10240x128xf32, #tpu.memory_space<vmem_shared>>) offsets(%dma_start3A_274 : memref<64xi32, #tpu.memory_space<vmem>>) semaphore(%run_scoped3A_271 : memref<!tpu.dma_semaphore, #tpu.memory_space<semaphore_mem>>) {add = true}
      %dma_wait3A_278 = arith.constant 0 : i32
      %dma_wait3A_279 = tpu.memref_slice %arg7[%run_scoped3A_245, %dma_wait3A_278] : memref<40x64xi32, #tpu.memory_space<vmem>> -> memref<1x64xi32, #tpu.memory_space<vmem>>
      %dma_wait3A_280 = tpu.memref_squeeze %dma_wait3A_279 : memref<1x64xi32, #tpu.memory_space<vmem>> -> memref<64xi32, #tpu.memory_space<vmem>>
      %dma_wait3A_281 = arith.constant 0 : i32
      %dma_wait3A_282 = arith.constant 0 : i32
      %dma_wait3A_283 = tpu.memref_slice %arg13[%dma_wait3A_281, %dma_wait3A_282] : memref<10240x128xf32, #tpu.memory_space<vmem_shared>> -> memref<10240x128xf32, #tpu.memory_space<vmem_shared>>
      tpu.wait_indirect_dma semaphore(%run_scoped3A_271 : memref<!tpu.dma_semaphore, #tpu.memory_space<semaphore_mem>>) src(%arg8 : memref<64x128xf32, #tpu.memory_space<vmem>>) dst(%dma_wait3A_283 : memref<10240x128xf32, #tpu.memory_space<vmem_shared>>)
      tpu.yield
    }) : () -> ()
    %dma_wait3A_246 = arith.constant 37 : i32
    %dma_wait3A_247 = arith.constant 0 : i32
    %dma_wait3A_248 = tpu.memref_slice %arg6[%dma_wait3A_246, %dma_wait3A_247] : memref<40x64xi32, #tpu.memory_space<vmem>> -> memref<1x64xi32, #tpu.memory_space<vmem>>
    %dma_wait3A_249 = tpu.memref_squeeze %dma_wait3A_248 : memref<1x64xi32, #tpu.memory_space<vmem>> -> memref<64xi32, #tpu.memory_space<vmem>>
    %dma_wait3A_250 = arith.constant 0 : i32
    %dma_wait3A_251 = arith.constant 0 : i32
    %dma_wait3A_252 = tpu.memref_slice %arg2[%dma_wait3A_250, %dma_wait3A_251] : memref<10240x128xf32, #tpu.memory_space<hbm>> -> memref<10240x128xf32, #tpu.memory_space<hbm>>
    tpu.wait_indirect_dma semaphore(%arg15 : memref<!tpu.dma_semaphore, #tpu.memory_space<semaphore_mem>>) src(%dma_wait3A_252 : memref<10240x128xf32, #tpu.memory_space<hbm>>) dst(%arg9 : memref<64x128xf32, #tpu.memory_space<vmem>>)
    %run_scoped3A_253 = arith.constant 37 : i32
    "tpu.region"() ({
      %run_scoped3A_271 = tpu.sem_alloc : memref<!tpu.dma_semaphore, #tpu.memory_space<semaphore_mem>>
      %dma_start3A_272 = arith.constant 0 : i32
      %dma_start3A_273 = tpu.memref_slice %arg7[%run_scoped3A_253, %dma_start3A_272] : memref<40x64xi32, #tpu.memory_space<vmem>> -> memref<1x64xi32, #tpu.memory_space<vmem>>
      %dma_start3A_274 = tpu.memref_squeeze %dma_start3A_273 : memref<1x64xi32, #tpu.memory_space<vmem>> -> memref<64xi32, #tpu.memory_space<vmem>>
      %dma_start3A_275 = arith.constant 0 : i32
      %dma_start3A_276 = arith.constant 0 : i32
      %dma_start3A_277 = tpu.memref_slice %arg13[%dma_start3A_275, %dma_start3A_276] : memref<10240x128xf32, #tpu.memory_space<vmem_shared>> -> memref<10240x128xf32, #tpu.memory_space<vmem_shared>>
      tpu.enqueue_indirect_dma source(%arg9 : memref<64x128xf32, #tpu.memory_space<vmem>>) target(%dma_start3A_277 : memref<10240x128xf32, #tpu.memory_space<vmem_shared>>) offsets(%dma_start3A_274 : memref<64xi32, #tpu.memory_space<vmem>>) semaphore(%run_scoped3A_271 : memref<!tpu.dma_semaphore, #tpu.memory_space<semaphore_mem>>) {add = true}
      %dma_wait3A_278 = arith.constant 0 : i32
      %dma_wait3A_279 = tpu.memref_slice %arg7[%run_scoped3A_253, %dma_wait3A_278] : memref<40x64xi32, #tpu.memory_space<vmem>> -> memref<1x64xi32, #tpu.memory_space<vmem>>
      %dma_wait3A_280 = tpu.memref_squeeze %dma_wait3A_279 : memref<1x64xi32, #tpu.memory_space<vmem>> -> memref<64xi32, #tpu.memory_space<vmem>>
      %dma_wait3A_281 = arith.constant 0 : i32
      %dma_wait3A_282 = arith.constant 0 : i32
      %dma_wait3A_283 = tpu.memref_slice %arg13[%dma_wait3A_281, %dma_wait3A_282] : memref<10240x128xf32, #tpu.memory_space<vmem_shared>> -> memref<10240x128xf32, #tpu.memory_space<vmem_shared>>
      tpu.wait_indirect_dma semaphore(%run_scoped3A_271 : memref<!tpu.dma_semaphore, #tpu.memory_space<semaphore_mem>>) src(%arg9 : memref<64x128xf32, #tpu.memory_space<vmem>>) dst(%dma_wait3A_283 : memref<10240x128xf32, #tpu.memory_space<vmem_shared>>)
      tpu.yield
    }) : () -> ()
    %dma_wait3A_254 = arith.constant 38 : i32
    %dma_wait3A_255 = arith.constant 0 : i32
    %dma_wait3A_256 = tpu.memref_slice %arg6[%dma_wait3A_254, %dma_wait3A_255] : memref<40x64xi32, #tpu.memory_space<vmem>> -> memref<1x64xi32, #tpu.memory_space<vmem>>
    %dma_wait3A_257 = tpu.memref_squeeze %dma_wait3A_256 : memref<1x64xi32, #tpu.memory_space<vmem>> -> memref<64xi32, #tpu.memory_space<vmem>>
    %dma_wait3A_258 = arith.constant 0 : i32
    %dma_wait3A_259 = arith.constant 0 : i32
    %dma_wait3A_260 = tpu.memref_slice %arg2[%dma_wait3A_258, %dma_wait3A_259] : memref<10240x128xf32, #tpu.memory_space<hbm>> -> memref<10240x128xf32, #tpu.memory_space<hbm>>
    tpu.wait_indirect_dma semaphore(%arg16 : memref<!tpu.dma_semaphore, #tpu.memory_space<semaphore_mem>>) src(%dma_wait3A_260 : memref<10240x128xf32, #tpu.memory_space<hbm>>) dst(%arg10 : memref<64x128xf32, #tpu.memory_space<vmem>>)
    %run_scoped3A_261 = arith.constant 38 : i32
    "tpu.region"() ({
      %run_scoped3A_271 = tpu.sem_alloc : memref<!tpu.dma_semaphore, #tpu.memory_space<semaphore_mem>>
      %dma_start3A_272 = arith.constant 0 : i32
      %dma_start3A_273 = tpu.memref_slice %arg7[%run_scoped3A_261, %dma_start3A_272] : memref<40x64xi32, #tpu.memory_space<vmem>> -> memref<1x64xi32, #tpu.memory_space<vmem>>
      %dma_start3A_274 = tpu.memref_squeeze %dma_start3A_273 : memref<1x64xi32, #tpu.memory_space<vmem>> -> memref<64xi32, #tpu.memory_space<vmem>>
      %dma_start3A_275 = arith.constant 0 : i32
      %dma_start3A_276 = arith.constant 0 : i32
      %dma_start3A_277 = tpu.memref_slice %arg13[%dma_start3A_275, %dma_start3A_276] : memref<10240x128xf32, #tpu.memory_space<vmem_shared>> -> memref<10240x128xf32, #tpu.memory_space<vmem_shared>>
      tpu.enqueue_indirect_dma source(%arg10 : memref<64x128xf32, #tpu.memory_space<vmem>>) target(%dma_start3A_277 : memref<10240x128xf32, #tpu.memory_space<vmem_shared>>) offsets(%dma_start3A_274 : memref<64xi32, #tpu.memory_space<vmem>>) semaphore(%run_scoped3A_271 : memref<!tpu.dma_semaphore, #tpu.memory_space<semaphore_mem>>) {add = true}
      %dma_wait3A_278 = arith.constant 0 : i32
      %dma_wait3A_279 = tpu.memref_slice %arg7[%run_scoped3A_261, %dma_wait3A_278] : memref<40x64xi32, #tpu.memory_space<vmem>> -> memref<1x64xi32, #tpu.memory_space<vmem>>
      %dma_wait3A_280 = tpu.memref_squeeze %dma_wait3A_279 : memref<1x64xi32, #tpu.memory_space<vmem>> -> memref<64xi32, #tpu.memory_space<vmem>>
      %dma_wait3A_281 = arith.constant 0 : i32
      %dma_wait3A_282 = arith.constant 0 : i32
      %dma_wait3A_283 = tpu.memref_slice %arg13[%dma_wait3A_281, %dma_wait3A_282] : memref<10240x128xf32, #tpu.memory_space<vmem_shared>> -> memref<10240x128xf32, #tpu.memory_space<vmem_shared>>
      tpu.wait_indirect_dma semaphore(%run_scoped3A_271 : memref<!tpu.dma_semaphore, #tpu.memory_space<semaphore_mem>>) src(%arg10 : memref<64x128xf32, #tpu.memory_space<vmem>>) dst(%dma_wait3A_283 : memref<10240x128xf32, #tpu.memory_space<vmem_shared>>)
      tpu.yield
    }) : () -> ()
    %dma_wait3A_262 = arith.constant 39 : i32
    %dma_wait3A_263 = arith.constant 0 : i32
    %dma_wait3A_264 = tpu.memref_slice %arg6[%dma_wait3A_262, %dma_wait3A_263] : memref<40x64xi32, #tpu.memory_space<vmem>> -> memref<1x64xi32, #tpu.memory_space<vmem>>
    %dma_wait3A_265 = tpu.memref_squeeze %dma_wait3A_264 : memref<1x64xi32, #tpu.memory_space<vmem>> -> memref<64xi32, #tpu.memory_space<vmem>>
    %dma_wait3A_266 = arith.constant 0 : i32
    %dma_wait3A_267 = arith.constant 0 : i32
    %dma_wait3A_268 = tpu.memref_slice %arg2[%dma_wait3A_266, %dma_wait3A_267] : memref<10240x128xf32, #tpu.memory_space<hbm>> -> memref<10240x128xf32, #tpu.memory_space<hbm>>
    tpu.wait_indirect_dma semaphore(%arg17 : memref<!tpu.dma_semaphore, #tpu.memory_space<semaphore_mem>>) src(%dma_wait3A_268 : memref<10240x128xf32, #tpu.memory_space<hbm>>) dst(%arg11 : memref<64x128xf32, #tpu.memory_space<vmem>>)
    %run_scoped3A_269 = arith.constant 39 : i32
    "tpu.region"() ({
      %run_scoped3A_271 = tpu.sem_alloc : memref<!tpu.dma_semaphore, #tpu.memory_space<semaphore_mem>>
      %dma_start3A_272 = arith.constant 0 : i32
      %dma_start3A_273 = tpu.memref_slice %arg7[%run_scoped3A_269, %dma_start3A_272] : memref<40x64xi32, #tpu.memory_space<vmem>> -> memref<1x64xi32, #tpu.memory_space<vmem>>
      %dma_start3A_274 = tpu.memref_squeeze %dma_start3A_273 : memref<1x64xi32, #tpu.memory_space<vmem>> -> memref<64xi32, #tpu.memory_space<vmem>>
      %dma_start3A_275 = arith.constant 0 : i32
      %dma_start3A_276 = arith.constant 0 : i32
      %dma_start3A_277 = tpu.memref_slice %arg13[%dma_start3A_275, %dma_start3A_276] : memref<10240x128xf32, #tpu.memory_space<vmem_shared>> -> memref<10240x128xf32, #tpu.memory_space<vmem_shared>>
      tpu.enqueue_indirect_dma source(%arg11 : memref<64x128xf32, #tpu.memory_space<vmem>>) target(%dma_start3A_277 : memref<10240x128xf32, #tpu.memory_space<vmem_shared>>) offsets(%dma_start3A_274 : memref<64xi32, #tpu.memory_space<vmem>>) semaphore(%run_scoped3A_271 : memref<!tpu.dma_semaphore, #tpu.memory_space<semaphore_mem>>) {add = true}
      %dma_wait3A_278 = arith.constant 0 : i32
      %dma_wait3A_279 = tpu.memref_slice %arg7[%run_scoped3A_269, %dma_wait3A_278] : memref<40x64xi32, #tpu.memory_space<vmem>> -> memref<1x64xi32, #tpu.memory_space<vmem>>
      %dma_wait3A_280 = tpu.memref_squeeze %dma_wait3A_279 : memref<1x64xi32, #tpu.memory_space<vmem>> -> memref<64xi32, #tpu.memory_space<vmem>>
      %dma_wait3A_281 = arith.constant 0 : i32
      %dma_wait3A_282 = arith.constant 0 : i32
      %dma_wait3A_283 = tpu.memref_slice %arg13[%dma_wait3A_281, %dma_wait3A_282] : memref<10240x128xf32, #tpu.memory_space<vmem_shared>> -> memref<10240x128xf32, #tpu.memory_space<vmem_shared>>
      tpu.wait_indirect_dma semaphore(%run_scoped3A_271 : memref<!tpu.dma_semaphore, #tpu.memory_space<semaphore_mem>>) src(%arg11 : memref<64x128xf32, #tpu.memory_space<vmem>>) dst(%dma_wait3A_283 : memref<10240x128xf32, #tpu.memory_space<vmem_shared>>)
      tpu.yield
    }) : () -> ()
    %barrier3A_270 = arith.constant 0 : index
    tpu.barrier barrier_id(%barrier3A_270)
    "tpu.region"() ({
      %run_scoped3A_271 = tpu.sem_alloc : memref<!tpu.dma_semaphore, #tpu.memory_space<semaphore_mem>>
      %dma_start3A_272 = arith.constant 0 : i32
      %dma_start3A_273 = arith.constant 0 : i32
      %dma_start3A_274 = tpu.memref_slice %arg5[%arg0, %dma_start3A_272, %dma_start3A_273] : memref<2x10240x128xf32, #tpu.memory_space<hbm>> -> memref<1x10240x128xf32, #tpu.memory_space<hbm>>
      %dma_start3A_275 = tpu.memref_squeeze %dma_start3A_274 : memref<1x10240x128xf32, #tpu.memory_space<hbm>> -> memref<10240x128xf32, #tpu.memory_space<hbm>>
      %dma_start3A_276 = arith.constant 0 : i32
      %dma_start3A_277 = tpu.memref_slice %dma_start3A_275[%mul3A_7, %dma_start3A_276] : memref<10240x128xf32, #tpu.memory_space<hbm>> -> memref<640x128xf32, #tpu.memory_space<hbm>>
      %dma_start3A_278 = arith.constant 0 : i32
      %dma_start3A_279 = tpu.memref_slice %arg13[%mul3A_7, %dma_start3A_278] : memref<10240x128xf32, #tpu.memory_space<vmem_shared>> -> memref<640x128xf32, #tpu.memory_space<vmem_shared>>
      tpu.enqueue_dma source(%dma_start3A_279 : memref<640x128xf32, #tpu.memory_space<vmem_shared>>) target(%dma_start3A_277 : memref<640x128xf32, #tpu.memory_space<hbm>>) target_semaphore(%run_scoped3A_271 : memref<!tpu.dma_semaphore, #tpu.memory_space<semaphore_mem>>)
      %dma_wait3A_280 = arith.constant 0 : i32
      %dma_wait3A_281 = arith.constant 0 : i32
      %dma_wait3A_282 = tpu.memref_slice %arg5[%arg0, %dma_wait3A_280, %dma_wait3A_281] : memref<2x10240x128xf32, #tpu.memory_space<hbm>> -> memref<1x10240x128xf32, #tpu.memory_space<hbm>>
      %dma_wait3A_283 = tpu.memref_squeeze %dma_wait3A_282 : memref<1x10240x128xf32, #tpu.memory_space<hbm>> -> memref<10240x128xf32, #tpu.memory_space<hbm>>
      %dma_wait3A_284 = arith.constant 0 : i32
      %dma_wait3A_285 = tpu.memref_slice %dma_wait3A_283[%mul3A_7, %dma_wait3A_284] : memref<10240x128xf32, #tpu.memory_space<hbm>> -> memref<640x128xf32, #tpu.memory_space<hbm>>
      %dma_wait3A_286 = arith.constant 0 : i32
      %dma_wait3A_287 = tpu.memref_slice %arg13[%mul3A_7, %dma_wait3A_286] : memref<10240x128xf32, #tpu.memory_space<vmem_shared>> -> memref<640x128xf32, #tpu.memory_space<vmem_shared>>
      tpu.wait_dma2 semaphore(%run_scoped3A_271 : memref<!tpu.dma_semaphore, #tpu.memory_space<semaphore_mem>>) src(%dma_wait3A_287 : memref<640x128xf32, #tpu.memory_space<vmem_shared>>) dst(%dma_wait3A_285 : memref<640x128xf32, #tpu.memory_space<hbm>>)
      tpu.yield
    }) : () -> ()
    return
  }
}

#map = affine_map<(d0, d1) -> (0, 0)>
#map1 = affine_map<(d0, d1) -> (0, 0, 0)>
module attributes {stable_mosaic.version = 14 : i64} {
  func.func @k(%arg0: i32, %arg1: i32, %arg2: memref<10240x128xf32, #tpu.memory_space<hbm>>, %arg3: memref<32x160x64xi32, #tpu.memory_space<hbm>>, %arg4: memref<32x160x64xi32, #tpu.memory_space<hbm>>, %arg5: memref<2x10240x128xf32, #tpu.memory_space<hbm>>, %arg6: memref<40x64xi32, #tpu.memory_space<vmem>>, %arg7: memref<40x64xi32, #tpu.memory_space<vmem>>, %arg8: memref<64x128xf32, #tpu.memory_space<vmem>>, %arg9: memref<64x128xf32, #tpu.memory_space<vmem>>, %arg10: memref<64x128xf32, #tpu.memory_space<vmem>>, %arg11: memref<64x128xf32, #tpu.memory_space<vmem>>, %arg12: memref<16x128xf32, #tpu.memory_space<vmem>>, %arg13: memref<10240x128xf32, #tpu.memory_space<vmem_shared>>, %arg14: memref<!tpu.dma_semaphore, #tpu.memory_space<semaphore_mem>>, %arg15: memref<!tpu.dma_semaphore, #tpu.memory_space<semaphore_mem>>, %arg16: memref<!tpu.dma_semaphore, #tpu.memory_space<semaphore_mem>>, %arg17: memref<!tpu.dma_semaphore, #tpu.memory_space<semaphore_mem>>, %arg18: memref<!tpu.dma_semaphore, #tpu.memory_space<semaphore_mem>>, %arg19: memref<!tpu.dma_semaphore, #tpu.memory_space<semaphore_mem>>, %arg20: memref<!tpu.dma_semaphore, #tpu.memory_space<semaphore_mem>>, %arg21: memref<!tpu.dma_semaphore, #tpu.memory_space<semaphore_mem>>) attributes {dimension_semantics = [#tpu.dimension_semantics<core_parallel>, #tpu.dimension_semantics<subcore_parallel>], iteration_bounds = array<i64: 2, 16>, scalar_prefetch = 0 : i64, scratch_operands = 16 : i64, tpu.core_type = #tpu.core_type<sc_vector_subcore>, window_params = [{transform_indices = #map}, {transform_indices = #map1}, {transform_indices = #map1}, {transform_indices = #map1}]} {
    %mul3A = arith.constant 2 : i32
    %mul3A_0 = arith.muli %arg1, %mul3A : i32
    %add3A = arith.addi %mul3A_0, %arg0 : i32
    %broadcast_in_dim3A = arith.constant 0.000000e+00 : f32
    %broadcast_in_dim3A_1 = vector.broadcast %broadcast_in_dim3A : f32 to vector<16xf32>
    %scan3A = arith.constant 0 : i32
    %scan3A_2 = arith.constant 16 : i32
    %scan3A_3 = arith.addi %scan3A, %scan3A_2 : i32
    %scan3A_4 = arith.constant 1 : i32
    scf.for %scan3A_271 = %scan3A to %scan3A_3 step %scan3A_4  : i32 {
      %mul3A_272 = arith.constant 1 : i32
      %mul3A_273 = arith.muli %scan3A_271, %mul3A_272 : i32
      %add3A_274 = arith.constant 0 : i32
      %add3A_275 = arith.addi %add3A_274, %mul3A_273 : i32
      %scan3A_276 = arith.constant 0 : i32
      %scan3A_277 = arith.constant 8 : i32
      %scan3A_278 = arith.addi %scan3A_276, %scan3A_277 : i32
      %scan3A_279 = arith.constant 1 : i32
      scf.for %scan3A_281 = %scan3A_276 to %scan3A_278 step %scan3A_279  : i32 {
        %mul3A_282 = arith.constant 16 : i32
        %mul3A_283 = arith.muli %scan3A_281, %mul3A_282 : i32
        %add3A_284 = arith.constant 0 : i32
        %add3A_285 = arith.addi %add3A_284, %mul3A_283 : i32
        %swap3A = arith.index_cast %add3A_275 : i32 to index
        %swap3A_286 = arith.index_cast %add3A_285 : i32 to index
        %swap3A_287 = tpu.vector_load %arg12[%swap3A, %swap3A_286] {strides = array<i32>} : memref<16x128xf32, #tpu.memory_space<vmem>>, vector<1x16xf32>,
        %swap3A_288 = vector.shape_cast %swap3A_287 : vector<1x16xf32> to vector<16xf32>
        %swap3A_289 = vector.shape_cast %broadcast_in_dim3A_1 : vector<16xf32> to vector<1x16xf32>
        tpu.vector_store %arg12[%swap3A, %swap3A_286], %swap3A_289 {strides = array<i32>} : memref<16x128xf32, #tpu.memory_space<vmem>>, vector<1x16xf32>,
      }
      %scan3A_280 = arith.constant 8 : i32
    }
    %scan3A_5 = arith.constant 16 : i32
    %mul3A_6 = arith.constant 640 : i32
    %mul3A_7 = arith.muli %arg1, %mul3A_6 : i32
    %scan3A_8 = arith.constant 0 : i32
    %scan3A_9 = arith.constant 40 : i32
    %scan3A_10 = arith.addi %scan3A_8, %scan3A_9 : i32
    %scan3A_11 = arith.constant 1 : i32
    scf.for %scan3A_271 = %scan3A_8 to %scan3A_10 step %scan3A_11  : i32 {
      %mul3A_272 = arith.constant 16 : i32
      %mul3A_273 = arith.muli %scan3A_271, %mul3A_272 : i32
      %add3A_274 = arith.constant 0 : i32
      %add3A_275 = arith.addi %add3A_274, %mul3A_273 : i32
      %add3A_276 = arith.addi %mul3A_7, %add3A_275 : i32
      "tpu.region"() ({
        %run_scoped3A_277 = tpu.sem_alloc : memref<!tpu.dma_semaphore, #tpu.memory_space<semaphore_mem>>
        %dma_start3A_278 = arith.constant 0 : i32
        %dma_start3A_279 = tpu.memref_slice %arg13[%add3A_276, %dma_start3A_278] : memref<10240x128xf32, #tpu.memory_space<vmem_shared>> -> memref<16x128xf32, #tpu.memory_space<vmem_shared>>
        %dma_start3A_280 = arith.constant 0 : i32
        %dma_start3A_281 = tpu.memref_slice %arg13[%add3A_276, %dma_start3A_280] : memref<10240x128xf32, #tpu.memory_space<vmem_shared>> -> memref<16x128xf32, #tpu.memory_space<vmem_shared>>
        tpu.enqueue_dma source(%arg12 : memref<16x128xf32, #tpu.memory_space<vmem>>) target(%dma_start3A_281 : memref<16x128xf32, #tpu.memory_space<vmem_shared>>) target_semaphore(%run_scoped3A_277 : memref<!tpu.dma_semaphore, #tpu.memory_space<semaphore_mem>>)
        %dma_wait3A_282 = arith.constant 0 : i32
        %dma_wait3A_283 = tpu.memref_slice %arg13[%add3A_276, %dma_wait3A_282] : memref<10240x128xf32, #tpu.memory_space<vmem_shared>> -> memref<16x128xf32, #tpu.memory_space<vmem_shared>>
        %dma_wait3A_284 = arith.constant 0 : i32
        %dma_wait3A_285 = tpu.memref_slice %arg13[%add3A_276, %dma_wait3A_284] : memref<10240x128xf32, #tpu.memory_space<vmem_shared>> -> memref<16x128xf32, #tpu.memory_space<vmem_shared>>
        tpu.wait_dma2 semaphore(%run_scoped3A_277 : memref<!tpu.dma_semaphore, #tpu.memory_space<semaphore_mem>>) src(%arg12 : memref<16x128xf32, #tpu.memory_space<vmem>>) dst(%dma_wait3A_285 : memref<16x128xf32, #tpu.memory_space<vmem_shared>>)
        tpu.yield
      }) : () -> ()
    }
    %scan3A_12 = arith.constant 40 : i32
    %barrier3A = arith.constant 0 : index
    tpu.barrier barrier_id(%barrier3A)
    "tpu.region"() ({
      %run_scoped3A_271 = tpu.sem_alloc : memref<!tpu.dma_semaphore, #tpu.memory_space<semaphore_mem>>
      %dma_start3A_272 = arith.constant 0 : i32
      %dma_start3A_273 = arith.constant 0 : i32
      %dma_start3A_274 = tpu.memref_slice %arg3[%add3A, %dma_start3A_272, %dma_start3A_273] : memref<32x160x64xi32, #tpu.memory_space<hbm>> -> memref<1x160x64xi32, #tpu.memory_space<hbm>>
      %dma_start3A_275 = tpu.memref_squeeze %dma_start3A_274 : memref<1x160x64xi32, #tpu.memory_space<hbm>> -> memref<160x64xi32, #tpu.memory_space<hbm>>
      %dma_start3A_276 = arith.constant 0 : i32
      %dma_start3A_277 = arith.constant 0 : i32
      %dma_start3A_278 = tpu.memref_slice %dma_start3A_275[%dma_start3A_276, %dma_start3A_277] : memref<160x64xi32, #tpu.memory_space<hbm>> -> memref<40x64xi32, #tpu.memory_space<hbm>>
      %dma_start3A_279 = arith.constant 0 : i32
      %dma_start3A_280 = arith.constant 0 : i32
      %dma_start3A_281 = tpu.memref_slice %arg3[%add3A, %dma_start3A_279, %dma_start3A_280] : memref<32x160x64xi32, #tpu.memory_space<hbm>> -> memref<1x160x64xi32, #tpu.memory_space<hbm>>
      %dma_start3A_282 = tpu.memref_squeeze %dma_start3A_281 : memref<1x160x64xi32, #tpu.memory_space<hbm>> -> memref<160x64xi32, #tpu.memory_space<hbm>>
      %dma_start3A_283 = arith.constant 0 : i32
      %dma_start3A_284 = arith.constant 0 : i32
      %dma_start3A_285 = tpu.memref_slice %dma_start3A_282[%dma_start3A_283, %dma_start3A_284] : memref<160x64xi32, #tpu.memory_space<hbm>> -> memref<40x64xi32, #tpu.memory_space<hbm>>
      tpu.enqueue_dma source(%dma_start3A_285 : memref<40x64xi32, #tpu.memory_space<hbm>>) target(%arg6 : memref<40x64xi32, #tpu.memory_space<vmem>>) target_semaphore(%run_scoped3A_271 : memref<!tpu.dma_semaphore, #tpu.memory_space<semaphore_mem>>)
      %dma_wait3A_286 = arith.constant 0 : i32
      %dma_wait3A_287 = arith.constant 0 : i32
      %dma_wait3A_288 = tpu.memref_slice %arg3[%add3A, %dma_wait3A_286, %dma_wait3A_287] : memref<32x160x64xi32, #tpu.memory_space<hbm>> -> memref<1x160x64xi32, #tpu.memory_space<hbm>>
      %dma_wait3A_289 = tpu.memref_squeeze %dma_wait3A_288 : memref<1x160x64xi32, #tpu.memory_space<hbm>> -> memref<160x64xi32, #tpu.memory_space<hbm>>
      %dma_wait3A_290 = arith.constant 0 : i32
      %dma_wait3A_291 = arith.constant 0 : i32
      %dma_wait3A_292 = tpu.memref_slice %dma_wait3A_289[%dma_wait3A_290, %dma_wait3A_291] : memref<160x64xi32, #tpu.memory_space<hbm>> -> memref<40x64xi32, #tpu.memory_space<hbm>>
      %dma_wait3A_293 = arith.constant 0 : i32
      %dma_wait3A_294 = arith.constant 0 : i32
      %dma_wait3A_295 = tpu.memref_slice %arg3[%add3A, %dma_wait3A_293, %dma_wait3A_294] : memref<32x160x64xi32, #tpu.memory_space<hbm>> -> memref<1x160x64xi32, #tpu.memory_space<hbm>>
      %dma_wait3A_296 = tpu.memref_squeeze %dma_wait3A_295 : memref<1x160x64xi32, #tpu.memory_space<hbm>> -> memref<160x64xi32, #tpu.memory_space<hbm>>
      %dma_wait3A_297 = arith.constant 0 : i32
      %dma_wait3A_298 = arith.constant 0 : i32
      %dma_wait3A_299 = tpu.memref_slice %dma_wait3A_296[%dma_wait3A_297, %dma_wait3A_298] : memref<160x64xi32, #tpu.memory_space<hbm>> -> memref<40x64xi32, #tpu.memory_space<hbm>>
      tpu.wait_dma2 semaphore(%run_scoped3A_271 : memref<!tpu.dma_semaphore, #tpu.memory_space<semaphore_mem>>) src(%dma_wait3A_299 : memref<40x64xi32, #tpu.memory_space<hbm>>) dst(%arg6 : memref<40x64xi32, #tpu.memory_space<vmem>>)
      tpu.yield
    }) : () -> ()
    "tpu.region"() ({
      %run_scoped3A_271 = tpu.sem_alloc : memref<!tpu.dma_semaphore, #tpu.memory_space<semaphore_mem>>
      %dma_start3A_272 = arith.constant 0 : i32
      %dma_start3A_273 = arith.constant 0 : i32
      %dma_start3A_274 = tpu.memref_slice %arg4[%add3A, %dma_start3A_272, %dma_start3A_273] : memref<32x160x64xi32, #tpu.memory_space<hbm>> -> memref<1x160x64xi32, #tpu.memory_space<hbm>>
      %dma_start3A_275 = tpu.memref_squeeze %dma_start3A_274 : memref<1x160x64xi32, #tpu.memory_space<hbm>> -> memref<160x64xi32, #tpu.memory_space<hbm>>
      %dma_start3A_276 = arith.constant 0 : i32
      %dma_start3A_277 = arith.constant 0 : i32
      %dma_start3A_278 = tpu.memref_slice %dma_start3A_275[%dma_start3A_276, %dma_start3A_277] : memref<160x64xi32, #tpu.memory_space<hbm>> -> memref<40x64xi32, #tpu.memory_space<hbm>>
      %dma_start3A_279 = arith.constant 0 : i32
      %dma_start3A_280 = arith.constant 0 : i32
      %dma_start3A_281 = tpu.memref_slice %arg4[%add3A, %dma_start3A_279, %dma_start3A_280] : memref<32x160x64xi32, #tpu.memory_space<hbm>> -> memref<1x160x64xi32, #tpu.memory_space<hbm>>
      %dma_start3A_282 = tpu.memref_squeeze %dma_start3A_281 : memref<1x160x64xi32, #tpu.memory_space<hbm>> -> memref<160x64xi32, #tpu.memory_space<hbm>>
      %dma_start3A_283 = arith.constant 0 : i32
      %dma_start3A_284 = arith.constant 0 : i32
      %dma_start3A_285 = tpu.memref_slice %dma_start3A_282[%dma_start3A_283, %dma_start3A_284] : memref<160x64xi32, #tpu.memory_space<hbm>> -> memref<40x64xi32, #tpu.memory_space<hbm>>
      tpu.enqueue_dma source(%dma_start3A_285 : memref<40x64xi32, #tpu.memory_space<hbm>>) target(%arg7 : memref<40x64xi32, #tpu.memory_space<vmem>>) target_semaphore(%run_scoped3A_271 : memref<!tpu.dma_semaphore, #tpu.memory_space<semaphore_mem>>)
      %dma_wait3A_286 = arith.constant 0 : i32
      %dma_wait3A_287 = arith.constant 0 : i32
      %dma_wait3A_288 = tpu.memref_slice %arg4[%add3A, %dma_wait3A_286, %dma_wait3A_287] : memref<32x160x64xi32, #tpu.memory_space<hbm>> -> memref<1x160x64xi32, #tpu.memory_space<hbm>>
      %dma_wait3A_289 = tpu.memref_squeeze %dma_wait3A_288 : memref<1x160x64xi32, #tpu.memory_space<hbm>> -> memref<160x64xi32, #tpu.memory_space<hbm>>
      %dma_wait3A_290 = arith.constant 0 : i32
      %dma_wait3A_291 = arith.constant 0 : i32
      %dma_wait3A_292 = tpu.memref_slice %dma_wait3A_289[%dma_wait3A_290, %dma_wait3A_291] : memref<160x64xi32, #tpu.memory_space<hbm>> -> memref<40x64xi32, #tpu.memory_space<hbm>>
      %dma_wait3A_293 = arith.constant 0 : i32
      %dma_wait3A_294 = arith.constant 0 : i32
      %dma_wait3A_295 = tpu.memref_slice %arg4[%add3A, %dma_wait3A_293, %dma_wait3A_294] : memref<32x160x64xi32, #tpu.memory_space<hbm>> -> memref<1x160x64xi32, #tpu.memory_space<hbm>>
      %dma_wait3A_296 = tpu.memref_squeeze %dma_wait3A_295 : memref<1x160x64xi32, #tpu.memory_space<hbm>> -> memref<160x64xi32, #tpu.memory_space<hbm>>
      %dma_wait3A_297 = arith.constant 0 : i32
      %dma_wait3A_298 = arith.constant 0 : i32
      %dma_wait3A_299 = tpu.memref_slice %dma_wait3A_296[%dma_wait3A_297, %dma_wait3A_298] : memref<160x64xi32, #tpu.memory_space<hbm>> -> memref<40x64xi32, #tpu.memory_space<hbm>>
      tpu.wait_dma2 semaphore(%run_scoped3A_271 : memref<!tpu.dma_semaphore, #tpu.memory_space<semaphore_mem>>) src(%dma_wait3A_299 : memref<40x64xi32, #tpu.memory_space<hbm>>) dst(%arg7 : memref<40x64xi32, #tpu.memory_space<vmem>>)
      tpu.yield
    }) : () -> ()
    %dma_start3A = arith.constant 0 : i32
    %dma_start3A_13 = arith.constant 0 : i32
    %dma_start3A_14 = tpu.memref_slice %arg6[%dma_start3A, %dma_start3A_13] : memref<40x64xi32, #tpu.memory_space<vmem>> -> memref<1x64xi32, #tpu.memory_space<vmem>>
    %dma_start3A_15 = tpu.memref_squeeze %dma_start3A_14 : memref<1x64xi32, #tpu.memory_space<vmem>> -> memref<64xi32, #tpu.memory_space<vmem>>
    %dma_start3A_16 = arith.constant 0 : i32
    %dma_start3A_17 = arith.constant 0 : i32
    %dma_start3A_18 = tpu.memref_slice %arg2[%dma_start3A_16, %dma_start3A_17] : memref<10240x128xf32, #tpu.memory_space<hbm>> -> memref<10240x128xf32, #tpu.memory_space<hbm>>
    tpu.enqueue_indirect_dma source(%dma_start3A_18 : memref<10240x128xf32, #tpu.memory_space<hbm>>) target(%arg8 : memref<64x128xf32, #tpu.memory_space<vmem>>) offsets(%dma_start3A_15 : memref<64xi32, #tpu.memory_space<vmem>>) semaphore(%arg14 : memref<!tpu.dma_semaphore, #tpu.memory_space<semaphore_mem>>)
    %dma_start3A_19 = arith.constant 1 : i32
    %dma_start3A_20 = arith.constant 0 : i32
    %dma_start3A_21 = tpu.memref_slice %arg6[%dma_start3A_19, %dma_start3A_20] : memref<40x64xi32, #tpu.memory_space<vmem>> -> memref<1x64xi32, #tpu.memory_space<vmem>>
    %dma_start3A_22 = tpu.memref_squeeze %dma_start3A_21 : memref<1x64xi32, #tpu.memory_space<vmem>> -> memref<64xi32, #tpu.memory_space<vmem>>
    %dma_start3A_23 = arith.constant 0 : i32
    %dma_start3A_24 = arith.constant 0 : i32
    %dma_start3A_25 = tpu.memref_slice %arg2[%dma_start3A_23, %dma_start3A_24] : memref<10240x128xf32, #tpu.memory_space<hbm>> -> memref<10240x128xf32, #tpu.memory_space<hbm>>
    tpu.enqueue_indirect_dma source(%dma_start3A_25 : memref<10240x128xf32, #tpu.memory_space<hbm>>) target(%arg9 : memref<64x128xf32, #tpu.memory_space<vmem>>) offsets(%dma_start3A_22 : memref<64xi32, #tpu.memory_space<vmem>>) semaphore(%arg15 : memref<!tpu.dma_semaphore, #tpu.memory_space<semaphore_mem>>)
    %dma_start3A_26 = arith.constant 2 : i32
    %dma_start3A_27 = arith.constant 0 : i32
    %dma_start3A_28 = tpu.memref_slice %arg6[%dma_start3A_26, %dma_start3A_27] : memref<40x64xi32, #tpu.memory_space<vmem>> -> memref<1x64xi32, #tpu.memory_space<vmem>>
    %dma_start3A_29 = tpu.memref_squeeze %dma_start3A_28 : memref<1x64xi32, #tpu.memory_space<vmem>> -> memref<64xi32, #tpu.memory_space<vmem>>
    %dma_start3A_30 = arith.constant 0 : i32
    %dma_start3A_31 = arith.constant 0 : i32
    %dma_start3A_32 = tpu.memref_slice %arg2[%dma_start3A_30, %dma_start3A_31] : memref<10240x128xf32, #tpu.memory_space<hbm>> -> memref<10240x128xf32, #tpu.memory_space<hbm>>
    tpu.enqueue_indirect_dma source(%dma_start3A_32 : memref<10240x128xf32, #tpu.memory_space<hbm>>) target(%arg10 : memref<64x128xf32, #tpu.memory_space<vmem>>) offsets(%dma_start3A_29 : memref<64xi32, #tpu.memory_space<vmem>>) semaphore(%arg16 : memref<!tpu.dma_semaphore, #tpu.memory_space<semaphore_mem>>)
    %dma_start3A_33 = arith.constant 3 : i32
    %dma_start3A_34 = arith.constant 0 : i32
    %dma_start3A_35 = tpu.memref_slice %arg6[%dma_start3A_33, %dma_start3A_34] : memref<40x64xi32, #tpu.memory_space<vmem>> -> memref<1x64xi32, #tpu.memory_space<vmem>>
    %dma_start3A_36 = tpu.memref_squeeze %dma_start3A_35 : memref<1x64xi32, #tpu.memory_space<vmem>> -> memref<64xi32, #tpu.memory_space<vmem>>
    %dma_start3A_37 = arith.constant 0 : i32
    %dma_start3A_38 = arith.constant 0 : i32
    %dma_start3A_39 = tpu.memref_slice %arg2[%dma_start3A_37, %dma_start3A_38] : memref<10240x128xf32, #tpu.memory_space<hbm>> -> memref<10240x128xf32, #tpu.memory_space<hbm>>
    tpu.enqueue_indirect_dma source(%dma_start3A_39 : memref<10240x128xf32, #tpu.memory_space<hbm>>) target(%arg11 : memref<64x128xf32, #tpu.memory_space<vmem>>) offsets(%dma_start3A_36 : memref<64xi32, #tpu.memory_space<vmem>>) semaphore(%arg17 : memref<!tpu.dma_semaphore, #tpu.memory_space<semaphore_mem>>)
    %scan3A_40 = arith.constant 0 : i32
    %scan3A_41 = arith.constant 9 : i32
    %scan3A_42 = arith.addi %scan3A_40, %scan3A_41 : i32
    %scan3A_43 = arith.constant 1 : i32
    scf.for %scan3A_271 = %scan3A_40 to %scan3A_42 step %scan3A_43  : i32 {
      %mul3A_272 = arith.constant 4 : i32
      %mul3A_273 = arith.muli %scan3A_271, %mul3A_272 : i32
      %add3A_274 = arith.constant 0 : i32
      %add3A_275 = arith.addi %add3A_274, %mul3A_273 : i32
      %add3A_276 = arith.constant 0 : i32
      %add3A_277 = arith.addi %add3A_275, %add3A_276 : i32
      %dma_wait3A_278 = arith.constant 0 : i32
      %dma_wait3A_279 = tpu.memref_slice %arg6[%add3A_277, %dma_wait3A_278] : memref<40x64xi32, #tpu.memory_space<vmem>> -> memref<1x64xi32, #tpu.memory_space<vmem>>
      %dma_wait3A_280 = tpu.memref_squeeze %dma_wait3A_279 : memref<1x64xi32, #tpu.memory_space<vmem>> -> memref<64xi32, #tpu.memory_space<vmem>>
      %dma_wait3A_281 = arith.constant 0 : i32
      %dma_wait3A_282 = arith.constant 0 : i32
      %dma_wait3A_283 = tpu.memref_slice %arg2[%dma_wait3A_281, %dma_wait3A_282] : memref<10240x128xf32, #tpu.memory_space<hbm>> -> memref<10240x128xf32, #tpu.memory_space<hbm>>
      tpu.wait_indirect_dma semaphore(%arg14 : memref<!tpu.dma_semaphore, #tpu.memory_space<semaphore_mem>>) src(%dma_wait3A_283 : memref<10240x128xf32, #tpu.memory_space<hbm>>) dst(%arg8 : memref<64x128xf32, #tpu.memory_space<vmem>>)
      %add3A_284 = arith.constant 0 : i32
      %add3A_285 = arith.addi %add3A_275, %add3A_284 : i32
      %dma_start3A_286 = arith.constant 0 : i32
      %dma_start3A_287 = tpu.memref_slice %arg7[%add3A_285, %dma_start3A_286] : memref<40x64xi32, #tpu.memory_space<vmem>> -> memref<1x64xi32, #tpu.memory_space<vmem>>
      %dma_start3A_288 = tpu.memref_squeeze %dma_start3A_287 : memref<1x64xi32, #tpu.memory_space<vmem>> -> memref<64xi32, #tpu.memory_space<vmem>>
      %dma_start3A_289 = arith.constant 0 : i32
      %dma_start3A_290 = arith.constant 0 : i32
      %dma_start3A_291 = tpu.memref_slice %arg13[%dma_start3A_289, %dma_start3A_290] : memref<10240x128xf32, #tpu.memory_space<vmem_shared>> -> memref<10240x128xf32, #tpu.memory_space<vmem_shared>>
      tpu.enqueue_indirect_dma source(%arg8 : memref<64x128xf32, #tpu.memory_space<vmem>>) target(%dma_start3A_291 : memref<10240x128xf32, #tpu.memory_space<vmem_shared>>) offsets(%dma_start3A_288 : memref<64xi32, #tpu.memory_space<vmem>>) semaphore(%arg18 : memref<!tpu.dma_semaphore, #tpu.memory_space<semaphore_mem>>) {add = true}
      %add3A_292 = arith.constant 1 : i32
      %add3A_293 = arith.addi %add3A_275, %add3A_292 : i32
      %dma_wait3A_294 = arith.constant 0 : i32
      %dma_wait3A_295 = tpu.memref_slice %arg6[%add3A_293, %dma_wait3A_294] : memref<40x64xi32, #tpu.memory_space<vmem>> -> memref<1x64xi32, #tpu.memory_space<vmem>>
      %dma_wait3A_296 = tpu.memref_squeeze %dma_wait3A_295 : memref<1x64xi32, #tpu.memory_space<vmem>> -> memref<64xi32, #tpu.memory_space<vmem>>
      %dma_wait3A_297 = arith.constant 0 : i32
      %dma_wait3A_298 = arith.constant 0 : i32
      %dma_wait3A_299 = tpu.memref_slice %arg2[%dma_wait3A_297, %dma_wait3A_298] : memref<10240x128xf32, #tpu.memory_space<hbm>> -> memref<10240x128xf32, #tpu.memory_space<hbm>>
      tpu.wait_indirect_dma semaphore(%arg15 : memref<!tpu.dma_semaphore, #tpu.memory_space<semaphore_mem>>) src(%dma_wait3A_299 : memref<10240x128xf32, #tpu.memory_space<hbm>>) dst(%arg9 : memref<64x128xf32, #tpu.memory_space<vmem>>)
      %add3A_300 = arith.constant 1 : i32
      %add3A_301 = arith.addi %add3A_275, %add3A_300 : i32
      %dma_start3A_302 = arith.constant 0 : i32
      %dma_start3A_303 = tpu.memref_slice %arg7[%add3A_301, %dma_start3A_302] : memref<40x64xi32, #tpu.memory_space<vmem>> -> memref<1x64xi32, #tpu.memory_space<vmem>>
      %dma_start3A_304 = tpu.memref_squeeze %dma_start3A_303 : memref<1x64xi32, #tpu.memory_space<vmem>> -> memref<64xi32, #tpu.memory_space<vmem>>
      %dma_start3A_305 = arith.constant 0 : i32
      %dma_start3A_306 = arith.constant 0 : i32
      %dma_start3A_307 = tpu.memref_slice %arg13[%dma_start3A_305, %dma_start3A_306] : memref<10240x128xf32, #tpu.memory_space<vmem_shared>> -> memref<10240x128xf32, #tpu.memory_space<vmem_shared>>
      tpu.enqueue_indirect_dma source(%arg9 : memref<64x128xf32, #tpu.memory_space<vmem>>) target(%dma_start3A_307 : memref<10240x128xf32, #tpu.memory_space<vmem_shared>>) offsets(%dma_start3A_304 : memref<64xi32, #tpu.memory_space<vmem>>) semaphore(%arg19 : memref<!tpu.dma_semaphore, #tpu.memory_space<semaphore_mem>>) {add = true}
      %add3A_308 = arith.constant 2 : i32
      %add3A_309 = arith.addi %add3A_275, %add3A_308 : i32
      %dma_wait3A_310 = arith.constant 0 : i32
      %dma_wait3A_311 = tpu.memref_slice %arg6[%add3A_309, %dma_wait3A_310] : memref<40x64xi32, #tpu.memory_space<vmem>> -> memref<1x64xi32, #tpu.memory_space<vmem>>
      %dma_wait3A_312 = tpu.memref_squeeze %dma_wait3A_311 : memref<1x64xi32, #tpu.memory_space<vmem>> -> memref<64xi32, #tpu.memory_space<vmem>>
      %dma_wait3A_313 = arith.constant 0 : i32
      %dma_wait3A_314 = arith.constant 0 : i32
      %dma_wait3A_315 = tpu.memref_slice %arg2[%dma_wait3A_313, %dma_wait3A_314] : memref<10240x128xf32, #tpu.memory_space<hbm>> -> memref<10240x128xf32, #tpu.memory_space<hbm>>
      tpu.wait_indirect_dma semaphore(%arg16 : memref<!tpu.dma_semaphore, #tpu.memory_space<semaphore_mem>>) src(%dma_wait3A_315 : memref<10240x128xf32, #tpu.memory_space<hbm>>) dst(%arg10 : memref<64x128xf32, #tpu.memory_space<vmem>>)
      %add3A_316 = arith.constant 2 : i32
      %add3A_317 = arith.addi %add3A_275, %add3A_316 : i32
      %dma_start3A_318 = arith.constant 0 : i32
      %dma_start3A_319 = tpu.memref_slice %arg7[%add3A_317, %dma_start3A_318] : memref<40x64xi32, #tpu.memory_space<vmem>> -> memref<1x64xi32, #tpu.memory_space<vmem>>
      %dma_start3A_320 = tpu.memref_squeeze %dma_start3A_319 : memref<1x64xi32, #tpu.memory_space<vmem>> -> memref<64xi32, #tpu.memory_space<vmem>>
      %dma_start3A_321 = arith.constant 0 : i32
      %dma_start3A_322 = arith.constant 0 : i32
      %dma_start3A_323 = tpu.memref_slice %arg13[%dma_start3A_321, %dma_start3A_322] : memref<10240x128xf32, #tpu.memory_space<vmem_shared>> -> memref<10240x128xf32, #tpu.memory_space<vmem_shared>>
      tpu.enqueue_indirect_dma source(%arg10 : memref<64x128xf32, #tpu.memory_space<vmem>>) target(%dma_start3A_323 : memref<10240x128xf32, #tpu.memory_space<vmem_shared>>) offsets(%dma_start3A_320 : memref<64xi32, #tpu.memory_space<vmem>>) semaphore(%arg20 : memref<!tpu.dma_semaphore, #tpu.memory_space<semaphore_mem>>) {add = true}
      %add3A_324 = arith.constant 3 : i32
      %add3A_325 = arith.addi %add3A_275, %add3A_324 : i32
      %dma_wait3A_326 = arith.constant 0 : i32
      %dma_wait3A_327 = tpu.memref_slice %arg6[%add3A_325, %dma_wait3A_326] : memref<40x64xi32, #tpu.memory_space<vmem>> -> memref<1x64xi32, #tpu.memory_space<vmem>>
      %dma_wait3A_328 = tpu.memref_squeeze %dma_wait3A_327 : memref<1x64xi32, #tpu.memory_space<vmem>> -> memref<64xi32, #tpu.memory_space<vmem>>
      %dma_wait3A_329 = arith.constant 0 : i32
      %dma_wait3A_330 = arith.constant 0 : i32
      %dma_wait3A_331 = tpu.memref_slice %arg2[%dma_wait3A_329, %dma_wait3A_330] : memref<10240x128xf32, #tpu.memory_space<hbm>> -> memref<10240x128xf32, #tpu.memory_space<hbm>>
      tpu.wait_indirect_dma semaphore(%arg17 : memref<!tpu.dma_semaphore, #tpu.memory_space<semaphore_mem>>) src(%dma_wait3A_331 : memref<10240x128xf32, #tpu.memory_space<hbm>>) dst(%arg11 : memref<64x128xf32, #tpu.memory_space<vmem>>)
      %add3A_332 = arith.constant 3 : i32
      %add3A_333 = arith.addi %add3A_275, %add3A_332 : i32
      %dma_start3A_334 = arith.constant 0 : i32
      %dma_start3A_335 = tpu.memref_slice %arg7[%add3A_333, %dma_start3A_334] : memref<40x64xi32, #tpu.memory_space<vmem>> -> memref<1x64xi32, #tpu.memory_space<vmem>>
      %dma_start3A_336 = tpu.memref_squeeze %dma_start3A_335 : memref<1x64xi32, #tpu.memory_space<vmem>> -> memref<64xi32, #tpu.memory_space<vmem>>
      %dma_start3A_337 = arith.constant 0 : i32
      %dma_start3A_338 = arith.constant 0 : i32
      %dma_start3A_339 = tpu.memref_slice %arg13[%dma_start3A_337, %dma_start3A_338] : memref<10240x128xf32, #tpu.memory_space<vmem_shared>> -> memref<10240x128xf32, #tpu.memory_space<vmem_shared>>
      tpu.enqueue_indirect_dma source(%arg11 : memref<64x128xf32, #tpu.memory_space<vmem>>) target(%dma_start3A_339 : memref<10240x128xf32, #tpu.memory_space<vmem_shared>>) offsets(%dma_start3A_336 : memref<64xi32, #tpu.memory_space<vmem>>) semaphore(%arg21 : memref<!tpu.dma_semaphore, #tpu.memory_space<semaphore_mem>>) {add = true}
      %add3A_340 = arith.constant 0 : i32
      %add3A_341 = arith.addi %add3A_275, %add3A_340 : i32
      %dma_wait3A_342 = arith.constant 0 : i32
      %dma_wait3A_343 = tpu.memref_slice %arg7[%add3A_341, %dma_wait3A_342] : memref<40x64xi32, #tpu.memory_space<vmem>> -> memref<1x64xi32, #tpu.memory_space<vmem>>
      %dma_wait3A_344 = tpu.memref_squeeze %dma_wait3A_343 : memref<1x64xi32, #tpu.memory_space<vmem>> -> memref<64xi32, #tpu.memory_space<vmem>>
      %dma_wait3A_345 = arith.constant 0 : i32
      %dma_wait3A_346 = arith.constant 0 : i32
      %dma_wait3A_347 = tpu.memref_slice %arg13[%dma_wait3A_345, %dma_wait3A_346] : memref<10240x128xf32, #tpu.memory_space<vmem_shared>> -> memref<10240x128xf32, #tpu.memory_space<vmem_shared>>
      tpu.wait_indirect_dma semaphore(%arg18 : memref<!tpu.dma_semaphore, #tpu.memory_space<semaphore_mem>>) src(%arg8 : memref<64x128xf32, #tpu.memory_space<vmem>>) dst(%dma_wait3A_347 : memref<10240x128xf32, #tpu.memory_space<vmem_shared>>)
      %add3A_348 = arith.constant 4 : i32
      %add3A_349 = arith.addi %add3A_275, %add3A_348 : i32
      %add3A_350 = arith.constant 0 : i32
      %add3A_351 = arith.addi %add3A_349, %add3A_350 : i32
      %dma_start3A_352 = arith.constant 0 : i32
      %dma_start3A_353 = tpu.memref_slice %arg6[%add3A_351, %dma_start3A_352] : memref<40x64xi32, #tpu.memory_space<vmem>> -> memref<1x64xi32, #tpu.memory_space<vmem>>
      %dma_start3A_354 = tpu.memref_squeeze %dma_start3A_353 : memref<1x64xi32, #tpu.memory_space<vmem>> -> memref<64xi32, #tpu.memory_space<vmem>>
      %dma_start3A_355 = arith.constant 0 : i32
      %dma_start3A_356 = arith.constant 0 : i32
      %dma_start3A_357 = tpu.memref_slice %arg2[%dma_start3A_355, %dma_start3A_356] : memref<10240x128xf32, #tpu.memory_space<hbm>> -> memref<10240x128xf32, #tpu.memory_space<hbm>>
      tpu.enqueue_indirect_dma source(%dma_start3A_357 : memref<10240x128xf32, #tpu.memory_space<hbm>>) target(%arg8 : memref<64x128xf32, #tpu.memory_space<vmem>>) offsets(%dma_start3A_354 : memref<64xi32, #tpu.memory_space<vmem>>) semaphore(%arg14 : memref<!tpu.dma_semaphore, #tpu.memory_space<semaphore_mem>>)
      %add3A_358 = arith.constant 1 : i32
      %add3A_359 = arith.addi %add3A_275, %add3A_358 : i32
      %dma_wait3A_360 = arith.constant 0 : i32
      %dma_wait3A_361 = tpu.memref_slice %arg7[%add3A_359, %dma_wait3A_360] : memref<40x64xi32, #tpu.memory_space<vmem>> -> memref<1x64xi32, #tpu.memory_space<vmem>>
      %dma_wait3A_362 = tpu.memref_squeeze %dma_wait3A_361 : memref<1x64xi32, #tpu.memory_space<vmem>> -> memref<64xi32, #tpu.memory_space<vmem>>
      %dma_wait3A_363 = arith.constant 0 : i32
      %dma_wait3A_364 = arith.constant 0 : i32
      %dma_wait3A_365 = tpu.memref_slice %arg13[%dma_wait3A_363, %dma_wait3A_364] : memref<10240x128xf32, #tpu.memory_space<vmem_shared>> -> memref<10240x128xf32, #tpu.memory_space<vmem_shared>>
      tpu.wait_indirect_dma semaphore(%arg19 : memref<!tpu.dma_semaphore, #tpu.memory_space<semaphore_mem>>) src(%arg9 : memref<64x128xf32, #tpu.memory_space<vmem>>) dst(%dma_wait3A_365 : memref<10240x128xf32, #tpu.memory_space<vmem_shared>>)
      %add3A_366 = arith.constant 4 : i32
      %add3A_367 = arith.addi %add3A_275, %add3A_366 : i32
      %add3A_368 = arith.constant 1 : i32
      %add3A_369 = arith.addi %add3A_367, %add3A_368 : i32
      %dma_start3A_370 = arith.constant 0 : i32
      %dma_start3A_371 = tpu.memref_slice %arg6[%add3A_369, %dma_start3A_370] : memref<40x64xi32, #tpu.memory_space<vmem>> -> memref<1x64xi32, #tpu.memory_space<vmem>>
      %dma_start3A_372 = tpu.memref_squeeze %dma_start3A_371 : memref<1x64xi32, #tpu.memory_space<vmem>> -> memref<64xi32, #tpu.memory_space<vmem>>
      %dma_start3A_373 = arith.constant 0 : i32
      %dma_start3A_374 = arith.constant 0 : i32
      %dma_start3A_375 = tpu.memref_slice %arg2[%dma_start3A_373, %dma_start3A_374] : memref<10240x128xf32, #tpu.memory_space<hbm>> -> memref<10240x128xf32, #tpu.memory_space<hbm>>
      tpu.enqueue_indirect_dma source(%dma_start3A_375 : memref<10240x128xf32, #tpu.memory_space<hbm>>) target(%arg9 : memref<64x128xf32, #tpu.memory_space<vmem>>) offsets(%dma_start3A_372 : memref<64xi32, #tpu.memory_space<vmem>>) semaphore(%arg15 : memref<!tpu.dma_semaphore, #tpu.memory_space<semaphore_mem>>)
      %add3A_376 = arith.constant 2 : i32
      %add3A_377 = arith.addi %add3A_275, %add3A_376 : i32
      %dma_wait3A_378 = arith.constant 0 : i32
      %dma_wait3A_379 = tpu.memref_slice %arg7[%add3A_377, %dma_wait3A_378] : memref<40x64xi32, #tpu.memory_space<vmem>> -> memref<1x64xi32, #tpu.memory_space<vmem>>
      %dma_wait3A_380 = tpu.memref_squeeze %dma_wait3A_379 : memref<1x64xi32, #tpu.memory_space<vmem>> -> memref<64xi32, #tpu.memory_space<vmem>>
      %dma_wait3A_381 = arith.constant 0 : i32
      %dma_wait3A_382 = arith.constant 0 : i32
      %dma_wait3A_383 = tpu.memref_slice %arg13[%dma_wait3A_381, %dma_wait3A_382] : memref<10240x128xf32, #tpu.memory_space<vmem_shared>> -> memref<10240x128xf32, #tpu.memory_space<vmem_shared>>
      tpu.wait_indirect_dma semaphore(%arg20 : memref<!tpu.dma_semaphore, #tpu.memory_space<semaphore_mem>>) src(%arg10 : memref<64x128xf32, #tpu.memory_space<vmem>>) dst(%dma_wait3A_383 : memref<10240x128xf32, #tpu.memory_space<vmem_shared>>)
      %add3A_384 = arith.constant 4 : i32
      %add3A_385 = arith.addi %add3A_275, %add3A_384 : i32
      %add3A_386 = arith.constant 2 : i32
      %add3A_387 = arith.addi %add3A_385, %add3A_386 : i32
      %dma_start3A_388 = arith.constant 0 : i32
      %dma_start3A_389 = tpu.memref_slice %arg6[%add3A_387, %dma_start3A_388] : memref<40x64xi32, #tpu.memory_space<vmem>> -> memref<1x64xi32, #tpu.memory_space<vmem>>
      %dma_start3A_390 = tpu.memref_squeeze %dma_start3A_389 : memref<1x64xi32, #tpu.memory_space<vmem>> -> memref<64xi32, #tpu.memory_space<vmem>>
      %dma_start3A_391 = arith.constant 0 : i32
      %dma_start3A_392 = arith.constant 0 : i32
      %dma_start3A_393 = tpu.memref_slice %arg2[%dma_start3A_391, %dma_start3A_392] : memref<10240x128xf32, #tpu.memory_space<hbm>> -> memref<10240x128xf32, #tpu.memory_space<hbm>>
      tpu.enqueue_indirect_dma source(%dma_start3A_393 : memref<10240x128xf32, #tpu.memory_space<hbm>>) target(%arg10 : memref<64x128xf32, #tpu.memory_space<vmem>>) offsets(%dma_start3A_390 : memref<64xi32, #tpu.memory_space<vmem>>) semaphore(%arg16 : memref<!tpu.dma_semaphore, #tpu.memory_space<semaphore_mem>>)
      %add3A_394 = arith.constant 3 : i32
      %add3A_395 = arith.addi %add3A_275, %add3A_394 : i32
      %dma_wait3A_396 = arith.constant 0 : i32
      %dma_wait3A_397 = tpu.memref_slice %arg7[%add3A_395, %dma_wait3A_396] : memref<40x64xi32, #tpu.memory_space<vmem>> -> memref<1x64xi32, #tpu.memory_space<vmem>>
      %dma_wait3A_398 = tpu.memref_squeeze %dma_wait3A_397 : memref<1x64xi32, #tpu.memory_space<vmem>> -> memref<64xi32, #tpu.memory_space<vmem>>
      %dma_wait3A_399 = arith.constant 0 : i32
      %dma_wait3A_400 = arith.constant 0 : i32
      %dma_wait3A_401 = tpu.memref_slice %arg13[%dma_wait3A_399, %dma_wait3A_400] : memref<10240x128xf32, #tpu.memory_space<vmem_shared>> -> memref<10240x128xf32, #tpu.memory_space<vmem_shared>>
      tpu.wait_indirect_dma semaphore(%arg21 : memref<!tpu.dma_semaphore, #tpu.memory_space<semaphore_mem>>) src(%arg11 : memref<64x128xf32, #tpu.memory_space<vmem>>) dst(%dma_wait3A_401 : memref<10240x128xf32, #tpu.memory_space<vmem_shared>>)
      %add3A_402 = arith.constant 4 : i32
      %add3A_403 = arith.addi %add3A_275, %add3A_402 : i32
      %add3A_404 = arith.constant 3 : i32
      %add3A_405 = arith.addi %add3A_403, %add3A_404 : i32
      %dma_start3A_406 = arith.constant 0 : i32
      %dma_start3A_407 = tpu.memref_slice %arg6[%add3A_405, %dma_start3A_406] : memref<40x64xi32, #tpu.memory_space<vmem>> -> memref<1x64xi32, #tpu.memory_space<vmem>>
      %dma_start3A_408 = tpu.memref_squeeze %dma_start3A_407 : memref<1x64xi32, #tpu.memory_space<vmem>> -> memref<64xi32, #tpu.memory_space<vmem>>
      %dma_start3A_409 = arith.constant 0 : i32
      %dma_start3A_410 = arith.constant 0 : i32
      %dma_start3A_411 = tpu.memref_slice %arg2[%dma_start3A_409, %dma_start3A_410] : memref<10240x128xf32, #tpu.memory_space<hbm>> -> memref<10240x128xf32, #tpu.memory_space<hbm>>
      tpu.enqueue_indirect_dma source(%dma_start3A_411 : memref<10240x128xf32, #tpu.memory_space<hbm>>) target(%arg11 : memref<64x128xf32, #tpu.memory_space<vmem>>) offsets(%dma_start3A_408 : memref<64xi32, #tpu.memory_space<vmem>>) semaphore(%arg17 : memref<!tpu.dma_semaphore, #tpu.memory_space<semaphore_mem>>)
    }
    %scan3A_44 = arith.constant 9 : i32
    %dma_wait3A = arith.constant 36 : i32
    %dma_wait3A_45 = arith.constant 0 : i32
    %dma_wait3A_46 = tpu.memref_slice %arg6[%dma_wait3A, %dma_wait3A_45] : memref<40x64xi32, #tpu.memory_space<vmem>> -> memref<1x64xi32, #tpu.memory_space<vmem>>
    %dma_wait3A_47 = tpu.memref_squeeze %dma_wait3A_46 : memref<1x64xi32, #tpu.memory_space<vmem>> -> memref<64xi32, #tpu.memory_space<vmem>>
    %dma_wait3A_48 = arith.constant 0 : i32
    %dma_wait3A_49 = arith.constant 0 : i32
    %dma_wait3A_50 = tpu.memref_slice %arg2[%dma_wait3A_48, %dma_wait3A_49] : memref<10240x128xf32, #tpu.memory_space<hbm>> -> memref<10240x128xf32, #tpu.memory_space<hbm>>
    tpu.wait_indirect_dma semaphore(%arg14 : memref<!tpu.dma_semaphore, #tpu.memory_space<semaphore_mem>>) src(%dma_wait3A_50 : memref<10240x128xf32, #tpu.memory_space<hbm>>) dst(%arg8 : memref<64x128xf32, #tpu.memory_space<vmem>>)
    %run_scoped3A = arith.constant 36 : i32
    "tpu.region"() ({
      %run_scoped3A_271 = tpu.sem_alloc : memref<!tpu.dma_semaphore, #tpu.memory_space<semaphore_mem>>
      %dma_start3A_272 = arith.constant 0 : i32
      %dma_start3A_273 = tpu.memref_slice %arg7[%run_scoped3A, %dma_start3A_272] : memref<40x64xi32, #tpu.memory_space<vmem>> -> memref<1x64xi32, #tpu.memory_space<vmem>>
      %dma_start3A_274 = tpu.memref_squeeze %dma_start3A_273 : memref<1x64xi32, #tpu.memory_space<vmem>> -> memref<64xi32, #tpu.memory_space<vmem>>
      %dma_start3A_275 = arith.constant 0 : i32
      %dma_start3A_276 = arith.constant 0 : i32
      %dma_start3A_277 = tpu.memref_slice %arg13[%dma_start3A_275, %dma_start3A_276] : memref<10240x128xf32, #tpu.memory_space<vmem_shared>> -> memref<10240x128xf32, #tpu.memory_space<vmem_shared>>
      tpu.enqueue_indirect_dma source(%arg8 : memref<64x128xf32, #tpu.memory_space<vmem>>) target(%dma_start3A_277 : memref<10240x128xf32, #tpu.memory_space<vmem_shared>>) offsets(%dma_start3A_274 : memref<64xi32, #tpu.memory_space<vmem>>) semaphore(%run_scoped3A_271 : memref<!tpu.dma_semaphore, #tpu.memory_space<semaphore_mem>>) {add = true}
      %dma_wait3A_278 = arith.constant 0 : i32
      %dma_wait3A_279 = tpu.memref_slice %arg7[%run_scoped3A, %dma_wait3A_278] : memref<40x64xi32, #tpu.memory_space<vmem>> -> memref<1x64xi32, #tpu.memory_space<vmem>>
      %dma_wait3A_280 = tpu.memref_squeeze %dma_wait3A_279 : memref<1x64xi32, #tpu.memory_space<vmem>> -> memref<64xi32, #tpu.memory_space<vmem>>
      %dma_wait3A_281 = arith.constant 0 : i32
      %dma_wait3A_282 = arith.constant 0 : i32
      %dma_wait3A_283 = tpu.memref_slice %arg13[%dma_wait3A_281, %dma_wait3A_282] : memref<10240x128xf32, #tpu.memory_space<vmem_shared>> -> memref<10240x128xf32, #tpu.memory_space<vmem_shared>>
      tpu.wait_indirect_dma semaphore(%run_scoped3A_271 : memref<!tpu.dma_semaphore, #tpu.memory_space<semaphore_mem>>) src(%arg8 : memref<64x128xf32, #tpu.memory_space<vmem>>) dst(%dma_wait3A_283 : memref<10240x128xf32, #tpu.memory_space<vmem_shared>>)
      tpu.yield
    }) : () -> ()
    %dma_wait3A_51 = arith.constant 37 : i32
    %dma_wait3A_52 = arith.constant 0 : i32
    %dma_wait3A_53 = tpu.memref_slice %arg6[%dma_wait3A_51, %dma_wait3A_52] : memref<40x64xi32, #tpu.memory_space<vmem>> -> memref<1x64xi32, #tpu.memory_space<vmem>>
    %dma_wait3A_54 = tpu.memref_squeeze %dma_wait3A_53 : memref<1x64xi32, #tpu.memory_space<vmem>> -> memref<64xi32, #tpu.memory_space<vmem>>
    %dma_wait3A_55 = arith.constant 0 : i32
    %dma_wait3A_56 = arith.constant 0 : i32
    %dma_wait3A_57 = tpu.memref_slice %arg2[%dma_wait3A_55, %dma_wait3A_56] : memref<10240x128xf32, #tpu.memory_space<hbm>> -> memref<10240x128xf32, #tpu.memory_space<hbm>>
    tpu.wait_indirect_dma semaphore(%arg15 : memref<!tpu.dma_semaphore, #tpu.memory_space<semaphore_mem>>) src(%dma_wait3A_57 : memref<10240x128xf32, #tpu.memory_space<hbm>>) dst(%arg9 : memref<64x128xf32, #tpu.memory_space<vmem>>)
    %run_scoped3A_58 = arith.constant 37 : i32
    "tpu.region"() ({
      %run_scoped3A_271 = tpu.sem_alloc : memref<!tpu.dma_semaphore, #tpu.memory_space<semaphore_mem>>
      %dma_start3A_272 = arith.constant 0 : i32
      %dma_start3A_273 = tpu.memref_slice %arg7[%run_scoped3A_58, %dma_start3A_272] : memref<40x64xi32, #tpu.memory_space<vmem>> -> memref<1x64xi32, #tpu.memory_space<vmem>>
      %dma_start3A_274 = tpu.memref_squeeze %dma_start3A_273 : memref<1x64xi32, #tpu.memory_space<vmem>> -> memref<64xi32, #tpu.memory_space<vmem>>
      %dma_start3A_275 = arith.constant 0 : i32
      %dma_start3A_276 = arith.constant 0 : i32
      %dma_start3A_277 = tpu.memref_slice %arg13[%dma_start3A_275, %dma_start3A_276] : memref<10240x128xf32, #tpu.memory_space<vmem_shared>> -> memref<10240x128xf32, #tpu.memory_space<vmem_shared>>
      tpu.enqueue_indirect_dma source(%arg9 : memref<64x128xf32, #tpu.memory_space<vmem>>) target(%dma_start3A_277 : memref<10240x128xf32, #tpu.memory_space<vmem_shared>>) offsets(%dma_start3A_274 : memref<64xi32, #tpu.memory_space<vmem>>) semaphore(%run_scoped3A_271 : memref<!tpu.dma_semaphore, #tpu.memory_space<semaphore_mem>>) {add = true}
      %dma_wait3A_278 = arith.constant 0 : i32
      %dma_wait3A_279 = tpu.memref_slice %arg7[%run_scoped3A_58, %dma_wait3A_278] : memref<40x64xi32, #tpu.memory_space<vmem>> -> memref<1x64xi32, #tpu.memory_space<vmem>>
      %dma_wait3A_280 = tpu.memref_squeeze %dma_wait3A_279 : memref<1x64xi32, #tpu.memory_space<vmem>> -> memref<64xi32, #tpu.memory_space<vmem>>
      %dma_wait3A_281 = arith.constant 0 : i32
      %dma_wait3A_282 = arith.constant 0 : i32
      %dma_wait3A_283 = tpu.memref_slice %arg13[%dma_wait3A_281, %dma_wait3A_282] : memref<10240x128xf32, #tpu.memory_space<vmem_shared>> -> memref<10240x128xf32, #tpu.memory_space<vmem_shared>>
      tpu.wait_indirect_dma semaphore(%run_scoped3A_271 : memref<!tpu.dma_semaphore, #tpu.memory_space<semaphore_mem>>) src(%arg9 : memref<64x128xf32, #tpu.memory_space<vmem>>) dst(%dma_wait3A_283 : memref<10240x128xf32, #tpu.memory_space<vmem_shared>>)
      tpu.yield
    }) : () -> ()
    %dma_wait3A_59 = arith.constant 38 : i32
    %dma_wait3A_60 = arith.constant 0 : i32
    %dma_wait3A_61 = tpu.memref_slice %arg6[%dma_wait3A_59, %dma_wait3A_60] : memref<40x64xi32, #tpu.memory_space<vmem>> -> memref<1x64xi32, #tpu.memory_space<vmem>>
    %dma_wait3A_62 = tpu.memref_squeeze %dma_wait3A_61 : memref<1x64xi32, #tpu.memory_space<vmem>> -> memref<64xi32, #tpu.memory_space<vmem>>
    %dma_wait3A_63 = arith.constant 0 : i32
    %dma_wait3A_64 = arith.constant 0 : i32
    %dma_wait3A_65 = tpu.memref_slice %arg2[%dma_wait3A_63, %dma_wait3A_64] : memref<10240x128xf32, #tpu.memory_space<hbm>> -> memref<10240x128xf32, #tpu.memory_space<hbm>>
    tpu.wait_indirect_dma semaphore(%arg16 : memref<!tpu.dma_semaphore, #tpu.memory_space<semaphore_mem>>) src(%dma_wait3A_65 : memref<10240x128xf32, #tpu.memory_space<hbm>>) dst(%arg10 : memref<64x128xf32, #tpu.memory_space<vmem>>)
    %run_scoped3A_66 = arith.constant 38 : i32
    "tpu.region"() ({
      %run_scoped3A_271 = tpu.sem_alloc : memref<!tpu.dma_semaphore, #tpu.memory_space<semaphore_mem>>
      %dma_start3A_272 = arith.constant 0 : i32
      %dma_start3A_273 = tpu.memref_slice %arg7[%run_scoped3A_66, %dma_start3A_272] : memref<40x64xi32, #tpu.memory_space<vmem>> -> memref<1x64xi32, #tpu.memory_space<vmem>>
      %dma_start3A_274 = tpu.memref_squeeze %dma_start3A_273 : memref<1x64xi32, #tpu.memory_space<vmem>> -> memref<64xi32, #tpu.memory_space<vmem>>
      %dma_start3A_275 = arith.constant 0 : i32
      %dma_start3A_276 = arith.constant 0 : i32
      %dma_start3A_277 = tpu.memref_slice %arg13[%dma_start3A_275, %dma_start3A_276] : memref<10240x128xf32, #tpu.memory_space<vmem_shared>> -> memref<10240x128xf32, #tpu.memory_space<vmem_shared>>
      tpu.enqueue_indirect_dma source(%arg10 : memref<64x128xf32, #tpu.memory_space<vmem>>) target(%dma_start3A_277 : memref<10240x128xf32, #tpu.memory_space<vmem_shared>>) offsets(%dma_start3A_274 : memref<64xi32, #tpu.memory_space<vmem>>) semaphore(%run_scoped3A_271 : memref<!tpu.dma_semaphore, #tpu.memory_space<semaphore_mem>>) {add = true}
      %dma_wait3A_278 = arith.constant 0 : i32
      %dma_wait3A_279 = tpu.memref_slice %arg7[%run_scoped3A_66, %dma_wait3A_278] : memref<40x64xi32, #tpu.memory_space<vmem>> -> memref<1x64xi32, #tpu.memory_space<vmem>>
      %dma_wait3A_280 = tpu.memref_squeeze %dma_wait3A_279 : memref<1x64xi32, #tpu.memory_space<vmem>> -> memref<64xi32, #tpu.memory_space<vmem>>
      %dma_wait3A_281 = arith.constant 0 : i32
      %dma_wait3A_282 = arith.constant 0 : i32
      %dma_wait3A_283 = tpu.memref_slice %arg13[%dma_wait3A_281, %dma_wait3A_282] : memref<10240x128xf32, #tpu.memory_space<vmem_shared>> -> memref<10240x128xf32, #tpu.memory_space<vmem_shared>>
      tpu.wait_indirect_dma semaphore(%run_scoped3A_271 : memref<!tpu.dma_semaphore, #tpu.memory_space<semaphore_mem>>) src(%arg10 : memref<64x128xf32, #tpu.memory_space<vmem>>) dst(%dma_wait3A_283 : memref<10240x128xf32, #tpu.memory_space<vmem_shared>>)
      tpu.yield
    }) : () -> ()
    %dma_wait3A_67 = arith.constant 39 : i32
    %dma_wait3A_68 = arith.constant 0 : i32
    %dma_wait3A_69 = tpu.memref_slice %arg6[%dma_wait3A_67, %dma_wait3A_68] : memref<40x64xi32, #tpu.memory_space<vmem>> -> memref<1x64xi32, #tpu.memory_space<vmem>>
    %dma_wait3A_70 = tpu.memref_squeeze %dma_wait3A_69 : memref<1x64xi32, #tpu.memory_space<vmem>> -> memref<64xi32, #tpu.memory_space<vmem>>
    %dma_wait3A_71 = arith.constant 0 : i32
    %dma_wait3A_72 = arith.constant 0 : i32
    %dma_wait3A_73 = tpu.memref_slice %arg2[%dma_wait3A_71, %dma_wait3A_72] : memref<10240x128xf32, #tpu.memory_space<hbm>> -> memref<10240x128xf32, #tpu.memory_space<hbm>>
    tpu.wait_indirect_dma semaphore(%arg17 : memref<!tpu.dma_semaphore, #tpu.memory_space<semaphore_mem>>) src(%dma_wait3A_73 : memref<10240x128xf32, #tpu.memory_space<hbm>>) dst(%arg11 : memref<64x128xf32, #tpu.memory_space<vmem>>)
    %run_scoped3A_74 = arith.constant 39 : i32
    "tpu.region"() ({
      %run_scoped3A_271 = tpu.sem_alloc : memref<!tpu.dma_semaphore, #tpu.memory_space<semaphore_mem>>
      %dma_start3A_272 = arith.constant 0 : i32
      %dma_start3A_273 = tpu.memref_slice %arg7[%run_scoped3A_74, %dma_start3A_272] : memref<40x64xi32, #tpu.memory_space<vmem>> -> memref<1x64xi32, #tpu.memory_space<vmem>>
      %dma_start3A_274 = tpu.memref_squeeze %dma_start3A_273 : memref<1x64xi32, #tpu.memory_space<vmem>> -> memref<64xi32, #tpu.memory_space<vmem>>
      %dma_start3A_275 = arith.constant 0 : i32
      %dma_start3A_276 = arith.constant 0 : i32
      %dma_start3A_277 = tpu.memref_slice %arg13[%dma_start3A_275, %dma_start3A_276] : memref<10240x128xf32, #tpu.memory_space<vmem_shared>> -> memref<10240x128xf32, #tpu.memory_space<vmem_shared>>
      tpu.enqueue_indirect_dma source(%arg11 : memref<64x128xf32, #tpu.memory_space<vmem>>) target(%dma_start3A_277 : memref<10240x128xf32, #tpu.memory_space<vmem_shared>>) offsets(%dma_start3A_274 : memref<64xi32, #tpu.memory_space<vmem>>) semaphore(%run_scoped3A_271 : memref<!tpu.dma_semaphore, #tpu.memory_space<semaphore_mem>>) {add = true}
      %dma_wait3A_278 = arith.constant 0 : i32
      %dma_wait3A_279 = tpu.memref_slice %arg7[%run_scoped3A_74, %dma_wait3A_278] : memref<40x64xi32, #tpu.memory_space<vmem>> -> memref<1x64xi32, #tpu.memory_space<vmem>>
      %dma_wait3A_280 = tpu.memref_squeeze %dma_wait3A_279 : memref<1x64xi32, #tpu.memory_space<vmem>> -> memref<64xi32, #tpu.memory_space<vmem>>
      %dma_wait3A_281 = arith.constant 0 : i32
      %dma_wait3A_282 = arith.constant 0 : i32
      %dma_wait3A_283 = tpu.memref_slice %arg13[%dma_wait3A_281, %dma_wait3A_282] : memref<10240x128xf32, #tpu.memory_space<vmem_shared>> -> memref<10240x128xf32, #tpu.memory_space<vmem_shared>>
      tpu.wait_indirect_dma semaphore(%run_scoped3A_271 : memref<!tpu.dma_semaphore, #tpu.memory_space<semaphore_mem>>) src(%arg11 : memref<64x128xf32, #tpu.memory_space<vmem>>) dst(%dma_wait3A_283 : memref<10240x128xf32, #tpu.memory_space<vmem_shared>>)
      tpu.yield
    }) : () -> ()
    "tpu.region"() ({
      %run_scoped3A_271 = tpu.sem_alloc : memref<!tpu.dma_semaphore, #tpu.memory_space<semaphore_mem>>
      %dma_start3A_272 = arith.constant 0 : i32
      %dma_start3A_273 = arith.constant 0 : i32
      %dma_start3A_274 = tpu.memref_slice %arg3[%add3A, %dma_start3A_272, %dma_start3A_273] : memref<32x160x64xi32, #tpu.memory_space<hbm>> -> memref<1x160x64xi32, #tpu.memory_space<hbm>>
      %dma_start3A_275 = tpu.memref_squeeze %dma_start3A_274 : memref<1x160x64xi32, #tpu.memory_space<hbm>> -> memref<160x64xi32, #tpu.memory_space<hbm>>
      %dma_start3A_276 = arith.constant 40 : i32
      %dma_start3A_277 = arith.constant 0 : i32
      %dma_start3A_278 = tpu.memref_slice %dma_start3A_275[%dma_start3A_276, %dma_start3A_277] : memref<160x64xi32, #tpu.memory_space<hbm>> -> memref<40x64xi32, #tpu.memory_space<hbm>>
      %dma_start3A_279 = arith.constant 0 : i32
      %dma_start3A_280 = arith.constant 0 : i32
      %dma_start3A_281 = tpu.memref_slice %arg3[%add3A, %dma_start3A_279, %dma_start3A_280] : memref<32x160x64xi32, #tpu.memory_space<hbm>> -> memref<1x160x64xi32, #tpu.memory_space<hbm>>
      %dma_start3A_282 = tpu.memref_squeeze %dma_start3A_281 : memref<1x160x64xi32, #tpu.memory_space<hbm>> -> memref<160x64xi32, #tpu.memory_space<hbm>>
      %dma_start3A_283 = arith.constant 40 : i32
      %dma_start3A_284 = arith.constant 0 : i32
      %dma_start3A_285 = tpu.memref_slice %dma_start3A_282[%dma_start3A_283, %dma_start3A_284] : memref<160x64xi32, #tpu.memory_space<hbm>> -> memref<40x64xi32, #tpu.memory_space<hbm>>
      tpu.enqueue_dma source(%dma_start3A_285 : memref<40x64xi32, #tpu.memory_space<hbm>>) target(%arg6 : memref<40x64xi32, #tpu.memory_space<vmem>>) target_semaphore(%run_scoped3A_271 : memref<!tpu.dma_semaphore, #tpu.memory_space<semaphore_mem>>)
      %dma_wait3A_286 = arith.constant 0 : i32
      %dma_wait3A_287 = arith.constant 0 : i32
      %dma_wait3A_288 = tpu.memref_slice %arg3[%add3A, %dma_wait3A_286, %dma_wait3A_287] : memref<32x160x64xi32, #tpu.memory_space<hbm>> -> memref<1x160x64xi32, #tpu.memory_space<hbm>>
      %dma_wait3A_289 = tpu.memref_squeeze %dma_wait3A_288 : memref<1x160x64xi32, #tpu.memory_space<hbm>> -> memref<160x64xi32, #tpu.memory_space<hbm>>
      %dma_wait3A_290 = arith.constant 40 : i32
      %dma_wait3A_291 = arith.constant 0 : i32
      %dma_wait3A_292 = tpu.memref_slice %dma_wait3A_289[%dma_wait3A_290, %dma_wait3A_291] : memref<160x64xi32, #tpu.memory_space<hbm>> -> memref<40x64xi32, #tpu.memory_space<hbm>>
      %dma_wait3A_293 = arith.constant 0 : i32
      %dma_wait3A_294 = arith.constant 0 : i32
      %dma_wait3A_295 = tpu.memref_slice %arg3[%add3A, %dma_wait3A_293, %dma_wait3A_294] : memref<32x160x64xi32, #tpu.memory_space<hbm>> -> memref<1x160x64xi32, #tpu.memory_space<hbm>>
      %dma_wait3A_296 = tpu.memref_squeeze %dma_wait3A_295 : memref<1x160x64xi32, #tpu.memory_space<hbm>> -> memref<160x64xi32, #tpu.memory_space<hbm>>
      %dma_wait3A_297 = arith.constant 40 : i32
      %dma_wait3A_298 = arith.constant 0 : i32
      %dma_wait3A_299 = tpu.memref_slice %dma_wait3A_296[%dma_wait3A_297, %dma_wait3A_298] : memref<160x64xi32, #tpu.memory_space<hbm>> -> memref<40x64xi32, #tpu.memory_space<hbm>>
      tpu.wait_dma2 semaphore(%run_scoped3A_271 : memref<!tpu.dma_semaphore, #tpu.memory_space<semaphore_mem>>) src(%dma_wait3A_299 : memref<40x64xi32, #tpu.memory_space<hbm>>) dst(%arg6 : memref<40x64xi32, #tpu.memory_space<vmem>>)
      tpu.yield
    }) : () -> ()
    "tpu.region"() ({
      %run_scoped3A_271 = tpu.sem_alloc : memref<!tpu.dma_semaphore, #tpu.memory_space<semaphore_mem>>
      %dma_start3A_272 = arith.constant 0 : i32
      %dma_start3A_273 = arith.constant 0 : i32
      %dma_start3A_274 = tpu.memref_slice %arg4[%add3A, %dma_start3A_272, %dma_start3A_273] : memref<32x160x64xi32, #tpu.memory_space<hbm>> -> memref<1x160x64xi32, #tpu.memory_space<hbm>>
      %dma_start3A_275 = tpu.memref_squeeze %dma_start3A_274 : memref<1x160x64xi32, #tpu.memory_space<hbm>> -> memref<160x64xi32, #tpu.memory_space<hbm>>
      %dma_start3A_276 = arith.constant 40 : i32
      %dma_start3A_277 = arith.constant 0 : i32
      %dma_start3A_278 = tpu.memref_slice %dma_start3A_275[%dma_start3A_276, %dma_start3A_277] : memref<160x64xi32, #tpu.memory_space<hbm>> -> memref<40x64xi32, #tpu.memory_space<hbm>>
      %dma_start3A_279 = arith.constant 0 : i32
      %dma_start3A_280 = arith.constant 0 : i32
      %dma_start3A_281 = tpu.memref_slice %arg4[%add3A, %dma_start3A_279, %dma_start3A_280] : memref<32x160x64xi32, #tpu.memory_space<hbm>> -> memref<1x160x64xi32, #tpu.memory_space<hbm>>
      %dma_start3A_282 = tpu.memref_squeeze %dma_start3A_281 : memref<1x160x64xi32, #tpu.memory_space<hbm>> -> memref<160x64xi32, #tpu.memory_space<hbm>>
      %dma_start3A_283 = arith.constant 40 : i32
      %dma_start3A_284 = arith.constant 0 : i32
      %dma_start3A_285 = tpu.memref_slice %dma_start3A_282[%dma_start3A_283, %dma_start3A_284] : memref<160x64xi32, #tpu.memory_space<hbm>> -> memref<40x64xi32, #tpu.memory_space<hbm>>
      tpu.enqueue_dma source(%dma_start3A_285 : memref<40x64xi32, #tpu.memory_space<hbm>>) target(%arg7 : memref<40x64xi32, #tpu.memory_space<vmem>>) target_semaphore(%run_scoped3A_271 : memref<!tpu.dma_semaphore, #tpu.memory_space<semaphore_mem>>)
      %dma_wait3A_286 = arith.constant 0 : i32
      %dma_wait3A_287 = arith.constant 0 : i32
      %dma_wait3A_288 = tpu.memref_slice %arg4[%add3A, %dma_wait3A_286, %dma_wait3A_287] : memref<32x160x64xi32, #tpu.memory_space<hbm>> -> memref<1x160x64xi32, #tpu.memory_space<hbm>>
      %dma_wait3A_289 = tpu.memref_squeeze %dma_wait3A_288 : memref<1x160x64xi32, #tpu.memory_space<hbm>> -> memref<160x64xi32, #tpu.memory_space<hbm>>
      %dma_wait3A_290 = arith.constant 40 : i32
      %dma_wait3A_291 = arith.constant 0 : i32
      %dma_wait3A_292 = tpu.memref_slice %dma_wait3A_289[%dma_wait3A_290, %dma_wait3A_291] : memref<160x64xi32, #tpu.memory_space<hbm>> -> memref<40x64xi32, #tpu.memory_space<hbm>>
      %dma_wait3A_293 = arith.constant 0 : i32
      %dma_wait3A_294 = arith.constant 0 : i32
      %dma_wait3A_295 = tpu.memref_slice %arg4[%add3A, %dma_wait3A_293, %dma_wait3A_294] : memref<32x160x64xi32, #tpu.memory_space<hbm>> -> memref<1x160x64xi32, #tpu.memory_space<hbm>>
      %dma_wait3A_296 = tpu.memref_squeeze %dma_wait3A_295 : memref<1x160x64xi32, #tpu.memory_space<hbm>> -> memref<160x64xi32, #tpu.memory_space<hbm>>
      %dma_wait3A_297 = arith.constant 40 : i32
      %dma_wait3A_298 = arith.constant 0 : i32
      %dma_wait3A_299 = tpu.memref_slice %dma_wait3A_296[%dma_wait3A_297, %dma_wait3A_298] : memref<160x64xi32, #tpu.memory_space<hbm>> -> memref<40x64xi32, #tpu.memory_space<hbm>>
      tpu.wait_dma2 semaphore(%run_scoped3A_271 : memref<!tpu.dma_semaphore, #tpu.memory_space<semaphore_mem>>) src(%dma_wait3A_299 : memref<40x64xi32, #tpu.memory_space<hbm>>) dst(%arg7 : memref<40x64xi32, #tpu.memory_space<vmem>>)
      tpu.yield
    }) : () -> ()
    %dma_start3A_75 = arith.constant 0 : i32
    %dma_start3A_76 = arith.constant 0 : i32
    %dma_start3A_77 = tpu.memref_slice %arg6[%dma_start3A_75, %dma_start3A_76] : memref<40x64xi32, #tpu.memory_space<vmem>> -> memref<1x64xi32, #tpu.memory_space<vmem>>
    %dma_start3A_78 = tpu.memref_squeeze %dma_start3A_77 : memref<1x64xi32, #tpu.memory_space<vmem>> -> memref<64xi32, #tpu.memory_space<vmem>>
    %dma_start3A_79 = arith.constant 0 : i32
    %dma_start3A_80 = arith.constant 0 : i32
    %dma_start3A_81 = tpu.memref_slice %arg2[%dma_start3A_79, %dma_start3A_80] : memref<10240x128xf32, #tpu.memory_space<hbm>> -> memref<10240x128xf32, #tpu.memory_space<hbm>>
    tpu.enqueue_indirect_dma source(%dma_start3A_81 : memref<10240x128xf32, #tpu.memory_space<hbm>>) target(%arg8 : memref<64x128xf32, #tpu.memory_space<vmem>>) offsets(%dma_start3A_78 : memref<64xi32, #tpu.memory_space<vmem>>) semaphore(%arg14 : memref<!tpu.dma_semaphore, #tpu.memory_space<semaphore_mem>>)
    %dma_start3A_82 = arith.constant 1 : i32
    %dma_start3A_83 = arith.constant 0 : i32
    %dma_start3A_84 = tpu.memref_slice %arg6[%dma_start3A_82, %dma_start3A_83] : memref<40x64xi32, #tpu.memory_space<vmem>> -> memref<1x64xi32, #tpu.memory_space<vmem>>
    %dma_start3A_85 = tpu.memref_squeeze %dma_start3A_84 : memref<1x64xi32, #tpu.memory_space<vmem>> -> memref<64xi32, #tpu.memory_space<vmem>>
    %dma_start3A_86 = arith.constant 0 : i32
    %dma_start3A_87 = arith.constant 0 : i32
    %dma_start3A_88 = tpu.memref_slice %arg2[%dma_start3A_86, %dma_start3A_87] : memref<10240x128xf32, #tpu.memory_space<hbm>> -> memref<10240x128xf32, #tpu.memory_space<hbm>>
    tpu.enqueue_indirect_dma source(%dma_start3A_88 : memref<10240x128xf32, #tpu.memory_space<hbm>>) target(%arg9 : memref<64x128xf32, #tpu.memory_space<vmem>>) offsets(%dma_start3A_85 : memref<64xi32, #tpu.memory_space<vmem>>) semaphore(%arg15 : memref<!tpu.dma_semaphore, #tpu.memory_space<semaphore_mem>>)
    %dma_start3A_89 = arith.constant 2 : i32
    %dma_start3A_90 = arith.constant 0 : i32
    %dma_start3A_91 = tpu.memref_slice %arg6[%dma_start3A_89, %dma_start3A_90] : memref<40x64xi32, #tpu.memory_space<vmem>> -> memref<1x64xi32, #tpu.memory_space<vmem>>
    %dma_start3A_92 = tpu.memref_squeeze %dma_start3A_91 : memref<1x64xi32, #tpu.memory_space<vmem>> -> memref<64xi32, #tpu.memory_space<vmem>>
    %dma_start3A_93 = arith.constant 0 : i32
    %dma_start3A_94 = arith.constant 0 : i32
    %dma_start3A_95 = tpu.memref_slice %arg2[%dma_start3A_93, %dma_start3A_94] : memref<10240x128xf32, #tpu.memory_space<hbm>> -> memref<10240x128xf32, #tpu.memory_space<hbm>>
    tpu.enqueue_indirect_dma source(%dma_start3A_95 : memref<10240x128xf32, #tpu.memory_space<hbm>>) target(%arg10 : memref<64x128xf32, #tpu.memory_space<vmem>>) offsets(%dma_start3A_92 : memref<64xi32, #tpu.memory_space<vmem>>) semaphore(%arg16 : memref<!tpu.dma_semaphore, #tpu.memory_space<semaphore_mem>>)
    %dma_start3A_96 = arith.constant 3 : i32
    %dma_start3A_97 = arith.constant 0 : i32
    %dma_start3A_98 = tpu.memref_slice %arg6[%dma_start3A_96, %dma_start3A_97] : memref<40x64xi32, #tpu.memory_space<vmem>> -> memref<1x64xi32, #tpu.memory_space<vmem>>
    %dma_start3A_99 = tpu.memref_squeeze %dma_start3A_98 : memref<1x64xi32, #tpu.memory_space<vmem>> -> memref<64xi32, #tpu.memory_space<vmem>>
    %dma_start3A_100 = arith.constant 0 : i32
    %dma_start3A_101 = arith.constant 0 : i32
    %dma_start3A_102 = tpu.memref_slice %arg2[%dma_start3A_100, %dma_start3A_101] : memref<10240x128xf32, #tpu.memory_space<hbm>> -> memref<10240x128xf32, #tpu.memory_space<hbm>>
    tpu.enqueue_indirect_dma source(%dma_start3A_102 : memref<10240x128xf32, #tpu.memory_space<hbm>>) target(%arg11 : memref<64x128xf32, #tpu.memory_space<vmem>>) offsets(%dma_start3A_99 : memref<64xi32, #tpu.memory_space<vmem>>) semaphore(%arg17 : memref<!tpu.dma_semaphore, #tpu.memory_space<semaphore_mem>>)
    %scan3A_103 = arith.constant 0 : i32
    %scan3A_104 = arith.constant 9 : i32
    %scan3A_105 = arith.addi %scan3A_103, %scan3A_104 : i32
    %scan3A_106 = arith.constant 1 : i32
    scf.for %scan3A_271 = %scan3A_103 to %scan3A_105 step %scan3A_106  : i32 {
      %mul3A_272 = arith.constant 4 : i32
      %mul3A_273 = arith.muli %scan3A_271, %mul3A_272 : i32
      %add3A_274 = arith.constant 0 : i32
      %add3A_275 = arith.addi %add3A_274, %mul3A_273 : i32
      %add3A_276 = arith.constant 0 : i32
      %add3A_277 = arith.addi %add3A_275, %add3A_276 : i32
      %dma_wait3A_278 = arith.constant 0 : i32
      %dma_wait3A_279 = tpu.memref_slice %arg6[%add3A_277, %dma_wait3A_278] : memref<40x64xi32, #tpu.memory_space<vmem>> -> memref<1x64xi32, #tpu.memory_space<vmem>>
      %dma_wait3A_280 = tpu.memref_squeeze %dma_wait3A_279 : memref<1x64xi32, #tpu.memory_space<vmem>> -> memref<64xi32, #tpu.memory_space<vmem>>
      %dma_wait3A_281 = arith.constant 0 : i32
      %dma_wait3A_282 = arith.constant 0 : i32
      %dma_wait3A_283 = tpu.memref_slice %arg2[%dma_wait3A_281, %dma_wait3A_282] : memref<10240x128xf32, #tpu.memory_space<hbm>> -> memref<10240x128xf32, #tpu.memory_space<hbm>>
      tpu.wait_indirect_dma semaphore(%arg14 : memref<!tpu.dma_semaphore, #tpu.memory_space<semaphore_mem>>) src(%dma_wait3A_283 : memref<10240x128xf32, #tpu.memory_space<hbm>>) dst(%arg8 : memref<64x128xf32, #tpu.memory_space<vmem>>)
      %add3A_284 = arith.constant 0 : i32
      %add3A_285 = arith.addi %add3A_275, %add3A_284 : i32
      %dma_start3A_286 = arith.constant 0 : i32
      %dma_start3A_287 = tpu.memref_slice %arg7[%add3A_285, %dma_start3A_286] : memref<40x64xi32, #tpu.memory_space<vmem>> -> memref<1x64xi32, #tpu.memory_space<vmem>>
      %dma_start3A_288 = tpu.memref_squeeze %dma_start3A_287 : memref<1x64xi32, #tpu.memory_space<vmem>> -> memref<64xi32, #tpu.memory_space<vmem>>
      %dma_start3A_289 = arith.constant 0 : i32
      %dma_start3A_290 = arith.constant 0 : i32
      %dma_start3A_291 = tpu.memref_slice %arg13[%dma_start3A_289, %dma_start3A_290] : memref<10240x128xf32, #tpu.memory_space<vmem_shared>> -> memref<10240x128xf32, #tpu.memory_space<vmem_shared>>
      tpu.enqueue_indirect_dma source(%arg8 : memref<64x128xf32, #tpu.memory_space<vmem>>) target(%dma_start3A_291 : memref<10240x128xf32, #tpu.memory_space<vmem_shared>>) offsets(%dma_start3A_288 : memref<64xi32, #tpu.memory_space<vmem>>) semaphore(%arg18 : memref<!tpu.dma_semaphore, #tpu.memory_space<semaphore_mem>>) {add = true}
      %add3A_292 = arith.constant 1 : i32
      %add3A_293 = arith.addi %add3A_275, %add3A_292 : i32
      %dma_wait3A_294 = arith.constant 0 : i32
      %dma_wait3A_295 = tpu.memref_slice %arg6[%add3A_293, %dma_wait3A_294] : memref<40x64xi32, #tpu.memory_space<vmem>> -> memref<1x64xi32, #tpu.memory_space<vmem>>
      %dma_wait3A_296 = tpu.memref_squeeze %dma_wait3A_295 : memref<1x64xi32, #tpu.memory_space<vmem>> -> memref<64xi32, #tpu.memory_space<vmem>>
      %dma_wait3A_297 = arith.constant 0 : i32
      %dma_wait3A_298 = arith.constant 0 : i32
      %dma_wait3A_299 = tpu.memref_slice %arg2[%dma_wait3A_297, %dma_wait3A_298] : memref<10240x128xf32, #tpu.memory_space<hbm>> -> memref<10240x128xf32, #tpu.memory_space<hbm>>
      tpu.wait_indirect_dma semaphore(%arg15 : memref<!tpu.dma_semaphore, #tpu.memory_space<semaphore_mem>>) src(%dma_wait3A_299 : memref<10240x128xf32, #tpu.memory_space<hbm>>) dst(%arg9 : memref<64x128xf32, #tpu.memory_space<vmem>>)
      %add3A_300 = arith.constant 1 : i32
      %add3A_301 = arith.addi %add3A_275, %add3A_300 : i32
      %dma_start3A_302 = arith.constant 0 : i32
      %dma_start3A_303 = tpu.memref_slice %arg7[%add3A_301, %dma_start3A_302] : memref<40x64xi32, #tpu.memory_space<vmem>> -> memref<1x64xi32, #tpu.memory_space<vmem>>
      %dma_start3A_304 = tpu.memref_squeeze %dma_start3A_303 : memref<1x64xi32, #tpu.memory_space<vmem>> -> memref<64xi32, #tpu.memory_space<vmem>>
      %dma_start3A_305 = arith.constant 0 : i32
      %dma_start3A_306 = arith.constant 0 : i32
      %dma_start3A_307 = tpu.memref_slice %arg13[%dma_start3A_305, %dma_start3A_306] : memref<10240x128xf32, #tpu.memory_space<vmem_shared>> -> memref<10240x128xf32, #tpu.memory_space<vmem_shared>>
      tpu.enqueue_indirect_dma source(%arg9 : memref<64x128xf32, #tpu.memory_space<vmem>>) target(%dma_start3A_307 : memref<10240x128xf32, #tpu.memory_space<vmem_shared>>) offsets(%dma_start3A_304 : memref<64xi32, #tpu.memory_space<vmem>>) semaphore(%arg19 : memref<!tpu.dma_semaphore, #tpu.memory_space<semaphore_mem>>) {add = true}
      %add3A_308 = arith.constant 2 : i32
      %add3A_309 = arith.addi %add3A_275, %add3A_308 : i32
      %dma_wait3A_310 = arith.constant 0 : i32
      %dma_wait3A_311 = tpu.memref_slice %arg6[%add3A_309, %dma_wait3A_310] : memref<40x64xi32, #tpu.memory_space<vmem>> -> memref<1x64xi32, #tpu.memory_space<vmem>>
      %dma_wait3A_312 = tpu.memref_squeeze %dma_wait3A_311 : memref<1x64xi32, #tpu.memory_space<vmem>> -> memref<64xi32, #tpu.memory_space<vmem>>
      %dma_wait3A_313 = arith.constant 0 : i32
      %dma_wait3A_314 = arith.constant 0 : i32
      %dma_wait3A_315 = tpu.memref_slice %arg2[%dma_wait3A_313, %dma_wait3A_314] : memref<10240x128xf32, #tpu.memory_space<hbm>> -> memref<10240x128xf32, #tpu.memory_space<hbm>>
      tpu.wait_indirect_dma semaphore(%arg16 : memref<!tpu.dma_semaphore, #tpu.memory_space<semaphore_mem>>) src(%dma_wait3A_315 : memref<10240x128xf32, #tpu.memory_space<hbm>>) dst(%arg10 : memref<64x128xf32, #tpu.memory_space<vmem>>)
      %add3A_316 = arith.constant 2 : i32
      %add3A_317 = arith.addi %add3A_275, %add3A_316 : i32
      %dma_start3A_318 = arith.constant 0 : i32
      %dma_start3A_319 = tpu.memref_slice %arg7[%add3A_317, %dma_start3A_318] : memref<40x64xi32, #tpu.memory_space<vmem>> -> memref<1x64xi32, #tpu.memory_space<vmem>>
      %dma_start3A_320 = tpu.memref_squeeze %dma_start3A_319 : memref<1x64xi32, #tpu.memory_space<vmem>> -> memref<64xi32, #tpu.memory_space<vmem>>
      %dma_start3A_321 = arith.constant 0 : i32
      %dma_start3A_322 = arith.constant 0 : i32
      %dma_start3A_323 = tpu.memref_slice %arg13[%dma_start3A_321, %dma_start3A_322] : memref<10240x128xf32, #tpu.memory_space<vmem_shared>> -> memref<10240x128xf32, #tpu.memory_space<vmem_shared>>
      tpu.enqueue_indirect_dma source(%arg10 : memref<64x128xf32, #tpu.memory_space<vmem>>) target(%dma_start3A_323 : memref<10240x128xf32, #tpu.memory_space<vmem_shared>>) offsets(%dma_start3A_320 : memref<64xi32, #tpu.memory_space<vmem>>) semaphore(%arg20 : memref<!tpu.dma_semaphore, #tpu.memory_space<semaphore_mem>>) {add = true}
      %add3A_324 = arith.constant 3 : i32
      %add3A_325 = arith.addi %add3A_275, %add3A_324 : i32
      %dma_wait3A_326 = arith.constant 0 : i32
      %dma_wait3A_327 = tpu.memref_slice %arg6[%add3A_325, %dma_wait3A_326] : memref<40x64xi32, #tpu.memory_space<vmem>> -> memref<1x64xi32, #tpu.memory_space<vmem>>
      %dma_wait3A_328 = tpu.memref_squeeze %dma_wait3A_327 : memref<1x64xi32, #tpu.memory_space<vmem>> -> memref<64xi32, #tpu.memory_space<vmem>>
      %dma_wait3A_329 = arith.constant 0 : i32
      %dma_wait3A_330 = arith.constant 0 : i32
      %dma_wait3A_331 = tpu.memref_slice %arg2[%dma_wait3A_329, %dma_wait3A_330] : memref<10240x128xf32, #tpu.memory_space<hbm>> -> memref<10240x128xf32, #tpu.memory_space<hbm>>
      tpu.wait_indirect_dma semaphore(%arg17 : memref<!tpu.dma_semaphore, #tpu.memory_space<semaphore_mem>>) src(%dma_wait3A_331 : memref<10240x128xf32, #tpu.memory_space<hbm>>) dst(%arg11 : memref<64x128xf32, #tpu.memory_space<vmem>>)
      %add3A_332 = arith.constant 3 : i32
      %add3A_333 = arith.addi %add3A_275, %add3A_332 : i32
      %dma_start3A_334 = arith.constant 0 : i32
      %dma_start3A_335 = tpu.memref_slice %arg7[%add3A_333, %dma_start3A_334] : memref<40x64xi32, #tpu.memory_space<vmem>> -> memref<1x64xi32, #tpu.memory_space<vmem>>
      %dma_start3A_336 = tpu.memref_squeeze %dma_start3A_335 : memref<1x64xi32, #tpu.memory_space<vmem>> -> memref<64xi32, #tpu.memory_space<vmem>>
      %dma_start3A_337 = arith.constant 0 : i32
      %dma_start3A_338 = arith.constant 0 : i32
      %dma_start3A_339 = tpu.memref_slice %arg13[%dma_start3A_337, %dma_start3A_338] : memref<10240x128xf32, #tpu.memory_space<vmem_shared>> -> memref<10240x128xf32, #tpu.memory_space<vmem_shared>>
      tpu.enqueue_indirect_dma source(%arg11 : memref<64x128xf32, #tpu.memory_space<vmem>>) target(%dma_start3A_339 : memref<10240x128xf32, #tpu.memory_space<vmem_shared>>) offsets(%dma_start3A_336 : memref<64xi32, #tpu.memory_space<vmem>>) semaphore(%arg21 : memref<!tpu.dma_semaphore, #tpu.memory_space<semaphore_mem>>) {add = true}
      %add3A_340 = arith.constant 0 : i32
      %add3A_341 = arith.addi %add3A_275, %add3A_340 : i32
      %dma_wait3A_342 = arith.constant 0 : i32
      %dma_wait3A_343 = tpu.memref_slice %arg7[%add3A_341, %dma_wait3A_342] : memref<40x64xi32, #tpu.memory_space<vmem>> -> memref<1x64xi32, #tpu.memory_space<vmem>>
      %dma_wait3A_344 = tpu.memref_squeeze %dma_wait3A_343 : memref<1x64xi32, #tpu.memory_space<vmem>> -> memref<64xi32, #tpu.memory_space<vmem>>
      %dma_wait3A_345 = arith.constant 0 : i32
      %dma_wait3A_346 = arith.constant 0 : i32
      %dma_wait3A_347 = tpu.memref_slice %arg13[%dma_wait3A_345, %dma_wait3A_346] : memref<10240x128xf32, #tpu.memory_space<vmem_shared>> -> memref<10240x128xf32, #tpu.memory_space<vmem_shared>>
      tpu.wait_indirect_dma semaphore(%arg18 : memref<!tpu.dma_semaphore, #tpu.memory_space<semaphore_mem>>) src(%arg8 : memref<64x128xf32, #tpu.memory_space<vmem>>) dst(%dma_wait3A_347 : memref<10240x128xf32, #tpu.memory_space<vmem_shared>>)
      %add3A_348 = arith.constant 4 : i32
      %add3A_349 = arith.addi %add3A_275, %add3A_348 : i32
      %add3A_350 = arith.constant 0 : i32
      %add3A_351 = arith.addi %add3A_349, %add3A_350 : i32
      %dma_start3A_352 = arith.constant 0 : i32
      %dma_start3A_353 = tpu.memref_slice %arg6[%add3A_351, %dma_start3A_352] : memref<40x64xi32, #tpu.memory_space<vmem>> -> memref<1x64xi32, #tpu.memory_space<vmem>>
      %dma_start3A_354 = tpu.memref_squeeze %dma_start3A_353 : memref<1x64xi32, #tpu.memory_space<vmem>> -> memref<64xi32, #tpu.memory_space<vmem>>
      %dma_start3A_355 = arith.constant 0 : i32
      %dma_start3A_356 = arith.constant 0 : i32
      %dma_start3A_357 = tpu.memref_slice %arg2[%dma_start3A_355, %dma_start3A_356] : memref<10240x128xf32, #tpu.memory_space<hbm>> -> memref<10240x128xf32, #tpu.memory_space<hbm>>
      tpu.enqueue_indirect_dma source(%dma_start3A_357 : memref<10240x128xf32, #tpu.memory_space<hbm>>) target(%arg8 : memref<64x128xf32, #tpu.memory_space<vmem>>) offsets(%dma_start3A_354 : memref<64xi32, #tpu.memory_space<vmem>>) semaphore(%arg14 : memref<!tpu.dma_semaphore, #tpu.memory_space<semaphore_mem>>)
      %add3A_358 = arith.constant 1 : i32
      %add3A_359 = arith.addi %add3A_275, %add3A_358 : i32
      %dma_wait3A_360 = arith.constant 0 : i32
      %dma_wait3A_361 = tpu.memref_slice %arg7[%add3A_359, %dma_wait3A_360] : memref<40x64xi32, #tpu.memory_space<vmem>> -> memref<1x64xi32, #tpu.memory_space<vmem>>
      %dma_wait3A_362 = tpu.memref_squeeze %dma_wait3A_361 : memref<1x64xi32, #tpu.memory_space<vmem>> -> memref<64xi32, #tpu.memory_space<vmem>>
      %dma_wait3A_363 = arith.constant 0 : i32
      %dma_wait3A_364 = arith.constant 0 : i32
      %dma_wait3A_365 = tpu.memref_slice %arg13[%dma_wait3A_363, %dma_wait3A_364] : memref<10240x128xf32, #tpu.memory_space<vmem_shared>> -> memref<10240x128xf32, #tpu.memory_space<vmem_shared>>
      tpu.wait_indirect_dma semaphore(%arg19 : memref<!tpu.dma_semaphore, #tpu.memory_space<semaphore_mem>>) src(%arg9 : memref<64x128xf32, #tpu.memory_space<vmem>>) dst(%dma_wait3A_365 : memref<10240x128xf32, #tpu.memory_space<vmem_shared>>)
      %add3A_366 = arith.constant 4 : i32
      %add3A_367 = arith.addi %add3A_275, %add3A_366 : i32
      %add3A_368 = arith.constant 1 : i32
      %add3A_369 = arith.addi %add3A_367, %add3A_368 : i32
      %dma_start3A_370 = arith.constant 0 : i32
      %dma_start3A_371 = tpu.memref_slice %arg6[%add3A_369, %dma_start3A_370] : memref<40x64xi32, #tpu.memory_space<vmem>> -> memref<1x64xi32, #tpu.memory_space<vmem>>
      %dma_start3A_372 = tpu.memref_squeeze %dma_start3A_371 : memref<1x64xi32, #tpu.memory_space<vmem>> -> memref<64xi32, #tpu.memory_space<vmem>>
      %dma_start3A_373 = arith.constant 0 : i32
      %dma_start3A_374 = arith.constant 0 : i32
      %dma_start3A_375 = tpu.memref_slice %arg2[%dma_start3A_373, %dma_start3A_374] : memref<10240x128xf32, #tpu.memory_space<hbm>> -> memref<10240x128xf32, #tpu.memory_space<hbm>>
      tpu.enqueue_indirect_dma source(%dma_start3A_375 : memref<10240x128xf32, #tpu.memory_space<hbm>>) target(%arg9 : memref<64x128xf32, #tpu.memory_space<vmem>>) offsets(%dma_start3A_372 : memref<64xi32, #tpu.memory_space<vmem>>) semaphore(%arg15 : memref<!tpu.dma_semaphore, #tpu.memory_space<semaphore_mem>>)
      %add3A_376 = arith.constant 2 : i32
      %add3A_377 = arith.addi %add3A_275, %add3A_376 : i32
      %dma_wait3A_378 = arith.constant 0 : i32
      %dma_wait3A_379 = tpu.memref_slice %arg7[%add3A_377, %dma_wait3A_378] : memref<40x64xi32, #tpu.memory_space<vmem>> -> memref<1x64xi32, #tpu.memory_space<vmem>>
      %dma_wait3A_380 = tpu.memref_squeeze %dma_wait3A_379 : memref<1x64xi32, #tpu.memory_space<vmem>> -> memref<64xi32, #tpu.memory_space<vmem>>
      %dma_wait3A_381 = arith.constant 0 : i32
      %dma_wait3A_382 = arith.constant 0 : i32
      %dma_wait3A_383 = tpu.memref_slice %arg13[%dma_wait3A_381, %dma_wait3A_382] : memref<10240x128xf32, #tpu.memory_space<vmem_shared>> -> memref<10240x128xf32, #tpu.memory_space<vmem_shared>>
      tpu.wait_indirect_dma semaphore(%arg20 : memref<!tpu.dma_semaphore, #tpu.memory_space<semaphore_mem>>) src(%arg10 : memref<64x128xf32, #tpu.memory_space<vmem>>) dst(%dma_wait3A_383 : memref<10240x128xf32, #tpu.memory_space<vmem_shared>>)
      %add3A_384 = arith.constant 4 : i32
      %add3A_385 = arith.addi %add3A_275, %add3A_384 : i32
      %add3A_386 = arith.constant 2 : i32
      %add3A_387 = arith.addi %add3A_385, %add3A_386 : i32
      %dma_start3A_388 = arith.constant 0 : i32
      %dma_start3A_389 = tpu.memref_slice %arg6[%add3A_387, %dma_start3A_388] : memref<40x64xi32, #tpu.memory_space<vmem>> -> memref<1x64xi32, #tpu.memory_space<vmem>>
      %dma_start3A_390 = tpu.memref_squeeze %dma_start3A_389 : memref<1x64xi32, #tpu.memory_space<vmem>> -> memref<64xi32, #tpu.memory_space<vmem>>
      %dma_start3A_391 = arith.constant 0 : i32
      %dma_start3A_392 = arith.constant 0 : i32
      %dma_start3A_393 = tpu.memref_slice %arg2[%dma_start3A_391, %dma_start3A_392] : memref<10240x128xf32, #tpu.memory_space<hbm>> -> memref<10240x128xf32, #tpu.memory_space<hbm>>
      tpu.enqueue_indirect_dma source(%dma_start3A_393 : memref<10240x128xf32, #tpu.memory_space<hbm>>) target(%arg10 : memref<64x128xf32, #tpu.memory_space<vmem>>) offsets(%dma_start3A_390 : memref<64xi32, #tpu.memory_space<vmem>>) semaphore(%arg16 : memref<!tpu.dma_semaphore, #tpu.memory_space<semaphore_mem>>)
      %add3A_394 = arith.constant 3 : i32
      %add3A_395 = arith.addi %add3A_275, %add3A_394 : i32
      %dma_wait3A_396 = arith.constant 0 : i32
      %dma_wait3A_397 = tpu.memref_slice %arg7[%add3A_395, %dma_wait3A_396] : memref<40x64xi32, #tpu.memory_space<vmem>> -> memref<1x64xi32, #tpu.memory_space<vmem>>
      %dma_wait3A_398 = tpu.memref_squeeze %dma_wait3A_397 : memref<1x64xi32, #tpu.memory_space<vmem>> -> memref<64xi32, #tpu.memory_space<vmem>>
      %dma_wait3A_399 = arith.constant 0 : i32
      %dma_wait3A_400 = arith.constant 0 : i32
      %dma_wait3A_401 = tpu.memref_slice %arg13[%dma_wait3A_399, %dma_wait3A_400] : memref<10240x128xf32, #tpu.memory_space<vmem_shared>> -> memref<10240x128xf32, #tpu.memory_space<vmem_shared>>
      tpu.wait_indirect_dma semaphore(%arg21 : memref<!tpu.dma_semaphore, #tpu.memory_space<semaphore_mem>>) src(%arg11 : memref<64x128xf32, #tpu.memory_space<vmem>>) dst(%dma_wait3A_401 : memref<10240x128xf32, #tpu.memory_space<vmem_shared>>)
      %add3A_402 = arith.constant 4 : i32
      %add3A_403 = arith.addi %add3A_275, %add3A_402 : i32
      %add3A_404 = arith.constant 3 : i32
      %add3A_405 = arith.addi %add3A_403, %add3A_404 : i32
      %dma_start3A_406 = arith.constant 0 : i32
      %dma_start3A_407 = tpu.memref_slice %arg6[%add3A_405, %dma_start3A_406] : memref<40x64xi32, #tpu.memory_space<vmem>> -> memref<1x64xi32, #tpu.memory_space<vmem>>
      %dma_start3A_408 = tpu.memref_squeeze %dma_start3A_407 : memref<1x64xi32, #tpu.memory_space<vmem>> -> memref<64xi32, #tpu.memory_space<vmem>>
      %dma_start3A_409 = arith.constant 0 : i32
      %dma_start3A_410 = arith.constant 0 : i32
      %dma_start3A_411 = tpu.memref_slice %arg2[%dma_start3A_409, %dma_start3A_410] : memref<10240x128xf32, #tpu.memory_space<hbm>> -> memref<10240x128xf32, #tpu.memory_space<hbm>>
      tpu.enqueue_indirect_dma source(%dma_start3A_411 : memref<10240x128xf32, #tpu.memory_space<hbm>>) target(%arg11 : memref<64x128xf32, #tpu.memory_space<vmem>>) offsets(%dma_start3A_408 : memref<64xi32, #tpu.memory_space<vmem>>) semaphore(%arg17 : memref<!tpu.dma_semaphore, #tpu.memory_space<semaphore_mem>>)
    }
    %scan3A_107 = arith.constant 9 : i32
    %dma_wait3A_108 = arith.constant 36 : i32
    %dma_wait3A_109 = arith.constant 0 : i32
    %dma_wait3A_110 = tpu.memref_slice %arg6[%dma_wait3A_108, %dma_wait3A_109] : memref<40x64xi32, #tpu.memory_space<vmem>> -> memref<1x64xi32, #tpu.memory_space<vmem>>
    %dma_wait3A_111 = tpu.memref_squeeze %dma_wait3A_110 : memref<1x64xi32, #tpu.memory_space<vmem>> -> memref<64xi32, #tpu.memory_space<vmem>>
    %dma_wait3A_112 = arith.constant 0 : i32
    %dma_wait3A_113 = arith.constant 0 : i32
    %dma_wait3A_114 = tpu.memref_slice %arg2[%dma_wait3A_112, %dma_wait3A_113] : memref<10240x128xf32, #tpu.memory_space<hbm>> -> memref<10240x128xf32, #tpu.memory_space<hbm>>
    tpu.wait_indirect_dma semaphore(%arg14 : memref<!tpu.dma_semaphore, #tpu.memory_space<semaphore_mem>>) src(%dma_wait3A_114 : memref<10240x128xf32, #tpu.memory_space<hbm>>) dst(%arg8 : memref<64x128xf32, #tpu.memory_space<vmem>>)
    %run_scoped3A_115 = arith.constant 36 : i32
    "tpu.region"() ({
      %run_scoped3A_271 = tpu.sem_alloc : memref<!tpu.dma_semaphore, #tpu.memory_space<semaphore_mem>>
      %dma_start3A_272 = arith.constant 0 : i32
      %dma_start3A_273 = tpu.memref_slice %arg7[%run_scoped3A_115, %dma_start3A_272] : memref<40x64xi32, #tpu.memory_space<vmem>> -> memref<1x64xi32, #tpu.memory_space<vmem>>
      %dma_start3A_274 = tpu.memref_squeeze %dma_start3A_273 : memref<1x64xi32, #tpu.memory_space<vmem>> -> memref<64xi32, #tpu.memory_space<vmem>>
      %dma_start3A_275 = arith.constant 0 : i32
      %dma_start3A_276 = arith.constant 0 : i32
      %dma_start3A_277 = tpu.memref_slice %arg13[%dma_start3A_275, %dma_start3A_276] : memref<10240x128xf32, #tpu.memory_space<vmem_shared>> -> memref<10240x128xf32, #tpu.memory_space<vmem_shared>>
      tpu.enqueue_indirect_dma source(%arg8 : memref<64x128xf32, #tpu.memory_space<vmem>>) target(%dma_start3A_277 : memref<10240x128xf32, #tpu.memory_space<vmem_shared>>) offsets(%dma_start3A_274 : memref<64xi32, #tpu.memory_space<vmem>>) semaphore(%run_scoped3A_271 : memref<!tpu.dma_semaphore, #tpu.memory_space<semaphore_mem>>) {add = true}
      %dma_wait3A_278 = arith.constant 0 : i32
      %dma_wait3A_279 = tpu.memref_slice %arg7[%run_scoped3A_115, %dma_wait3A_278] : memref<40x64xi32, #tpu.memory_space<vmem>> -> memref<1x64xi32, #tpu.memory_space<vmem>>
      %dma_wait3A_280 = tpu.memref_squeeze %dma_wait3A_279 : memref<1x64xi32, #tpu.memory_space<vmem>> -> memref<64xi32, #tpu.memory_space<vmem>>
      %dma_wait3A_281 = arith.constant 0 : i32
      %dma_wait3A_282 = arith.constant 0 : i32
      %dma_wait3A_283 = tpu.memref_slice %arg13[%dma_wait3A_281, %dma_wait3A_282] : memref<10240x128xf32, #tpu.memory_space<vmem_shared>> -> memref<10240x128xf32, #tpu.memory_space<vmem_shared>>
      tpu.wait_indirect_dma semaphore(%run_scoped3A_271 : memref<!tpu.dma_semaphore, #tpu.memory_space<semaphore_mem>>) src(%arg8 : memref<64x128xf32, #tpu.memory_space<vmem>>) dst(%dma_wait3A_283 : memref<10240x128xf32, #tpu.memory_space<vmem_shared>>)
      tpu.yield
    }) : () -> ()
    %dma_wait3A_116 = arith.constant 37 : i32
    %dma_wait3A_117 = arith.constant 0 : i32
    %dma_wait3A_118 = tpu.memref_slice %arg6[%dma_wait3A_116, %dma_wait3A_117] : memref<40x64xi32, #tpu.memory_space<vmem>> -> memref<1x64xi32, #tpu.memory_space<vmem>>
    %dma_wait3A_119 = tpu.memref_squeeze %dma_wait3A_118 : memref<1x64xi32, #tpu.memory_space<vmem>> -> memref<64xi32, #tpu.memory_space<vmem>>
    %dma_wait3A_120 = arith.constant 0 : i32
    %dma_wait3A_121 = arith.constant 0 : i32
    %dma_wait3A_122 = tpu.memref_slice %arg2[%dma_wait3A_120, %dma_wait3A_121] : memref<10240x128xf32, #tpu.memory_space<hbm>> -> memref<10240x128xf32, #tpu.memory_space<hbm>>
    tpu.wait_indirect_dma semaphore(%arg15 : memref<!tpu.dma_semaphore, #tpu.memory_space<semaphore_mem>>) src(%dma_wait3A_122 : memref<10240x128xf32, #tpu.memory_space<hbm>>) dst(%arg9 : memref<64x128xf32, #tpu.memory_space<vmem>>)
    %run_scoped3A_123 = arith.constant 37 : i32
    "tpu.region"() ({
      %run_scoped3A_271 = tpu.sem_alloc : memref<!tpu.dma_semaphore, #tpu.memory_space<semaphore_mem>>
      %dma_start3A_272 = arith.constant 0 : i32
      %dma_start3A_273 = tpu.memref_slice %arg7[%run_scoped3A_123, %dma_start3A_272] : memref<40x64xi32, #tpu.memory_space<vmem>> -> memref<1x64xi32, #tpu.memory_space<vmem>>
      %dma_start3A_274 = tpu.memref_squeeze %dma_start3A_273 : memref<1x64xi32, #tpu.memory_space<vmem>> -> memref<64xi32, #tpu.memory_space<vmem>>
      %dma_start3A_275 = arith.constant 0 : i32
      %dma_start3A_276 = arith.constant 0 : i32
      %dma_start3A_277 = tpu.memref_slice %arg13[%dma_start3A_275, %dma_start3A_276] : memref<10240x128xf32, #tpu.memory_space<vmem_shared>> -> memref<10240x128xf32, #tpu.memory_space<vmem_shared>>
      tpu.enqueue_indirect_dma source(%arg9 : memref<64x128xf32, #tpu.memory_space<vmem>>) target(%dma_start3A_277 : memref<10240x128xf32, #tpu.memory_space<vmem_shared>>) offsets(%dma_start3A_274 : memref<64xi32, #tpu.memory_space<vmem>>) semaphore(%run_scoped3A_271 : memref<!tpu.dma_semaphore, #tpu.memory_space<semaphore_mem>>) {add = true}
      %dma_wait3A_278 = arith.constant 0 : i32
      %dma_wait3A_279 = tpu.memref_slice %arg7[%run_scoped3A_123, %dma_wait3A_278] : memref<40x64xi32, #tpu.memory_space<vmem>> -> memref<1x64xi32, #tpu.memory_space<vmem>>
      %dma_wait3A_280 = tpu.memref_squeeze %dma_wait3A_279 : memref<1x64xi32, #tpu.memory_space<vmem>> -> memref<64xi32, #tpu.memory_space<vmem>>
      %dma_wait3A_281 = arith.constant 0 : i32
      %dma_wait3A_282 = arith.constant 0 : i32
      %dma_wait3A_283 = tpu.memref_slice %arg13[%dma_wait3A_281, %dma_wait3A_282] : memref<10240x128xf32, #tpu.memory_space<vmem_shared>> -> memref<10240x128xf32, #tpu.memory_space<vmem_shared>>
      tpu.wait_indirect_dma semaphore(%run_scoped3A_271 : memref<!tpu.dma_semaphore, #tpu.memory_space<semaphore_mem>>) src(%arg9 : memref<64x128xf32, #tpu.memory_space<vmem>>) dst(%dma_wait3A_283 : memref<10240x128xf32, #tpu.memory_space<vmem_shared>>)
      tpu.yield
    }) : () -> ()
    %dma_wait3A_124 = arith.constant 38 : i32
    %dma_wait3A_125 = arith.constant 0 : i32
    %dma_wait3A_126 = tpu.memref_slice %arg6[%dma_wait3A_124, %dma_wait3A_125] : memref<40x64xi32, #tpu.memory_space<vmem>> -> memref<1x64xi32, #tpu.memory_space<vmem>>
    %dma_wait3A_127 = tpu.memref_squeeze %dma_wait3A_126 : memref<1x64xi32, #tpu.memory_space<vmem>> -> memref<64xi32, #tpu.memory_space<vmem>>
    %dma_wait3A_128 = arith.constant 0 : i32
    %dma_wait3A_129 = arith.constant 0 : i32
    %dma_wait3A_130 = tpu.memref_slice %arg2[%dma_wait3A_128, %dma_wait3A_129] : memref<10240x128xf32, #tpu.memory_space<hbm>> -> memref<10240x128xf32, #tpu.memory_space<hbm>>
    tpu.wait_indirect_dma semaphore(%arg16 : memref<!tpu.dma_semaphore, #tpu.memory_space<semaphore_mem>>) src(%dma_wait3A_130 : memref<10240x128xf32, #tpu.memory_space<hbm>>) dst(%arg10 : memref<64x128xf32, #tpu.memory_space<vmem>>)
    %run_scoped3A_131 = arith.constant 38 : i32
    "tpu.region"() ({
      %run_scoped3A_271 = tpu.sem_alloc : memref<!tpu.dma_semaphore, #tpu.memory_space<semaphore_mem>>
      %dma_start3A_272 = arith.constant 0 : i32
      %dma_start3A_273 = tpu.memref_slice %arg7[%run_scoped3A_131, %dma_start3A_272] : memref<40x64xi32, #tpu.memory_space<vmem>> -> memref<1x64xi32, #tpu.memory_space<vmem>>
      %dma_start3A_274 = tpu.memref_squeeze %dma_start3A_273 : memref<1x64xi32, #tpu.memory_space<vmem>> -> memref<64xi32, #tpu.memory_space<vmem>>
      %dma_start3A_275 = arith.constant 0 : i32
      %dma_start3A_276 = arith.constant 0 : i32
      %dma_start3A_277 = tpu.memref_slice %arg13[%dma_start3A_275, %dma_start3A_276] : memref<10240x128xf32, #tpu.memory_space<vmem_shared>> -> memref<10240x128xf32, #tpu.memory_space<vmem_shared>>
      tpu.enqueue_indirect_dma source(%arg10 : memref<64x128xf32, #tpu.memory_space<vmem>>) target(%dma_start3A_277 : memref<10240x128xf32, #tpu.memory_space<vmem_shared>>) offsets(%dma_start3A_274 : memref<64xi32, #tpu.memory_space<vmem>>) semaphore(%run_scoped3A_271 : memref<!tpu.dma_semaphore, #tpu.memory_space<semaphore_mem>>) {add = true}
      %dma_wait3A_278 = arith.constant 0 : i32
      %dma_wait3A_279 = tpu.memref_slice %arg7[%run_scoped3A_131, %dma_wait3A_278] : memref<40x64xi32, #tpu.memory_space<vmem>> -> memref<1x64xi32, #tpu.memory_space<vmem>>
      %dma_wait3A_280 = tpu.memref_squeeze %dma_wait3A_279 : memref<1x64xi32, #tpu.memory_space<vmem>> -> memref<64xi32, #tpu.memory_space<vmem>>
      %dma_wait3A_281 = arith.constant 0 : i32
      %dma_wait3A_282 = arith.constant 0 : i32
      %dma_wait3A_283 = tpu.memref_slice %arg13[%dma_wait3A_281, %dma_wait3A_282] : memref<10240x128xf32, #tpu.memory_space<vmem_shared>> -> memref<10240x128xf32, #tpu.memory_space<vmem_shared>>
      tpu.wait_indirect_dma semaphore(%run_scoped3A_271 : memref<!tpu.dma_semaphore, #tpu.memory_space<semaphore_mem>>) src(%arg10 : memref<64x128xf32, #tpu.memory_space<vmem>>) dst(%dma_wait3A_283 : memref<10240x128xf32, #tpu.memory_space<vmem_shared>>)
      tpu.yield
    }) : () -> ()
    %dma_wait3A_132 = arith.constant 39 : i32
    %dma_wait3A_133 = arith.constant 0 : i32
    %dma_wait3A_134 = tpu.memref_slice %arg6[%dma_wait3A_132, %dma_wait3A_133] : memref<40x64xi32, #tpu.memory_space<vmem>> -> memref<1x64xi32, #tpu.memory_space<vmem>>
    %dma_wait3A_135 = tpu.memref_squeeze %dma_wait3A_134 : memref<1x64xi32, #tpu.memory_space<vmem>> -> memref<64xi32, #tpu.memory_space<vmem>>
    %dma_wait3A_136 = arith.constant 0 : i32
    %dma_wait3A_137 = arith.constant 0 : i32
    %dma_wait3A_138 = tpu.memref_slice %arg2[%dma_wait3A_136, %dma_wait3A_137] : memref<10240x128xf32, #tpu.memory_space<hbm>> -> memref<10240x128xf32, #tpu.memory_space<hbm>>
    tpu.wait_indirect_dma semaphore(%arg17 : memref<!tpu.dma_semaphore, #tpu.memory_space<semaphore_mem>>) src(%dma_wait3A_138 : memref<10240x128xf32, #tpu.memory_space<hbm>>) dst(%arg11 : memref<64x128xf32, #tpu.memory_space<vmem>>)
    %run_scoped3A_139 = arith.constant 39 : i32
    "tpu.region"() ({
      %run_scoped3A_271 = tpu.sem_alloc : memref<!tpu.dma_semaphore, #tpu.memory_space<semaphore_mem>>
      %dma_start3A_272 = arith.constant 0 : i32
      %dma_start3A_273 = tpu.memref_slice %arg7[%run_scoped3A_139, %dma_start3A_272] : memref<40x64xi32, #tpu.memory_space<vmem>> -> memref<1x64xi32, #tpu.memory_space<vmem>>
      %dma_start3A_274 = tpu.memref_squeeze %dma_start3A_273 : memref<1x64xi32, #tpu.memory_space<vmem>> -> memref<64xi32, #tpu.memory_space<vmem>>
      %dma_start3A_275 = arith.constant 0 : i32
      %dma_start3A_276 = arith.constant 0 : i32
      %dma_start3A_277 = tpu.memref_slice %arg13[%dma_start3A_275, %dma_start3A_276] : memref<10240x128xf32, #tpu.memory_space<vmem_shared>> -> memref<10240x128xf32, #tpu.memory_space<vmem_shared>>
      tpu.enqueue_indirect_dma source(%arg11 : memref<64x128xf32, #tpu.memory_space<vmem>>) target(%dma_start3A_277 : memref<10240x128xf32, #tpu.memory_space<vmem_shared>>) offsets(%dma_start3A_274 : memref<64xi32, #tpu.memory_space<vmem>>) semaphore(%run_scoped3A_271 : memref<!tpu.dma_semaphore, #tpu.memory_space<semaphore_mem>>) {add = true}
      %dma_wait3A_278 = arith.constant 0 : i32
      %dma_wait3A_279 = tpu.memref_slice %arg7[%run_scoped3A_139, %dma_wait3A_278] : memref<40x64xi32, #tpu.memory_space<vmem>> -> memref<1x64xi32, #tpu.memory_space<vmem>>
      %dma_wait3A_280 = tpu.memref_squeeze %dma_wait3A_279 : memref<1x64xi32, #tpu.memory_space<vmem>> -> memref<64xi32, #tpu.memory_space<vmem>>
      %dma_wait3A_281 = arith.constant 0 : i32
      %dma_wait3A_282 = arith.constant 0 : i32
      %dma_wait3A_283 = tpu.memref_slice %arg13[%dma_wait3A_281, %dma_wait3A_282] : memref<10240x128xf32, #tpu.memory_space<vmem_shared>> -> memref<10240x128xf32, #tpu.memory_space<vmem_shared>>
      tpu.wait_indirect_dma semaphore(%run_scoped3A_271 : memref<!tpu.dma_semaphore, #tpu.memory_space<semaphore_mem>>) src(%arg11 : memref<64x128xf32, #tpu.memory_space<vmem>>) dst(%dma_wait3A_283 : memref<10240x128xf32, #tpu.memory_space<vmem_shared>>)
      tpu.yield
    }) : () -> ()
    "tpu.region"() ({
      %run_scoped3A_271 = tpu.sem_alloc : memref<!tpu.dma_semaphore, #tpu.memory_space<semaphore_mem>>
      %dma_start3A_272 = arith.constant 0 : i32
      %dma_start3A_273 = arith.constant 0 : i32
      %dma_start3A_274 = tpu.memref_slice %arg3[%add3A, %dma_start3A_272, %dma_start3A_273] : memref<32x160x64xi32, #tpu.memory_space<hbm>> -> memref<1x160x64xi32, #tpu.memory_space<hbm>>
      %dma_start3A_275 = tpu.memref_squeeze %dma_start3A_274 : memref<1x160x64xi32, #tpu.memory_space<hbm>> -> memref<160x64xi32, #tpu.memory_space<hbm>>
      %dma_start3A_276 = arith.constant 80 : i32
      %dma_start3A_277 = arith.constant 0 : i32
      %dma_start3A_278 = tpu.memref_slice %dma_start3A_275[%dma_start3A_276, %dma_start3A_277] : memref<160x64xi32, #tpu.memory_space<hbm>> -> memref<40x64xi32, #tpu.memory_space<hbm>>
      %dma_start3A_279 = arith.constant 0 : i32
      %dma_start3A_280 = arith.constant 0 : i32
      %dma_start3A_281 = tpu.memref_slice %arg3[%add3A, %dma_start3A_279, %dma_start3A_280] : memref<32x160x64xi32, #tpu.memory_space<hbm>> -> memref<1x160x64xi32, #tpu.memory_space<hbm>>
      %dma_start3A_282 = tpu.memref_squeeze %dma_start3A_281 : memref<1x160x64xi32, #tpu.memory_space<hbm>> -> memref<160x64xi32, #tpu.memory_space<hbm>>
      %dma_start3A_283 = arith.constant 80 : i32
      %dma_start3A_284 = arith.constant 0 : i32
      %dma_start3A_285 = tpu.memref_slice %dma_start3A_282[%dma_start3A_283, %dma_start3A_284] : memref<160x64xi32, #tpu.memory_space<hbm>> -> memref<40x64xi32, #tpu.memory_space<hbm>>
      tpu.enqueue_dma source(%dma_start3A_285 : memref<40x64xi32, #tpu.memory_space<hbm>>) target(%arg6 : memref<40x64xi32, #tpu.memory_space<vmem>>) target_semaphore(%run_scoped3A_271 : memref<!tpu.dma_semaphore, #tpu.memory_space<semaphore_mem>>)
      %dma_wait3A_286 = arith.constant 0 : i32
      %dma_wait3A_287 = arith.constant 0 : i32
      %dma_wait3A_288 = tpu.memref_slice %arg3[%add3A, %dma_wait3A_286, %dma_wait3A_287] : memref<32x160x64xi32, #tpu.memory_space<hbm>> -> memref<1x160x64xi32, #tpu.memory_space<hbm>>
      %dma_wait3A_289 = tpu.memref_squeeze %dma_wait3A_288 : memref<1x160x64xi32, #tpu.memory_space<hbm>> -> memref<160x64xi32, #tpu.memory_space<hbm>>
      %dma_wait3A_290 = arith.constant 80 : i32
      %dma_wait3A_291 = arith.constant 0 : i32
      %dma_wait3A_292 = tpu.memref_slice %dma_wait3A_289[%dma_wait3A_290, %dma_wait3A_291] : memref<160x64xi32, #tpu.memory_space<hbm>> -> memref<40x64xi32, #tpu.memory_space<hbm>>
      %dma_wait3A_293 = arith.constant 0 : i32
      %dma_wait3A_294 = arith.constant 0 : i32
      %dma_wait3A_295 = tpu.memref_slice %arg3[%add3A, %dma_wait3A_293, %dma_wait3A_294] : memref<32x160x64xi32, #tpu.memory_space<hbm>> -> memref<1x160x64xi32, #tpu.memory_space<hbm>>
      %dma_wait3A_296 = tpu.memref_squeeze %dma_wait3A_295 : memref<1x160x64xi32, #tpu.memory_space<hbm>> -> memref<160x64xi32, #tpu.memory_space<hbm>>
      %dma_wait3A_297 = arith.constant 80 : i32
      %dma_wait3A_298 = arith.constant 0 : i32
      %dma_wait3A_299 = tpu.memref_slice %dma_wait3A_296[%dma_wait3A_297, %dma_wait3A_298] : memref<160x64xi32, #tpu.memory_space<hbm>> -> memref<40x64xi32, #tpu.memory_space<hbm>>
      tpu.wait_dma2 semaphore(%run_scoped3A_271 : memref<!tpu.dma_semaphore, #tpu.memory_space<semaphore_mem>>) src(%dma_wait3A_299 : memref<40x64xi32, #tpu.memory_space<hbm>>) dst(%arg6 : memref<40x64xi32, #tpu.memory_space<vmem>>)
      tpu.yield
    }) : () -> ()
    "tpu.region"() ({
      %run_scoped3A_271 = tpu.sem_alloc : memref<!tpu.dma_semaphore, #tpu.memory_space<semaphore_mem>>
      %dma_start3A_272 = arith.constant 0 : i32
      %dma_start3A_273 = arith.constant 0 : i32
      %dma_start3A_274 = tpu.memref_slice %arg4[%add3A, %dma_start3A_272, %dma_start3A_273] : memref<32x160x64xi32, #tpu.memory_space<hbm>> -> memref<1x160x64xi32, #tpu.memory_space<hbm>>
      %dma_start3A_275 = tpu.memref_squeeze %dma_start3A_274 : memref<1x160x64xi32, #tpu.memory_space<hbm>> -> memref<160x64xi32, #tpu.memory_space<hbm>>
      %dma_start3A_276 = arith.constant 80 : i32
      %dma_start3A_277 = arith.constant 0 : i32
      %dma_start3A_278 = tpu.memref_slice %dma_start3A_275[%dma_start3A_276, %dma_start3A_277] : memref<160x64xi32, #tpu.memory_space<hbm>> -> memref<40x64xi32, #tpu.memory_space<hbm>>
      %dma_start3A_279 = arith.constant 0 : i32
      %dma_start3A_280 = arith.constant 0 : i32
      %dma_start3A_281 = tpu.memref_slice %arg4[%add3A, %dma_start3A_279, %dma_start3A_280] : memref<32x160x64xi32, #tpu.memory_space<hbm>> -> memref<1x160x64xi32, #tpu.memory_space<hbm>>
      %dma_start3A_282 = tpu.memref_squeeze %dma_start3A_281 : memref<1x160x64xi32, #tpu.memory_space<hbm>> -> memref<160x64xi32, #tpu.memory_space<hbm>>
      %dma_start3A_283 = arith.constant 80 : i32
      %dma_start3A_284 = arith.constant 0 : i32
      %dma_start3A_285 = tpu.memref_slice %dma_start3A_282[%dma_start3A_283, %dma_start3A_284] : memref<160x64xi32, #tpu.memory_space<hbm>> -> memref<40x64xi32, #tpu.memory_space<hbm>>
      tpu.enqueue_dma source(%dma_start3A_285 : memref<40x64xi32, #tpu.memory_space<hbm>>) target(%arg7 : memref<40x64xi32, #tpu.memory_space<vmem>>) target_semaphore(%run_scoped3A_271 : memref<!tpu.dma_semaphore, #tpu.memory_space<semaphore_mem>>)
      %dma_wait3A_286 = arith.constant 0 : i32
      %dma_wait3A_287 = arith.constant 0 : i32
      %dma_wait3A_288 = tpu.memref_slice %arg4[%add3A, %dma_wait3A_286, %dma_wait3A_287] : memref<32x160x64xi32, #tpu.memory_space<hbm>> -> memref<1x160x64xi32, #tpu.memory_space<hbm>>
      %dma_wait3A_289 = tpu.memref_squeeze %dma_wait3A_288 : memref<1x160x64xi32, #tpu.memory_space<hbm>> -> memref<160x64xi32, #tpu.memory_space<hbm>>
      %dma_wait3A_290 = arith.constant 80 : i32
      %dma_wait3A_291 = arith.constant 0 : i32
      %dma_wait3A_292 = tpu.memref_slice %dma_wait3A_289[%dma_wait3A_290, %dma_wait3A_291] : memref<160x64xi32, #tpu.memory_space<hbm>> -> memref<40x64xi32, #tpu.memory_space<hbm>>
      %dma_wait3A_293 = arith.constant 0 : i32
      %dma_wait3A_294 = arith.constant 0 : i32
      %dma_wait3A_295 = tpu.memref_slice %arg4[%add3A, %dma_wait3A_293, %dma_wait3A_294] : memref<32x160x64xi32, #tpu.memory_space<hbm>> -> memref<1x160x64xi32, #tpu.memory_space<hbm>>
      %dma_wait3A_296 = tpu.memref_squeeze %dma_wait3A_295 : memref<1x160x64xi32, #tpu.memory_space<hbm>> -> memref<160x64xi32, #tpu.memory_space<hbm>>
      %dma_wait3A_297 = arith.constant 80 : i32
      %dma_wait3A_298 = arith.constant 0 : i32
      %dma_wait3A_299 = tpu.memref_slice %dma_wait3A_296[%dma_wait3A_297, %dma_wait3A_298] : memref<160x64xi32, #tpu.memory_space<hbm>> -> memref<40x64xi32, #tpu.memory_space<hbm>>
      tpu.wait_dma2 semaphore(%run_scoped3A_271 : memref<!tpu.dma_semaphore, #tpu.memory_space<semaphore_mem>>) src(%dma_wait3A_299 : memref<40x64xi32, #tpu.memory_space<hbm>>) dst(%arg7 : memref<40x64xi32, #tpu.memory_space<vmem>>)
      tpu.yield
    }) : () -> ()
    %dma_start3A_140 = arith.constant 0 : i32
    %dma_start3A_141 = arith.constant 0 : i32
    %dma_start3A_142 = tpu.memref_slice %arg6[%dma_start3A_140, %dma_start3A_141] : memref<40x64xi32, #tpu.memory_space<vmem>> -> memref<1x64xi32, #tpu.memory_space<vmem>>
    %dma_start3A_143 = tpu.memref_squeeze %dma_start3A_142 : memref<1x64xi32, #tpu.memory_space<vmem>> -> memref<64xi32, #tpu.memory_space<vmem>>
    %dma_start3A_144 = arith.constant 0 : i32
    %dma_start3A_145 = arith.constant 0 : i32
    %dma_start3A_146 = tpu.memref_slice %arg2[%dma_start3A_144, %dma_start3A_145] : memref<10240x128xf32, #tpu.memory_space<hbm>> -> memref<10240x128xf32, #tpu.memory_space<hbm>>
    tpu.enqueue_indirect_dma source(%dma_start3A_146 : memref<10240x128xf32, #tpu.memory_space<hbm>>) target(%arg8 : memref<64x128xf32, #tpu.memory_space<vmem>>) offsets(%dma_start3A_143 : memref<64xi32, #tpu.memory_space<vmem>>) semaphore(%arg14 : memref<!tpu.dma_semaphore, #tpu.memory_space<semaphore_mem>>)
    %dma_start3A_147 = arith.constant 1 : i32
    %dma_start3A_148 = arith.constant 0 : i32
    %dma_start3A_149 = tpu.memref_slice %arg6[%dma_start3A_147, %dma_start3A_148] : memref<40x64xi32, #tpu.memory_space<vmem>> -> memref<1x64xi32, #tpu.memory_space<vmem>>
    %dma_start3A_150 = tpu.memref_squeeze %dma_start3A_149 : memref<1x64xi32, #tpu.memory_space<vmem>> -> memref<64xi32, #tpu.memory_space<vmem>>
    %dma_start3A_151 = arith.constant 0 : i32
    %dma_start3A_152 = arith.constant 0 : i32
    %dma_start3A_153 = tpu.memref_slice %arg2[%dma_start3A_151, %dma_start3A_152] : memref<10240x128xf32, #tpu.memory_space<hbm>> -> memref<10240x128xf32, #tpu.memory_space<hbm>>
    tpu.enqueue_indirect_dma source(%dma_start3A_153 : memref<10240x128xf32, #tpu.memory_space<hbm>>) target(%arg9 : memref<64x128xf32, #tpu.memory_space<vmem>>) offsets(%dma_start3A_150 : memref<64xi32, #tpu.memory_space<vmem>>) semaphore(%arg15 : memref<!tpu.dma_semaphore, #tpu.memory_space<semaphore_mem>>)
    %dma_start3A_154 = arith.constant 2 : i32
    %dma_start3A_155 = arith.constant 0 : i32
    %dma_start3A_156 = tpu.memref_slice %arg6[%dma_start3A_154, %dma_start3A_155] : memref<40x64xi32, #tpu.memory_space<vmem>> -> memref<1x64xi32, #tpu.memory_space<vmem>>
    %dma_start3A_157 = tpu.memref_squeeze %dma_start3A_156 : memref<1x64xi32, #tpu.memory_space<vmem>> -> memref<64xi32, #tpu.memory_space<vmem>>
    %dma_start3A_158 = arith.constant 0 : i32
    %dma_start3A_159 = arith.constant 0 : i32
    %dma_start3A_160 = tpu.memref_slice %arg2[%dma_start3A_158, %dma_start3A_159] : memref<10240x128xf32, #tpu.memory_space<hbm>> -> memref<10240x128xf32, #tpu.memory_space<hbm>>
    tpu.enqueue_indirect_dma source(%dma_start3A_160 : memref<10240x128xf32, #tpu.memory_space<hbm>>) target(%arg10 : memref<64x128xf32, #tpu.memory_space<vmem>>) offsets(%dma_start3A_157 : memref<64xi32, #tpu.memory_space<vmem>>) semaphore(%arg16 : memref<!tpu.dma_semaphore, #tpu.memory_space<semaphore_mem>>)
    %dma_start3A_161 = arith.constant 3 : i32
    %dma_start3A_162 = arith.constant 0 : i32
    %dma_start3A_163 = tpu.memref_slice %arg6[%dma_start3A_161, %dma_start3A_162] : memref<40x64xi32, #tpu.memory_space<vmem>> -> memref<1x64xi32, #tpu.memory_space<vmem>>
    %dma_start3A_164 = tpu.memref_squeeze %dma_start3A_163 : memref<1x64xi32, #tpu.memory_space<vmem>> -> memref<64xi32, #tpu.memory_space<vmem>>
    %dma_start3A_165 = arith.constant 0 : i32
    %dma_start3A_166 = arith.constant 0 : i32
    %dma_start3A_167 = tpu.memref_slice %arg2[%dma_start3A_165, %dma_start3A_166] : memref<10240x128xf32, #tpu.memory_space<hbm>> -> memref<10240x128xf32, #tpu.memory_space<hbm>>
    tpu.enqueue_indirect_dma source(%dma_start3A_167 : memref<10240x128xf32, #tpu.memory_space<hbm>>) target(%arg11 : memref<64x128xf32, #tpu.memory_space<vmem>>) offsets(%dma_start3A_164 : memref<64xi32, #tpu.memory_space<vmem>>) semaphore(%arg17 : memref<!tpu.dma_semaphore, #tpu.memory_space<semaphore_mem>>)
    %scan3A_168 = arith.constant 0 : i32
    %scan3A_169 = arith.constant 9 : i32
    %scan3A_170 = arith.addi %scan3A_168, %scan3A_169 : i32
    %scan3A_171 = arith.constant 1 : i32
    scf.for %scan3A_271 = %scan3A_168 to %scan3A_170 step %scan3A_171  : i32 {
      %mul3A_272 = arith.constant 4 : i32
      %mul3A_273 = arith.muli %scan3A_271, %mul3A_272 : i32
      %add3A_274 = arith.constant 0 : i32
      %add3A_275 = arith.addi %add3A_274, %mul3A_273 : i32
      %add3A_276 = arith.constant 0 : i32
      %add3A_277 = arith.addi %add3A_275, %add3A_276 : i32
      %dma_wait3A_278 = arith.constant 0 : i32
      %dma_wait3A_279 = tpu.memref_slice %arg6[%add3A_277, %dma_wait3A_278] : memref<40x64xi32, #tpu.memory_space<vmem>> -> memref<1x64xi32, #tpu.memory_space<vmem>>
      %dma_wait3A_280 = tpu.memref_squeeze %dma_wait3A_279 : memref<1x64xi32, #tpu.memory_space<vmem>> -> memref<64xi32, #tpu.memory_space<vmem>>
      %dma_wait3A_281 = arith.constant 0 : i32
      %dma_wait3A_282 = arith.constant 0 : i32
      %dma_wait3A_283 = tpu.memref_slice %arg2[%dma_wait3A_281, %dma_wait3A_282] : memref<10240x128xf32, #tpu.memory_space<hbm>> -> memref<10240x128xf32, #tpu.memory_space<hbm>>
      tpu.wait_indirect_dma semaphore(%arg14 : memref<!tpu.dma_semaphore, #tpu.memory_space<semaphore_mem>>) src(%dma_wait3A_283 : memref<10240x128xf32, #tpu.memory_space<hbm>>) dst(%arg8 : memref<64x128xf32, #tpu.memory_space<vmem>>)
      %add3A_284 = arith.constant 0 : i32
      %add3A_285 = arith.addi %add3A_275, %add3A_284 : i32
      %dma_start3A_286 = arith.constant 0 : i32
      %dma_start3A_287 = tpu.memref_slice %arg7[%add3A_285, %dma_start3A_286] : memref<40x64xi32, #tpu.memory_space<vmem>> -> memref<1x64xi32, #tpu.memory_space<vmem>>
      %dma_start3A_288 = tpu.memref_squeeze %dma_start3A_287 : memref<1x64xi32, #tpu.memory_space<vmem>> -> memref<64xi32, #tpu.memory_space<vmem>>
      %dma_start3A_289 = arith.constant 0 : i32
      %dma_start3A_290 = arith.constant 0 : i32
      %dma_start3A_291 = tpu.memref_slice %arg13[%dma_start3A_289, %dma_start3A_290] : memref<10240x128xf32, #tpu.memory_space<vmem_shared>> -> memref<10240x128xf32, #tpu.memory_space<vmem_shared>>
      tpu.enqueue_indirect_dma source(%arg8 : memref<64x128xf32, #tpu.memory_space<vmem>>) target(%dma_start3A_291 : memref<10240x128xf32, #tpu.memory_space<vmem_shared>>) offsets(%dma_start3A_288 : memref<64xi32, #tpu.memory_space<vmem>>) semaphore(%arg18 : memref<!tpu.dma_semaphore, #tpu.memory_space<semaphore_mem>>) {add = true}
      %add3A_292 = arith.constant 1 : i32
      %add3A_293 = arith.addi %add3A_275, %add3A_292 : i32
      %dma_wait3A_294 = arith.constant 0 : i32
      %dma_wait3A_295 = tpu.memref_slice %arg6[%add3A_293, %dma_wait3A_294] : memref<40x64xi32, #tpu.memory_space<vmem>> -> memref<1x64xi32, #tpu.memory_space<vmem>>
      %dma_wait3A_296 = tpu.memref_squeeze %dma_wait3A_295 : memref<1x64xi32, #tpu.memory_space<vmem>> -> memref<64xi32, #tpu.memory_space<vmem>>
      %dma_wait3A_297 = arith.constant 0 : i32
      %dma_wait3A_298 = arith.constant 0 : i32
      %dma_wait3A_299 = tpu.memref_slice %arg2[%dma_wait3A_297, %dma_wait3A_298] : memref<10240x128xf32, #tpu.memory_space<hbm>> -> memref<10240x128xf32, #tpu.memory_space<hbm>>
      tpu.wait_indirect_dma semaphore(%arg15 : memref<!tpu.dma_semaphore, #tpu.memory_space<semaphore_mem>>) src(%dma_wait3A_299 : memref<10240x128xf32, #tpu.memory_space<hbm>>) dst(%arg9 : memref<64x128xf32, #tpu.memory_space<vmem>>)
      %add3A_300 = arith.constant 1 : i32
      %add3A_301 = arith.addi %add3A_275, %add3A_300 : i32
      %dma_start3A_302 = arith.constant 0 : i32
      %dma_start3A_303 = tpu.memref_slice %arg7[%add3A_301, %dma_start3A_302] : memref<40x64xi32, #tpu.memory_space<vmem>> -> memref<1x64xi32, #tpu.memory_space<vmem>>
      %dma_start3A_304 = tpu.memref_squeeze %dma_start3A_303 : memref<1x64xi32, #tpu.memory_space<vmem>> -> memref<64xi32, #tpu.memory_space<vmem>>
      %dma_start3A_305 = arith.constant 0 : i32
      %dma_start3A_306 = arith.constant 0 : i32
      %dma_start3A_307 = tpu.memref_slice %arg13[%dma_start3A_305, %dma_start3A_306] : memref<10240x128xf32, #tpu.memory_space<vmem_shared>> -> memref<10240x128xf32, #tpu.memory_space<vmem_shared>>
      tpu.enqueue_indirect_dma source(%arg9 : memref<64x128xf32, #tpu.memory_space<vmem>>) target(%dma_start3A_307 : memref<10240x128xf32, #tpu.memory_space<vmem_shared>>) offsets(%dma_start3A_304 : memref<64xi32, #tpu.memory_space<vmem>>) semaphore(%arg19 : memref<!tpu.dma_semaphore, #tpu.memory_space<semaphore_mem>>) {add = true}
      %add3A_308 = arith.constant 2 : i32
      %add3A_309 = arith.addi %add3A_275, %add3A_308 : i32
      %dma_wait3A_310 = arith.constant 0 : i32
      %dma_wait3A_311 = tpu.memref_slice %arg6[%add3A_309, %dma_wait3A_310] : memref<40x64xi32, #tpu.memory_space<vmem>> -> memref<1x64xi32, #tpu.memory_space<vmem>>
      %dma_wait3A_312 = tpu.memref_squeeze %dma_wait3A_311 : memref<1x64xi32, #tpu.memory_space<vmem>> -> memref<64xi32, #tpu.memory_space<vmem>>
      %dma_wait3A_313 = arith.constant 0 : i32
      %dma_wait3A_314 = arith.constant 0 : i32
      %dma_wait3A_315 = tpu.memref_slice %arg2[%dma_wait3A_313, %dma_wait3A_314] : memref<10240x128xf32, #tpu.memory_space<hbm>> -> memref<10240x128xf32, #tpu.memory_space<hbm>>
      tpu.wait_indirect_dma semaphore(%arg16 : memref<!tpu.dma_semaphore, #tpu.memory_space<semaphore_mem>>) src(%dma_wait3A_315 : memref<10240x128xf32, #tpu.memory_space<hbm>>) dst(%arg10 : memref<64x128xf32, #tpu.memory_space<vmem>>)
      %add3A_316 = arith.constant 2 : i32
      %add3A_317 = arith.addi %add3A_275, %add3A_316 : i32
      %dma_start3A_318 = arith.constant 0 : i32
      %dma_start3A_319 = tpu.memref_slice %arg7[%add3A_317, %dma_start3A_318] : memref<40x64xi32, #tpu.memory_space<vmem>> -> memref<1x64xi32, #tpu.memory_space<vmem>>
      %dma_start3A_320 = tpu.memref_squeeze %dma_start3A_319 : memref<1x64xi32, #tpu.memory_space<vmem>> -> memref<64xi32, #tpu.memory_space<vmem>>
      %dma_start3A_321 = arith.constant 0 : i32
      %dma_start3A_322 = arith.constant 0 : i32
      %dma_start3A_323 = tpu.memref_slice %arg13[%dma_start3A_321, %dma_start3A_322] : memref<10240x128xf32, #tpu.memory_space<vmem_shared>> -> memref<10240x128xf32, #tpu.memory_space<vmem_shared>>
      tpu.enqueue_indirect_dma source(%arg10 : memref<64x128xf32, #tpu.memory_space<vmem>>) target(%dma_start3A_323 : memref<10240x128xf32, #tpu.memory_space<vmem_shared>>) offsets(%dma_start3A_320 : memref<64xi32, #tpu.memory_space<vmem>>) semaphore(%arg20 : memref<!tpu.dma_semaphore, #tpu.memory_space<semaphore_mem>>) {add = true}
      %add3A_324 = arith.constant 3 : i32
      %add3A_325 = arith.addi %add3A_275, %add3A_324 : i32
      %dma_wait3A_326 = arith.constant 0 : i32
      %dma_wait3A_327 = tpu.memref_slice %arg6[%add3A_325, %dma_wait3A_326] : memref<40x64xi32, #tpu.memory_space<vmem>> -> memref<1x64xi32, #tpu.memory_space<vmem>>
      %dma_wait3A_328 = tpu.memref_squeeze %dma_wait3A_327 : memref<1x64xi32, #tpu.memory_space<vmem>> -> memref<64xi32, #tpu.memory_space<vmem>>
      %dma_wait3A_329 = arith.constant 0 : i32
      %dma_wait3A_330 = arith.constant 0 : i32
      %dma_wait3A_331 = tpu.memref_slice %arg2[%dma_wait3A_329, %dma_wait3A_330] : memref<10240x128xf32, #tpu.memory_space<hbm>> -> memref<10240x128xf32, #tpu.memory_space<hbm>>
      tpu.wait_indirect_dma semaphore(%arg17 : memref<!tpu.dma_semaphore, #tpu.memory_space<semaphore_mem>>) src(%dma_wait3A_331 : memref<10240x128xf32, #tpu.memory_space<hbm>>) dst(%arg11 : memref<64x128xf32, #tpu.memory_space<vmem>>)
      %add3A_332 = arith.constant 3 : i32
      %add3A_333 = arith.addi %add3A_275, %add3A_332 : i32
      %dma_start3A_334 = arith.constant 0 : i32
      %dma_start3A_335 = tpu.memref_slice %arg7[%add3A_333, %dma_start3A_334] : memref<40x64xi32, #tpu.memory_space<vmem>> -> memref<1x64xi32, #tpu.memory_space<vmem>>
      %dma_start3A_336 = tpu.memref_squeeze %dma_start3A_335 : memref<1x64xi32, #tpu.memory_space<vmem>> -> memref<64xi32, #tpu.memory_space<vmem>>
      %dma_start3A_337 = arith.constant 0 : i32
      %dma_start3A_338 = arith.constant 0 : i32
      %dma_start3A_339 = tpu.memref_slice %arg13[%dma_start3A_337, %dma_start3A_338] : memref<10240x128xf32, #tpu.memory_space<vmem_shared>> -> memref<10240x128xf32, #tpu.memory_space<vmem_shared>>
      tpu.enqueue_indirect_dma source(%arg11 : memref<64x128xf32, #tpu.memory_space<vmem>>) target(%dma_start3A_339 : memref<10240x128xf32, #tpu.memory_space<vmem_shared>>) offsets(%dma_start3A_336 : memref<64xi32, #tpu.memory_space<vmem>>) semaphore(%arg21 : memref<!tpu.dma_semaphore, #tpu.memory_space<semaphore_mem>>) {add = true}
      %add3A_340 = arith.constant 0 : i32
      %add3A_341 = arith.addi %add3A_275, %add3A_340 : i32
      %dma_wait3A_342 = arith.constant 0 : i32
      %dma_wait3A_343 = tpu.memref_slice %arg7[%add3A_341, %dma_wait3A_342] : memref<40x64xi32, #tpu.memory_space<vmem>> -> memref<1x64xi32, #tpu.memory_space<vmem>>
      %dma_wait3A_344 = tpu.memref_squeeze %dma_wait3A_343 : memref<1x64xi32, #tpu.memory_space<vmem>> -> memref<64xi32, #tpu.memory_space<vmem>>
      %dma_wait3A_345 = arith.constant 0 : i32
      %dma_wait3A_346 = arith.constant 0 : i32
      %dma_wait3A_347 = tpu.memref_slice %arg13[%dma_wait3A_345, %dma_wait3A_346] : memref<10240x128xf32, #tpu.memory_space<vmem_shared>> -> memref<10240x128xf32, #tpu.memory_space<vmem_shared>>
      tpu.wait_indirect_dma semaphore(%arg18 : memref<!tpu.dma_semaphore, #tpu.memory_space<semaphore_mem>>) src(%arg8 : memref<64x128xf32, #tpu.memory_space<vmem>>) dst(%dma_wait3A_347 : memref<10240x128xf32, #tpu.memory_space<vmem_shared>>)
      %add3A_348 = arith.constant 4 : i32
      %add3A_349 = arith.addi %add3A_275, %add3A_348 : i32
      %add3A_350 = arith.constant 0 : i32
      %add3A_351 = arith.addi %add3A_349, %add3A_350 : i32
      %dma_start3A_352 = arith.constant 0 : i32
      %dma_start3A_353 = tpu.memref_slice %arg6[%add3A_351, %dma_start3A_352] : memref<40x64xi32, #tpu.memory_space<vmem>> -> memref<1x64xi32, #tpu.memory_space<vmem>>
      %dma_start3A_354 = tpu.memref_squeeze %dma_start3A_353 : memref<1x64xi32, #tpu.memory_space<vmem>> -> memref<64xi32, #tpu.memory_space<vmem>>
      %dma_start3A_355 = arith.constant 0 : i32
      %dma_start3A_356 = arith.constant 0 : i32
      %dma_start3A_357 = tpu.memref_slice %arg2[%dma_start3A_355, %dma_start3A_356] : memref<10240x128xf32, #tpu.memory_space<hbm>> -> memref<10240x128xf32, #tpu.memory_space<hbm>>
      tpu.enqueue_indirect_dma source(%dma_start3A_357 : memref<10240x128xf32, #tpu.memory_space<hbm>>) target(%arg8 : memref<64x128xf32, #tpu.memory_space<vmem>>) offsets(%dma_start3A_354 : memref<64xi32, #tpu.memory_space<vmem>>) semaphore(%arg14 : memref<!tpu.dma_semaphore, #tpu.memory_space<semaphore_mem>>)
      %add3A_358 = arith.constant 1 : i32
      %add3A_359 = arith.addi %add3A_275, %add3A_358 : i32
      %dma_wait3A_360 = arith.constant 0 : i32
      %dma_wait3A_361 = tpu.memref_slice %arg7[%add3A_359, %dma_wait3A_360] : memref<40x64xi32, #tpu.memory_space<vmem>> -> memref<1x64xi32, #tpu.memory_space<vmem>>
      %dma_wait3A_362 = tpu.memref_squeeze %dma_wait3A_361 : memref<1x64xi32, #tpu.memory_space<vmem>> -> memref<64xi32, #tpu.memory_space<vmem>>
      %dma_wait3A_363 = arith.constant 0 : i32
      %dma_wait3A_364 = arith.constant 0 : i32
      %dma_wait3A_365 = tpu.memref_slice %arg13[%dma_wait3A_363, %dma_wait3A_364] : memref<10240x128xf32, #tpu.memory_space<vmem_shared>> -> memref<10240x128xf32, #tpu.memory_space<vmem_shared>>
      tpu.wait_indirect_dma semaphore(%arg19 : memref<!tpu.dma_semaphore, #tpu.memory_space<semaphore_mem>>) src(%arg9 : memref<64x128xf32, #tpu.memory_space<vmem>>) dst(%dma_wait3A_365 : memref<10240x128xf32, #tpu.memory_space<vmem_shared>>)
      %add3A_366 = arith.constant 4 : i32
      %add3A_367 = arith.addi %add3A_275, %add3A_366 : i32
      %add3A_368 = arith.constant 1 : i32
      %add3A_369 = arith.addi %add3A_367, %add3A_368 : i32
      %dma_start3A_370 = arith.constant 0 : i32
      %dma_start3A_371 = tpu.memref_slice %arg6[%add3A_369, %dma_start3A_370] : memref<40x64xi32, #tpu.memory_space<vmem>> -> memref<1x64xi32, #tpu.memory_space<vmem>>
      %dma_start3A_372 = tpu.memref_squeeze %dma_start3A_371 : memref<1x64xi32, #tpu.memory_space<vmem>> -> memref<64xi32, #tpu.memory_space<vmem>>
      %dma_start3A_373 = arith.constant 0 : i32
      %dma_start3A_374 = arith.constant 0 : i32
      %dma_start3A_375 = tpu.memref_slice %arg2[%dma_start3A_373, %dma_start3A_374] : memref<10240x128xf32, #tpu.memory_space<hbm>> -> memref<10240x128xf32, #tpu.memory_space<hbm>>
      tpu.enqueue_indirect_dma source(%dma_start3A_375 : memref<10240x128xf32, #tpu.memory_space<hbm>>) target(%arg9 : memref<64x128xf32, #tpu.memory_space<vmem>>) offsets(%dma_start3A_372 : memref<64xi32, #tpu.memory_space<vmem>>) semaphore(%arg15 : memref<!tpu.dma_semaphore, #tpu.memory_space<semaphore_mem>>)
      %add3A_376 = arith.constant 2 : i32
      %add3A_377 = arith.addi %add3A_275, %add3A_376 : i32
      %dma_wait3A_378 = arith.constant 0 : i32
      %dma_wait3A_379 = tpu.memref_slice %arg7[%add3A_377, %dma_wait3A_378] : memref<40x64xi32, #tpu.memory_space<vmem>> -> memref<1x64xi32, #tpu.memory_space<vmem>>
      %dma_wait3A_380 = tpu.memref_squeeze %dma_wait3A_379 : memref<1x64xi32, #tpu.memory_space<vmem>> -> memref<64xi32, #tpu.memory_space<vmem>>
      %dma_wait3A_381 = arith.constant 0 : i32
      %dma_wait3A_382 = arith.constant 0 : i32
      %dma_wait3A_383 = tpu.memref_slice %arg13[%dma_wait3A_381, %dma_wait3A_382] : memref<10240x128xf32, #tpu.memory_space<vmem_shared>> -> memref<10240x128xf32, #tpu.memory_space<vmem_shared>>
      tpu.wait_indirect_dma semaphore(%arg20 : memref<!tpu.dma_semaphore, #tpu.memory_space<semaphore_mem>>) src(%arg10 : memref<64x128xf32, #tpu.memory_space<vmem>>) dst(%dma_wait3A_383 : memref<10240x128xf32, #tpu.memory_space<vmem_shared>>)
      %add3A_384 = arith.constant 4 : i32
      %add3A_385 = arith.addi %add3A_275, %add3A_384 : i32
      %add3A_386 = arith.constant 2 : i32
      %add3A_387 = arith.addi %add3A_385, %add3A_386 : i32
      %dma_start3A_388 = arith.constant 0 : i32
      %dma_start3A_389 = tpu.memref_slice %arg6[%add3A_387, %dma_start3A_388] : memref<40x64xi32, #tpu.memory_space<vmem>> -> memref<1x64xi32, #tpu.memory_space<vmem>>
      %dma_start3A_390 = tpu.memref_squeeze %dma_start3A_389 : memref<1x64xi32, #tpu.memory_space<vmem>> -> memref<64xi32, #tpu.memory_space<vmem>>
      %dma_start3A_391 = arith.constant 0 : i32
      %dma_start3A_392 = arith.constant 0 : i32
      %dma_start3A_393 = tpu.memref_slice %arg2[%dma_start3A_391, %dma_start3A_392] : memref<10240x128xf32, #tpu.memory_space<hbm>> -> memref<10240x128xf32, #tpu.memory_space<hbm>>
      tpu.enqueue_indirect_dma source(%dma_start3A_393 : memref<10240x128xf32, #tpu.memory_space<hbm>>) target(%arg10 : memref<64x128xf32, #tpu.memory_space<vmem>>) offsets(%dma_start3A_390 : memref<64xi32, #tpu.memory_space<vmem>>) semaphore(%arg16 : memref<!tpu.dma_semaphore, #tpu.memory_space<semaphore_mem>>)
      %add3A_394 = arith.constant 3 : i32
      %add3A_395 = arith.addi %add3A_275, %add3A_394 : i32
      %dma_wait3A_396 = arith.constant 0 : i32
      %dma_wait3A_397 = tpu.memref_slice %arg7[%add3A_395, %dma_wait3A_396] : memref<40x64xi32, #tpu.memory_space<vmem>> -> memref<1x64xi32, #tpu.memory_space<vmem>>
      %dma_wait3A_398 = tpu.memref_squeeze %dma_wait3A_397 : memref<1x64xi32, #tpu.memory_space<vmem>> -> memref<64xi32, #tpu.memory_space<vmem>>
      %dma_wait3A_399 = arith.constant 0 : i32
      %dma_wait3A_400 = arith.constant 0 : i32
      %dma_wait3A_401 = tpu.memref_slice %arg13[%dma_wait3A_399, %dma_wait3A_400] : memref<10240x128xf32, #tpu.memory_space<vmem_shared>> -> memref<10240x128xf32, #tpu.memory_space<vmem_shared>>
      tpu.wait_indirect_dma semaphore(%arg21 : memref<!tpu.dma_semaphore, #tpu.memory_space<semaphore_mem>>) src(%arg11 : memref<64x128xf32, #tpu.memory_space<vmem>>) dst(%dma_wait3A_401 : memref<10240x128xf32, #tpu.memory_space<vmem_shared>>)
      %add3A_402 = arith.constant 4 : i32
      %add3A_403 = arith.addi %add3A_275, %add3A_402 : i32
      %add3A_404 = arith.constant 3 : i32
      %add3A_405 = arith.addi %add3A_403, %add3A_404 : i32
      %dma_start3A_406 = arith.constant 0 : i32
      %dma_start3A_407 = tpu.memref_slice %arg6[%add3A_405, %dma_start3A_406] : memref<40x64xi32, #tpu.memory_space<vmem>> -> memref<1x64xi32, #tpu.memory_space<vmem>>
      %dma_start3A_408 = tpu.memref_squeeze %dma_start3A_407 : memref<1x64xi32, #tpu.memory_space<vmem>> -> memref<64xi32, #tpu.memory_space<vmem>>
      %dma_start3A_409 = arith.constant 0 : i32
      %dma_start3A_410 = arith.constant 0 : i32
      %dma_start3A_411 = tpu.memref_slice %arg2[%dma_start3A_409, %dma_start3A_410] : memref<10240x128xf32, #tpu.memory_space<hbm>> -> memref<10240x128xf32, #tpu.memory_space<hbm>>
      tpu.enqueue_indirect_dma source(%dma_start3A_411 : memref<10240x128xf32, #tpu.memory_space<hbm>>) target(%arg11 : memref<64x128xf32, #tpu.memory_space<vmem>>) offsets(%dma_start3A_408 : memref<64xi32, #tpu.memory_space<vmem>>) semaphore(%arg17 : memref<!tpu.dma_semaphore, #tpu.memory_space<semaphore_mem>>)
    }
    %scan3A_172 = arith.constant 9 : i32
    %dma_wait3A_173 = arith.constant 36 : i32
    %dma_wait3A_174 = arith.constant 0 : i32
    %dma_wait3A_175 = tpu.memref_slice %arg6[%dma_wait3A_173, %dma_wait3A_174] : memref<40x64xi32, #tpu.memory_space<vmem>> -> memref<1x64xi32, #tpu.memory_space<vmem>>
    %dma_wait3A_176 = tpu.memref_squeeze %dma_wait3A_175 : memref<1x64xi32, #tpu.memory_space<vmem>> -> memref<64xi32, #tpu.memory_space<vmem>>
    %dma_wait3A_177 = arith.constant 0 : i32
    %dma_wait3A_178 = arith.constant 0 : i32
    %dma_wait3A_179 = tpu.memref_slice %arg2[%dma_wait3A_177, %dma_wait3A_178] : memref<10240x128xf32, #tpu.memory_space<hbm>> -> memref<10240x128xf32, #tpu.memory_space<hbm>>
    tpu.wait_indirect_dma semaphore(%arg14 : memref<!tpu.dma_semaphore, #tpu.memory_space<semaphore_mem>>) src(%dma_wait3A_179 : memref<10240x128xf32, #tpu.memory_space<hbm>>) dst(%arg8 : memref<64x128xf32, #tpu.memory_space<vmem>>)
    %run_scoped3A_180 = arith.constant 36 : i32
    "tpu.region"() ({
      %run_scoped3A_271 = tpu.sem_alloc : memref<!tpu.dma_semaphore, #tpu.memory_space<semaphore_mem>>
      %dma_start3A_272 = arith.constant 0 : i32
      %dma_start3A_273 = tpu.memref_slice %arg7[%run_scoped3A_180, %dma_start3A_272] : memref<40x64xi32, #tpu.memory_space<vmem>> -> memref<1x64xi32, #tpu.memory_space<vmem>>
      %dma_start3A_274 = tpu.memref_squeeze %dma_start3A_273 : memref<1x64xi32, #tpu.memory_space<vmem>> -> memref<64xi32, #tpu.memory_space<vmem>>
      %dma_start3A_275 = arith.constant 0 : i32
      %dma_start3A_276 = arith.constant 0 : i32
      %dma_start3A_277 = tpu.memref_slice %arg13[%dma_start3A_275, %dma_start3A_276] : memref<10240x128xf32, #tpu.memory_space<vmem_shared>> -> memref<10240x128xf32, #tpu.memory_space<vmem_shared>>
      tpu.enqueue_indirect_dma source(%arg8 : memref<64x128xf32, #tpu.memory_space<vmem>>) target(%dma_start3A_277 : memref<10240x128xf32, #tpu.memory_space<vmem_shared>>) offsets(%dma_start3A_274 : memref<64xi32, #tpu.memory_space<vmem>>) semaphore(%run_scoped3A_271 : memref<!tpu.dma_semaphore, #tpu.memory_space<semaphore_mem>>) {add = true}
      %dma_wait3A_278 = arith.constant 0 : i32
      %dma_wait3A_279 = tpu.memref_slice %arg7[%run_scoped3A_180, %dma_wait3A_278] : memref<40x64xi32, #tpu.memory_space<vmem>> -> memref<1x64xi32, #tpu.memory_space<vmem>>
      %dma_wait3A_280 = tpu.memref_squeeze %dma_wait3A_279 : memref<1x64xi32, #tpu.memory_space<vmem>> -> memref<64xi32, #tpu.memory_space<vmem>>
      %dma_wait3A_281 = arith.constant 0 : i32
      %dma_wait3A_282 = arith.constant 0 : i32
      %dma_wait3A_283 = tpu.memref_slice %arg13[%dma_wait3A_281, %dma_wait3A_282] : memref<10240x128xf32, #tpu.memory_space<vmem_shared>> -> memref<10240x128xf32, #tpu.memory_space<vmem_shared>>
      tpu.wait_indirect_dma semaphore(%run_scoped3A_271 : memref<!tpu.dma_semaphore, #tpu.memory_space<semaphore_mem>>) src(%arg8 : memref<64x128xf32, #tpu.memory_space<vmem>>) dst(%dma_wait3A_283 : memref<10240x128xf32, #tpu.memory_space<vmem_shared>>)
      tpu.yield
    }) : () -> ()
    %dma_wait3A_181 = arith.constant 37 : i32
    %dma_wait3A_182 = arith.constant 0 : i32
    %dma_wait3A_183 = tpu.memref_slice %arg6[%dma_wait3A_181, %dma_wait3A_182] : memref<40x64xi32, #tpu.memory_space<vmem>> -> memref<1x64xi32, #tpu.memory_space<vmem>>
    %dma_wait3A_184 = tpu.memref_squeeze %dma_wait3A_183 : memref<1x64xi32, #tpu.memory_space<vmem>> -> memref<64xi32, #tpu.memory_space<vmem>>
    %dma_wait3A_185 = arith.constant 0 : i32
    %dma_wait3A_186 = arith.constant 0 : i32
    %dma_wait3A_187 = tpu.memref_slice %arg2[%dma_wait3A_185, %dma_wait3A_186] : memref<10240x128xf32, #tpu.memory_space<hbm>> -> memref<10240x128xf32, #tpu.memory_space<hbm>>
    tpu.wait_indirect_dma semaphore(%arg15 : memref<!tpu.dma_semaphore, #tpu.memory_space<semaphore_mem>>) src(%dma_wait3A_187 : memref<10240x128xf32, #tpu.memory_space<hbm>>) dst(%arg9 : memref<64x128xf32, #tpu.memory_space<vmem>>)
    %run_scoped3A_188 = arith.constant 37 : i32
    "tpu.region"() ({
      %run_scoped3A_271 = tpu.sem_alloc : memref<!tpu.dma_semaphore, #tpu.memory_space<semaphore_mem>>
      %dma_start3A_272 = arith.constant 0 : i32
      %dma_start3A_273 = tpu.memref_slice %arg7[%run_scoped3A_188, %dma_start3A_272] : memref<40x64xi32, #tpu.memory_space<vmem>> -> memref<1x64xi32, #tpu.memory_space<vmem>>
      %dma_start3A_274 = tpu.memref_squeeze %dma_start3A_273 : memref<1x64xi32, #tpu.memory_space<vmem>> -> memref<64xi32, #tpu.memory_space<vmem>>
      %dma_start3A_275 = arith.constant 0 : i32
      %dma_start3A_276 = arith.constant 0 : i32
      %dma_start3A_277 = tpu.memref_slice %arg13[%dma_start3A_275, %dma_start3A_276] : memref<10240x128xf32, #tpu.memory_space<vmem_shared>> -> memref<10240x128xf32, #tpu.memory_space<vmem_shared>>
      tpu.enqueue_indirect_dma source(%arg9 : memref<64x128xf32, #tpu.memory_space<vmem>>) target(%dma_start3A_277 : memref<10240x128xf32, #tpu.memory_space<vmem_shared>>) offsets(%dma_start3A_274 : memref<64xi32, #tpu.memory_space<vmem>>) semaphore(%run_scoped3A_271 : memref<!tpu.dma_semaphore, #tpu.memory_space<semaphore_mem>>) {add = true}
      %dma_wait3A_278 = arith.constant 0 : i32
      %dma_wait3A_279 = tpu.memref_slice %arg7[%run_scoped3A_188, %dma_wait3A_278] : memref<40x64xi32, #tpu.memory_space<vmem>> -> memref<1x64xi32, #tpu.memory_space<vmem>>
      %dma_wait3A_280 = tpu.memref_squeeze %dma_wait3A_279 : memref<1x64xi32, #tpu.memory_space<vmem>> -> memref<64xi32, #tpu.memory_space<vmem>>
      %dma_wait3A_281 = arith.constant 0 : i32
      %dma_wait3A_282 = arith.constant 0 : i32
      %dma_wait3A_283 = tpu.memref_slice %arg13[%dma_wait3A_281, %dma_wait3A_282] : memref<10240x128xf32, #tpu.memory_space<vmem_shared>> -> memref<10240x128xf32, #tpu.memory_space<vmem_shared>>
      tpu.wait_indirect_dma semaphore(%run_scoped3A_271 : memref<!tpu.dma_semaphore, #tpu.memory_space<semaphore_mem>>) src(%arg9 : memref<64x128xf32, #tpu.memory_space<vmem>>) dst(%dma_wait3A_283 : memref<10240x128xf32, #tpu.memory_space<vmem_shared>>)
      tpu.yield
    }) : () -> ()
    %dma_wait3A_189 = arith.constant 38 : i32
    %dma_wait3A_190 = arith.constant 0 : i32
    %dma_wait3A_191 = tpu.memref_slice %arg6[%dma_wait3A_189, %dma_wait3A_190] : memref<40x64xi32, #tpu.memory_space<vmem>> -> memref<1x64xi32, #tpu.memory_space<vmem>>
    %dma_wait3A_192 = tpu.memref_squeeze %dma_wait3A_191 : memref<1x64xi32, #tpu.memory_space<vmem>> -> memref<64xi32, #tpu.memory_space<vmem>>
    %dma_wait3A_193 = arith.constant 0 : i32
    %dma_wait3A_194 = arith.constant 0 : i32
    %dma_wait3A_195 = tpu.memref_slice %arg2[%dma_wait3A_193, %dma_wait3A_194] : memref<10240x128xf32, #tpu.memory_space<hbm>> -> memref<10240x128xf32, #tpu.memory_space<hbm>>
    tpu.wait_indirect_dma semaphore(%arg16 : memref<!tpu.dma_semaphore, #tpu.memory_space<semaphore_mem>>) src(%dma_wait3A_195 : memref<10240x128xf32, #tpu.memory_space<hbm>>) dst(%arg10 : memref<64x128xf32, #tpu.memory_space<vmem>>)
    %run_scoped3A_196 = arith.constant 38 : i32
    "tpu.region"() ({
      %run_scoped3A_271 = tpu.sem_alloc : memref<!tpu.dma_semaphore, #tpu.memory_space<semaphore_mem>>
      %dma_start3A_272 = arith.constant 0 : i32
      %dma_start3A_273 = tpu.memref_slice %arg7[%run_scoped3A_196, %dma_start3A_272] : memref<40x64xi32, #tpu.memory_space<vmem>> -> memref<1x64xi32, #tpu.memory_space<vmem>>
      %dma_start3A_274 = tpu.memref_squeeze %dma_start3A_273 : memref<1x64xi32, #tpu.memory_space<vmem>> -> memref<64xi32, #tpu.memory_space<vmem>>
      %dma_start3A_275 = arith.constant 0 : i32
      %dma_start3A_276 = arith.constant 0 : i32
      %dma_start3A_277 = tpu.memref_slice %arg13[%dma_start3A_275, %dma_start3A_276] : memref<10240x128xf32, #tpu.memory_space<vmem_shared>> -> memref<10240x128xf32, #tpu.memory_space<vmem_shared>>
      tpu.enqueue_indirect_dma source(%arg10 : memref<64x128xf32, #tpu.memory_space<vmem>>) target(%dma_start3A_277 : memref<10240x128xf32, #tpu.memory_space<vmem_shared>>) offsets(%dma_start3A_274 : memref<64xi32, #tpu.memory_space<vmem>>) semaphore(%run_scoped3A_271 : memref<!tpu.dma_semaphore, #tpu.memory_space<semaphore_mem>>) {add = true}
      %dma_wait3A_278 = arith.constant 0 : i32
      %dma_wait3A_279 = tpu.memref_slice %arg7[%run_scoped3A_196, %dma_wait3A_278] : memref<40x64xi32, #tpu.memory_space<vmem>> -> memref<1x64xi32, #tpu.memory_space<vmem>>
      %dma_wait3A_280 = tpu.memref_squeeze %dma_wait3A_279 : memref<1x64xi32, #tpu.memory_space<vmem>> -> memref<64xi32, #tpu.memory_space<vmem>>
      %dma_wait3A_281 = arith.constant 0 : i32
      %dma_wait3A_282 = arith.constant 0 : i32
      %dma_wait3A_283 = tpu.memref_slice %arg13[%dma_wait3A_281, %dma_wait3A_282] : memref<10240x128xf32, #tpu.memory_space<vmem_shared>> -> memref<10240x128xf32, #tpu.memory_space<vmem_shared>>
      tpu.wait_indirect_dma semaphore(%run_scoped3A_271 : memref<!tpu.dma_semaphore, #tpu.memory_space<semaphore_mem>>) src(%arg10 : memref<64x128xf32, #tpu.memory_space<vmem>>) dst(%dma_wait3A_283 : memref<10240x128xf32, #tpu.memory_space<vmem_shared>>)
      tpu.yield
    }) : () -> ()
    %dma_wait3A_197 = arith.constant 39 : i32
    %dma_wait3A_198 = arith.constant 0 : i32
    %dma_wait3A_199 = tpu.memref_slice %arg6[%dma_wait3A_197, %dma_wait3A_198] : memref<40x64xi32, #tpu.memory_space<vmem>> -> memref<1x64xi32, #tpu.memory_space<vmem>>
    %dma_wait3A_200 = tpu.memref_squeeze %dma_wait3A_199 : memref<1x64xi32, #tpu.memory_space<vmem>> -> memref<64xi32, #tpu.memory_space<vmem>>
    %dma_wait3A_201 = arith.constant 0 : i32
    %dma_wait3A_202 = arith.constant 0 : i32
    %dma_wait3A_203 = tpu.memref_slice %arg2[%dma_wait3A_201, %dma_wait3A_202] : memref<10240x128xf32, #tpu.memory_space<hbm>> -> memref<10240x128xf32, #tpu.memory_space<hbm>>
    tpu.wait_indirect_dma semaphore(%arg17 : memref<!tpu.dma_semaphore, #tpu.memory_space<semaphore_mem>>) src(%dma_wait3A_203 : memref<10240x128xf32, #tpu.memory_space<hbm>>) dst(%arg11 : memref<64x128xf32, #tpu.memory_space<vmem>>)
    %run_scoped3A_204 = arith.constant 39 : i32
    "tpu.region"() ({
      %run_scoped3A_271 = tpu.sem_alloc : memref<!tpu.dma_semaphore, #tpu.memory_space<semaphore_mem>>
      %dma_start3A_272 = arith.constant 0 : i32
      %dma_start3A_273 = tpu.memref_slice %arg7[%run_scoped3A_204, %dma_start3A_272] : memref<40x64xi32, #tpu.memory_space<vmem>> -> memref<1x64xi32, #tpu.memory_space<vmem>>
      %dma_start3A_274 = tpu.memref_squeeze %dma_start3A_273 : memref<1x64xi32, #tpu.memory_space<vmem>> -> memref<64xi32, #tpu.memory_space<vmem>>
      %dma_start3A_275 = arith.constant 0 : i32
      %dma_start3A_276 = arith.constant 0 : i32
      %dma_start3A_277 = tpu.memref_slice %arg13[%dma_start3A_275, %dma_start3A_276] : memref<10240x128xf32, #tpu.memory_space<vmem_shared>> -> memref<10240x128xf32, #tpu.memory_space<vmem_shared>>
      tpu.enqueue_indirect_dma source(%arg11 : memref<64x128xf32, #tpu.memory_space<vmem>>) target(%dma_start3A_277 : memref<10240x128xf32, #tpu.memory_space<vmem_shared>>) offsets(%dma_start3A_274 : memref<64xi32, #tpu.memory_space<vmem>>) semaphore(%run_scoped3A_271 : memref<!tpu.dma_semaphore, #tpu.memory_space<semaphore_mem>>) {add = true}
      %dma_wait3A_278 = arith.constant 0 : i32
      %dma_wait3A_279 = tpu.memref_slice %arg7[%run_scoped3A_204, %dma_wait3A_278] : memref<40x64xi32, #tpu.memory_space<vmem>> -> memref<1x64xi32, #tpu.memory_space<vmem>>
      %dma_wait3A_280 = tpu.memref_squeeze %dma_wait3A_279 : memref<1x64xi32, #tpu.memory_space<vmem>> -> memref<64xi32, #tpu.memory_space<vmem>>
      %dma_wait3A_281 = arith.constant 0 : i32
      %dma_wait3A_282 = arith.constant 0 : i32
      %dma_wait3A_283 = tpu.memref_slice %arg13[%dma_wait3A_281, %dma_wait3A_282] : memref<10240x128xf32, #tpu.memory_space<vmem_shared>> -> memref<10240x128xf32, #tpu.memory_space<vmem_shared>>
      tpu.wait_indirect_dma semaphore(%run_scoped3A_271 : memref<!tpu.dma_semaphore, #tpu.memory_space<semaphore_mem>>) src(%arg11 : memref<64x128xf32, #tpu.memory_space<vmem>>) dst(%dma_wait3A_283 : memref<10240x128xf32, #tpu.memory_space<vmem_shared>>)
      tpu.yield
    }) : () -> ()
    "tpu.region"() ({
      %run_scoped3A_271 = tpu.sem_alloc : memref<!tpu.dma_semaphore, #tpu.memory_space<semaphore_mem>>
      %dma_start3A_272 = arith.constant 0 : i32
      %dma_start3A_273 = arith.constant 0 : i32
      %dma_start3A_274 = tpu.memref_slice %arg3[%add3A, %dma_start3A_272, %dma_start3A_273] : memref<32x160x64xi32, #tpu.memory_space<hbm>> -> memref<1x160x64xi32, #tpu.memory_space<hbm>>
      %dma_start3A_275 = tpu.memref_squeeze %dma_start3A_274 : memref<1x160x64xi32, #tpu.memory_space<hbm>> -> memref<160x64xi32, #tpu.memory_space<hbm>>
      %dma_start3A_276 = arith.constant 120 : i32
      %dma_start3A_277 = arith.constant 0 : i32
      %dma_start3A_278 = tpu.memref_slice %dma_start3A_275[%dma_start3A_276, %dma_start3A_277] : memref<160x64xi32, #tpu.memory_space<hbm>> -> memref<40x64xi32, #tpu.memory_space<hbm>>
      %dma_start3A_279 = arith.constant 0 : i32
      %dma_start3A_280 = arith.constant 0 : i32
      %dma_start3A_281 = tpu.memref_slice %arg3[%add3A, %dma_start3A_279, %dma_start3A_280] : memref<32x160x64xi32, #tpu.memory_space<hbm>> -> memref<1x160x64xi32, #tpu.memory_space<hbm>>
      %dma_start3A_282 = tpu.memref_squeeze %dma_start3A_281 : memref<1x160x64xi32, #tpu.memory_space<hbm>> -> memref<160x64xi32, #tpu.memory_space<hbm>>
      %dma_start3A_283 = arith.constant 120 : i32
      %dma_start3A_284 = arith.constant 0 : i32
      %dma_start3A_285 = tpu.memref_slice %dma_start3A_282[%dma_start3A_283, %dma_start3A_284] : memref<160x64xi32, #tpu.memory_space<hbm>> -> memref<40x64xi32, #tpu.memory_space<hbm>>
      tpu.enqueue_dma source(%dma_start3A_285 : memref<40x64xi32, #tpu.memory_space<hbm>>) target(%arg6 : memref<40x64xi32, #tpu.memory_space<vmem>>) target_semaphore(%run_scoped3A_271 : memref<!tpu.dma_semaphore, #tpu.memory_space<semaphore_mem>>)
      %dma_wait3A_286 = arith.constant 0 : i32
      %dma_wait3A_287 = arith.constant 0 : i32
      %dma_wait3A_288 = tpu.memref_slice %arg3[%add3A, %dma_wait3A_286, %dma_wait3A_287] : memref<32x160x64xi32, #tpu.memory_space<hbm>> -> memref<1x160x64xi32, #tpu.memory_space<hbm>>
      %dma_wait3A_289 = tpu.memref_squeeze %dma_wait3A_288 : memref<1x160x64xi32, #tpu.memory_space<hbm>> -> memref<160x64xi32, #tpu.memory_space<hbm>>
      %dma_wait3A_290 = arith.constant 120 : i32
      %dma_wait3A_291 = arith.constant 0 : i32
      %dma_wait3A_292 = tpu.memref_slice %dma_wait3A_289[%dma_wait3A_290, %dma_wait3A_291] : memref<160x64xi32, #tpu.memory_space<hbm>> -> memref<40x64xi32, #tpu.memory_space<hbm>>
      %dma_wait3A_293 = arith.constant 0 : i32
      %dma_wait3A_294 = arith.constant 0 : i32
      %dma_wait3A_295 = tpu.memref_slice %arg3[%add3A, %dma_wait3A_293, %dma_wait3A_294] : memref<32x160x64xi32, #tpu.memory_space<hbm>> -> memref<1x160x64xi32, #tpu.memory_space<hbm>>
      %dma_wait3A_296 = tpu.memref_squeeze %dma_wait3A_295 : memref<1x160x64xi32, #tpu.memory_space<hbm>> -> memref<160x64xi32, #tpu.memory_space<hbm>>
      %dma_wait3A_297 = arith.constant 120 : i32
      %dma_wait3A_298 = arith.constant 0 : i32
      %dma_wait3A_299 = tpu.memref_slice %dma_wait3A_296[%dma_wait3A_297, %dma_wait3A_298] : memref<160x64xi32, #tpu.memory_space<hbm>> -> memref<40x64xi32, #tpu.memory_space<hbm>>
      tpu.wait_dma2 semaphore(%run_scoped3A_271 : memref<!tpu.dma_semaphore, #tpu.memory_space<semaphore_mem>>) src(%dma_wait3A_299 : memref<40x64xi32, #tpu.memory_space<hbm>>) dst(%arg6 : memref<40x64xi32, #tpu.memory_space<vmem>>)
      tpu.yield
    }) : () -> ()
    "tpu.region"() ({
      %run_scoped3A_271 = tpu.sem_alloc : memref<!tpu.dma_semaphore, #tpu.memory_space<semaphore_mem>>
      %dma_start3A_272 = arith.constant 0 : i32
      %dma_start3A_273 = arith.constant 0 : i32
      %dma_start3A_274 = tpu.memref_slice %arg4[%add3A, %dma_start3A_272, %dma_start3A_273] : memref<32x160x64xi32, #tpu.memory_space<hbm>> -> memref<1x160x64xi32, #tpu.memory_space<hbm>>
      %dma_start3A_275 = tpu.memref_squeeze %dma_start3A_274 : memref<1x160x64xi32, #tpu.memory_space<hbm>> -> memref<160x64xi32, #tpu.memory_space<hbm>>
      %dma_start3A_276 = arith.constant 120 : i32
      %dma_start3A_277 = arith.constant 0 : i32
      %dma_start3A_278 = tpu.memref_slice %dma_start3A_275[%dma_start3A_276, %dma_start3A_277] : memref<160x64xi32, #tpu.memory_space<hbm>> -> memref<40x64xi32, #tpu.memory_space<hbm>>
      %dma_start3A_279 = arith.constant 0 : i32
      %dma_start3A_280 = arith.constant 0 : i32
      %dma_start3A_281 = tpu.memref_slice %arg4[%add3A, %dma_start3A_279, %dma_start3A_280] : memref<32x160x64xi32, #tpu.memory_space<hbm>> -> memref<1x160x64xi32, #tpu.memory_space<hbm>>
      %dma_start3A_282 = tpu.memref_squeeze %dma_start3A_281 : memref<1x160x64xi32, #tpu.memory_space<hbm>> -> memref<160x64xi32, #tpu.memory_space<hbm>>
      %dma_start3A_283 = arith.constant 120 : i32
      %dma_start3A_284 = arith.constant 0 : i32
      %dma_start3A_285 = tpu.memref_slice %dma_start3A_282[%dma_start3A_283, %dma_start3A_284] : memref<160x64xi32, #tpu.memory_space<hbm>> -> memref<40x64xi32, #tpu.memory_space<hbm>>
      tpu.enqueue_dma source(%dma_start3A_285 : memref<40x64xi32, #tpu.memory_space<hbm>>) target(%arg7 : memref<40x64xi32, #tpu.memory_space<vmem>>) target_semaphore(%run_scoped3A_271 : memref<!tpu.dma_semaphore, #tpu.memory_space<semaphore_mem>>)
      %dma_wait3A_286 = arith.constant 0 : i32
      %dma_wait3A_287 = arith.constant 0 : i32
      %dma_wait3A_288 = tpu.memref_slice %arg4[%add3A, %dma_wait3A_286, %dma_wait3A_287] : memref<32x160x64xi32, #tpu.memory_space<hbm>> -> memref<1x160x64xi32, #tpu.memory_space<hbm>>
      %dma_wait3A_289 = tpu.memref_squeeze %dma_wait3A_288 : memref<1x160x64xi32, #tpu.memory_space<hbm>> -> memref<160x64xi32, #tpu.memory_space<hbm>>
      %dma_wait3A_290 = arith.constant 120 : i32
      %dma_wait3A_291 = arith.constant 0 : i32
      %dma_wait3A_292 = tpu.memref_slice %dma_wait3A_289[%dma_wait3A_290, %dma_wait3A_291] : memref<160x64xi32, #tpu.memory_space<hbm>> -> memref<40x64xi32, #tpu.memory_space<hbm>>
      %dma_wait3A_293 = arith.constant 0 : i32
      %dma_wait3A_294 = arith.constant 0 : i32
      %dma_wait3A_295 = tpu.memref_slice %arg4[%add3A, %dma_wait3A_293, %dma_wait3A_294] : memref<32x160x64xi32, #tpu.memory_space<hbm>> -> memref<1x160x64xi32, #tpu.memory_space<hbm>>
      %dma_wait3A_296 = tpu.memref_squeeze %dma_wait3A_295 : memref<1x160x64xi32, #tpu.memory_space<hbm>> -> memref<160x64xi32, #tpu.memory_space<hbm>>
      %dma_wait3A_297 = arith.constant 120 : i32
      %dma_wait3A_298 = arith.constant 0 : i32
      %dma_wait3A_299 = tpu.memref_slice %dma_wait3A_296[%dma_wait3A_297, %dma_wait3A_298] : memref<160x64xi32, #tpu.memory_space<hbm>> -> memref<40x64xi32, #tpu.memory_space<hbm>>
      tpu.wait_dma2 semaphore(%run_scoped3A_271 : memref<!tpu.dma_semaphore, #tpu.memory_space<semaphore_mem>>) src(%dma_wait3A_299 : memref<40x64xi32, #tpu.memory_space<hbm>>) dst(%arg7 : memref<40x64xi32, #tpu.memory_space<vmem>>)
      tpu.yield
    }) : () -> ()
    %dma_start3A_205 = arith.constant 0 : i32
    %dma_start3A_206 = arith.constant 0 : i32
    %dma_start3A_207 = tpu.memref_slice %arg6[%dma_start3A_205, %dma_start3A_206] : memref<40x64xi32, #tpu.memory_space<vmem>> -> memref<1x64xi32, #tpu.memory_space<vmem>>
    %dma_start3A_208 = tpu.memref_squeeze %dma_start3A_207 : memref<1x64xi32, #tpu.memory_space<vmem>> -> memref<64xi32, #tpu.memory_space<vmem>>
    %dma_start3A_209 = arith.constant 0 : i32
    %dma_start3A_210 = arith.constant 0 : i32
    %dma_start3A_211 = tpu.memref_slice %arg2[%dma_start3A_209, %dma_start3A_210] : memref<10240x128xf32, #tpu.memory_space<hbm>> -> memref<10240x128xf32, #tpu.memory_space<hbm>>
    tpu.enqueue_indirect_dma source(%dma_start3A_211 : memref<10240x128xf32, #tpu.memory_space<hbm>>) target(%arg8 : memref<64x128xf32, #tpu.memory_space<vmem>>) offsets(%dma_start3A_208 : memref<64xi32, #tpu.memory_space<vmem>>) semaphore(%arg14 : memref<!tpu.dma_semaphore, #tpu.memory_space<semaphore_mem>>)
    %dma_start3A_212 = arith.constant 1 : i32
    %dma_start3A_213 = arith.constant 0 : i32
    %dma_start3A_214 = tpu.memref_slice %arg6[%dma_start3A_212, %dma_start3A_213] : memref<40x64xi32, #tpu.memory_space<vmem>> -> memref<1x64xi32, #tpu.memory_space<vmem>>
    %dma_start3A_215 = tpu.memref_squeeze %dma_start3A_214 : memref<1x64xi32, #tpu.memory_space<vmem>> -> memref<64xi32, #tpu.memory_space<vmem>>
    %dma_start3A_216 = arith.constant 0 : i32
    %dma_start3A_217 = arith.constant 0 : i32
    %dma_start3A_218 = tpu.memref_slice %arg2[%dma_start3A_216, %dma_start3A_217] : memref<10240x128xf32, #tpu.memory_space<hbm>> -> memref<10240x128xf32, #tpu.memory_space<hbm>>
    tpu.enqueue_indirect_dma source(%dma_start3A_218 : memref<10240x128xf32, #tpu.memory_space<hbm>>) target(%arg9 : memref<64x128xf32, #tpu.memory_space<vmem>>) offsets(%dma_start3A_215 : memref<64xi32, #tpu.memory_space<vmem>>) semaphore(%arg15 : memref<!tpu.dma_semaphore, #tpu.memory_space<semaphore_mem>>)
    %dma_start3A_219 = arith.constant 2 : i32
    %dma_start3A_220 = arith.constant 0 : i32
    %dma_start3A_221 = tpu.memref_slice %arg6[%dma_start3A_219, %dma_start3A_220] : memref<40x64xi32, #tpu.memory_space<vmem>> -> memref<1x64xi32, #tpu.memory_space<vmem>>
    %dma_start3A_222 = tpu.memref_squeeze %dma_start3A_221 : memref<1x64xi32, #tpu.memory_space<vmem>> -> memref<64xi32, #tpu.memory_space<vmem>>
    %dma_start3A_223 = arith.constant 0 : i32
    %dma_start3A_224 = arith.constant 0 : i32
    %dma_start3A_225 = tpu.memref_slice %arg2[%dma_start3A_223, %dma_start3A_224] : memref<10240x128xf32, #tpu.memory_space<hbm>> -> memref<10240x128xf32, #tpu.memory_space<hbm>>
    tpu.enqueue_indirect_dma source(%dma_start3A_225 : memref<10240x128xf32, #tpu.memory_space<hbm>>) target(%arg10 : memref<64x128xf32, #tpu.memory_space<vmem>>) offsets(%dma_start3A_222 : memref<64xi32, #tpu.memory_space<vmem>>) semaphore(%arg16 : memref<!tpu.dma_semaphore, #tpu.memory_space<semaphore_mem>>)
    %dma_start3A_226 = arith.constant 3 : i32
    %dma_start3A_227 = arith.constant 0 : i32
    %dma_start3A_228 = tpu.memref_slice %arg6[%dma_start3A_226, %dma_start3A_227] : memref<40x64xi32, #tpu.memory_space<vmem>> -> memref<1x64xi32, #tpu.memory_space<vmem>>
    %dma_start3A_229 = tpu.memref_squeeze %dma_start3A_228 : memref<1x64xi32, #tpu.memory_space<vmem>> -> memref<64xi32, #tpu.memory_space<vmem>>
    %dma_start3A_230 = arith.constant 0 : i32
    %dma_start3A_231 = arith.constant 0 : i32
    %dma_start3A_232 = tpu.memref_slice %arg2[%dma_start3A_230, %dma_start3A_231] : memref<10240x128xf32, #tpu.memory_space<hbm>> -> memref<10240x128xf32, #tpu.memory_space<hbm>>
    tpu.enqueue_indirect_dma source(%dma_start3A_232 : memref<10240x128xf32, #tpu.memory_space<hbm>>) target(%arg11 : memref<64x128xf32, #tpu.memory_space<vmem>>) offsets(%dma_start3A_229 : memref<64xi32, #tpu.memory_space<vmem>>) semaphore(%arg17 : memref<!tpu.dma_semaphore, #tpu.memory_space<semaphore_mem>>)
    %scan3A_233 = arith.constant 0 : i32
    %scan3A_234 = arith.constant 9 : i32
    %scan3A_235 = arith.addi %scan3A_233, %scan3A_234 : i32
    %scan3A_236 = arith.constant 1 : i32
    scf.for %scan3A_271 = %scan3A_233 to %scan3A_235 step %scan3A_236  : i32 {
      %mul3A_272 = arith.constant 4 : i32
      %mul3A_273 = arith.muli %scan3A_271, %mul3A_272 : i32
      %add3A_274 = arith.constant 0 : i32
      %add3A_275 = arith.addi %add3A_274, %mul3A_273 : i32
      %add3A_276 = arith.constant 0 : i32
      %add3A_277 = arith.addi %add3A_275, %add3A_276 : i32
      %dma_wait3A_278 = arith.constant 0 : i32
      %dma_wait3A_279 = tpu.memref_slice %arg6[%add3A_277, %dma_wait3A_278] : memref<40x64xi32, #tpu.memory_space<vmem>> -> memref<1x64xi32, #tpu.memory_space<vmem>>
      %dma_wait3A_280 = tpu.memref_squeeze %dma_wait3A_279 : memref<1x64xi32, #tpu.memory_space<vmem>> -> memref<64xi32, #tpu.memory_space<vmem>>
      %dma_wait3A_281 = arith.constant 0 : i32
      %dma_wait3A_282 = arith.constant 0 : i32
      %dma_wait3A_283 = tpu.memref_slice %arg2[%dma_wait3A_281, %dma_wait3A_282] : memref<10240x128xf32, #tpu.memory_space<hbm>> -> memref<10240x128xf32, #tpu.memory_space<hbm>>
      tpu.wait_indirect_dma semaphore(%arg14 : memref<!tpu.dma_semaphore, #tpu.memory_space<semaphore_mem>>) src(%dma_wait3A_283 : memref<10240x128xf32, #tpu.memory_space<hbm>>) dst(%arg8 : memref<64x128xf32, #tpu.memory_space<vmem>>)
      %add3A_284 = arith.constant 0 : i32
      %add3A_285 = arith.addi %add3A_275, %add3A_284 : i32
      %dma_start3A_286 = arith.constant 0 : i32
      %dma_start3A_287 = tpu.memref_slice %arg7[%add3A_285, %dma_start3A_286] : memref<40x64xi32, #tpu.memory_space<vmem>> -> memref<1x64xi32, #tpu.memory_space<vmem>>
      %dma_start3A_288 = tpu.memref_squeeze %dma_start3A_287 : memref<1x64xi32, #tpu.memory_space<vmem>> -> memref<64xi32, #tpu.memory_space<vmem>>
      %dma_start3A_289 = arith.constant 0 : i32
      %dma_start3A_290 = arith.constant 0 : i32
      %dma_start3A_291 = tpu.memref_slice %arg13[%dma_start3A_289, %dma_start3A_290] : memref<10240x128xf32, #tpu.memory_space<vmem_shared>> -> memref<10240x128xf32, #tpu.memory_space<vmem_shared>>
      tpu.enqueue_indirect_dma source(%arg8 : memref<64x128xf32, #tpu.memory_space<vmem>>) target(%dma_start3A_291 : memref<10240x128xf32, #tpu.memory_space<vmem_shared>>) offsets(%dma_start3A_288 : memref<64xi32, #tpu.memory_space<vmem>>) semaphore(%arg18 : memref<!tpu.dma_semaphore, #tpu.memory_space<semaphore_mem>>) {add = true}
      %add3A_292 = arith.constant 1 : i32
      %add3A_293 = arith.addi %add3A_275, %add3A_292 : i32
      %dma_wait3A_294 = arith.constant 0 : i32
      %dma_wait3A_295 = tpu.memref_slice %arg6[%add3A_293, %dma_wait3A_294] : memref<40x64xi32, #tpu.memory_space<vmem>> -> memref<1x64xi32, #tpu.memory_space<vmem>>
      %dma_wait3A_296 = tpu.memref_squeeze %dma_wait3A_295 : memref<1x64xi32, #tpu.memory_space<vmem>> -> memref<64xi32, #tpu.memory_space<vmem>>
      %dma_wait3A_297 = arith.constant 0 : i32
      %dma_wait3A_298 = arith.constant 0 : i32
      %dma_wait3A_299 = tpu.memref_slice %arg2[%dma_wait3A_297, %dma_wait3A_298] : memref<10240x128xf32, #tpu.memory_space<hbm>> -> memref<10240x128xf32, #tpu.memory_space<hbm>>
      tpu.wait_indirect_dma semaphore(%arg15 : memref<!tpu.dma_semaphore, #tpu.memory_space<semaphore_mem>>) src(%dma_wait3A_299 : memref<10240x128xf32, #tpu.memory_space<hbm>>) dst(%arg9 : memref<64x128xf32, #tpu.memory_space<vmem>>)
      %add3A_300 = arith.constant 1 : i32
      %add3A_301 = arith.addi %add3A_275, %add3A_300 : i32
      %dma_start3A_302 = arith.constant 0 : i32
      %dma_start3A_303 = tpu.memref_slice %arg7[%add3A_301, %dma_start3A_302] : memref<40x64xi32, #tpu.memory_space<vmem>> -> memref<1x64xi32, #tpu.memory_space<vmem>>
      %dma_start3A_304 = tpu.memref_squeeze %dma_start3A_303 : memref<1x64xi32, #tpu.memory_space<vmem>> -> memref<64xi32, #tpu.memory_space<vmem>>
      %dma_start3A_305 = arith.constant 0 : i32
      %dma_start3A_306 = arith.constant 0 : i32
      %dma_start3A_307 = tpu.memref_slice %arg13[%dma_start3A_305, %dma_start3A_306] : memref<10240x128xf32, #tpu.memory_space<vmem_shared>> -> memref<10240x128xf32, #tpu.memory_space<vmem_shared>>
      tpu.enqueue_indirect_dma source(%arg9 : memref<64x128xf32, #tpu.memory_space<vmem>>) target(%dma_start3A_307 : memref<10240x128xf32, #tpu.memory_space<vmem_shared>>) offsets(%dma_start3A_304 : memref<64xi32, #tpu.memory_space<vmem>>) semaphore(%arg19 : memref<!tpu.dma_semaphore, #tpu.memory_space<semaphore_mem>>) {add = true}
      %add3A_308 = arith.constant 2 : i32
      %add3A_309 = arith.addi %add3A_275, %add3A_308 : i32
      %dma_wait3A_310 = arith.constant 0 : i32
      %dma_wait3A_311 = tpu.memref_slice %arg6[%add3A_309, %dma_wait3A_310] : memref<40x64xi32, #tpu.memory_space<vmem>> -> memref<1x64xi32, #tpu.memory_space<vmem>>
      %dma_wait3A_312 = tpu.memref_squeeze %dma_wait3A_311 : memref<1x64xi32, #tpu.memory_space<vmem>> -> memref<64xi32, #tpu.memory_space<vmem>>
      %dma_wait3A_313 = arith.constant 0 : i32
      %dma_wait3A_314 = arith.constant 0 : i32
      %dma_wait3A_315 = tpu.memref_slice %arg2[%dma_wait3A_313, %dma_wait3A_314] : memref<10240x128xf32, #tpu.memory_space<hbm>> -> memref<10240x128xf32, #tpu.memory_space<hbm>>
      tpu.wait_indirect_dma semaphore(%arg16 : memref<!tpu.dma_semaphore, #tpu.memory_space<semaphore_mem>>) src(%dma_wait3A_315 : memref<10240x128xf32, #tpu.memory_space<hbm>>) dst(%arg10 : memref<64x128xf32, #tpu.memory_space<vmem>>)
      %add3A_316 = arith.constant 2 : i32
      %add3A_317 = arith.addi %add3A_275, %add3A_316 : i32
      %dma_start3A_318 = arith.constant 0 : i32
      %dma_start3A_319 = tpu.memref_slice %arg7[%add3A_317, %dma_start3A_318] : memref<40x64xi32, #tpu.memory_space<vmem>> -> memref<1x64xi32, #tpu.memory_space<vmem>>
      %dma_start3A_320 = tpu.memref_squeeze %dma_start3A_319 : memref<1x64xi32, #tpu.memory_space<vmem>> -> memref<64xi32, #tpu.memory_space<vmem>>
      %dma_start3A_321 = arith.constant 0 : i32
      %dma_start3A_322 = arith.constant 0 : i32
      %dma_start3A_323 = tpu.memref_slice %arg13[%dma_start3A_321, %dma_start3A_322] : memref<10240x128xf32, #tpu.memory_space<vmem_shared>> -> memref<10240x128xf32, #tpu.memory_space<vmem_shared>>
      tpu.enqueue_indirect_dma source(%arg10 : memref<64x128xf32, #tpu.memory_space<vmem>>) target(%dma_start3A_323 : memref<10240x128xf32, #tpu.memory_space<vmem_shared>>) offsets(%dma_start3A_320 : memref<64xi32, #tpu.memory_space<vmem>>) semaphore(%arg20 : memref<!tpu.dma_semaphore, #tpu.memory_space<semaphore_mem>>) {add = true}
      %add3A_324 = arith.constant 3 : i32
      %add3A_325 = arith.addi %add3A_275, %add3A_324 : i32
      %dma_wait3A_326 = arith.constant 0 : i32
      %dma_wait3A_327 = tpu.memref_slice %arg6[%add3A_325, %dma_wait3A_326] : memref<40x64xi32, #tpu.memory_space<vmem>> -> memref<1x64xi32, #tpu.memory_space<vmem>>
      %dma_wait3A_328 = tpu.memref_squeeze %dma_wait3A_327 : memref<1x64xi32, #tpu.memory_space<vmem>> -> memref<64xi32, #tpu.memory_space<vmem>>
      %dma_wait3A_329 = arith.constant 0 : i32
      %dma_wait3A_330 = arith.constant 0 : i32
      %dma_wait3A_331 = tpu.memref_slice %arg2[%dma_wait3A_329, %dma_wait3A_330] : memref<10240x128xf32, #tpu.memory_space<hbm>> -> memref<10240x128xf32, #tpu.memory_space<hbm>>
      tpu.wait_indirect_dma semaphore(%arg17 : memref<!tpu.dma_semaphore, #tpu.memory_space<semaphore_mem>>) src(%dma_wait3A_331 : memref<10240x128xf32, #tpu.memory_space<hbm>>) dst(%arg11 : memref<64x128xf32, #tpu.memory_space<vmem>>)
      %add3A_332 = arith.constant 3 : i32
      %add3A_333 = arith.addi %add3A_275, %add3A_332 : i32
      %dma_start3A_334 = arith.constant 0 : i32
      %dma_start3A_335 = tpu.memref_slice %arg7[%add3A_333, %dma_start3A_334] : memref<40x64xi32, #tpu.memory_space<vmem>> -> memref<1x64xi32, #tpu.memory_space<vmem>>
      %dma_start3A_336 = tpu.memref_squeeze %dma_start3A_335 : memref<1x64xi32, #tpu.memory_space<vmem>> -> memref<64xi32, #tpu.memory_space<vmem>>
      %dma_start3A_337 = arith.constant 0 : i32
      %dma_start3A_338 = arith.constant 0 : i32
      %dma_start3A_339 = tpu.memref_slice %arg13[%dma_start3A_337, %dma_start3A_338] : memref<10240x128xf32, #tpu.memory_space<vmem_shared>> -> memref<10240x128xf32, #tpu.memory_space<vmem_shared>>
      tpu.enqueue_indirect_dma source(%arg11 : memref<64x128xf32, #tpu.memory_space<vmem>>) target(%dma_start3A_339 : memref<10240x128xf32, #tpu.memory_space<vmem_shared>>) offsets(%dma_start3A_336 : memref<64xi32, #tpu.memory_space<vmem>>) semaphore(%arg21 : memref<!tpu.dma_semaphore, #tpu.memory_space<semaphore_mem>>) {add = true}
      %add3A_340 = arith.constant 0 : i32
      %add3A_341 = arith.addi %add3A_275, %add3A_340 : i32
      %dma_wait3A_342 = arith.constant 0 : i32
      %dma_wait3A_343 = tpu.memref_slice %arg7[%add3A_341, %dma_wait3A_342] : memref<40x64xi32, #tpu.memory_space<vmem>> -> memref<1x64xi32, #tpu.memory_space<vmem>>
      %dma_wait3A_344 = tpu.memref_squeeze %dma_wait3A_343 : memref<1x64xi32, #tpu.memory_space<vmem>> -> memref<64xi32, #tpu.memory_space<vmem>>
      %dma_wait3A_345 = arith.constant 0 : i32
      %dma_wait3A_346 = arith.constant 0 : i32
      %dma_wait3A_347 = tpu.memref_slice %arg13[%dma_wait3A_345, %dma_wait3A_346] : memref<10240x128xf32, #tpu.memory_space<vmem_shared>> -> memref<10240x128xf32, #tpu.memory_space<vmem_shared>>
      tpu.wait_indirect_dma semaphore(%arg18 : memref<!tpu.dma_semaphore, #tpu.memory_space<semaphore_mem>>) src(%arg8 : memref<64x128xf32, #tpu.memory_space<vmem>>) dst(%dma_wait3A_347 : memref<10240x128xf32, #tpu.memory_space<vmem_shared>>)
      %add3A_348 = arith.constant 4 : i32
      %add3A_349 = arith.addi %add3A_275, %add3A_348 : i32
      %add3A_350 = arith.constant 0 : i32
      %add3A_351 = arith.addi %add3A_349, %add3A_350 : i32
      %dma_start3A_352 = arith.constant 0 : i32
      %dma_start3A_353 = tpu.memref_slice %arg6[%add3A_351, %dma_start3A_352] : memref<40x64xi32, #tpu.memory_space<vmem>> -> memref<1x64xi32, #tpu.memory_space<vmem>>
      %dma_start3A_354 = tpu.memref_squeeze %dma_start3A_353 : memref<1x64xi32, #tpu.memory_space<vmem>> -> memref<64xi32, #tpu.memory_space<vmem>>
      %dma_start3A_355 = arith.constant 0 : i32
      %dma_start3A_356 = arith.constant 0 : i32
      %dma_start3A_357 = tpu.memref_slice %arg2[%dma_start3A_355, %dma_start3A_356] : memref<10240x128xf32, #tpu.memory_space<hbm>> -> memref<10240x128xf32, #tpu.memory_space<hbm>>
      tpu.enqueue_indirect_dma source(%dma_start3A_357 : memref<10240x128xf32, #tpu.memory_space<hbm>>) target(%arg8 : memref<64x128xf32, #tpu.memory_space<vmem>>) offsets(%dma_start3A_354 : memref<64xi32, #tpu.memory_space<vmem>>) semaphore(%arg14 : memref<!tpu.dma_semaphore, #tpu.memory_space<semaphore_mem>>)
      %add3A_358 = arith.constant 1 : i32
      %add3A_359 = arith.addi %add3A_275, %add3A_358 : i32
      %dma_wait3A_360 = arith.constant 0 : i32
      %dma_wait3A_361 = tpu.memref_slice %arg7[%add3A_359, %dma_wait3A_360] : memref<40x64xi32, #tpu.memory_space<vmem>> -> memref<1x64xi32, #tpu.memory_space<vmem>>
      %dma_wait3A_362 = tpu.memref_squeeze %dma_wait3A_361 : memref<1x64xi32, #tpu.memory_space<vmem>> -> memref<64xi32, #tpu.memory_space<vmem>>
      %dma_wait3A_363 = arith.constant 0 : i32
      %dma_wait3A_364 = arith.constant 0 : i32
      %dma_wait3A_365 = tpu.memref_slice %arg13[%dma_wait3A_363, %dma_wait3A_364] : memref<10240x128xf32, #tpu.memory_space<vmem_shared>> -> memref<10240x128xf32, #tpu.memory_space<vmem_shared>>
      tpu.wait_indirect_dma semaphore(%arg19 : memref<!tpu.dma_semaphore, #tpu.memory_space<semaphore_mem>>) src(%arg9 : memref<64x128xf32, #tpu.memory_space<vmem>>) dst(%dma_wait3A_365 : memref<10240x128xf32, #tpu.memory_space<vmem_shared>>)
      %add3A_366 = arith.constant 4 : i32
      %add3A_367 = arith.addi %add3A_275, %add3A_366 : i32
      %add3A_368 = arith.constant 1 : i32
      %add3A_369 = arith.addi %add3A_367, %add3A_368 : i32
      %dma_start3A_370 = arith.constant 0 : i32
      %dma_start3A_371 = tpu.memref_slice %arg6[%add3A_369, %dma_start3A_370] : memref<40x64xi32, #tpu.memory_space<vmem>> -> memref<1x64xi32, #tpu.memory_space<vmem>>
      %dma_start3A_372 = tpu.memref_squeeze %dma_start3A_371 : memref<1x64xi32, #tpu.memory_space<vmem>> -> memref<64xi32, #tpu.memory_space<vmem>>
      %dma_start3A_373 = arith.constant 0 : i32
      %dma_start3A_374 = arith.constant 0 : i32
      %dma_start3A_375 = tpu.memref_slice %arg2[%dma_start3A_373, %dma_start3A_374] : memref<10240x128xf32, #tpu.memory_space<hbm>> -> memref<10240x128xf32, #tpu.memory_space<hbm>>
      tpu.enqueue_indirect_dma source(%dma_start3A_375 : memref<10240x128xf32, #tpu.memory_space<hbm>>) target(%arg9 : memref<64x128xf32, #tpu.memory_space<vmem>>) offsets(%dma_start3A_372 : memref<64xi32, #tpu.memory_space<vmem>>) semaphore(%arg15 : memref<!tpu.dma_semaphore, #tpu.memory_space<semaphore_mem>>)
      %add3A_376 = arith.constant 2 : i32
      %add3A_377 = arith.addi %add3A_275, %add3A_376 : i32
      %dma_wait3A_378 = arith.constant 0 : i32
      %dma_wait3A_379 = tpu.memref_slice %arg7[%add3A_377, %dma_wait3A_378] : memref<40x64xi32, #tpu.memory_space<vmem>> -> memref<1x64xi32, #tpu.memory_space<vmem>>
      %dma_wait3A_380 = tpu.memref_squeeze %dma_wait3A_379 : memref<1x64xi32, #tpu.memory_space<vmem>> -> memref<64xi32, #tpu.memory_space<vmem>>
      %dma_wait3A_381 = arith.constant 0 : i32
      %dma_wait3A_382 = arith.constant 0 : i32
      %dma_wait3A_383 = tpu.memref_slice %arg13[%dma_wait3A_381, %dma_wait3A_382] : memref<10240x128xf32, #tpu.memory_space<vmem_shared>> -> memref<10240x128xf32, #tpu.memory_space<vmem_shared>>
      tpu.wait_indirect_dma semaphore(%arg20 : memref<!tpu.dma_semaphore, #tpu.memory_space<semaphore_mem>>) src(%arg10 : memref<64x128xf32, #tpu.memory_space<vmem>>) dst(%dma_wait3A_383 : memref<10240x128xf32, #tpu.memory_space<vmem_shared>>)
      %add3A_384 = arith.constant 4 : i32
      %add3A_385 = arith.addi %add3A_275, %add3A_384 : i32
      %add3A_386 = arith.constant 2 : i32
      %add3A_387 = arith.addi %add3A_385, %add3A_386 : i32
      %dma_start3A_388 = arith.constant 0 : i32
      %dma_start3A_389 = tpu.memref_slice %arg6[%add3A_387, %dma_start3A_388] : memref<40x64xi32, #tpu.memory_space<vmem>> -> memref<1x64xi32, #tpu.memory_space<vmem>>
      %dma_start3A_390 = tpu.memref_squeeze %dma_start3A_389 : memref<1x64xi32, #tpu.memory_space<vmem>> -> memref<64xi32, #tpu.memory_space<vmem>>
      %dma_start3A_391 = arith.constant 0 : i32
      %dma_start3A_392 = arith.constant 0 : i32
      %dma_start3A_393 = tpu.memref_slice %arg2[%dma_start3A_391, %dma_start3A_392] : memref<10240x128xf32, #tpu.memory_space<hbm>> -> memref<10240x128xf32, #tpu.memory_space<hbm>>
      tpu.enqueue_indirect_dma source(%dma_start3A_393 : memref<10240x128xf32, #tpu.memory_space<hbm>>) target(%arg10 : memref<64x128xf32, #tpu.memory_space<vmem>>) offsets(%dma_start3A_390 : memref<64xi32, #tpu.memory_space<vmem>>) semaphore(%arg16 : memref<!tpu.dma_semaphore, #tpu.memory_space<semaphore_mem>>)
      %add3A_394 = arith.constant 3 : i32
      %add3A_395 = arith.addi %add3A_275, %add3A_394 : i32
      %dma_wait3A_396 = arith.constant 0 : i32
      %dma_wait3A_397 = tpu.memref_slice %arg7[%add3A_395, %dma_wait3A_396] : memref<40x64xi32, #tpu.memory_space<vmem>> -> memref<1x64xi32, #tpu.memory_space<vmem>>
      %dma_wait3A_398 = tpu.memref_squeeze %dma_wait3A_397 : memref<1x64xi32, #tpu.memory_space<vmem>> -> memref<64xi32, #tpu.memory_space<vmem>>
      %dma_wait3A_399 = arith.constant 0 : i32
      %dma_wait3A_400 = arith.constant 0 : i32
      %dma_wait3A_401 = tpu.memref_slice %arg13[%dma_wait3A_399, %dma_wait3A_400] : memref<10240x128xf32, #tpu.memory_space<vmem_shared>> -> memref<10240x128xf32, #tpu.memory_space<vmem_shared>>
      tpu.wait_indirect_dma semaphore(%arg21 : memref<!tpu.dma_semaphore, #tpu.memory_space<semaphore_mem>>) src(%arg11 : memref<64x128xf32, #tpu.memory_space<vmem>>) dst(%dma_wait3A_401 : memref<10240x128xf32, #tpu.memory_space<vmem_shared>>)
      %add3A_402 = arith.constant 4 : i32
      %add3A_403 = arith.addi %add3A_275, %add3A_402 : i32
      %add3A_404 = arith.constant 3 : i32
      %add3A_405 = arith.addi %add3A_403, %add3A_404 : i32
      %dma_start3A_406 = arith.constant 0 : i32
      %dma_start3A_407 = tpu.memref_slice %arg6[%add3A_405, %dma_start3A_406] : memref<40x64xi32, #tpu.memory_space<vmem>> -> memref<1x64xi32, #tpu.memory_space<vmem>>
      %dma_start3A_408 = tpu.memref_squeeze %dma_start3A_407 : memref<1x64xi32, #tpu.memory_space<vmem>> -> memref<64xi32, #tpu.memory_space<vmem>>
      %dma_start3A_409 = arith.constant 0 : i32
      %dma_start3A_410 = arith.constant 0 : i32
      %dma_start3A_411 = tpu.memref_slice %arg2[%dma_start3A_409, %dma_start3A_410] : memref<10240x128xf32, #tpu.memory_space<hbm>> -> memref<10240x128xf32, #tpu.memory_space<hbm>>
      tpu.enqueue_indirect_dma source(%dma_start3A_411 : memref<10240x128xf32, #tpu.memory_space<hbm>>) target(%arg11 : memref<64x128xf32, #tpu.memory_space<vmem>>) offsets(%dma_start3A_408 : memref<64xi32, #tpu.memory_space<vmem>>) semaphore(%arg17 : memref<!tpu.dma_semaphore, #tpu.memory_space<semaphore_mem>>)
    }
    %scan3A_237 = arith.constant 9 : i32
    %dma_wait3A_238 = arith.constant 36 : i32
    %dma_wait3A_239 = arith.constant 0 : i32
    %dma_wait3A_240 = tpu.memref_slice %arg6[%dma_wait3A_238, %dma_wait3A_239] : memref<40x64xi32, #tpu.memory_space<vmem>> -> memref<1x64xi32, #tpu.memory_space<vmem>>
    %dma_wait3A_241 = tpu.memref_squeeze %dma_wait3A_240 : memref<1x64xi32, #tpu.memory_space<vmem>> -> memref<64xi32, #tpu.memory_space<vmem>>
    %dma_wait3A_242 = arith.constant 0 : i32
    %dma_wait3A_243 = arith.constant 0 : i32
    %dma_wait3A_244 = tpu.memref_slice %arg2[%dma_wait3A_242, %dma_wait3A_243] : memref<10240x128xf32, #tpu.memory_space<hbm>> -> memref<10240x128xf32, #tpu.memory_space<hbm>>
    tpu.wait_indirect_dma semaphore(%arg14 : memref<!tpu.dma_semaphore, #tpu.memory_space<semaphore_mem>>) src(%dma_wait3A_244 : memref<10240x128xf32, #tpu.memory_space<hbm>>) dst(%arg8 : memref<64x128xf32, #tpu.memory_space<vmem>>)
    %run_scoped3A_245 = arith.constant 36 : i32
    "tpu.region"() ({
      %run_scoped3A_271 = tpu.sem_alloc : memref<!tpu.dma_semaphore, #tpu.memory_space<semaphore_mem>>
      %dma_start3A_272 = arith.constant 0 : i32
      %dma_start3A_273 = tpu.memref_slice %arg7[%run_scoped3A_245, %dma_start3A_272] : memref<40x64xi32, #tpu.memory_space<vmem>> -> memref<1x64xi32, #tpu.memory_space<vmem>>
      %dma_start3A_274 = tpu.memref_squeeze %dma_start3A_273 : memref<1x64xi32, #tpu.memory_space<vmem>> -> memref<64xi32, #tpu.memory_space<vmem>>
      %dma_start3A_275 = arith.constant 0 : i32
      %dma_start3A_276 = arith.constant 0 : i32
      %dma_start3A_277 = tpu.memref_slice %arg13[%dma_start3A_275, %dma_start3A_276] : memref<10240x128xf32, #tpu.memory_space<vmem_shared>> -> memref<10240x128xf32, #tpu.memory_space<vmem_shared>>
      tpu.enqueue_indirect_dma source(%arg8 : memref<64x128xf32, #tpu.memory_space<vmem>>) target(%dma_start3A_277 : memref<10240x128xf32, #tpu.memory_space<vmem_shared>>) offsets(%dma_start3A_274 : memref<64xi32, #tpu.memory_space<vmem>>) semaphore(%run_scoped3A_271 : memref<!tpu.dma_semaphore, #tpu.memory_space<semaphore_mem>>) {add = true}
      %dma_wait3A_278 = arith.constant 0 : i32
      %dma_wait3A_279 = tpu.memref_slice %arg7[%run_scoped3A_245, %dma_wait3A_278] : memref<40x64xi32, #tpu.memory_space<vmem>> -> memref<1x64xi32, #tpu.memory_space<vmem>>
      %dma_wait3A_280 = tpu.memref_squeeze %dma_wait3A_279 : memref<1x64xi32, #tpu.memory_space<vmem>> -> memref<64xi32, #tpu.memory_space<vmem>>
      %dma_wait3A_281 = arith.constant 0 : i32
      %dma_wait3A_282 = arith.constant 0 : i32
      %dma_wait3A_283 = tpu.memref_slice %arg13[%dma_wait3A_281, %dma_wait3A_282] : memref<10240x128xf32, #tpu.memory_space<vmem_shared>> -> memref<10240x128xf32, #tpu.memory_space<vmem_shared>>
      tpu.wait_indirect_dma semaphore(%run_scoped3A_271 : memref<!tpu.dma_semaphore, #tpu.memory_space<semaphore_mem>>) src(%arg8 : memref<64x128xf32, #tpu.memory_space<vmem>>) dst(%dma_wait3A_283 : memref<10240x128xf32, #tpu.memory_space<vmem_shared>>)
      tpu.yield
    }) : () -> ()
    %dma_wait3A_246 = arith.constant 37 : i32
    %dma_wait3A_247 = arith.constant 0 : i32
    %dma_wait3A_248 = tpu.memref_slice %arg6[%dma_wait3A_246, %dma_wait3A_247] : memref<40x64xi32, #tpu.memory_space<vmem>> -> memref<1x64xi32, #tpu.memory_space<vmem>>
    %dma_wait3A_249 = tpu.memref_squeeze %dma_wait3A_248 : memref<1x64xi32, #tpu.memory_space<vmem>> -> memref<64xi32, #tpu.memory_space<vmem>>
    %dma_wait3A_250 = arith.constant 0 : i32
    %dma_wait3A_251 = arith.constant 0 : i32
    %dma_wait3A_252 = tpu.memref_slice %arg2[%dma_wait3A_250, %dma_wait3A_251] : memref<10240x128xf32, #tpu.memory_space<hbm>> -> memref<10240x128xf32, #tpu.memory_space<hbm>>
    tpu.wait_indirect_dma semaphore(%arg15 : memref<!tpu.dma_semaphore, #tpu.memory_space<semaphore_mem>>) src(%dma_wait3A_252 : memref<10240x128xf32, #tpu.memory_space<hbm>>) dst(%arg9 : memref<64x128xf32, #tpu.memory_space<vmem>>)
    %run_scoped3A_253 = arith.constant 37 : i32
    "tpu.region"() ({
      %run_scoped3A_271 = tpu.sem_alloc : memref<!tpu.dma_semaphore, #tpu.memory_space<semaphore_mem>>
      %dma_start3A_272 = arith.constant 0 : i32
      %dma_start3A_273 = tpu.memref_slice %arg7[%run_scoped3A_253, %dma_start3A_272] : memref<40x64xi32, #tpu.memory_space<vmem>> -> memref<1x64xi32, #tpu.memory_space<vmem>>
      %dma_start3A_274 = tpu.memref_squeeze %dma_start3A_273 : memref<1x64xi32, #tpu.memory_space<vmem>> -> memref<64xi32, #tpu.memory_space<vmem>>
      %dma_start3A_275 = arith.constant 0 : i32
      %dma_start3A_276 = arith.constant 0 : i32
      %dma_start3A_277 = tpu.memref_slice %arg13[%dma_start3A_275, %dma_start3A_276] : memref<10240x128xf32, #tpu.memory_space<vmem_shared>> -> memref<10240x128xf32, #tpu.memory_space<vmem_shared>>
      tpu.enqueue_indirect_dma source(%arg9 : memref<64x128xf32, #tpu.memory_space<vmem>>) target(%dma_start3A_277 : memref<10240x128xf32, #tpu.memory_space<vmem_shared>>) offsets(%dma_start3A_274 : memref<64xi32, #tpu.memory_space<vmem>>) semaphore(%run_scoped3A_271 : memref<!tpu.dma_semaphore, #tpu.memory_space<semaphore_mem>>) {add = true}
      %dma_wait3A_278 = arith.constant 0 : i32
      %dma_wait3A_279 = tpu.memref_slice %arg7[%run_scoped3A_253, %dma_wait3A_278] : memref<40x64xi32, #tpu.memory_space<vmem>> -> memref<1x64xi32, #tpu.memory_space<vmem>>
      %dma_wait3A_280 = tpu.memref_squeeze %dma_wait3A_279 : memref<1x64xi32, #tpu.memory_space<vmem>> -> memref<64xi32, #tpu.memory_space<vmem>>
      %dma_wait3A_281 = arith.constant 0 : i32
      %dma_wait3A_282 = arith.constant 0 : i32
      %dma_wait3A_283 = tpu.memref_slice %arg13[%dma_wait3A_281, %dma_wait3A_282] : memref<10240x128xf32, #tpu.memory_space<vmem_shared>> -> memref<10240x128xf32, #tpu.memory_space<vmem_shared>>
      tpu.wait_indirect_dma semaphore(%run_scoped3A_271 : memref<!tpu.dma_semaphore, #tpu.memory_space<semaphore_mem>>) src(%arg9 : memref<64x128xf32, #tpu.memory_space<vmem>>) dst(%dma_wait3A_283 : memref<10240x128xf32, #tpu.memory_space<vmem_shared>>)
      tpu.yield
    }) : () -> ()
    %dma_wait3A_254 = arith.constant 38 : i32
    %dma_wait3A_255 = arith.constant 0 : i32
    %dma_wait3A_256 = tpu.memref_slice %arg6[%dma_wait3A_254, %dma_wait3A_255] : memref<40x64xi32, #tpu.memory_space<vmem>> -> memref<1x64xi32, #tpu.memory_space<vmem>>
    %dma_wait3A_257 = tpu.memref_squeeze %dma_wait3A_256 : memref<1x64xi32, #tpu.memory_space<vmem>> -> memref<64xi32, #tpu.memory_space<vmem>>
    %dma_wait3A_258 = arith.constant 0 : i32
    %dma_wait3A_259 = arith.constant 0 : i32
    %dma_wait3A_260 = tpu.memref_slice %arg2[%dma_wait3A_258, %dma_wait3A_259] : memref<10240x128xf32, #tpu.memory_space<hbm>> -> memref<10240x128xf32, #tpu.memory_space<hbm>>
    tpu.wait_indirect_dma semaphore(%arg16 : memref<!tpu.dma_semaphore, #tpu.memory_space<semaphore_mem>>) src(%dma_wait3A_260 : memref<10240x128xf32, #tpu.memory_space<hbm>>) dst(%arg10 : memref<64x128xf32, #tpu.memory_space<vmem>>)
    %run_scoped3A_261 = arith.constant 38 : i32
    "tpu.region"() ({
      %run_scoped3A_271 = tpu.sem_alloc : memref<!tpu.dma_semaphore, #tpu.memory_space<semaphore_mem>>
      %dma_start3A_272 = arith.constant 0 : i32
      %dma_start3A_273 = tpu.memref_slice %arg7[%run_scoped3A_261, %dma_start3A_272] : memref<40x64xi32, #tpu.memory_space<vmem>> -> memref<1x64xi32, #tpu.memory_space<vmem>>
      %dma_start3A_274 = tpu.memref_squeeze %dma_start3A_273 : memref<1x64xi32, #tpu.memory_space<vmem>> -> memref<64xi32, #tpu.memory_space<vmem>>
      %dma_start3A_275 = arith.constant 0 : i32
      %dma_start3A_276 = arith.constant 0 : i32
      %dma_start3A_277 = tpu.memref_slice %arg13[%dma_start3A_275, %dma_start3A_276] : memref<10240x128xf32, #tpu.memory_space<vmem_shared>> -> memref<10240x128xf32, #tpu.memory_space<vmem_shared>>
      tpu.enqueue_indirect_dma source(%arg10 : memref<64x128xf32, #tpu.memory_space<vmem>>) target(%dma_start3A_277 : memref<10240x128xf32, #tpu.memory_space<vmem_shared>>) offsets(%dma_start3A_274 : memref<64xi32, #tpu.memory_space<vmem>>) semaphore(%run_scoped3A_271 : memref<!tpu.dma_semaphore, #tpu.memory_space<semaphore_mem>>) {add = true}
      %dma_wait3A_278 = arith.constant 0 : i32
      %dma_wait3A_279 = tpu.memref_slice %arg7[%run_scoped3A_261, %dma_wait3A_278] : memref<40x64xi32, #tpu.memory_space<vmem>> -> memref<1x64xi32, #tpu.memory_space<vmem>>
      %dma_wait3A_280 = tpu.memref_squeeze %dma_wait3A_279 : memref<1x64xi32, #tpu.memory_space<vmem>> -> memref<64xi32, #tpu.memory_space<vmem>>
      %dma_wait3A_281 = arith.constant 0 : i32
      %dma_wait3A_282 = arith.constant 0 : i32
      %dma_wait3A_283 = tpu.memref_slice %arg13[%dma_wait3A_281, %dma_wait3A_282] : memref<10240x128xf32, #tpu.memory_space<vmem_shared>> -> memref<10240x128xf32, #tpu.memory_space<vmem_shared>>
      tpu.wait_indirect_dma semaphore(%run_scoped3A_271 : memref<!tpu.dma_semaphore, #tpu.memory_space<semaphore_mem>>) src(%arg10 : memref<64x128xf32, #tpu.memory_space<vmem>>) dst(%dma_wait3A_283 : memref<10240x128xf32, #tpu.memory_space<vmem_shared>>)
      tpu.yield
    }) : () -> ()
    %dma_wait3A_262 = arith.constant 39 : i32
    %dma_wait3A_263 = arith.constant 0 : i32
    %dma_wait3A_264 = tpu.memref_slice %arg6[%dma_wait3A_262, %dma_wait3A_263] : memref<40x64xi32, #tpu.memory_space<vmem>> -> memref<1x64xi32, #tpu.memory_space<vmem>>
    %dma_wait3A_265 = tpu.memref_squeeze %dma_wait3A_264 : memref<1x64xi32, #tpu.memory_space<vmem>> -> memref<64xi32, #tpu.memory_space<vmem>>
    %dma_wait3A_266 = arith.constant 0 : i32
    %dma_wait3A_267 = arith.constant 0 : i32
    %dma_wait3A_268 = tpu.memref_slice %arg2[%dma_wait3A_266, %dma_wait3A_267] : memref<10240x128xf32, #tpu.memory_space<hbm>> -> memref<10240x128xf32, #tpu.memory_space<hbm>>
    tpu.wait_indirect_dma semaphore(%arg17 : memref<!tpu.dma_semaphore, #tpu.memory_space<semaphore_mem>>) src(%dma_wait3A_268 : memref<10240x128xf32, #tpu.memory_space<hbm>>) dst(%arg11 : memref<64x128xf32, #tpu.memory_space<vmem>>)
    %run_scoped3A_269 = arith.constant 39 : i32
    "tpu.region"() ({
      %run_scoped3A_271 = tpu.sem_alloc : memref<!tpu.dma_semaphore, #tpu.memory_space<semaphore_mem>>
      %dma_start3A_272 = arith.constant 0 : i32
      %dma_start3A_273 = tpu.memref_slice %arg7[%run_scoped3A_269, %dma_start3A_272] : memref<40x64xi32, #tpu.memory_space<vmem>> -> memref<1x64xi32, #tpu.memory_space<vmem>>
      %dma_start3A_274 = tpu.memref_squeeze %dma_start3A_273 : memref<1x64xi32, #tpu.memory_space<vmem>> -> memref<64xi32, #tpu.memory_space<vmem>>
      %dma_start3A_275 = arith.constant 0 : i32
      %dma_start3A_276 = arith.constant 0 : i32
      %dma_start3A_277 = tpu.memref_slice %arg13[%dma_start3A_275, %dma_start3A_276] : memref<10240x128xf32, #tpu.memory_space<vmem_shared>> -> memref<10240x128xf32, #tpu.memory_space<vmem_shared>>
      tpu.enqueue_indirect_dma source(%arg11 : memref<64x128xf32, #tpu.memory_space<vmem>>) target(%dma_start3A_277 : memref<10240x128xf32, #tpu.memory_space<vmem_shared>>) offsets(%dma_start3A_274 : memref<64xi32, #tpu.memory_space<vmem>>) semaphore(%run_scoped3A_271 : memref<!tpu.dma_semaphore, #tpu.memory_space<semaphore_mem>>) {add = true}
      %dma_wait3A_278 = arith.constant 0 : i32
      %dma_wait3A_279 = tpu.memref_slice %arg7[%run_scoped3A_269, %dma_wait3A_278] : memref<40x64xi32, #tpu.memory_space<vmem>> -> memref<1x64xi32, #tpu.memory_space<vmem>>
      %dma_wait3A_280 = tpu.memref_squeeze %dma_wait3A_279 : memref<1x64xi32, #tpu.memory_space<vmem>> -> memref<64xi32, #tpu.memory_space<vmem>>
      %dma_wait3A_281 = arith.constant 0 : i32
      %dma_wait3A_282 = arith.constant 0 : i32
      %dma_wait3A_283 = tpu.memref_slice %arg13[%dma_wait3A_281, %dma_wait3A_282] : memref<10240x128xf32, #tpu.memory_space<vmem_shared>> -> memref<10240x128xf32, #tpu.memory_space<vmem_shared>>
      tpu.wait_indirect_dma semaphore(%run_scoped3A_271 : memref<!tpu.dma_semaphore, #tpu.memory_space<semaphore_mem>>) src(%arg11 : memref<64x128xf32, #tpu.memory_space<vmem>>) dst(%dma_wait3A_283 : memref<10240x128xf32, #tpu.memory_space<vmem_shared>>)
      tpu.yield
    }) : () -> ()
    %barrier3A_270 = arith.constant 0 : index
    tpu.barrier barrier_id(%barrier3A_270)
    "tpu.region"() ({
      %run_scoped3A_271 = tpu.sem_alloc : memref<!tpu.dma_semaphore, #tpu.memory_space<semaphore_mem>>
      %dma_start3A_272 = arith.constant 0 : i32
      %dma_start3A_273 = arith.constant 0 : i32
      %dma_start3A_274 = tpu.memref_slice %arg5[%arg0, %dma_start3A_272, %dma_start3A_273] : memref<2x10240x128xf32, #tpu.memory_space<hbm>> -> memref<1x10240x128xf32, #tpu.memory_space<hbm>>
      %dma_start3A_275 = tpu.memref_squeeze %dma_start3A_274 : memref<1x10240x128xf32, #tpu.memory_space<hbm>> -> memref<10240x128xf32, #tpu.memory_space<hbm>>
      %dma_start3A_276 = arith.constant 0 : i32
      %dma_start3A_277 = tpu.memref_slice %dma_start3A_275[%mul3A_7, %dma_start3A_276] : memref<10240x128xf32, #tpu.memory_space<hbm>> -> memref<640x128xf32, #tpu.memory_space<hbm>>
      %dma_start3A_278 = arith.constant 0 : i32
      %dma_start3A_279 = tpu.memref_slice %arg13[%mul3A_7, %dma_start3A_278] : memref<10240x128xf32, #tpu.memory_space<vmem_shared>> -> memref<640x128xf32, #tpu.memory_space<vmem_shared>>
      tpu.enqueue_dma source(%dma_start3A_279 : memref<640x128xf32, #tpu.memory_space<vmem_shared>>) target(%dma_start3A_277 : memref<640x128xf32, #tpu.memory_space<hbm>>) target_semaphore(%run_scoped3A_271 : memref<!tpu.dma_semaphore, #tpu.memory_space<semaphore_mem>>)
      %dma_wait3A_280 = arith.constant 0 : i32
      %dma_wait3A_281 = arith.constant 0 : i32
      %dma_wait3A_282 = tpu.memref_slice %arg5[%arg0, %dma_wait3A_280, %dma_wait3A_281] : memref<2x10240x128xf32, #tpu.memory_space<hbm>> -> memref<1x10240x128xf32, #tpu.memory_space<hbm>>
      %dma_wait3A_283 = tpu.memref_squeeze %dma_wait3A_282 : memref<1x10240x128xf32, #tpu.memory_space<hbm>> -> memref<10240x128xf32, #tpu.memory_space<hbm>>
      %dma_wait3A_284 = arith.constant 0 : i32
      %dma_wait3A_285 = tpu.memref_slice %dma_wait3A_283[%mul3A_7, %dma_wait3A_284] : memref<10240x128xf32, #tpu.memory_space<hbm>> -> memref<640x128xf32, #tpu.memory_space<hbm>>
      %dma_wait3A_286 = arith.constant 0 : i32
      %dma_wait3A_287 = tpu.memref_slice %arg13[%mul3A_7, %dma_wait3A_286] : memref<10240x128xf32, #tpu.memory_space<vmem_shared>> -> memref<640x128xf32, #tpu.memory_space<vmem_shared>>
      tpu.wait_dma2 semaphore(%run_scoped3A_271 : memref<!tpu.dma_semaphore, #tpu.memory_space<semaphore_mem>>) src(%dma_wait3A_287 : memref<640x128xf32, #tpu.memory_space<vmem_shared>>) dst(%dma_wait3A_285 : memref<640x128xf32, #tpu.memory_space<hbm>>)
      tpu.yield
    }) : () -> ()
    return
  }
}

module attributes {stable_mosaic.version = 14 : i64} {
  func.func @body(%arg0: i32, %arg1: memref<1024x128xf32, #tpu.memory_space<vmem>>, %arg2: memref<1024x128xf32, #tpu.memory_space<vmem>>, %arg3: memref<1024x128xf32, #tpu.memory_space<vmem>>, %arg4: memref<128x128xf32, #tpu.memory_space<vmem>>, %arg5: memref<1024x128xf32, #tpu.memory_space<vmem>>, %arg6: memref<1024x128xf32, #tpu.memory_space<vmem>>) attributes {dimension_semantics = [#tpu.dimension_semantics<arbitrary>], iteration_bounds = array<i64: 10>, scalar_prefetch = 0 : i64, scratch_operands = 0 : i64, tpu.core_type = #tpu.core_type<tc>, window_params = [{transform_indices = @transform_0, window_bounds = array<i64: 1024, 128>}, {transform_indices = @transform_1, window_bounds = array<i64: 1024, 128>}, {transform_indices = @transform_2, window_bounds = array<i64: 1024, 128>}, {pipeline_mode = #tpu.pipeline_mode<synchronous>, transform_indices = @transform_3, window_bounds = array<i64: 128, 128>}, {transform_indices = @transform_4, window_bounds = array<i64: 1024, 128>}, {transform_indices = @transform_5, window_bounds = array<i64: 1024, 128>}]} {
    %get3A = arith.constant 0 : index
    %get3A_0 = arith.constant 0 : index
    %get3A_1 = vector.load %arg1[%get3A, %get3A_0] : memref<1024x128xf32, #tpu.memory_space<vmem>>, vector<1024x128xf32>
    %get3A_2 = arith.constant 0 : index
    %get3A_3 = arith.constant 0 : index
    %get3A_4 = vector.load %arg2[%get3A_2, %get3A_3] : memref<1024x128xf32, #tpu.memory_space<vmem>>, vector<1024x128xf32>
    %add3A = arith.addf %get3A_1, %get3A_4 : vector<1024x128xf32>
    %get3A_5 = arith.constant 0 : index
    %get3A_6 = arith.constant 0 : index
    %get3A_7 = vector.load %arg4[%get3A_5, %get3A_6] : memref<128x128xf32, #tpu.memory_space<vmem>>, vector<128x128xf32>
    %dot_general3A = arith.constant dense<0.000000e+00> : vector<1024x128xf32>
    %dot_general3A_8 = tpu.matmul %add3A, %get3A_7, %dot_general3A {dimension_numbers = #tpu.dot_dimension_numbers<[1], [0], [0], [1], [0, 0, 1, 1], [], []>, precision = #tpu.contract_precision<fp32>, transpose_lhs_hint = false} : vector<1024x128xf32>, vector<128x128xf32>, vector<1024x128xf32> -> vector<1024x128xf32>
    %max3A = arith.constant 0.000000e+00 : f32
    %max3A_9 = vector.broadcast %max3A : f32 to vector<1024x128xf32>
    %max3A_10 = arith.maximumf %dot_general3A_8, %max3A_9 : vector<1024x128xf32>
    %get3A_11 = arith.constant 0 : index
    %get3A_12 = arith.constant 0 : index
    %get3A_13 = vector.load %arg3[%get3A_11, %get3A_12] : memref<1024x128xf32, #tpu.memory_space<vmem>>, vector<1024x128xf32>
    %add3A_14 = arith.addf %max3A_10, %get3A_13 : vector<1024x128xf32>
    %swap3A = arith.constant 0 : index
    %swap3A_15 = arith.constant 0 : index
    %swap3A_16 = vector.load %arg5[%swap3A, %swap3A_15] : memref<1024x128xf32, #tpu.memory_space<vmem>>, vector<1024x128xf32>
    tpu.vector_store %arg5[%swap3A, %swap3A_15], %add3A_14 {strides = array<i32>} : memref<1024x128xf32, #tpu.memory_space<vmem>>, vector<1024x128xf32>,
    %convert_element_type3A = arith.truncf %add3A_14 : vector<1024x128xf32> to vector<1024x128xbf16>
    %convert_element_type3A_17 = arith.extf %convert_element_type3A : vector<1024x128xbf16> to vector<1024x128xf32>
    %swap3A_18 = arith.constant 0 : index
    %swap3A_19 = arith.constant 0 : index
    %swap3A_20 = vector.load %arg6[%swap3A_18, %swap3A_19] : memref<1024x128xf32, #tpu.memory_space<vmem>>, vector<1024x128xf32>
    tpu.vector_store %arg6[%swap3A_18, %swap3A_19], %convert_element_type3A_17 {strides = array<i32>} : memref<1024x128xf32, #tpu.memory_space<vmem>>, vector<1024x128xf32>,
    return
  }
  func.func @transform_0(%arg0: i32) -> (i32, i32) {
    %c0_i32 = arith.constant 0 : i32
    %c0_i32_0 = arith.constant 0 : i32
    return %arg0, %c0_i32 : i32, i32
  }
  func.func @transform_1(%arg0: i32) -> (i32, i32) {
    %c0_i32 = arith.constant 0 : i32
    %c0_i32_0 = arith.constant 0 : i32
    return %arg0, %c0_i32 : i32, i32
  }
  func.func @transform_2(%arg0: i32) -> (i32, i32) {
    %c0_i32 = arith.constant 0 : i32
    %c0_i32_0 = arith.constant 0 : i32
    return %arg0, %c0_i32 : i32, i32
  }
  func.func @transform_3(%arg0: i32) -> (i32, i32) {
    %c0_i32 = arith.constant 0 : i32
    %c0_i32_0 = arith.constant 0 : i32
    %c0_i32_1 = arith.constant 0 : i32
    return %c0_i32, %c0_i32_0 : i32, i32
  }
  func.func @transform_4(%arg0: i32) -> (i32, i32) {
    %c0_i32 = arith.constant 0 : i32
    %c0_i32_0 = arith.constant 0 : i32
    return %arg0, %c0_i32 : i32, i32
  }
  func.func @transform_5(%arg0: i32) -> (i32, i32) {
    %c0_i32 = arith.constant 0 : i32
    %c0_i32_0 = arith.constant 0 : i32
    return %arg0, %c0_i32 : i32, i32
  }
}

module attributes {stable_mosaic.version = 14 : i64} {
  func.func @body(%arg0: i32, %arg1: memref<1024x128xf32, #tpu.memory_space<vmem>>, %arg2: memref<1024x128xf32, #tpu.memory_space<vmem>>, %arg3: memref<1024x128xf32, #tpu.memory_space<vmem>>, %arg4: memref<128x128xf32, #tpu.memory_space<vmem>>, %arg5: memref<128x1xf32, #tpu.memory_space<vmem>>, %arg6: memref<1x1024xi32, #tpu.memory_space<vmem>>, %arg7: memref<1x64xf32, #tpu.memory_space<vmem>>, %arg8: memref<64x128xf32, #tpu.memory_space<vmem>>) attributes {dimension_semantics = [#tpu.dimension_semantics<arbitrary>], iteration_bounds = array<i64: 10>, scalar_prefetch = 0 : i64, scratch_operands = 1 : i64, tpu.core_type = #tpu.core_type<tc>, window_params = [{transform_indices = @transform_0, window_bounds = array<i64: 1024, 128>}, {transform_indices = @transform_1, window_bounds = array<i64: 1024, 128>}, {transform_indices = @transform_2, window_bounds = array<i64: 1024, 128>}, {pipeline_mode = #tpu.pipeline_mode<synchronous>, transform_indices = @transform_3, window_bounds = array<i64: 128, 128>}, {pipeline_mode = #tpu.pipeline_mode<synchronous>, transform_indices = @transform_4, window_bounds = array<i64: 128, 1>}, {transform_indices = @transform_5, window_bounds = array<i64: 1, 1024>}, {pipeline_mode = #tpu.pipeline_mode<synchronous>, transform_indices = @transform_6, window_bounds = array<i64: 1, 64>}]} {
    %get3A = arith.constant 0 : index
    %get3A_0 = arith.constant 0 : index
    %get3A_1 = vector.load %arg1[%get3A, %get3A_0] : memref<1024x128xf32, #tpu.memory_space<vmem>>, vector<1024x128xf32>
    %get3A_2 = arith.constant 0 : index
    %get3A_3 = arith.constant 0 : index
    %get3A_4 = vector.load %arg2[%get3A_2, %get3A_3] : memref<1024x128xf32, #tpu.memory_space<vmem>>, vector<1024x128xf32>
    %add3A = arith.addf %get3A_1, %get3A_4 : vector<1024x128xf32>
    %get3A_5 = arith.constant 0 : index
    %get3A_6 = arith.constant 0 : index
    %get3A_7 = vector.load %arg4[%get3A_5, %get3A_6] : memref<128x128xf32, #tpu.memory_space<vmem>>, vector<128x128xf32>
    %dot_general3A = arith.constant dense<0.000000e+00> : vector<1024x128xf32>
    %dot_general3A_8 = tpu.matmul %add3A, %get3A_7, %dot_general3A {dimension_numbers = #tpu.dot_dimension_numbers<[1], [0], [0], [1], [0, 0, 1, 1], [], []>, precision = #tpu.contract_precision<fp32>, transpose_lhs_hint = false} : vector<1024x128xf32>, vector<128x128xf32>, vector<1024x128xf32> -> vector<1024x128xf32>
    %max3A = arith.constant 0.000000e+00 : f32
    %max3A_9 = vector.broadcast %max3A : f32 to vector<1024x128xf32>
    %max3A_10 = arith.maximumf %dot_general3A_8, %max3A_9 : vector<1024x128xf32>
    %get3A_11 = arith.constant 0 : index
    %get3A_12 = arith.constant 0 : index
    %get3A_13 = vector.load %arg3[%get3A_11, %get3A_12] : memref<1024x128xf32, #tpu.memory_space<vmem>>, vector<1024x128xf32>
    %add3A_14 = arith.addf %max3A_10, %get3A_13 : vector<1024x128xf32>
    %get3A_15 = arith.constant 0 : index
    %get3A_16 = arith.constant 0 : index
    %get3A_17 = vector.load %arg6[%get3A_15, %get3A_16] : memref<1x1024xi32, #tpu.memory_space<vmem>>, vector<1x1024xi32>
    %iota3A = tpu.iota {dimensions = array<i32: 0>} : vector<64x1024xi32>
    %eq3A = vector.broadcast %get3A_17 : vector<1x1024xi32> to vector<64x1024xi32>
    %eq3A_18 = arith.cmpi eq, %eq3A, %iota3A : vector<64x1024xi32>
    %convert_element_type3A = arith.extui %eq3A_18 : vector<64x1024xi1> to vector<64x1024xi32>
    %convert_element_type3A_19 = arith.sitofp %convert_element_type3A : vector<64x1024xi32> to vector<64x1024xf32>
    %dot_general3A_20 = arith.constant dense<0.000000e+00> : vector<64x128xf32>
    %dot_general3A_21 = tpu.matmul %convert_element_type3A_19, %add3A_14, %dot_general3A_20 {dimension_numbers = #tpu.dot_dimension_numbers<[1], [0], [0], [1], [0, 0, 1, 1], [], []>, precision = #tpu.contract_precision<fp32>, transpose_lhs_hint = false} : vector<64x1024xf32>, vector<1024x128xf32>, vector<64x128xf32> -> vector<64x128xf32>
    %eq3A_22 = arith.constant 0 : i32
    %eq3A_23 = arith.cmpi eq, %arg0, %eq3A_22 : i32
    %convert_element_type3A_24 = arith.extui %eq3A_23 : i1 to i32
    %cond3A = arith.constant 0 : i32
    %cond3A_25 = arith.cmpi ne, %convert_element_type3A_24, %cond3A : i32
    scf.if %cond3A_25 {
      %broadcast_in_dim3A = arith.constant 0.000000e+00 : f32
      %broadcast_in_dim3A_37 = vector.broadcast %broadcast_in_dim3A : f32 to vector<64x128xf32>
      %swap3A_38 = arith.constant 0 : index
      %swap3A_39 = arith.constant 0 : index
      %swap3A_40 = vector.load %arg8[%swap3A_38, %swap3A_39] : memref<64x128xf32, #tpu.memory_space<vmem>>, vector<64x128xf32>
      tpu.vector_store %arg8[%swap3A_38, %swap3A_39], %broadcast_in_dim3A_37 {strides = array<i32>} : memref<64x128xf32, #tpu.memory_space<vmem>>, vector<64x128xf32>,
    } else {
    }
    %get3A_26 = arith.constant 0 : index
    %get3A_27 = arith.constant 0 : index
    %get3A_28 = vector.load %arg8[%get3A_26, %get3A_27] : memref<64x128xf32, #tpu.memory_space<vmem>>, vector<64x128xf32>
    %add3A_29 = arith.addf %get3A_28, %dot_general3A_21 : vector<64x128xf32>
    %swap3A = arith.constant 0 : index
    %swap3A_30 = arith.constant 0 : index
    %swap3A_31 = vector.load %arg8[%swap3A, %swap3A_30] : memref<64x128xf32, #tpu.memory_space<vmem>>, vector<64x128xf32>
    tpu.vector_store %arg8[%swap3A, %swap3A_30], %add3A_29 {strides = array<i32>} : memref<64x128xf32, #tpu.memory_space<vmem>>, vector<64x128xf32>,
    %eq3A_32 = arith.constant 9 : i32
    %eq3A_33 = arith.cmpi eq, %arg0, %eq3A_32 : i32
    %convert_element_type3A_34 = arith.extui %eq3A_33 : i1 to i32
    %cond3A_35 = arith.constant 0 : i32
    %cond3A_36 = arith.cmpi ne, %convert_element_type3A_34, %cond3A_35 : i32
    scf.if %cond3A_36 {
      %get3A_37 = arith.constant 0 : index
      %get3A_38 = arith.constant 0 : index
      %get3A_39 = vector.load %arg8[%get3A_37, %get3A_38] : memref<64x128xf32, #tpu.memory_space<vmem>>, vector<64x128xf32>
      %convert_element_type3A_40 = arith.truncf %get3A_39 : vector<64x128xf32> to vector<64x128xbf16>
      %convert_element_type3A_41 = arith.extf %convert_element_type3A_40 : vector<64x128xbf16> to vector<64x128xf32>
      %get3A_42 = arith.constant 0 : index
      %get3A_43 = arith.constant 0 : index
      %get3A_44 = vector.load %arg5[%get3A_42, %get3A_43] : memref<128x1xf32, #tpu.memory_space<vmem>>, vector<128x1xf32>
      %dot_general3A_45 = arith.constant dense<0.000000e+00> : vector<64x1xf32>
      %dot_general3A_46 = tpu.matmul %convert_element_type3A_41, %get3A_44, %dot_general3A_45 {dimension_numbers = #tpu.dot_dimension_numbers<[1], [0], [0], [1], [0, 0, 1, 1], [], []>, precision = #tpu.contract_precision<fp32>, transpose_lhs_hint = false} : vector<64x128xf32>, vector<128x1xf32>, vector<64x1xf32> -> vector<64x1xf32>
      %squeeze3A = vector.shape_cast %dot_general3A_46 : vector<64x1xf32> to vector<64xf32>
      %broadcast_in_dim3A = vector.shape_cast %squeeze3A : vector<64xf32> to vector<1x64xf32>
      %mul3A = arith.constant 2.500000e+01 : f32
      %mul3A_47 = vector.broadcast %mul3A : f32 to vector<1x64xf32>
      %mul3A_48 = arith.mulf %broadcast_in_dim3A, %mul3A_47 : vector<1x64xf32>
      %add3A_49 = arith.constant 5.000000e+02 : f32
      %add3A_50 = vector.broadcast %add3A_49 : f32 to vector<1x64xf32>
      %add3A_51 = arith.addf %mul3A_48, %add3A_50 : vector<1x64xf32>
      %swap3A_52 = arith.constant 0 : index
      %swap3A_53 = arith.constant 0 : index
      %swap3A_54 = vector.load %arg7[%swap3A_52, %swap3A_53] : memref<1x64xf32, #tpu.memory_space<vmem>>, vector<1x64xf32>
      tpu.vector_store %arg7[%swap3A_52, %swap3A_53], %add3A_51 {strides = array<i32>} : memref<1x64xf32, #tpu.memory_space<vmem>>, vector<1x64xf32>,
    } else {
    }
    return
  }
  func.func @transform_0(%arg0: i32) -> (i32, i32) {
    %c0_i32 = arith.constant 0 : i32
    %c0_i32_0 = arith.constant 0 : i32
    return %arg0, %c0_i32 : i32, i32
  }
  func.func @transform_1(%arg0: i32) -> (i32, i32) {
    %c0_i32 = arith.constant 0 : i32
    %c0_i32_0 = arith.constant 0 : i32
    return %arg0, %c0_i32 : i32, i32
  }
  func.func @transform_2(%arg0: i32) -> (i32, i32) {
    %c0_i32 = arith.constant 0 : i32
    %c0_i32_0 = arith.constant 0 : i32
    return %arg0, %c0_i32 : i32, i32
  }
  func.func @transform_3(%arg0: i32) -> (i32, i32) {
    %c0_i32 = arith.constant 0 : i32
    %c0_i32_0 = arith.constant 0 : i32
    %c0_i32_1 = arith.constant 0 : i32
    return %c0_i32, %c0_i32_0 : i32, i32
  }
  func.func @transform_4(%arg0: i32) -> (i32, i32) {
    %c0_i32 = arith.constant 0 : i32
    %c0_i32_0 = arith.constant 0 : i32
    %c0_i32_1 = arith.constant 0 : i32
    return %c0_i32, %c0_i32_0 : i32, i32
  }
  func.func @transform_5(%arg0: i32) -> (i32, i32) {
    %c0_i32 = arith.constant 0 : i32
    %c0_i32_0 = arith.constant 0 : i32
    return %c0_i32, %arg0 : i32, i32
  }
  func.func @transform_6(%arg0: i32) -> (i32, i32) {
    %c0_i32 = arith.constant 0 : i32
    %c0_i32_0 = arith.constant 0 : i32
    %c0_i32_1 = arith.constant 0 : i32
    return %c0_i32, %c0_i32_0 : i32, i32
  }
}

</mosaic_0001>

<sc_bundles>
// kernel: kernel.6.cloned.1.call-start
scs
__scs_entry_jumppad:
0x0: {  	(pc) =	sbr.rel $0x88, $3  }
0x1: {  	(tag) =	ssettag $0x0;
	lr =	simm.s32 $0x1  }
0x2: {  	[smem:$0x3F9B] =	sst lr;
	_ =	strace $0xD0000000  }
0x3: {  	_ = 	snop  }
0x4: {  	_ = 	snop  }
0x5: {  	_ = 	snop  }
0x6: {  	_ = 	snop  }
0x7: {  	_ = 	snop  }
__scs_overlays_trampoline_lowered:
0x8: {  	[smem:$0x3FAA] =	sst s0  }
0x9: {  	[smem:$0x3FAB] =	sst s1  }
0xa: {  	[smem:$0x3FAC] =	sst s2  }
0xb: {  	[smem:$0x3FAD] =	sst s3  }
0xc: {  	[smem:$0x3FAE] =	sst s4  }
0xd: {  	[smem:$0x3FAF] =	sst s5  }
0xe: {  	[smem:$0x3FB0] =	sst s6  }
0xf: {  	[smem:$0x3FB1] =	sst s7  }
0x10: {  	[smem:$0x3FB2] =	sst s8  }
0x11: {  	[smem:$0x3FB3] =	sst s9;
	s0 =	simm.s32 @!p0 $0x0  }
0x12: {  	s1 =	sld [smem:$0x3F99];
	s0 =	simm.s32 @p0 $0x1  }
0x13: {  	[smem:$0x3FB4] =	sst s0;
	s0 =	simm.s32 @!p1 $0x0  }
0x14: {  	s2 =	sld [smem:$0x3F98];
	s0 =	simm.s32 @p1 $0x1  }
0x15: {  	[smem:$0x3FB5] =	sst s0;
	s0 =	simm.s32 @!p2 $0x0  }
0x16: {  	s3 =	sld [smem:$0x3FDB];
	s0 =	simm.s32 @p2 $0x1  }
0x17: {  	s4 =	simm.s32 $0x1BF5;
	[smem:$0x3FB7] =	sst s0  }
0x18: {  	s0 =	sld [smem:$0x3F9A];
	_ =	swait.ge [sflag:s4], $0x0  }
0x19: {  	s7 =	sld [smem:$0x3F9B]  }
0x1a: {  	s8 =	sadd.s32 $0xFFFFE003, lr  }
0x1b: {  	s9 =	sadd.s32 $0xFFFFFEF7, lr;
	s5 =	simm.s32 $0xFFFFFFFF;
	p2 =	slt.u32 s8, $0xFFFFF086  }
0x1c: {  	p1 =	slt.u32 s9, $0xF7A;
	s5 =	simm.s32 @!p2 $0x0  }
0x1d: {  	s5 =	simm.s32 @p1 $0x1;
	p0 =	seq.s32 s7, s2  }
0x1e: {  	s7 =	smul.u32 @!p0 $0xF7A, s2;
	p2 =	seq.s32 @!p0 s5, $0x0  }
0x1f: {  	s9 =	smul.u32 $0xF7A, s1;
	s8 =	simm.s32 @!p0 $0x1BF5;
	p2 =	por !p2, p0  }
0x20: {  	[sflag:s8] =	ssyncset.s32 @!p0 $0xFFFFF086;
	s6 =	sadd.s32 @!p0 s3, s7;
	s7 =	simm.s32 @!p0 $0x108  }
0x21: {  	s3 =	sadd.s32 s3, s9;
	s6 =	sadd.s32 @!p0 $0x88, s6;
	s7 =	simm.s32 @p2 $0x1082  }
0x22: {  	[simem:s7], [sflag:s8] =	dma.local @!p0 [hbm:s6], $0xF7A  }
0x23: {  	s9 =	sor.u32 $0xD0000000, s2;
	s6 =	simm.s32 $0x108;
	_ =	swait.ge @!p0 [sflag:s8], $0x0  }
0x24: {  	s3 =	sadd.s32 $0x88, s3;
	s6 =	simm.s32 @!p1 $0x1082;
	[sflag:s4] =	ssyncset.s32 $0xFFFFF086  }
0x25: {  	[simem:s6], [sflag:s4] =	dma.local [hbm:s3], $0xF7A  }
0x26: {  	[smem:$0x3F9B] =	sst s1;
	(tag) =	ssettag s2;
	_ =	strace s9  }
0x27: {  	s1 =	sld [smem:$0x3FAB]  }
0x28: {  	s2 =	sld [smem:$0x3FAC]  }
0x29: {  	s4 =	sld [smem:$0x3FAE]  }
0x2a: {  	p0 =	seq.s32 s5, $0x0;
	s5 =	sld [smem:$0x3FAF]  }
0x2b: {  	s6 =	sld [smem:$0x3FB0]  }
0x2c: {  	s7 =	sld [smem:$0x3FB1]  }
0x2d: {  	s3 =	simm.s32 $0x108;
	s8 =	sld [smem:$0x3FB2]  }
0x2e: {  	s3 =	simm.s32 @!p0 $0x1082;
	s9 =	sld [smem:$0x3FB3]  }
0x2f: {  	lr =	sadd.s32 s0, s3;
	s0 =	sld [smem:$0x3FAA]  }
0x30: {  	s3 =	sld [smem:$0x3FAD]  }
0x31: {  	[smem:$0x3FB6] =	sst s10  }
0x32: {  	s10 =	sld [smem:$0x3FB4];
	_ =	sdelay $0x3  }
0x33: {  	p0 =	seq.s32 s10, $0x1;
	s10 =	sld [smem:$0x3FB6];
	_ =	sdelay $0x3  }
0x34: {  	[smem:$0x3FB6] =	sst s10  }
0x35: {  	s10 =	sld [smem:$0x3FB5];
	_ =	sdelay $0x3  }
0x36: {  	p1 =	seq.s32 s10, $0x1;
	s10 =	sld [smem:$0x3FB6];
	_ =	sdelay $0x3  }
0x37: {  	[smem:$0x3FB6] =	sst s10  }
0x38: {  	s10 =	sld [smem:$0x3FB7]  }
0x39: {  	_ = 	snop;
	(pc) =	sbr.ind lr, $3  }
0x3a: {  	_ = 	snop  }
0x3b: {  	_ = 	snop  }
0x3c: {  	p2 =	seq.s32 s10, $0x1;
	s10 =	sld [smem:$0x3FB6]  }
0x3d: {  	_ =	shalt  }
0x3e: {  	_ =	shalt  }
0x3f: {  	_ =	shalt  }
0x40: {  	_ =	shalt  }
0x41: {  	_ =	shalt  }
0x42: {  	_ =	shalt  }
0x43: {  	_ =	shalt  }
0x44: {  	_ =	shalt  }
0x45: {  	_ =	shalt  }
0x46: {  	_ =	shalt  }
0x47: {  	_ =	shalt  }
0x48: {  	_ =	shalt  }
0x49: {  	_ =	shalt  }
0x4a: {  	_ =	shalt  }
0x4b: {  	_ =	shalt  }
0x4c: {  	_ =	shalt  }
0x4d: {  	_ =	shalt  }
0x4e: {  	_ =	shalt  }
0x4f: {  	_ =	shalt  }
0x50: {  	_ =	shalt  }
0x51: {  	_ =	shalt  }
0x52: {  	_ =	shalt  }
0x53: {  	_ =	shalt  }
0x54: {  	_ =	shalt  }
0x55: {  	_ =	shalt  }
0x56: {  	_ =	shalt  }
0x57: {  	_ =	shalt  }
0x58: {  	_ =	shalt  }
0x59: {  	_ =	shalt  }
0x5a: {  	_ =	shalt  }
0x5b: {  	_ =	shalt  }
0x5c: {  	_ =	shalt  }
0x5d: {  	_ =	shalt  }
0x5e: {  	_ =	shalt  }
0x5f: {  	_ =	shalt  }
0x60: {  	_ =	shalt  }
0x61: {  	_ =	shalt  }
0x62: {  	_ =	shalt  }
0x63: {  	_ =	shalt  }
0x64: {  	_ =	shalt  }
0x65: {  	_ =	shalt  }
0x66: {  	_ =	shalt  }
0x67: {  	_ =	shalt  }
0x68: {  	_ =	shalt  }
0x69: {  	_ =	shalt  }
0x6a: {  	_ =	shalt  }
0x6b: {  	_ =	shalt  }
0x6c: {  	_ =	shalt  }
0x6d: {  	_ =	shalt  }
0x6e: {  	_ =	shalt  }
0x6f: {  	_ =	shalt  }
0x70: {  	_ =	shalt  }
0x71: {  	_ =	shalt  }
0x72: {  	_ =	shalt  }
0x73: {  	_ =	shalt  }
0x74: {  	_ =	shalt  }
0x75: {  	_ =	shalt  }
0x76: {  	_ =	shalt  }
0x77: {  	_ =	shalt  }
0x78: {  	_ =	shalt  }
0x79: {  	_ =	shalt  }
0x7a: {  	_ =	shalt  }
0x7b: {  	_ =	shalt  }
0x7c: {  	_ =	shalt  }
0x7d: {  	_ =	shalt  }
0x7e: {  	_ =	shalt  }
0x7f: {  	_ =	shalt  }
0x80: {  	_ =	shalt  }
0x81: {  	_ =	shalt  }
0x82: {  	_ =	shalt  }
0x83: {  	_ =	shalt  }
0x84: {  	_ =	shalt  }
0x85: {  	_ =	shalt  }
0x86: {  	_ =	shalt  }
0x87: {  	_ =	shalt  }
.Lfunc_end0:
.L_simem_size_0:
called_computation_lowered:
.L_overlay_start_0:
0x88: {  	s2 =	sld [smem:$0x3FD9]  }
0x89: {  	s3 =	sld [smem:$0x3FFE];
	_ =	sdelay $0x1  }
0x8a: {  	s1 =	srdreg.scid  }
0x8b: {  	s0 =	sand.u32 $0x1, s1  }
0x8c: {  	s16 =	sshll.u32 s0, $0xA;
	s2 =	sadd.s32 s3, s2  }
0x8d: {  	s2 =	sadd.s32 s2, s16  }
0x8e: {  	[smem:$0x3FC2] =	sst s2  }
0x8f: {  	_ = 	snop  }
0x90: {  	(tm) =	ssettm $0x1  }
0x91: {  	s17 =	sld [smem:$0x3FFB];
	_ =	sdelay $0x3  }
0x92: {  	_ =	strace s17  }
0x93: {  	s2 =	sld [smem:$0x3FFC];
	_ =	sdelay $0x3  }
0x94: {  	_ =	strace s2  }
0x95: {  	s2 =	sld [smem:$0x3FFD];
	_ =	sdelay $0x3  }
0x96: {  	_ =	strace s2  }
0x97: {  	_ =	strace $0x8FFFFFFF  }
0x98: {  	s18 =	sld [smem:$0x3FDB];
	_ =	sdelay $0x1  }
0x99: {  	s19 =	simm.s32 $_scs_section_size  }
0x9a: {  	s4 =	simm.s32 $_size__tile_overlayer_lowered;
	s5 =	simm.s32 $_tile_overlayer_lowered  }
0x9b: {  	s22 =	simm.s32 $0x1BFF;
	s21 =	sshll.u32 s5, $0x1;
	s2 =	sadd.s32 s19, s18  }
0x9c: {  	s6 =	simm.s32 $0x0;
	s20 =	sshll.u32 s4, $0x1;
	s4 =	sadd.s32 s21, s2  }
0x9d: {  	[timem:s6], [sflag:s22] =	dma.local [hbm:s4], s20  }
0x9e: {  	_ =	swait.ge [sflag:s22], s20  }
0x9f: {  	s3 =	ssub.s32 $0x0, s20;
	[sflag:s22] =	ssyncset.done $0x0  }
0xa0: {  	[sflag:s22] =	ssyncadd.s32 s3;
	_ =	sdelay $0x1  }
0xa1: {  	s23 =	simm.s32 $0x1B8B  }
0xa2: {  	_ =	swait.ge [sflag:s23], $0x1  }
0xa3: {  	[sflag:s23] =	ssyncset.done $0x0  }
0xa4: {  	s25 =	simm.s32 $0x1B8E;
	s24 =	sld [smem:$0x3FFE];
	[sflag:s23] =	ssyncadd.s32 $0xFFFFFFFF  }
0xa5: {  	s26 =	simm.s32 $execute0_lowered;
	[smem:$0x3FD2] =	sst s25  }
0xa6: {  	s4 =	sshll.u32 s26, $0x1;
	_ =	strace $0x80000046;
	[dreg:$0x1] =	wrdreg $0xFFFFFFFF  }
0xa7: {  	s28 =	simm.s32 $_size_execute0_lowered;
	s2 =	sadd.s32 s2, s4;
	[dreg:$0x0] =	wrdreg $0x0  }
0xa8: {  	s4 =	sshll.u32 s28, $0x1;
	[dreg:$0x2] =	wrdreg s2  }
0xa9: {  	[dreg:$0x3] =	wrdreg s4  }
0xaa: {  	[dreg:$0x4] =	wrdreg $0xC0  }
0xab: {  	_ =	task [dreg:s6], $0x5FFFF  }
0xac: {  	[dreg:$0x1] =	wrdreg $0xFFFFFFFF  }
0xad: {  	[dreg:$0x0] =	wrdreg $0x60  }
0xae: {  	[dreg:$0x2] =	wrdreg s24  }
0xaf: {  	[dreg:$0x3] =	wrdreg $0xB0000  }
0xb0: {  	[dreg:$0x4] =	wrdreg $0x9  }
0xb1: {  	_ =	task.clear_ibuf [dreg:s6], $0x5FFFF;
	_ =	strace $0x90000046  }
0xb2: {  	s29 =	simm.s32 $0x9;
	_ =	strace $0x80000048  }
0xb3: {  	_ =	swait.ge [sflag:s29], $0x1  }
0xb4: {  	[sflag:s29] =	ssyncadd.s32 $0xFFFFFFFF  }
0xb5: {  	_ =	strace $0x90000048  }
0xb6: {  	_ =	sfence  }
0xb7: {  	s30 =	sld [smem:$0x0];
	_ =	sdelay $0x2  }
0xb8: {  	s31 =	sshll.u32 s1, $0xD;
	s1 =	sshrl.u32 s1, $0x2  }
0xb9: {  	s3 =	sand.u32 $0x4000, s31;
	s1 =	sadd.s32 s1, s30  }
0xba: {  	s0 =	sor.u32 s3, s0;
	s1 =	sshll.u32 s1, $0x11  }
0xbb: {  	s0 =	sor.u32 s1, s0  }
0xbc: {  	s0 =	sadd.s32 $0x8F2B, s0  }
0xbd: {  	[sflag:s0] =	ssyncadd.remote.s32 $0x1  }
0xbe: {  	_ =	sfence.sel $0xFFFF  }
0xbf: {  	[dreg:$0x0] =	wrdreg $0xFFFFFFFF;
	(pc) =	sbr.abs _section_cstart, $3  }
0xc0: {  	[dreg:$0x1] =	wrdreg $0xFFFFFFFF  }
0xc1: {  	_ =	task.clear_ibuf [dreg:s6], $0x2FFFF;
	_ =	strace $0x9FFFFFFF  }
0xc2: {  	(tm) =	ssettm $0x7FFFFFFF  }
0xc3: {  	_ =	shalt  }
tec
execute0_lowered:
.L_overlay_start_1:
0x0: {  	(tag) =	ssettag $0x1  }
0x1: {  	s0 =	srdreg.scid  }
0x2: {  	s9 =	stileid.u32;
	s1 =	rddreg [dreg:$0x0]  }
0x3: {  	s2 =	rddreg [dreg:$0x1];
	s10 =	simm.s32 $0x9;
	s12 =	simm.s32 $0x40  }
0x4: {  	s13 =	simm.s32 $0x2800;
	s14 =	simm.s32 $0x80;
	s15 =	simm.s32 $0x4800  }
0x5: {  	s16 =	simm.s32 $0x100;
	s17 =	simm.s32 $0x6800;
	s18 =	simm.s32 $0x180  }
0x6: {  	s19 =	simm.s32 $0x8800;
	s20 =	simm.s32 $0x1;
	s21 =	simm.s32 $0x2  }
0x7: {  	s22 =	simm.s32 $0x3;
	s28 =	simm.s32 $0x7;
	s29 =	simm.s32 $0x8  }
0x8: {  	s30 =	simm.s32 $0x2600;
	s31 =	simm.s32 $0x2680;
	s7 =	smul.u32 $0x50000, s9  }
0x9: {  	s0 =	sand.u32 $0x1, s0;
	s3 =	sshll.u32 s9, $0x1;
	s25 =	smul.u32 $0x2800, s9  }
0xa: {  	s9 =	simm.s32 $0xA800;
	s4 =	sor.u32 s0, s3;
	s6 =	smul.u32 $0x28000, s0  }
0xb: {  	s3 =	simm.s32 $0x0;
	s0 =	ssub.s32 $0x2, s0;
	s5 =	smul.u32 $0xA00, s4  }
0xc: {  	[smem:$0x7FF] =	sst s3;
	s4 =	sadd.s32 $0x29A00, s1;
	s23 =	sshrl.u32 s0, $0x1  }
0xd: {  	s24 =	sshrl.u32 s7, $0x2;
	_ =	strace $0x80000047;
	s0 =	ssub.s32 s0, s23  }
0xe: {  	s23 =	simm.s32 $0x4;
	s8 =	sadd.s32 s5, s1;
	s1 =	sadd.s32 s6, s1  }
0xf: {  	s5 =	sadd.s32 s24, s2;
	s0 =	smax.u32 s0, $0x1;
	s6 =	sadd.s32 $0x1A00, s8  }
0x10: {  	s7 =	sadd.s32 $0x15A00, s8;
	s1 =	sadd.s32 $0x51A00, s1;
	[dreg:$0x3] =	wrdreg s0  }
0x11: {  	s0 =	simm.s32 $0x2780;
	s26 =	sadd.s32 s25, s1;
	s25 =	simm.s32 $0x5  }
0x12: {  	v0 =	vimm.f32 $0.0e+00;
	s1 =	simm.s32 $0x2700;
	[dreg:$0x4] =	wrdreg s26;
	s26 =	simm.s32 $0x6  }
.LBB2_1:
0x13: {  	s8 =	simm.s32 $0x0;
	s24 =	simm.s32 $0x200  }
.LBB2_2:
0x14: {  	p0 =	sne.s32 s24, $0x1E00;
	[tilespmem:s8+$0xA870] =	vst v0  }
0x15: {  	[tilespmem:s8+$0xA800] =	vst v0  }
0x16: {  	[tilespmem:s8+$0xA810] =	vst v0  }
.Ltmp0:
0x17: {  	[tilespmem:s8+$0xA820] =	vst v0;
	(pc) =	sbr.rel @p0 .LBB2_2-.Ltmp0, $4  }
0x18: {  	[tilespmem:s8+$0xA830] =	vst v0  }
0x19: {  	[tilespmem:s8+$0xA840] =	vst v0  }
0x1a: {  	[tilespmem:s8+$0xA850] =	vst v0  }
0x1b: {  	[tilespmem:s8+$0xA860] =	vst v0;
	s8 =	sshra.s32 s24, $0x2;
	s24 =	sadd.s32 $0x200, s24  }
0x1c: {  	[tilespmem:s8+$0xA870] =	vst v0  }
0x1d: {  	[tilespmem:s8+$0xA800] =	vst v0  }
0x1e: {  	[tilespmem:s8+$0xA810] =	vst v0  }
0x1f: {  	[tilespmem:s8+$0xA820] =	vst v0  }
0x20: {  	[tilespmem:s8+$0xA830] =	vst v0  }
0x21: {  	[tilespmem:s8+$0xA840] =	vst v0  }
0x22: {  	[tilespmem:s8+$0xA850] =	vst v0  }
0x23: {  	[tilespmem:s8+$0xA860] =	vst v0;
	s24 =	sadd.s32 $0x0, s5  }
0x24: {  	[spmem:s24] =	stream.linear.scatter [tilespmem:s9], [sflag:$0x9], $0x800, $0x38;
	[tilespmem:$0x1F000] =	vst v63  }
0x25: {  	s8 =	simm.s32 $0x2000;
	_ =	swait.ge [sflag:s10], $0x800  }
.LBB2_4:
0x26: {  	s24 =	sshra.s32 s8, $0x2;
	[sflag:s10] =	ssyncset.done $0x0;
	p0 =	sne.s32 s8, $0x4E000  }
.Ltmp1:
0x27: {  	s24 =	sadd.s32 s24, s5;
	[sflag:s10] =	ssyncadd.s32 $0xFFFFF800;
	(pc) =	sbr.rel @p0 .LBB2_4-.Ltmp1, $3  }
0x28: {  	[spmem:s24] =	stream.linear.scatter [tilespmem:s9], [sflag:$0x9], $0x800, $0x38;
	[tilespmem:$0x1F000] =	vst v63  }
0x29: {  	s8 =	sadd.s32 $0x2000, s8;
	_ =	sdelay $0x1  }
0x2a: {  	_ =	swait.ge [sflag:s10], $0x800  }
0x2b: {  	[sflag:s10] =	ssyncset.done $0x0  }
0x2c: {  	[sflag:s10] =	ssyncadd.s32 $0xFFFFF800  }
0x2d: {  	s8 =	simm.s32 $0x0;
	[bflag:$0x0] =	sbarrier.arrive $0xFFFF  }
0x2e: {  	[tilespmem:s8], [sflag:$0x9] =	stream.linear.gather [hbm4b:s6+s8], $0x1400, $0x38;
	[tilespmem:$0x1F000] =	vst v63  }
0x2f: {  	_ =	swait.ge [sflag:s10], $0x1400  }
0x30: {  	[sflag:s10] =	ssyncset.done $0x0  }
0x31: {  	s11 =	simm.s32 $0x1400;
	[sflag:s10] =	ssyncadd.s32 $0xFFFFEC00  }
0x32: {  	[tilespmem:s11], [sflag:$0x9] =	stream.linear.gather [hbm4b:s7+s8], $0x1400, $0x38;
	[tilespmem:$0x1F000] =	vst v63  }
0x33: {  	_ =	swait.ge [sflag:s10], $0x1400  }
0x34: {  	[sflag:s10] =	ssyncset.done $0x0  }
0x35: {  	[sflag:s10] =	ssyncadd.s32 $0xFFFFEC00  }
0x36: {  	[tilespmem:s13], [sflag:$0x1] =	stream.indirect.gather [hbm4b:s4+s12], $0x80, s8, s12, $0xb8;
	[tilespmem:$0x1F000] =	vst v63  }
0x37: {  	_ = 	snop  }
0x38: {  	[tilespmem:s15], [sflag:$0x2] =	stream.indirect.gather [hbm4b:s4+s12], $0x80, s14, s12, $0xb8;
	[tilespmem:$0x1F000] =	vst v63  }
0x39: {  	_ = 	snop  }
0x3a: {  	[tilespmem:s17], [sflag:$0x3] =	stream.indirect.gather [hbm4b:s4+s12], $0x80, s16, s12, $0xb8;
	[tilespmem:$0x1F000] =	vst v63  }
0x3b: {  	_ = 	snop  }
0x3c: {  	[tilespmem:s19], [sflag:$0x4] =	stream.indirect.gather [hbm4b:s4+s12], $0x80, s18, s12, $0xb8;
	[tilespmem:$0x1F000] =	vst v63  }
0x3d: {  	_ =	swait.ge [sflag:s20], $0x2000  }
0x3e: {  	[sflag:s20] =	ssyncset.done $0x0  }
0x3f: {  	s24 =	simm.s32 $0x1400;
	[sflag:s20] =	ssyncadd.s32 $0xFFFFE000  }
0x40: {  	[spmem:s2] =	stream.indirect.scatter.add.f32 [tilespmem:s13], [sflag:$0x5], $0x80, s24, s12, $0xb8;
	[tilespmem:$0x1F000] =	vst v63  }
0x41: {  	_ =	swait.ge [sflag:s21], $0x2000  }
0x42: {  	[sflag:s21] =	ssyncset.done $0x0  }
0x43: {  	s11 =	simm.s32 $0x1480;
	[sflag:s21] =	ssyncadd.s32 $0xFFFFE000  }
0x44: {  	[spmem:s2] =	stream.indirect.scatter.add.f32 [tilespmem:s15], [sflag:$0x6], $0x80, s11, s12, $0xb8;
	[tilespmem:$0x1F000] =	vst v63  }
0x45: {  	_ =	swait.ge [sflag:s22], $0x2000  }
0x46: {  	[sflag:s22] =	ssyncset.done $0x0  }
0x47: {  	s24 =	simm.s32 $0x1500;
	[sflag:s22] =	ssyncadd.s32 $0xFFFFE000  }
0x48: {  	[spmem:s2] =	stream.indirect.scatter.add.f32 [tilespmem:s17], [sflag:$0x7], $0x80, s24, s12, $0xb8;
	[tilespmem:$0x1F000] =	vst v63  }
0x49: {  	_ =	swait.ge [sflag:s23], $0x2000  }
0x4a: {  	[sflag:s23] =	ssyncset.done $0x0  }
0x4b: {  	s11 =	simm.s32 $0x1580;
	[sflag:s23] =	ssyncadd.s32 $0xFFFFE000  }
0x4c: {  	[spmem:s2] =	stream.indirect.scatter.add.f32 [tilespmem:s19], [sflag:$0x8], $0x80, s11, s12, $0xb8;
	[tilespmem:$0x1F000] =	vst v63  }
0x4d: {  	_ =	swait.ge [sflag:s25], $0x2000  }
0x4e: {  	[sflag:s25] =	ssyncset.done $0x0  }
0x4f: {  	s24 =	simm.s32 $0x200;
	[sflag:s25] =	ssyncadd.s32 $0xFFFFE000  }
0x50: {  	[tilespmem:s13], [sflag:$0x1] =	stream.indirect.gather [hbm4b:s4+s12], $0x80, s24, s12, $0xb8;
	[tilespmem:$0x1F000] =	vst v63  }
0x51: {  	_ =	swait.ge [sflag:s26], $0x2000  }
0x52: {  	[sflag:s26] =	ssyncset.done $0x0  }
0x53: {  	s11 =	simm.s32 $0x280;
	[sflag:s26] =	ssyncadd.s32 $0xFFFFE000  }
0x54: {  	[tilespmem:s15], [sflag:$0x2] =	stream.indirect.gather [hbm4b:s4+s12], $0x80, s11, s12, $0xb8;
	[tilespmem:$0x1F000] =	vst v63  }
0x55: {  	_ =	swait.ge [sflag:s28], $0x2000  }
0x56: {  	[sflag:s28] =	ssyncset.done $0x0  }
0x57: {  	s24 =	simm.s32 $0x300;
	[sflag:s28] =	ssyncadd.s32 $0xFFFFE000  }
0x58: {  	[tilespmem:s17], [sflag:$0x3] =	stream.indirect.gather [hbm4b:s4+s12], $0x80, s24, s12, $0xb8;
	[tilespmem:$0x1F000] =	vst v63  }
0x59: {  	_ =	swait.ge [sflag:s29], $0x2000  }
0x5a: {  	[sflag:s29] =	ssyncset.done $0x0  }
0x5b: {  	s8 =	simm.s32 $0x800;
	s24 =	simm.s32 $0x380;
	[sflag:s29] =	ssyncadd.s32 $0xFFFFE000  }
.LBB2_6:
0x5c: {  	[tilespmem:s19], [sflag:$0x4] =	stream.indirect.gather [hbm4b:s4+s12], $0x80, s24, s12, $0xb8;
	[tilespmem:$0x1F000] =	vst v63  }
0x5d: {  	s24 =	smov.u32 s8  }
0x5e: {  	p0 =	sne.s32 s8, $0x4000;
	s8 =	sadd.s32 $0x800, s8;
	_ =	swait.ge [sflag:s20], $0x2000  }
0x5f: {  	s24 =	sshra.s32 s24, $0x2;
	[sflag:s20] =	ssyncset.done $0x0  }
0x60: {  	s11 =	sadd.s32 $0x1400, s24;
	[sflag:s20] =	ssyncadd.s32 $0xFFFFE000  }
0x61: {  	[spmem:s2] =	stream.indirect.scatter.add.f32 [tilespmem:s13], [sflag:$0x5], $0x80, s11, s12, $0xb8;
	[tilespmem:$0x1F000] =	vst v63  }
0x62: {  	_ =	swait.ge [sflag:s21], $0x2000  }
0x63: {  	[sflag:s21] =	ssyncset.done $0x0  }
0x64: {  	s11 =	sadd.s32 $0x1480, s24;
	[sflag:s21] =	ssyncadd.s32 $0xFFFFE000  }
0x65: {  	[spmem:s2] =	stream.indirect.scatter.add.f32 [tilespmem:s15], [sflag:$0x6], $0x80, s11, s12, $0xb8;
	[tilespmem:$0x1F000] =	vst v63  }
0x66: {  	_ =	swait.ge [sflag:s22], $0x2000  }
0x67: {  	[sflag:s22] =	ssyncset.done $0x0  }
0x68: {  	s11 =	sadd.s32 $0x1500, s24;
	[sflag:s22] =	ssyncadd.s32 $0xFFFFE000  }
0x69: {  	[spmem:s2] =	stream.indirect.scatter.add.f32 [tilespmem:s17], [sflag:$0x7], $0x80, s11, s12, $0xb8;
	[tilespmem:$0x1F000] =	vst v63  }
0x6a: {  	_ =	swait.ge [sflag:s23], $0x2000  }
0x6b: {  	[sflag:s23] =	ssyncset.done $0x0  }
0x6c: {  	s11 =	sadd.s32 $0x1580, s24;
	[sflag:s23] =	ssyncadd.s32 $0xFFFFE000  }
0x6d: {  	[spmem:s2] =	stream.indirect.scatter.add.f32 [tilespmem:s19], [sflag:$0x8], $0x80, s11, s12, $0xb8;
	[tilespmem:$0x1F000] =	vst v63  }
0x6e: {  	_ =	swait.ge [sflag:s25], $0x2000  }
0x6f: {  	[sflag:s25] =	ssyncset.done $0x0  }
0x70: {  	s11 =	sadd.s32 $0x200, s24;
	[sflag:s25] =	ssyncadd.s32 $0xFFFFE000  }
0x71: {  	[tilespmem:s13], [sflag:$0x1] =	stream.indirect.gather [hbm4b:s4+s12], $0x80, s11, s12, $0xb8;
	[tilespmem:$0x1F000] =	vst v63  }
0x72: {  	_ =	swait.ge [sflag:s26], $0x2000  }
0x73: {  	[sflag:s26] =	ssyncset.done $0x0  }
0x74: {  	s11 =	sadd.s32 $0x280, s24;
	[sflag:s26] =	ssyncadd.s32 $0xFFFFE000  }
0x75: {  	[tilespmem:s15], [sflag:$0x2] =	stream.indirect.gather [hbm4b:s4+s12], $0x80, s11, s12, $0xb8;
	[tilespmem:$0x1F000] =	vst v63  }
0x76: {  	_ =	swait.ge [sflag:s28], $0x2000  }
0x77: {  	[sflag:s28] =	ssyncset.done $0x0  }
.Ltmp2:
0x78: {  	s11 =	sadd.s32 $0x300, s24;
	[sflag:s28] =	ssyncadd.s32 $0xFFFFE000;
	(pc) =	sbr.rel @p0 .LBB2_6-.Ltmp2, $4  }
0x79: {  	[tilespmem:s17], [sflag:$0x3] =	stream.indirect.gather [hbm4b:s4+s12], $0x80, s11, s12, $0xb8;
	[tilespmem:$0x1F000] =	vst v63  }
0x7a: {  	_ =	swait.ge [sflag:s29], $0x2000  }
0x7b: {  	[sflag:s29] =	ssyncset.done $0x0  }
0x7c: {  	s24 =	sadd.s32 $0x380, s24;
	[sflag:s29] =	ssyncadd.s32 $0xFFFFE000  }
0x7d: {  	[tilespmem:s19], [sflag:$0x4] =	stream.indirect.gather [hbm4b:s4+s12], $0x80, s24, s12, $0xb8;
	[tilespmem:$0x1F000] =	vst v63  }
0x7e: {  	_ =	swait.ge [sflag:s20], $0x2000  }
0x7f: {  	[sflag:s20] =	ssyncset.done $0x0  }
0x80: {  	[sflag:s20] =	ssyncadd.s32 $0xFFFFE000  }
0x81: {  	[spmem:s2] =	stream.indirect.scatter.add.f32 [tilespmem:s13], [sflag:$0x9], $0x80, s30, s12, $0xb8;
	[tilespmem:$0x1F000] =	vst v63  }
0x82: {  	_ =	swait.ge [sflag:s10], $0x2000  }
0x83: {  	[sflag:s10] =	ssyncset.done $0x0  }
0x84: {  	[sflag:s10] =	ssyncadd.s32 $0xFFFFE000  }
0x85: {  	_ =	swait.ge [sflag:s21], $0x2000  }
0x86: {  	[sflag:s21] =	ssyncset.done $0x0  }
0x87: {  	[sflag:s21] =	ssyncadd.s32 $0xFFFFE000  }
0x88: {  	[spmem:s2] =	stream.indirect.scatter.add.f32 [tilespmem:s15], [sflag:$0x9], $0x80, s31, s12, $0xb8;
	[tilespmem:$0x1F000] =	vst v63  }
0x89: {  	_ =	swait.ge [sflag:s10], $0x2000  }
0x8a: {  	[sflag:s10] =	ssyncset.done $0x0  }
0x8b: {  	[sflag:s10] =	ssyncadd.s32 $0xFFFFE000  }
0x8c: {  	_ =	swait.ge [sflag:s22], $0x2000  }
0x8d: {  	[sflag:s22] =	ssyncset.done $0x0  }
0x8e: {  	[sflag:s22] =	ssyncadd.s32 $0xFFFFE000  }
0x8f: {  	[spmem:s2] =	stream.indirect.scatter.add.f32 [tilespmem:s17], [sflag:$0x9], $0x80, s1, s12, $0xb8;
	[tilespmem:$0x1F000] =	vst v63  }
0x90: {  	_ =	swait.ge [sflag:s10], $0x2000  }
0x91: {  	[sflag:s10] =	ssyncset.done $0x0  }
0x92: {  	[sflag:s10] =	ssyncadd.s32 $0xFFFFE000  }
0x93: {  	_ =	swait.ge [sflag:s23], $0x2000  }
0x94: {  	[sflag:s23] =	ssyncset.done $0x0  }
0x95: {  	[sflag:s23] =	ssyncadd.s32 $0xFFFFE000  }
0x96: {  	[spmem:s2] =	stream.indirect.scatter.add.f32 [tilespmem:s19], [sflag:$0x9], $0x80, s0, s12, $0xb8;
	[tilespmem:$0x1F000] =	vst v63  }
0x97: {  	_ =	swait.ge [sflag:s10], $0x2000  }
0x98: {  	[sflag:s10] =	ssyncset.done $0x0  }
0x99: {  	s8 =	sadd.s32 $0x280, s6;
	s11 =	simm.s32 $0x0;
	[sflag:s10] =	ssyncadd.s32 $0xFFFFE000  }
0x9a: {  	[tilespmem:s11], [sflag:$0x9] =	stream.linear.gather [hbm4b:s8+s11], $0x1400, $0x38;
	[tilespmem:$0x1F000] =	vst v63  }
0x9b: {  	_ =	swait.ge [sflag:s10], $0x1400  }
0x9c: {  	[sflag:s10] =	ssyncset.done $0x0  }
0x9d: {  	s24 =	simm.s32 $0x1400;
	s8 =	sadd.s32 $0x280, s7;
	[sflag:s10] =	ssyncadd.s32 $0xFFFFEC00  }
0x9e: {  	[tilespmem:s24], [sflag:$0x9] =	stream.linear.gather [hbm4b:s8+s11], $0x1400, $0x38;
	[tilespmem:$0x1F000] =	vst v63  }
0x9f: {  	_ =	swait.ge [sflag:s10], $0x1400  }
0xa0: {  	[sflag:s10] =	ssyncset.done $0x0  }
0xa1: {  	[sflag:s10] =	ssyncadd.s32 $0xFFFFEC00  }
0xa2: {  	[tilespmem:s13], [sflag:$0x1] =	stream.indirect.gather [hbm4b:s4+s12], $0x80, s11, s12, $0xb8;
	[tilespmem:$0x1F000] =	vst v63  }
0xa3: {  	_ = 	snop  }
0xa4: {  	[tilespmem:s15], [sflag:$0x2] =	stream.indirect.gather [hbm4b:s4+s12], $0x80, s14, s12, $0xb8;
	[tilespmem:$0x1F000] =	vst v63  }
0xa5: {  	_ = 	snop  }
0xa6: {  	[tilespmem:s17], [sflag:$0x3] =	stream.indirect.gather [hbm4b:s4+s12], $0x80, s16, s12, $0xb8;
	[tilespmem:$0x1F000] =	vst v63  }
0xa7: {  	_ = 	snop  }
0xa8: {  	[tilespmem:s19], [sflag:$0x4] =	stream.indirect.gather [hbm4b:s4+s12], $0x80, s18, s12, $0xb8;
	[tilespmem:$0x1F000] =	vst v63  }
0xa9: {  	_ =	swait.ge [sflag:s20], $0x2000  }
0xaa: {  	[sflag:s20] =	ssyncset.done $0x0  }
0xab: {  	s24 =	simm.s32 $0x1400;
	[sflag:s20] =	ssyncadd.s32 $0xFFFFE000  }
0xac: {  	[spmem:s2] =	stream.indirect.scatter.add.f32 [tilespmem:s13], [sflag:$0x5], $0x80, s24, s12, $0xb8;
	[tilespmem:$0x1F000] =	vst v63  }
0xad: {  	_ =	swait.ge [sflag:s21], $0x2000  }
0xae: {  	[sflag:s21] =	ssyncset.done $0x0  }
0xaf: {  	s11 =	simm.s32 $0x1480;
	[sflag:s21] =	ssyncadd.s32 $0xFFFFE000  }
0xb0: {  	[spmem:s2] =	stream.indirect.scatter.add.f32 [tilespmem:s15], [sflag:$0x6], $0x80, s11, s12, $0xb8;
	[tilespmem:$0x1F000] =	vst v63  }
0xb1: {  	_ =	swait.ge [sflag:s22], $0x2000  }
0xb2: {  	[sflag:s22] =	ssyncset.done $0x0  }
0xb3: {  	s24 =	simm.s32 $0x1500;
	[sflag:s22] =	ssyncadd.s32 $0xFFFFE000  }
0xb4: {  	[spmem:s2] =	stream.indirect.scatter.add.f32 [tilespmem:s17], [sflag:$0x7], $0x80, s24, s12, $0xb8;
	[tilespmem:$0x1F000] =	vst v63  }
0xb5: {  	_ =	swait.ge [sflag:s23], $0x2000  }
0xb6: {  	[sflag:s23] =	ssyncset.done $0x0  }
0xb7: {  	s11 =	simm.s32 $0x1580;
	[sflag:s23] =	ssyncadd.s32 $0xFFFFE000  }
0xb8: {  	[spmem:s2] =	stream.indirect.scatter.add.f32 [tilespmem:s19], [sflag:$0x8], $0x80, s11, s12, $0xb8;
	[tilespmem:$0x1F000] =	vst v63  }
0xb9: {  	_ =	swait.ge [sflag:s25], $0x2000  }
0xba: {  	[sflag:s25] =	ssyncset.done $0x0  }
0xbb: {  	s24 =	simm.s32 $0x200;
	[sflag:s25] =	ssyncadd.s32 $0xFFFFE000  }
0xbc: {  	[tilespmem:s13], [sflag:$0x1] =	stream.indirect.gather [hbm4b:s4+s12], $0x80, s24, s12, $0xb8;
	[tilespmem:$0x1F000] =	vst v63  }
0xbd: {  	_ =	swait.ge [sflag:s26], $0x2000  }
0xbe: {  	[sflag:s26] =	ssyncset.done $0x0  }
0xbf: {  	s11 =	simm.s32 $0x280;
	[sflag:s26] =	ssyncadd.s32 $0xFFFFE000  }
0xc0: {  	[tilespmem:s15], [sflag:$0x2] =	stream.indirect.gather [hbm4b:s4+s12], $0x80, s11, s12, $0xb8;
	[tilespmem:$0x1F000] =	vst v63  }
0xc1: {  	_ =	swait.ge [sflag:s28], $0x2000  }
0xc2: {  	[sflag:s28] =	ssyncset.done $0x0  }
0xc3: {  	s24 =	simm.s32 $0x300;
	[sflag:s28] =	ssyncadd.s32 $0xFFFFE000  }
0xc4: {  	[tilespmem:s17], [sflag:$0x3] =	stream.indirect.gather [hbm4b:s4+s12], $0x80, s24, s12, $0xb8;
	[tilespmem:$0x1F000] =	vst v63  }
0xc5: {  	_ =	swait.ge [sflag:s29], $0x2000  }
0xc6: {  	[sflag:s29] =	ssyncset.done $0x0  }
0xc7: {  	s8 =	simm.s32 $0x800;
	s24 =	simm.s32 $0x380;
	[sflag:s29] =	ssyncadd.s32 $0xFFFFE000  }
.LBB2_8:
0xc8: {  	[tilespmem:s19], [sflag:$0x4] =	stream.indirect.gather [hbm4b:s4+s12], $0x80, s24, s12, $0xb8;
	[tilespmem:$0x1F000] =	vst v63  }
0xc9: {  	s11 =	smov.u32 s8  }
0xca: {  	p0 =	sne.s32 s8, $0x4000;
	s8 =	sadd.s32 $0x800, s8;
	_ =	swait.ge [sflag:s20], $0x2000  }
0xcb: {  	s24 =	sshra.s32 s11, $0x2;
	[sflag:s20] =	ssyncset.done $0x0  }
0xcc: {  	s11 =	sadd.s32 $0x1400, s24;
	[sflag:s20] =	ssyncadd.s32 $0xFFFFE000  }
0xcd: {  	[spmem:s2] =	stream.indirect.scatter.add.f32 [tilespmem:s13], [sflag:$0x5], $0x80, s11, s12, $0xb8;
	[tilespmem:$0x1F000] =	vst v63  }
0xce: {  	_ =	swait.ge [sflag:s21], $0x2000  }
0xcf: {  	[sflag:s21] =	ssyncset.done $0x0  }
0xd0: {  	s11 =	sadd.s32 $0x1480, s24;
	[sflag:s21] =	ssyncadd.s32 $0xFFFFE000  }
0xd1: {  	[spmem:s2] =	stream.indirect.scatter.add.f32 [tilespmem:s15], [sflag:$0x6], $0x80, s11, s12, $0xb8;
	[tilespmem:$0x1F000] =	vst v63  }
0xd2: {  	_ =	swait.ge [sflag:s22], $0x2000  }
0xd3: {  	[sflag:s22] =	ssyncset.done $0x0  }
0xd4: {  	s11 =	sadd.s32 $0x1500, s24;
	[sflag:s22] =	ssyncadd.s32 $0xFFFFE000  }
0xd5: {  	[spmem:s2] =	stream.indirect.scatter.add.f32 [tilespmem:s17], [sflag:$0x7], $0x80, s11, s12, $0xb8;
	[tilespmem:$0x1F000] =	vst v63  }
0xd6: {  	_ =	swait.ge [sflag:s23], $0x2000  }
0xd7: {  	[sflag:s23] =	ssyncset.done $0x0  }
0xd8: {  	s11 =	sadd.s32 $0x1580, s24;
	[sflag:s23] =	ssyncadd.s32 $0xFFFFE000  }
0xd9: {  	[spmem:s2] =	stream.indirect.scatter.add.f32 [tilespmem:s19], [sflag:$0x8], $0x80, s11, s12, $0xb8;
	[tilespmem:$0x1F000] =	vst v63  }
0xda: {  	_ =	swait.ge [sflag:s25], $0x2000  }
0xdb: {  	[sflag:s25] =	ssyncset.done $0x0  }
0xdc: {  	s11 =	sadd.s32 $0x200, s24;
	[sflag:s25] =	ssyncadd.s32 $0xFFFFE000  }
0xdd: {  	[tilespmem:s13], [sflag:$0x1] =	stream.indirect.gather [hbm4b:s4+s12], $0x80, s11, s12, $0xb8;
	[tilespmem:$0x1F000] =	vst v63  }
0xde: {  	_ =	swait.ge [sflag:s26], $0x2000  }
0xdf: {  	[sflag:s26] =	ssyncset.done $0x0  }
0xe0: {  	s11 =	sadd.s32 $0x280, s24;
	[sflag:s26] =	ssyncadd.s32 $0xFFFFE000  }
0xe1: {  	[tilespmem:s15], [sflag:$0x2] =	stream.indirect.gather [hbm4b:s4+s12], $0x80, s11, s12, $0xb8;
	[tilespmem:$0x1F000] =	vst v63  }
0xe2: {  	_ =	swait.ge [sflag:s28], $0x2000  }
0xe3: {  	[sflag:s28] =	ssyncset.done $0x0  }
.Ltmp3:
0xe4: {  	s11 =	sadd.s32 $0x300, s24;
	[sflag:s28] =	ssyncadd.s32 $0xFFFFE000;
	(pc) =	sbr.rel @p0 .LBB2_8-.Ltmp3, $4  }
0xe5: {  	[tilespmem:s17], [sflag:$0x3] =	stream.indirect.gather [hbm4b:s4+s12], $0x80, s11, s12, $0xb8;
	[tilespmem:$0x1F000] =	vst v63  }
0xe6: {  	_ =	swait.ge [sflag:s29], $0x2000  }
0xe7: {  	[sflag:s29] =	ssyncset.done $0x0  }
0xe8: {  	s24 =	sadd.s32 $0x380, s24;
	[sflag:s29] =	ssyncadd.s32 $0xFFFFE000  }
0xe9: {  	[tilespmem:s19], [sflag:$0x4] =	stream.indirect.gather [hbm4b:s4+s12], $0x80, s24, s12, $0xb8;
	[tilespmem:$0x1F000] =	vst v63  }
0xea: {  	_ =	swait.ge [sflag:s20], $0x2000  }
0xeb: {  	[sflag:s20] =	ssyncset.done $0x0  }
0xec: {  	[sflag:s20] =	ssyncadd.s32 $0xFFFFE000  }
0xed: {  	[spmem:s2] =	stream.indirect.scatter.add.f32 [tilespmem:s13], [sflag:$0x9], $0x80, s30, s12, $0xb8;
	[tilespmem:$0x1F000] =	vst v63  }
0xee: {  	_ =	swait.ge [sflag:s10], $0x2000  }
0xef: {  	[sflag:s10] =	ssyncset.done $0x0  }
0xf0: {  	[sflag:s10] =	ssyncadd.s32 $0xFFFFE000  }
0xf1: {  	_ =	swait.ge [sflag:s21], $0x2000  }
0xf2: {  	[sflag:s21] =	ssyncset.done $0x0  }
0xf3: {  	[sflag:s21] =	ssyncadd.s32 $0xFFFFE000  }
0xf4: {  	[spmem:s2] =	stream.indirect.scatter.add.f32 [tilespmem:s15], [sflag:$0x9], $0x80, s31, s12, $0xb8;
	[tilespmem:$0x1F000] =	vst v63  }
0xf5: {  	_ =	swait.ge [sflag:s10], $0x2000  }
0xf6: {  	[sflag:s10] =	ssyncset.done $0x0  }
0xf7: {  	[sflag:s10] =	ssyncadd.s32 $0xFFFFE000  }
0xf8: {  	_ =	swait.ge [sflag:s22], $0x2000  }
0xf9: {  	[sflag:s22] =	ssyncset.done $0x0  }
0xfa: {  	[sflag:s22] =	ssyncadd.s32 $0xFFFFE000  }
0xfb: {  	[spmem:s2] =	stream.indirect.scatter.add.f32 [tilespmem:s17], [sflag:$0x9], $0x80, s1, s12, $0xb8;
	[tilespmem:$0x1F000] =	vst v63  }
0xfc: {  	_ =	swait.ge [sflag:s10], $0x2000  }
0xfd: {  	[sflag:s10] =	ssyncset.done $0x0  }
0xfe: {  	[sflag:s10] =	ssyncadd.s32 $0xFFFFE000  }
0xff: {  	_ =	swait.ge [sflag:s23], $0x2000  }
0x100: {  	[sflag:s23] =	ssyncset.done $0x0  }
0x101: {  	[sflag:s23] =	ssyncadd.s32 $0xFFFFE000  }
0x102: {  	[spmem:s2] =	stream.indirect.scatter.add.f32 [tilespmem:s19], [sflag:$0x9], $0x80, s0, s12, $0xb8;
	[tilespmem:$0x1F000] =	vst v63  }
0x103: {  	_ =	swait.ge [sflag:s10], $0x2000  }
0x104: {  	[sflag:s10] =	ssyncset.done $0x0  }
0x105: {  	s8 =	sadd.s32 $0x500, s6;
	s11 =	simm.s32 $0x0;
	[sflag:s10] =	ssyncadd.s32 $0xFFFFE000  }
0x106: {  	[tilespmem:s11], [sflag:$0x9] =	stream.linear.gather [hbm4b:s8+s11], $0x1400, $0x38;
	[tilespmem:$0x1F000] =	vst v63  }
0x107: {  	_ =	swait.ge [sflag:s10], $0x1400  }
0x108: {  	[sflag:s10] =	ssyncset.done $0x0  }
0x109: {  	s24 =	simm.s32 $0x1400;
	s8 =	sadd.s32 $0x500, s7;
	[sflag:s10] =	ssyncadd.s32 $0xFFFFEC00  }
0x10a: {  	[tilespmem:s24], [sflag:$0x9] =	stream.linear.gather [hbm4b:s8+s11], $0x1400, $0x38;
	[tilespmem:$0x1F000] =	vst v63  }
0x10b: {  	_ =	swait.ge [sflag:s10], $0x1400  }
0x10c: {  	[sflag:s10] =	ssyncset.done $0x0  }
0x10d: {  	[sflag:s10] =	ssyncadd.s32 $0xFFFFEC00  }
0x10e: {  	[tilespmem:s13], [sflag:$0x1] =	stream.indirect.gather [hbm4b:s4+s12], $0x80, s11, s12, $0xb8;
	[tilespmem:$0x1F000] =	vst v63  }
0x10f: {  	_ = 	snop  }
0x110: {  	[tilespmem:s15], [sflag:$0x2] =	stream.indirect.gather [hbm4b:s4+s12], $0x80, s14, s12, $0xb8;
	[tilespmem:$0x1F000] =	vst v63  }
0x111: {  	_ = 	snop  }
0x112: {  	[tilespmem:s17], [sflag:$0x3] =	stream.indirect.gather [hbm4b:s4+s12], $0x80, s16, s12, $0xb8;
	[tilespmem:$0x1F000] =	vst v63  }
0x113: {  	_ = 	snop  }
0x114: {  	[tilespmem:s19], [sflag:$0x4] =	stream.indirect.gather [hbm4b:s4+s12], $0x80, s18, s12, $0xb8;
	[tilespmem:$0x1F000] =	vst v63  }
0x115: {  	_ =	swait.ge [sflag:s20], $0x2000  }
0x116: {  	[sflag:s20] =	ssyncset.done $0x0  }
0x117: {  	s24 =	simm.s32 $0x1400;
	[sflag:s20] =	ssyncadd.s32 $0xFFFFE000  }
0x118: {  	[spmem:s2] =	stream.indirect.scatter.add.f32 [tilespmem:s13], [sflag:$0x5], $0x80, s24, s12, $0xb8;
	[tilespmem:$0x1F000] =	vst v63  }
0x119: {  	_ =	swait.ge [sflag:s21], $0x2000  }
0x11a: {  	[sflag:s21] =	ssyncset.done $0x0  }
0x11b: {  	s11 =	simm.s32 $0x1480;
	[sflag:s21] =	ssyncadd.s32 $0xFFFFE000  }
0x11c: {  	[spmem:s2] =	stream.indirect.scatter.add.f32 [tilespmem:s15], [sflag:$0x6], $0x80, s11, s12, $0xb8;
	[tilespmem:$0x1F000] =	vst v63  }
0x11d: {  	_ =	swait.ge [sflag:s22], $0x2000  }
0x11e: {  	[sflag:s22] =	ssyncset.done $0x0  }
0x11f: {  	s24 =	simm.s32 $0x1500;
	[sflag:s22] =	ssyncadd.s32 $0xFFFFE000  }
0x120: {  	[spmem:s2] =	stream.indirect.scatter.add.f32 [tilespmem:s17], [sflag:$0x7], $0x80, s24, s12, $0xb8;
	[tilespmem:$0x1F000] =	vst v63  }
0x121: {  	_ =	swait.ge [sflag:s23], $0x2000  }
0x122: {  	[sflag:s23] =	ssyncset.done $0x0  }
0x123: {  	s11 =	simm.s32 $0x1580;
	[sflag:s23] =	ssyncadd.s32 $0xFFFFE000  }
0x124: {  	[spmem:s2] =	stream.indirect.scatter.add.f32 [tilespmem:s19], [sflag:$0x8], $0x80, s11, s12, $0xb8;
	[tilespmem:$0x1F000] =	vst v63  }
0x125: {  	_ =	swait.ge [sflag:s25], $0x2000  }
0x126: {  	[sflag:s25] =	ssyncset.done $0x0  }
0x127: {  	s24 =	simm.s32 $0x200;
	[sflag:s25] =	ssyncadd.s32 $0xFFFFE000  }
0x128: {  	[tilespmem:s13], [sflag:$0x1] =	stream.indirect.gather [hbm4b:s4+s12], $0x80, s24, s12, $0xb8;
	[tilespmem:$0x1F000] =	vst v63  }
0x129: {  	_ =	swait.ge [sflag:s26], $0x2000  }
0x12a: {  	[sflag:s26] =	ssyncset.done $0x0  }
0x12b: {  	s11 =	simm.s32 $0x280;
	[sflag:s26] =	ssyncadd.s32 $0xFFFFE000  }
0x12c: {  	[tilespmem:s15], [sflag:$0x2] =	stream.indirect.gather [hbm4b:s4+s12], $0x80, s11, s12, $0xb8;
	[tilespmem:$0x1F000] =	vst v63  }
0x12d: {  	_ =	swait.ge [sflag:s28], $0x2000  }
0x12e: {  	[sflag:s28] =	ssyncset.done $0x0  }
0x12f: {  	s24 =	simm.s32 $0x300;
	[sflag:s28] =	ssyncadd.s32 $0xFFFFE000  }
0x130: {  	[tilespmem:s17], [sflag:$0x3] =	stream.indirect.gather [hbm4b:s4+s12], $0x80, s24, s12, $0xb8;
	[tilespmem:$0x1F000] =	vst v63  }
0x131: {  	_ =	swait.ge [sflag:s29], $0x2000  }
0x132: {  	[sflag:s29] =	ssyncset.done $0x0  }
0x133: {  	s8 =	simm.s32 $0x800;
	s24 =	simm.s32 $0x380;
	[sflag:s29] =	ssyncadd.s32 $0xFFFFE000  }
.LBB2_10:
0x134: {  	[tilespmem:s19], [sflag:$0x4] =	stream.indirect.gather [hbm4b:s4+s12], $0x80, s24, s12, $0xb8;
	[tilespmem:$0x1F000] =	vst v63  }
0x135: {  	s11 =	smov.u32 s8  }
0x136: {  	p0 =	sne.s32 s8, $0x4000;
	s8 =	sadd.s32 $0x800, s8;
	_ =	swait.ge [sflag:s20], $0x2000  }
0x137: {  	s24 =	sshra.s32 s11, $0x2;
	[sflag:s20] =	ssyncset.done $0x0  }
0x138: {  	s11 =	sadd.s32 $0x1400, s24;
	[sflag:s20] =	ssyncadd.s32 $0xFFFFE000  }
0x139: {  	[spmem:s2] =	stream.indirect.scatter.add.f32 [tilespmem:s13], [sflag:$0x5], $0x80, s11, s12, $0xb8;
	[tilespmem:$0x1F000] =	vst v63  }
0x13a: {  	_ =	swait.ge [sflag:s21], $0x2000  }
0x13b: {  	[sflag:s21] =	ssyncset.done $0x0  }
0x13c: {  	s11 =	sadd.s32 $0x1480, s24;
	[sflag:s21] =	ssyncadd.s32 $0xFFFFE000  }
0x13d: {  	[spmem:s2] =	stream.indirect.scatter.add.f32 [tilespmem:s15], [sflag:$0x6], $0x80, s11, s12, $0xb8;
	[tilespmem:$0x1F000] =	vst v63  }
0x13e: {  	_ =	swait.ge [sflag:s22], $0x2000  }
0x13f: {  	[sflag:s22] =	ssyncset.done $0x0  }
0x140: {  	s11 =	sadd.s32 $0x1500, s24;
	[sflag:s22] =	ssyncadd.s32 $0xFFFFE000  }
0x141: {  	[spmem:s2] =	stream.indirect.scatter.add.f32 [tilespmem:s17], [sflag:$0x7], $0x80, s11, s12, $0xb8;
	[tilespmem:$0x1F000] =	vst v63  }
0x142: {  	_ =	swait.ge [sflag:s23], $0x2000  }
0x143: {  	[sflag:s23] =	ssyncset.done $0x0  }
0x144: {  	s11 =	sadd.s32 $0x1580, s24;
	[sflag:s23] =	ssyncadd.s32 $0xFFFFE000  }
0x145: {  	[spmem:s2] =	stream.indirect.scatter.add.f32 [tilespmem:s19], [sflag:$0x8], $0x80, s11, s12, $0xb8;
	[tilespmem:$0x1F000] =	vst v63  }
0x146: {  	_ =	swait.ge [sflag:s25], $0x2000  }
0x147: {  	[sflag:s25] =	ssyncset.done $0x0  }
0x148: {  	s11 =	sadd.s32 $0x200, s24;
	[sflag:s25] =	ssyncadd.s32 $0xFFFFE000  }
0x149: {  	[tilespmem:s13], [sflag:$0x1] =	stream.indirect.gather [hbm4b:s4+s12], $0x80, s11, s12, $0xb8;
	[tilespmem:$0x1F000] =	vst v63  }
0x14a: {  	_ =	swait.ge [sflag:s26], $0x2000  }
0x14b: {  	[sflag:s26] =	ssyncset.done $0x0  }
0x14c: {  	s11 =	sadd.s32 $0x280, s24;
	[sflag:s26] =	ssyncadd.s32 $0xFFFFE000  }
0x14d: {  	[tilespmem:s15], [sflag:$0x2] =	stream.indirect.gather [hbm4b:s4+s12], $0x80, s11, s12, $0xb8;
	[tilespmem:$0x1F000] =	vst v63  }
0x14e: {  	_ =	swait.ge [sflag:s28], $0x2000  }
0x14f: {  	[sflag:s28] =	ssyncset.done $0x0  }
.Ltmp4:
0x150: {  	s11 =	sadd.s32 $0x300, s24;
	[sflag:s28] =	ssyncadd.s32 $0xFFFFE000;
	(pc) =	sbr.rel @p0 .LBB2_10-.Ltmp4, $4  }
0x151: {  	[tilespmem:s17], [sflag:$0x3] =	stream.indirect.gather [hbm4b:s4+s12], $0x80, s11, s12, $0xb8;
	[tilespmem:$0x1F000] =	vst v63  }
0x152: {  	_ =	swait.ge [sflag:s29], $0x2000  }
0x153: {  	[sflag:s29] =	ssyncset.done $0x0  }
0x154: {  	s24 =	sadd.s32 $0x380, s24;
	[sflag:s29] =	ssyncadd.s32 $0xFFFFE000  }
0x155: {  	[tilespmem:s19], [sflag:$0x4] =	stream.indirect.gather [hbm4b:s4+s12], $0x80, s24, s12, $0xb8;
	[tilespmem:$0x1F000] =	vst v63  }
0x156: {  	_ =	swait.ge [sflag:s20], $0x2000  }
0x157: {  	[sflag:s20] =	ssyncset.done $0x0  }
0x158: {  	[sflag:s20] =	ssyncadd.s32 $0xFFFFE000  }
0x159: {  	[spmem:s2] =	stream.indirect.scatter.add.f32 [tilespmem:s13], [sflag:$0x9], $0x80, s30, s12, $0xb8;
	[tilespmem:$0x1F000] =	vst v63  }
0x15a: {  	_ =	swait.ge [sflag:s10], $0x2000  }
0x15b: {  	[sflag:s10] =	ssyncset.done $0x0  }
0x15c: {  	[sflag:s10] =	ssyncadd.s32 $0xFFFFE000  }
0x15d: {  	_ =	swait.ge [sflag:s21], $0x2000  }
0x15e: {  	[sflag:s21] =	ssyncset.done $0x0  }
0x15f: {  	[sflag:s21] =	ssyncadd.s32 $0xFFFFE000  }
0x160: {  	[spmem:s2] =	stream.indirect.scatter.add.f32 [tilespmem:s15], [sflag:$0x9], $0x80, s31, s12, $0xb8;
	[tilespmem:$0x1F000] =	vst v63  }
0x161: {  	_ =	swait.ge [sflag:s10], $0x2000  }
0x162: {  	[sflag:s10] =	ssyncset.done $0x0  }
0x163: {  	[sflag:s10] =	ssyncadd.s32 $0xFFFFE000  }
0x164: {  	_ =	swait.ge [sflag:s22], $0x2000  }
0x165: {  	[sflag:s22] =	ssyncset.done $0x0  }
0x166: {  	[sflag:s22] =	ssyncadd.s32 $0xFFFFE000  }
0x167: {  	[spmem:s2] =	stream.indirect.scatter.add.f32 [tilespmem:s17], [sflag:$0x9], $0x80, s1, s12, $0xb8;
	[tilespmem:$0x1F000] =	vst v63  }
0x168: {  	_ =	swait.ge [sflag:s10], $0x2000  }
0x169: {  	[sflag:s10] =	ssyncset.done $0x0  }
0x16a: {  	[sflag:s10] =	ssyncadd.s32 $0xFFFFE000  }
0x16b: {  	_ =	swait.ge [sflag:s23], $0x2000  }
0x16c: {  	[sflag:s23] =	ssyncset.done $0x0  }
0x16d: {  	[sflag:s23] =	ssyncadd.s32 $0xFFFFE000  }
0x16e: {  	[spmem:s2] =	stream.indirect.scatter.add.f32 [tilespmem:s19], [sflag:$0x9], $0x80, s0, s12, $0xb8;
	[tilespmem:$0x1F000] =	vst v63  }
0x16f: {  	_ =	swait.ge [sflag:s10], $0x2000  }
0x170: {  	[sflag:s10] =	ssyncset.done $0x0  }
0x171: {  	s8 =	sadd.s32 $0x780, s6;
	s11 =	simm.s32 $0x0;
	[sflag:s10] =	ssyncadd.s32 $0xFFFFE000  }
0x172: {  	[tilespmem:s11], [sflag:$0x9] =	stream.linear.gather [hbm4b:s8+s11], $0x1400, $0x38;
	[tilespmem:$0x1F000] =	vst v63  }
0x173: {  	_ =	swait.ge [sflag:s10], $0x1400  }
0x174: {  	[sflag:s10] =	ssyncset.done $0x0  }
0x175: {  	s24 =	simm.s32 $0x1400;
	s8 =	sadd.s32 $0x780, s7;
	[sflag:s10] =	ssyncadd.s32 $0xFFFFEC00  }
0x176: {  	[tilespmem:s24], [sflag:$0x9] =	stream.linear.gather [hbm4b:s8+s11], $0x1400, $0x38;
	[tilespmem:$0x1F000] =	vst v63  }
0x177: {  	_ =	swait.ge [sflag:s10], $0x1400  }
0x178: {  	[sflag:s10] =	ssyncset.done $0x0  }
0x179: {  	[sflag:s10] =	ssyncadd.s32 $0xFFFFEC00  }
0x17a: {  	[tilespmem:s13], [sflag:$0x1] =	stream.indirect.gather [hbm4b:s4+s12], $0x80, s11, s12, $0xb8;
	[tilespmem:$0x1F000] =	vst v63  }
0x17b: {  	_ = 	snop  }
0x17c: {  	[tilespmem:s15], [sflag:$0x2] =	stream.indirect.gather [hbm4b:s4+s12], $0x80, s14, s12, $0xb8;
	[tilespmem:$0x1F000] =	vst v63  }
0x17d: {  	_ = 	snop  }
0x17e: {  	[tilespmem:s17], [sflag:$0x3] =	stream.indirect.gather [hbm4b:s4+s12], $0x80, s16, s12, $0xb8;
	[tilespmem:$0x1F000] =	vst v63  }
0x17f: {  	_ = 	snop  }
0x180: {  	[tilespmem:s19], [sflag:$0x4] =	stream.indirect.gather [hbm4b:s4+s12], $0x80, s18, s12, $0xb8;
	[tilespmem:$0x1F000] =	vst v63  }
0x181: {  	_ =	swait.ge [sflag:s20], $0x2000  }
0x182: {  	[sflag:s20] =	ssyncset.done $0x0  }
0x183: {  	s24 =	simm.s32 $0x1400;
	[sflag:s20] =	ssyncadd.s32 $0xFFFFE000  }
0x184: {  	[spmem:s2] =	stream.indirect.scatter.add.f32 [tilespmem:s13], [sflag:$0x5], $0x80, s24, s12, $0xb8;
	[tilespmem:$0x1F000] =	vst v63  }
0x185: {  	_ =	swait.ge [sflag:s21], $0x2000  }
0x186: {  	[sflag:s21] =	ssyncset.done $0x0  }
0x187: {  	s11 =	simm.s32 $0x1480;
	[sflag:s21] =	ssyncadd.s32 $0xFFFFE000  }
0x188: {  	[spmem:s2] =	stream.indirect.scatter.add.f32 [tilespmem:s15], [sflag:$0x6], $0x80, s11, s12, $0xb8;
	[tilespmem:$0x1F000] =	vst v63  }
0x189: {  	_ =	swait.ge [sflag:s22], $0x2000  }
0x18a: {  	[sflag:s22] =	ssyncset.done $0x0  }
0x18b: {  	s24 =	simm.s32 $0x1500;
	[sflag:s22] =	ssyncadd.s32 $0xFFFFE000  }
0x18c: {  	[spmem:s2] =	stream.indirect.scatter.add.f32 [tilespmem:s17], [sflag:$0x7], $0x80, s24, s12, $0xb8;
	[tilespmem:$0x1F000] =	vst v63  }
0x18d: {  	_ =	swait.ge [sflag:s23], $0x2000  }
0x18e: {  	[sflag:s23] =	ssyncset.done $0x0  }
0x18f: {  	s11 =	simm.s32 $0x1580;
	[sflag:s23] =	ssyncadd.s32 $0xFFFFE000  }
0x190: {  	[spmem:s2] =	stream.indirect.scatter.add.f32 [tilespmem:s19], [sflag:$0x8], $0x80, s11, s12, $0xb8;
	[tilespmem:$0x1F000] =	vst v63  }
0x191: {  	_ =	swait.ge [sflag:s25], $0x2000  }
0x192: {  	[sflag:s25] =	ssyncset.done $0x0  }
0x193: {  	s24 =	simm.s32 $0x200;
	[sflag:s25] =	ssyncadd.s32 $0xFFFFE000  }
0x194: {  	[tilespmem:s13], [sflag:$0x1] =	stream.indirect.gather [hbm4b:s4+s12], $0x80, s24, s12, $0xb8;
	[tilespmem:$0x1F000] =	vst v63  }
0x195: {  	_ =	swait.ge [sflag:s26], $0x2000  }
0x196: {  	[sflag:s26] =	ssyncset.done $0x0  }
0x197: {  	s11 =	simm.s32 $0x280;
	[sflag:s26] =	ssyncadd.s32 $0xFFFFE000  }
0x198: {  	[tilespmem:s15], [sflag:$0x2] =	stream.indirect.gather [hbm4b:s4+s12], $0x80, s11, s12, $0xb8;
	[tilespmem:$0x1F000] =	vst v63  }
0x199: {  	_ =	swait.ge [sflag:s28], $0x2000  }
0x19a: {  	[sflag:s28] =	ssyncset.done $0x0  }
0x19b: {  	s24 =	simm.s32 $0x300;
	[sflag:s28] =	ssyncadd.s32 $0xFFFFE000  }
0x19c: {  	[tilespmem:s17], [sflag:$0x3] =	stream.indirect.gather [hbm4b:s4+s12], $0x80, s24, s12, $0xb8;
	[tilespmem:$0x1F000] =	vst v63  }
0x19d: {  	_ =	swait.ge [sflag:s29], $0x2000  }
0x19e: {  	[sflag:s29] =	ssyncset.done $0x0  }
0x19f: {  	s8 =	simm.s32 $0x800;
	s24 =	simm.s32 $0x380;
	[sflag:s29] =	ssyncadd.s32 $0xFFFFE000  }
.LBB2_12:
0x1a0: {  	[tilespmem:s19], [sflag:$0x4] =	stream.indirect.gather [hbm4b:s4+s12], $0x80, s24, s12, $0xb8;
	[tilespmem:$0x1F000] =	vst v63  }
0x1a1: {  	s11 =	smov.u32 s8  }
0x1a2: {  	p0 =	sne.s32 s8, $0x4000;
	s8 =	sadd.s32 $0x800, s8;
	_ =	swait.ge [sflag:s20], $0x2000  }
0x1a3: {  	s24 =	sshra.s32 s11, $0x2;
	[sflag:s20] =	ssyncset.done $0x0  }
0x1a4: {  	s11 =	sadd.s32 $0x1400, s24;
	[sflag:s20] =	ssyncadd.s32 $0xFFFFE000  }
0x1a5: {  	[spmem:s2] =	stream.indirect.scatter.add.f32 [tilespmem:s13], [sflag:$0x5], $0x80, s11, s12, $0xb8;
	[tilespmem:$0x1F000] =	vst v63  }
0x1a6: {  	_ =	swait.ge [sflag:s21], $0x2000  }
0x1a7: {  	[sflag:s21] =	ssyncset.done $0x0  }
0x1a8: {  	s11 =	sadd.s32 $0x1480, s24;
	[sflag:s21] =	ssyncadd.s32 $0xFFFFE000  }
0x1a9: {  	[spmem:s2] =	stream.indirect.scatter.add.f32 [tilespmem:s15], [sflag:$0x6], $0x80, s11, s12, $0xb8;
	[tilespmem:$0x1F000] =	vst v63  }
0x1aa: {  	_ =	swait.ge [sflag:s22], $0x2000  }
0x1ab: {  	[sflag:s22] =	ssyncset.done $0x0  }
0x1ac: {  	s11 =	sadd.s32 $0x1500, s24;
	[sflag:s22] =	ssyncadd.s32 $0xFFFFE000  }
0x1ad: {  	[spmem:s2] =	stream.indirect.scatter.add.f32 [tilespmem:s17], [sflag:$0x7], $0x80, s11, s12, $0xb8;
	[tilespmem:$0x1F000] =	vst v63  }
0x1ae: {  	_ =	swait.ge [sflag:s23], $0x2000  }
0x1af: {  	[sflag:s23] =	ssyncset.done $0x0  }
0x1b0: {  	s11 =	sadd.s32 $0x1580, s24;
	[sflag:s23] =	ssyncadd.s32 $0xFFFFE000  }
0x1b1: {  	[spmem:s2] =	stream.indirect.scatter.add.f32 [tilespmem:s19], [sflag:$0x8], $0x80, s11, s12, $0xb8;
	[tilespmem:$0x1F000] =	vst v63  }
0x1b2: {  	_ =	swait.ge [sflag:s25], $0x2000  }
0x1b3: {  	[sflag:s25] =	ssyncset.done $0x0  }
0x1b4: {  	s11 =	sadd.s32 $0x200, s24;
	[sflag:s25] =	ssyncadd.s32 $0xFFFFE000  }
0x1b5: {  	[tilespmem:s13], [sflag:$0x1] =	stream.indirect.gather [hbm4b:s4+s12], $0x80, s11, s12, $0xb8;
	[tilespmem:$0x1F000] =	vst v63  }
0x1b6: {  	_ =	swait.ge [sflag:s26], $0x2000  }
0x1b7: {  	[sflag:s26] =	ssyncset.done $0x0  }
0x1b8: {  	s11 =	sadd.s32 $0x280, s24;
	[sflag:s26] =	ssyncadd.s32 $0xFFFFE000  }
0x1b9: {  	[tilespmem:s15], [sflag:$0x2] =	stream.indirect.gather [hbm4b:s4+s12], $0x80, s11, s12, $0xb8;
	[tilespmem:$0x1F000] =	vst v63  }
0x1ba: {  	_ =	swait.ge [sflag:s28], $0x2000  }
0x1bb: {  	[sflag:s28] =	ssyncset.done $0x0  }
.Ltmp5:
0x1bc: {  	s11 =	sadd.s32 $0x300, s24;
	[sflag:s28] =	ssyncadd.s32 $0xFFFFE000;
	(pc) =	sbr.rel @p0 .LBB2_12-.Ltmp5, $4  }
0x1bd: {  	[tilespmem:s17], [sflag:$0x3] =	stream.indirect.gather [hbm4b:s4+s12], $0x80, s11, s12, $0xb8;
	[tilespmem:$0x1F000] =	vst v63  }
0x1be: {  	_ =	swait.ge [sflag:s29], $0x2000  }
0x1bf: {  	[sflag:s29] =	ssyncset.done $0x0  }
0x1c0: {  	s24 =	sadd.s32 $0x380, s24;
	[sflag:s29] =	ssyncadd.s32 $0xFFFFE000  }
0x1c1: {  	[tilespmem:s19], [sflag:$0x4] =	stream.indirect.gather [hbm4b:s4+s12], $0x80, s24, s12, $0xb8;
	[tilespmem:$0x1F000] =	vst v63  }
0x1c2: {  	_ =	swait.ge [sflag:s20], $0x2000  }
0x1c3: {  	[sflag:s20] =	ssyncset.done $0x0  }
0x1c4: {  	[sflag:s20] =	ssyncadd.s32 $0xFFFFE000  }
0x1c5: {  	[spmem:s2] =	stream.indirect.scatter.add.f32 [tilespmem:s13], [sflag:$0x9], $0x80, s30, s12, $0xb8;
	[tilespmem:$0x1F000] =	vst v63  }
0x1c6: {  	_ =	swait.ge [sflag:s10], $0x2000  }
0x1c7: {  	[sflag:s10] =	ssyncset.done $0x0  }
0x1c8: {  	[sflag:s10] =	ssyncadd.s32 $0xFFFFE000  }
0x1c9: {  	_ =	swait.ge [sflag:s21], $0x2000  }
0x1ca: {  	[sflag:s21] =	ssyncset.done $0x0  }
0x1cb: {  	[sflag:s21] =	ssyncadd.s32 $0xFFFFE000  }
0x1cc: {  	[spmem:s2] =	stream.indirect.scatter.add.f32 [tilespmem:s15], [sflag:$0x9], $0x80, s31, s12, $0xb8;
	[tilespmem:$0x1F000] =	vst v63  }
0x1cd: {  	_ =	swait.ge [sflag:s10], $0x2000  }
0x1ce: {  	[sflag:s10] =	ssyncset.done $0x0  }
0x1cf: {  	[sflag:s10] =	ssyncadd.s32 $0xFFFFE000  }
0x1d0: {  	_ =	swait.ge [sflag:s22], $0x2000  }
0x1d1: {  	[sflag:s22] =	ssyncset.done $0x0  }
0x1d2: {  	[sflag:s22] =	ssyncadd.s32 $0xFFFFE000  }
0x1d3: {  	[spmem:s2] =	stream.indirect.scatter.add.f32 [tilespmem:s17], [sflag:$0x9], $0x80, s1, s12, $0xb8;
	[tilespmem:$0x1F000] =	vst v63  }
0x1d4: {  	_ =	swait.ge [sflag:s10], $0x2000  }
0x1d5: {  	[sflag:s10] =	ssyncset.done $0x0  }
0x1d6: {  	[sflag:s10] =	ssyncadd.s32 $0xFFFFE000  }
0x1d7: {  	_ =	swait.ge [sflag:s23], $0x2000  }
0x1d8: {  	[sflag:s23] =	ssyncset.done $0x0  }
0x1d9: {  	[sflag:s23] =	ssyncadd.s32 $0xFFFFE000  }
0x1da: {  	[spmem:s2] =	stream.indirect.scatter.add.f32 [tilespmem:s19], [sflag:$0x9], $0x80, s0, s12, $0xb8;
	[tilespmem:$0x1F000] =	vst v63  }
0x1db: {  	_ =	swait.ge [sflag:s10], $0x2000  }
0x1dc: {  	[sflag:s10] =	ssyncset.done $0x0  }
0x1dd: {  	s8 =	stileid.u32;
	[sflag:s10] =	ssyncadd.s32 $0xFFFFE000  }
0x1de: {  	s8 =	sshll.u32 s8, $0x6;
	[bflag:$0x0] =	sbarrier.arrive $0xFFFF  }
0x1df: {  	s11 =	sshrl.u32 s5, $0x3;
	s8 =	sor.u32 $0x1C09, s8;
	s24 =	rddreg [dreg:$0x4]  }
0x1e0: {  	[hbm:s24], [sflag:s8] =	dma.local [spmem:s11], $0x2800  }
0x1e1: {  	_ =	swait.ge [sflag:s10], $0x2800  }
0x1e2: {  	s3 =	sadd.s32 $0x1, s3;
	s24 =	rddreg [dreg:$0x3]  }
0x1e3: {  	p0 =	sne.s32 s3, s24  }
.Ltmp6:
0x1e4: {  	_ = 	snop;
	(pc) =	sbr.rel @p0 .LBB2_1-.Ltmp6, $3  }
0x1e5: {  	_ =	sdelay $0x1  }
0x1e6: {  	[sflag:s10] =	ssyncset.done $0x0  }
0x1e7: {  	[sflag:s10] =	ssyncadd.s32 $0xFFFFD800  }
0x1e8: {  	_ =	sfence.sel $0x180000  }
0x1e9: {  	[bflag:$0x0] =	sbarrier.arrive $0xFFFF  }
0x1ea: {  	_ =	strace $0x90000047  }
0x1eb: {  	s0 =	stileid.u32;
	[bflag:$0x2] =	sbarrier.arrive $0xFFFF  }
0x1ec: {  	p0 =	sne.s32 s0, $0x0;
	s0 =	rddreg [dreg:$0x2]  }
0x1ed: {  	s0 =	sadd.s32 @!p0 $0x100000, s0  }
0x1ee: {  	[sflag:s0] =	ssyncadd.tile.s32 @!p0 $0x1;
	_ =	shalt  }
.Lfunc_end2:
_tile_overlayer_lowered:
.L_overlay_start_2:
0x1ef: {  	(tag) =	ssettag $0x2  }
0x1f0: {  	s0 =	rddreg [dreg:$0x0];
	s2 =	stileid.u32  }
0x1f1: {  	s1 =	rddreg [dreg:$0x1];
	p0 =	sne.s32 s2, $0x0  }
0x1f2: {  	s3 =	rddreg [dreg:$0x2];
	[bflag:$0x3] =	sbarrier.arrive $0xFFFF;
	s2 =	simm.s32 @!p0 $0x1C09  }
0x1f3: {  	[timem:s3], [sflag:s2] =	dma.local @!p0 [hbm:s0], s1  }
0x1f4: {  	s0 =	simm.s32 @!p0 $0x9  }
0x1f5: {  	_ =	swait.ge @!p0 [sflag:s0], s1  }
0x1f6: {  	s1 =	ssub.s32 @!p0 $0x0, s1;
	[sflag:s0] =	ssyncset.done @!p0 $0x0  }
0x1f7: {  	[sflag:s0] =	ssyncadd.s32 @!p0 s1  }
0x1f8: {  	[bflag:$0x3] =	sbarrier.arrive $0xFFFF  }
0x1f9: {  	_ =	shalt  }

// kernel: kernel.9.cloned.1.call-start
scs
__scs_entry_jumppad:
0x0: {  	(pc) =	sbr.rel $0x88, $3  }
0x1: {  	(tag) =	ssettag $0x0;
	lr =	simm.s32 $0x1  }
0x2: {  	[smem:$0x3F9B] =	sst lr;
	_ =	strace $0xD0000000  }
0x3: {  	_ = 	snop  }
0x4: {  	_ = 	snop  }
0x5: {  	_ = 	snop  }
0x6: {  	_ = 	snop  }
0x7: {  	_ = 	snop  }
__scs_overlays_trampoline_lowered:
0x8: {  	[smem:$0x3FAA] =	sst s0  }
0x9: {  	[smem:$0x3FAB] =	sst s1  }
0xa: {  	[smem:$0x3FAC] =	sst s2  }
0xb: {  	[smem:$0x3FAD] =	sst s3  }
0xc: {  	[smem:$0x3FAE] =	sst s4  }
0xd: {  	[smem:$0x3FAF] =	sst s5  }
0xe: {  	[smem:$0x3FB0] =	sst s6  }
0xf: {  	[smem:$0x3FB1] =	sst s7  }
0x10: {  	[smem:$0x3FB2] =	sst s8  }
0x11: {  	[smem:$0x3FB3] =	sst s9;
	s0 =	simm.s32 @!p0 $0x0  }
0x12: {  	s1 =	sld [smem:$0x3F99];
	s0 =	simm.s32 @p0 $0x1  }
0x13: {  	[smem:$0x3FB4] =	sst s0;
	s0 =	simm.s32 @!p1 $0x0  }
0x14: {  	s2 =	sld [smem:$0x3F98];
	s0 =	simm.s32 @p1 $0x1  }
0x15: {  	[smem:$0x3FB5] =	sst s0;
	s0 =	simm.s32 @!p2 $0x0  }
0x16: {  	s3 =	sld [smem:$0x3FDB];
	s0 =	simm.s32 @p2 $0x1  }
0x17: {  	s4 =	simm.s32 $0x1BF5;
	[smem:$0x3FB7] =	sst s0  }
0x18: {  	s0 =	sld [smem:$0x3F9A];
	_ =	swait.ge [sflag:s4], $0x0  }
0x19: {  	s7 =	sld [smem:$0x3F9B]  }
0x1a: {  	s8 =	sadd.s32 $0xFFFFE003, lr  }
0x1b: {  	s9 =	sadd.s32 $0xFFFFFEF7, lr;
	s5 =	simm.s32 $0xFFFFFFFF;
	p2 =	slt.u32 s8, $0xFFFFF086  }
0x1c: {  	p1 =	slt.u32 s9, $0xF7A;
	s5 =	simm.s32 @!p2 $0x0  }
0x1d: {  	s5 =	simm.s32 @p1 $0x1;
	p0 =	seq.s32 s7, s2  }
0x1e: {  	s7 =	smul.u32 @!p0 $0xF7A, s2;
	p2 =	seq.s32 @!p0 s5, $0x0  }
0x1f: {  	s9 =	smul.u32 $0xF7A, s1;
	s8 =	simm.s32 @!p0 $0x1BF5;
	p2 =	por !p2, p0  }
0x20: {  	[sflag:s8] =	ssyncset.s32 @!p0 $0xFFFFF086;
	s6 =	sadd.s32 @!p0 s3, s7;
	s7 =	simm.s32 @!p0 $0x108  }
0x21: {  	s3 =	sadd.s32 s3, s9;
	s6 =	sadd.s32 @!p0 $0x88, s6;
	s7 =	simm.s32 @p2 $0x1082  }
0x22: {  	[simem:s7], [sflag:s8] =	dma.local @!p0 [hbm:s6], $0xF7A  }
0x23: {  	s9 =	sor.u32 $0xD0000000, s2;
	s6 =	simm.s32 $0x108;
	_ =	swait.ge @!p0 [sflag:s8], $0x0  }
0x24: {  	s3 =	sadd.s32 $0x88, s3;
	s6 =	simm.s32 @!p1 $0x1082;
	[sflag:s4] =	ssyncset.s32 $0xFFFFF086  }
0x25: {  	[simem:s6], [sflag:s4] =	dma.local [hbm:s3], $0xF7A  }
0x26: {  	[smem:$0x3F9B] =	sst s1;
	(tag) =	ssettag s2;
	_ =	strace s9  }
0x27: {  	s1 =	sld [smem:$0x3FAB]  }
0x28: {  	s2 =	sld [smem:$0x3FAC]  }
0x29: {  	s4 =	sld [smem:$0x3FAE]  }
0x2a: {  	p0 =	seq.s32 s5, $0x0;
	s5 =	sld [smem:$0x3FAF]  }
0x2b: {  	s6 =	sld [smem:$0x3FB0]  }
0x2c: {  	s7 =	sld [smem:$0x3FB1]  }
0x2d: {  	s3 =	simm.s32 $0x108;
	s8 =	sld [smem:$0x3FB2]  }
0x2e: {  	s3 =	simm.s32 @!p0 $0x1082;
	s9 =	sld [smem:$0x3FB3]  }
0x2f: {  	lr =	sadd.s32 s0, s3;
	s0 =	sld [smem:$0x3FAA]  }
0x30: {  	s3 =	sld [smem:$0x3FAD]  }
0x31: {  	[smem:$0x3FB6] =	sst s10  }
0x32: {  	s10 =	sld [smem:$0x3FB4];
	_ =	sdelay $0x3  }
0x33: {  	p0 =	seq.s32 s10, $0x1;
	s10 =	sld [smem:$0x3FB6];
	_ =	sdelay $0x3  }
0x34: {  	[smem:$0x3FB6] =	sst s10  }
0x35: {  	s10 =	sld [smem:$0x3FB5];
	_ =	sdelay $0x3  }
0x36: {  	p1 =	seq.s32 s10, $0x1;
	s10 =	sld [smem:$0x3FB6];
	_ =	sdelay $0x3  }
0x37: {  	[smem:$0x3FB6] =	sst s10  }
0x38: {  	s10 =	sld [smem:$0x3FB7]  }
0x39: {  	_ = 	snop;
	(pc) =	sbr.ind lr, $3  }
0x3a: {  	_ = 	snop  }
0x3b: {  	_ = 	snop  }
0x3c: {  	p2 =	seq.s32 s10, $0x1;
	s10 =	sld [smem:$0x3FB6]  }
0x3d: {  	_ =	shalt  }
0x3e: {  	_ =	shalt  }
0x3f: {  	_ =	shalt  }
0x40: {  	_ =	shalt  }
0x41: {  	_ =	shalt  }
0x42: {  	_ =	shalt  }
0x43: {  	_ =	shalt  }
0x44: {  	_ =	shalt  }
0x45: {  	_ =	shalt  }
0x46: {  	_ =	shalt  }
0x47: {  	_ =	shalt  }
0x48: {  	_ =	shalt  }
0x49: {  	_ =	shalt  }
0x4a: {  	_ =	shalt  }
0x4b: {  	_ =	shalt  }
0x4c: {  	_ =	shalt  }
0x4d: {  	_ =	shalt  }
0x4e: {  	_ =	shalt  }
0x4f: {  	_ =	shalt  }
0x50: {  	_ =	shalt  }
0x51: {  	_ =	shalt  }
0x52: {  	_ =	shalt  }
0x53: {  	_ =	shalt  }
0x54: {  	_ =	shalt  }
0x55: {  	_ =	shalt  }
0x56: {  	_ =	shalt  }
0x57: {  	_ =	shalt  }
0x58: {  	_ =	shalt  }
0x59: {  	_ =	shalt  }
0x5a: {  	_ =	shalt  }
0x5b: {  	_ =	shalt  }
0x5c: {  	_ =	shalt  }
0x5d: {  	_ =	shalt  }
0x5e: {  	_ =	shalt  }
0x5f: {  	_ =	shalt  }
0x60: {  	_ =	shalt  }
0x61: {  	_ =	shalt  }
0x62: {  	_ =	shalt  }
0x63: {  	_ =	shalt  }
0x64: {  	_ =	shalt  }
0x65: {  	_ =	shalt  }
0x66: {  	_ =	shalt  }
0x67: {  	_ =	shalt  }
0x68: {  	_ =	shalt  }
0x69: {  	_ =	shalt  }
0x6a: {  	_ =	shalt  }
0x6b: {  	_ =	shalt  }
0x6c: {  	_ =	shalt  }
0x6d: {  	_ =	shalt  }
0x6e: {  	_ =	shalt  }
0x6f: {  	_ =	shalt  }
0x70: {  	_ =	shalt  }
0x71: {  	_ =	shalt  }
0x72: {  	_ =	shalt  }
0x73: {  	_ =	shalt  }
0x74: {  	_ =	shalt  }
0x75: {  	_ =	shalt  }
0x76: {  	_ =	shalt  }
0x77: {  	_ =	shalt  }
0x78: {  	_ =	shalt  }
0x79: {  	_ =	shalt  }
0x7a: {  	_ =	shalt  }
0x7b: {  	_ =	shalt  }
0x7c: {  	_ =	shalt  }
0x7d: {  	_ =	shalt  }
0x7e: {  	_ =	shalt  }
0x7f: {  	_ =	shalt  }
0x80: {  	_ =	shalt  }
0x81: {  	_ =	shalt  }
0x82: {  	_ =	shalt  }
0x83: {  	_ =	shalt  }
0x84: {  	_ =	shalt  }
0x85: {  	_ =	shalt  }
0x86: {  	_ =	shalt  }
0x87: {  	_ =	shalt  }
.Lfunc_end0:
.L_simem_size_0:
called_computation.1_lowered:
.L_overlay_start_0:
0x88: {  	s2 =	sld [smem:$0x3FD9]  }
0x89: {  	s3 =	sld [smem:$0x3FFE];
	_ =	sdelay $0x1  }
0x8a: {  	s1 =	srdreg.scid  }
0x8b: {  	s0 =	sand.u32 $0x1, s1  }
0x8c: {  	s16 =	sshll.u32 s0, $0xA;
	s2 =	sadd.s32 s3, s2  }
0x8d: {  	s2 =	sadd.s32 s2, s16  }
0x8e: {  	[smem:$0x3FC2] =	sst s2  }
0x8f: {  	_ = 	snop  }
0x90: {  	(tm) =	ssettm $0x1  }
0x91: {  	s17 =	sld [smem:$0x3FFB];
	_ =	sdelay $0x3  }
0x92: {  	_ =	strace s17  }
0x93: {  	s2 =	sld [smem:$0x3FFC];
	_ =	sdelay $0x3  }
0x94: {  	_ =	strace s2  }
0x95: {  	s2 =	sld [smem:$0x3FFD];
	_ =	sdelay $0x3  }
0x96: {  	_ =	strace s2  }
0x97: {  	_ =	strace $0x8FFFFFFF  }
0x98: {  	s18 =	sld [smem:$0x3FDB];
	_ =	sdelay $0x1  }
0x99: {  	s19 =	simm.s32 $_scs_section_size  }
0x9a: {  	s4 =	simm.s32 $_size__tile_overlayer_lowered;
	s5 =	simm.s32 $_tile_overlayer_lowered  }
0x9b: {  	s22 =	simm.s32 $0x1BFF;
	s21 =	sshll.u32 s5, $0x1;
	s2 =	sadd.s32 s19, s18  }
0x9c: {  	s6 =	simm.s32 $0x0;
	s20 =	sshll.u32 s4, $0x1;
	s4 =	sadd.s32 s21, s2  }
0x9d: {  	[timem:s6], [sflag:s22] =	dma.local [hbm:s4], s20  }
0x9e: {  	_ =	swait.ge [sflag:s22], s20  }
0x9f: {  	s3 =	ssub.s32 $0x0, s20;
	[sflag:s22] =	ssyncset.done $0x0  }
0xa0: {  	[sflag:s22] =	ssyncadd.s32 s3;
	_ =	sdelay $0x1  }
0xa1: {  	s23 =	simm.s32 $0x1B8B  }
0xa2: {  	_ =	swait.ge [sflag:s23], $0x1  }
0xa3: {  	[sflag:s23] =	ssyncset.done $0x0  }
0xa4: {  	s25 =	simm.s32 $0x1B8E;
	s24 =	sld [smem:$0x3FFE];
	[sflag:s23] =	ssyncadd.s32 $0xFFFFFFFF  }
0xa5: {  	s26 =	simm.s32 $execute0_lowered;
	[smem:$0x3FD2] =	sst s25  }
0xa6: {  	s4 =	sshll.u32 s26, $0x1;
	_ =	strace $0x80000049;
	[dreg:$0x1] =	wrdreg $0xFFFFFFFF  }
0xa7: {  	s28 =	simm.s32 $_size_execute0_lowered;
	s2 =	sadd.s32 s2, s4;
	[dreg:$0x0] =	wrdreg $0x0  }
0xa8: {  	s4 =	sshll.u32 s28, $0x1;
	[dreg:$0x2] =	wrdreg s2  }
0xa9: {  	[dreg:$0x3] =	wrdreg s4  }
0xaa: {  	[dreg:$0x4] =	wrdreg $0xC0  }
0xab: {  	_ =	task [dreg:s6], $0x5FFFF  }
0xac: {  	[dreg:$0x1] =	wrdreg $0xFFFFFFFF  }
0xad: {  	[dreg:$0x0] =	wrdreg $0x60  }
0xae: {  	[dreg:$0x2] =	wrdreg s24  }
0xaf: {  	[dreg:$0x3] =	wrdreg $0xB0000  }
0xb0: {  	[dreg:$0x4] =	wrdreg $0x9  }
0xb1: {  	_ =	task.clear_ibuf [dreg:s6], $0x5FFFF;
	_ =	strace $0x90000049  }
0xb2: {  	s29 =	simm.s32 $0x9;
	_ =	strace $0x8000004B  }
0xb3: {  	_ =	swait.ge [sflag:s29], $0x1  }
0xb4: {  	[sflag:s29] =	ssyncadd.s32 $0xFFFFFFFF  }
0xb5: {  	_ =	strace $0x9000004B  }
0xb6: {  	_ =	sfence  }
0xb7: {  	s30 =	sld [smem:$0x0];
	_ =	sdelay $0x2  }
0xb8: {  	s31 =	sshll.u32 s1, $0xD;
	s1 =	sshrl.u32 s1, $0x2  }
0xb9: {  	s3 =	sand.u32 $0x4000, s31;
	s1 =	sadd.s32 s1, s30  }
0xba: {  	s0 =	sor.u32 s3, s0;
	s1 =	sshll.u32 s1, $0x11  }
0xbb: {  	s0 =	sor.u32 s1, s0  }
0xbc: {  	s0 =	sadd.s32 $0x8F2B, s0  }
0xbd: {  	[sflag:s0] =	ssyncadd.remote.s32 $0x1  }
0xbe: {  	_ =	sfence.sel $0xFFFF  }
0xbf: {  	[dreg:$0x0] =	wrdreg $0xFFFFFFFF;
	(pc) =	sbr.abs _section_cstart, $3  }
0xc0: {  	[dreg:$0x1] =	wrdreg $0xFFFFFFFF  }
0xc1: {  	_ =	task.clear_ibuf [dreg:s6], $0x2FFFF;
	_ =	strace $0x9FFFFFFF  }
0xc2: {  	(tm) =	ssettm $0x7FFFFFFF  }
0xc3: {  	_ =	shalt  }
tec
execute0_lowered:
.L_overlay_start_1:
0x0: {  	(tag) =	ssettag $0x1  }
0x1: {  	s0 =	srdreg.scid  }
0x2: {  	s9 =	stileid.u32;
	s1 =	rddreg [dreg:$0x0]  }
0x3: {  	s2 =	rddreg [dreg:$0x1];
	s10 =	simm.s32 $0x9;
	s12 =	simm.s32 $0x40  }
0x4: {  	s13 =	simm.s32 $0x2800;
	s14 =	simm.s32 $0x80;
	s15 =	simm.s32 $0x4800  }
0x5: {  	s16 =	simm.s32 $0x100;
	s17 =	simm.s32 $0x6800;
	s18 =	simm.s32 $0x180  }
0x6: {  	s19 =	simm.s32 $0x8800;
	s20 =	simm.s32 $0x1;
	s21 =	simm.s32 $0x2  }
0x7: {  	s22 =	simm.s32 $0x3;
	s28 =	simm.s32 $0x7;
	s29 =	simm.s32 $0x8  }
0x8: {  	s30 =	simm.s32 $0x2600;
	s31 =	simm.s32 $0x2680;
	s7 =	smul.u32 $0x50000, s9  }
0x9: {  	s0 =	sand.u32 $0x1, s0;
	s3 =	sshll.u32 s9, $0x1;
	s25 =	smul.u32 $0x2800, s9  }
0xa: {  	s9 =	simm.s32 $0xA800;
	s4 =	sor.u32 s0, s3;
	s6 =	smul.u32 $0x28000, s0  }
0xb: {  	s3 =	simm.s32 $0x0;
	s0 =	ssub.s32 $0x2, s0;
	s5 =	smul.u32 $0xA00, s4  }
0xc: {  	[smem:$0x7FF] =	sst s3;
	s4 =	sadd.s32 $0x29A00, s1;
	s23 =	sshrl.u32 s0, $0x1  }
0xd: {  	s24 =	sshrl.u32 s7, $0x2;
	_ =	strace $0x8000004A;
	s0 =	ssub.s32 s0, s23  }
0xe: {  	s23 =	simm.s32 $0x4;
	s8 =	sadd.s32 s5, s1;
	s1 =	sadd.s32 s6, s1  }
0xf: {  	s5 =	sadd.s32 s24, s2;
	s0 =	smax.u32 s0, $0x1;
	s6 =	sadd.s32 $0x1A00, s8  }
0x10: {  	s7 =	sadd.s32 $0x15A00, s8;
	s1 =	sadd.s32 $0x51A00, s1;
	[dreg:$0x3] =	wrdreg s0  }
0x11: {  	s0 =	simm.s32 $0x2780;
	s26 =	sadd.s32 s25, s1;
	s25 =	simm.s32 $0x5  }
0x12: {  	v0 =	vimm.f32 $0.0e+00;
	s1 =	simm.s32 $0x2700;
	[dreg:$0x4] =	wrdreg s26;
	s26 =	simm.s32 $0x6  }
.LBB2_1:
0x13: {  	s8 =	simm.s32 $0x0;
	s24 =	simm.s32 $0x200  }
.LBB2_2:
0x14: {  	p0 =	sne.s32 s24, $0x1E00;
	[tilespmem:s8+$0xA870] =	vst v0  }
0x15: {  	[tilespmem:s8+$0xA800] =	vst v0  }
0x16: {  	[tilespmem:s8+$0xA810] =	vst v0  }
.Ltmp0:
0x17: {  	[tilespmem:s8+$0xA820] =	vst v0;
	(pc) =	sbr.rel @p0 .LBB2_2-.Ltmp0, $4  }
0x18: {  	[tilespmem:s8+$0xA830] =	vst v0  }
0x19: {  	[tilespmem:s8+$0xA840] =	vst v0  }
0x1a: {  	[tilespmem:s8+$0xA850] =	vst v0  }
0x1b: {  	[tilespmem:s8+$0xA860] =	vst v0;
	s8 =	sshra.s32 s24, $0x2;
	s24 =	sadd.s32 $0x200, s24  }
0x1c: {  	[tilespmem:s8+$0xA870] =	vst v0  }
0x1d: {  	[tilespmem:s8+$0xA800] =	vst v0  }
0x1e: {  	[tilespmem:s8+$0xA810] =	vst v0  }
0x1f: {  	[tilespmem:s8+$0xA820] =	vst v0  }
0x20: {  	[tilespmem:s8+$0xA830] =	vst v0  }
0x21: {  	[tilespmem:s8+$0xA840] =	vst v0  }
0x22: {  	[tilespmem:s8+$0xA850] =	vst v0  }
0x23: {  	[tilespmem:s8+$0xA860] =	vst v0;
	s24 =	sadd.s32 $0x0, s5  }
0x24: {  	[spmem:s24] =	stream.linear.scatter [tilespmem:s9], [sflag:$0x9], $0x800, $0x38;
	[tilespmem:$0x1F000] =	vst v63  }
0x25: {  	s8 =	simm.s32 $0x2000;
	_ =	swait.ge [sflag:s10], $0x800  }
.LBB2_4:
0x26: {  	s24 =	sshra.s32 s8, $0x2;
	[sflag:s10] =	ssyncset.done $0x0;
	p0 =	sne.s32 s8, $0x4E000  }
.Ltmp1:
0x27: {  	s24 =	sadd.s32 s24, s5;
	[sflag:s10] =	ssyncadd.s32 $0xFFFFF800;
	(pc) =	sbr.rel @p0 .LBB2_4-.Ltmp1, $3  }
0x28: {  	[spmem:s24] =	stream.linear.scatter [tilespmem:s9], [sflag:$0x9], $0x800, $0x38;
	[tilespmem:$0x1F000] =	vst v63  }
0x29: {  	s8 =	sadd.s32 $0x2000, s8;
	_ =	sdelay $0x1  }
0x2a: {  	_ =	swait.ge [sflag:s10], $0x800  }
0x2b: {  	[sflag:s10] =	ssyncset.done $0x0  }
0x2c: {  	[sflag:s10] =	ssyncadd.s32 $0xFFFFF800  }
0x2d: {  	s8 =	simm.s32 $0x0;
	[bflag:$0x0] =	sbarrier.arrive $0xFFFF  }
0x2e: {  	[tilespmem:s8], [sflag:$0x9] =	stream.linear.gather [hbm4b:s6+s8], $0x1400, $0x38;
	[tilespmem:$0x1F000] =	vst v63  }
0x2f: {  	_ =	swait.ge [sflag:s10], $0x1400  }
0x30: {  	[sflag:s10] =	ssyncset.done $0x0  }
0x31: {  	s11 =	simm.s32 $0x1400;
	[sflag:s10] =	ssyncadd.s32 $0xFFFFEC00  }
0x32: {  	[tilespmem:s11], [sflag:$0x9] =	stream.linear.gather [hbm4b:s7+s8], $0x1400, $0x38;
	[tilespmem:$0x1F000] =	vst v63  }
0x33: {  	_ =	swait.ge [sflag:s10], $0x1400  }
0x34: {  	[sflag:s10] =	ssyncset.done $0x0  }
0x35: {  	[sflag:s10] =	ssyncadd.s32 $0xFFFFEC00  }
0x36: {  	[tilespmem:s13], [sflag:$0x1] =	stream.indirect.gather [hbm4b:s4+s12], $0x80, s8, s12, $0xb8;
	[tilespmem:$0x1F000] =	vst v63  }
0x37: {  	_ = 	snop  }
0x38: {  	[tilespmem:s15], [sflag:$0x2] =	stream.indirect.gather [hbm4b:s4+s12], $0x80, s14, s12, $0xb8;
	[tilespmem:$0x1F000] =	vst v63  }
0x39: {  	_ = 	snop  }
0x3a: {  	[tilespmem:s17], [sflag:$0x3] =	stream.indirect.gather [hbm4b:s4+s12], $0x80, s16, s12, $0xb8;
	[tilespmem:$0x1F000] =	vst v63  }
0x3b: {  	_ = 	snop  }
0x3c: {  	[tilespmem:s19], [sflag:$0x4] =	stream.indirect.gather [hbm4b:s4+s12], $0x80, s18, s12, $0xb8;
	[tilespmem:$0x1F000] =	vst v63  }
0x3d: {  	_ =	swait.ge [sflag:s20], $0x2000  }
0x3e: {  	[sflag:s20] =	ssyncset.done $0x0  }
0x3f: {  	s24 =	simm.s32 $0x1400;
	[sflag:s20] =	ssyncadd.s32 $0xFFFFE000  }
0x40: {  	[spmem:s2] =	stream.indirect.scatter.add.f32 [tilespmem:s13], [sflag:$0x5], $0x80, s24, s12, $0xb8;
	[tilespmem:$0x1F000] =	vst v63  }
0x41: {  	_ =	swait.ge [sflag:s21], $0x2000  }
0x42: {  	[sflag:s21] =	ssyncset.done $0x0  }
0x43: {  	s11 =	simm.s32 $0x1480;
	[sflag:s21] =	ssyncadd.s32 $0xFFFFE000  }
0x44: {  	[spmem:s2] =	stream.indirect.scatter.add.f32 [tilespmem:s15], [sflag:$0x6], $0x80, s11, s12, $0xb8;
	[tilespmem:$0x1F000] =	vst v63  }
0x45: {  	_ =	swait.ge [sflag:s22], $0x2000  }
0x46: {  	[sflag:s22] =	ssyncset.done $0x0  }
0x47: {  	s24 =	simm.s32 $0x1500;
	[sflag:s22] =	ssyncadd.s32 $0xFFFFE000  }
0x48: {  	[spmem:s2] =	stream.indirect.scatter.add.f32 [tilespmem:s17], [sflag:$0x7], $0x80, s24, s12, $0xb8;
	[tilespmem:$0x1F000] =	vst v63  }
0x49: {  	_ =	swait.ge [sflag:s23], $0x2000  }
0x4a: {  	[sflag:s23] =	ssyncset.done $0x0  }
0x4b: {  	s11 =	simm.s32 $0x1580;
	[sflag:s23] =	ssyncadd.s32 $0xFFFFE000  }
0x4c: {  	[spmem:s2] =	stream.indirect.scatter.add.f32 [tilespmem:s19], [sflag:$0x8], $0x80, s11, s12, $0xb8;
	[tilespmem:$0x1F000] =	vst v63  }
0x4d: {  	_ =	swait.ge [sflag:s25], $0x2000  }
0x4e: {  	[sflag:s25] =	ssyncset.done $0x0  }
0x4f: {  	s24 =	simm.s32 $0x200;
	[sflag:s25] =	ssyncadd.s32 $0xFFFFE000  }
0x50: {  	[tilespmem:s13], [sflag:$0x1] =	stream.indirect.gather [hbm4b:s4+s12], $0x80, s24, s12, $0xb8;
	[tilespmem:$0x1F000] =	vst v63  }
0x51: {  	_ =	swait.ge [sflag:s26], $0x2000  }
0x52: {  	[sflag:s26] =	ssyncset.done $0x0  }
0x53: {  	s11 =	simm.s32 $0x280;
	[sflag:s26] =	ssyncadd.s32 $0xFFFFE000  }
0x54: {  	[tilespmem:s15], [sflag:$0x2] =	stream.indirect.gather [hbm4b:s4+s12], $0x80, s11, s12, $0xb8;
	[tilespmem:$0x1F000] =	vst v63  }
0x55: {  	_ =	swait.ge [sflag:s28], $0x2000  }
0x56: {  	[sflag:s28] =	ssyncset.done $0x0  }
0x57: {  	s24 =	simm.s32 $0x300;
	[sflag:s28] =	ssyncadd.s32 $0xFFFFE000  }
0x58: {  	[tilespmem:s17], [sflag:$0x3] =	stream.indirect.gather [hbm4b:s4+s12], $0x80, s24, s12, $0xb8;
	[tilespmem:$0x1F000] =	vst v63  }
0x59: {  	_ =	swait.ge [sflag:s29], $0x2000  }
0x5a: {  	[sflag:s29] =	ssyncset.done $0x0  }
0x5b: {  	s8 =	simm.s32 $0x800;
	s24 =	simm.s32 $0x380;
	[sflag:s29] =	ssyncadd.s32 $0xFFFFE000  }
.LBB2_6:
0x5c: {  	[tilespmem:s19], [sflag:$0x4] =	stream.indirect.gather [hbm4b:s4+s12], $0x80, s24, s12, $0xb8;
	[tilespmem:$0x1F000] =	vst v63  }
0x5d: {  	s24 =	smov.u32 s8  }
0x5e: {  	p0 =	sne.s32 s8, $0x4000;
	s8 =	sadd.s32 $0x800, s8;
	_ =	swait.ge [sflag:s20], $0x2000  }
0x5f: {  	s24 =	sshra.s32 s24, $0x2;
	[sflag:s20] =	ssyncset.done $0x0  }
0x60: {  	s11 =	sadd.s32 $0x1400, s24;
	[sflag:s20] =	ssyncadd.s32 $0xFFFFE000  }
0x61: {  	[spmem:s2] =	stream.indirect.scatter.add.f32 [tilespmem:s13], [sflag:$0x5], $0x80, s11, s12, $0xb8;
	[tilespmem:$0x1F000] =	vst v63  }
0x62: {  	_ =	swait.ge [sflag:s21], $0x2000  }
0x63: {  	[sflag:s21] =	ssyncset.done $0x0  }
0x64: {  	s11 =	sadd.s32 $0x1480, s24;
	[sflag:s21] =	ssyncadd.s32 $0xFFFFE000  }
0x65: {  	[spmem:s2] =	stream.indirect.scatter.add.f32 [tilespmem:s15], [sflag:$0x6], $0x80, s11, s12, $0xb8;
	[tilespmem:$0x1F000] =	vst v63  }
0x66: {  	_ =	swait.ge [sflag:s22], $0x2000  }
0x67: {  	[sflag:s22] =	ssyncset.done $0x0  }
0x68: {  	s11 =	sadd.s32 $0x1500, s24;
	[sflag:s22] =	ssyncadd.s32 $0xFFFFE000  }
0x69: {  	[spmem:s2] =	stream.indirect.scatter.add.f32 [tilespmem:s17], [sflag:$0x7], $0x80, s11, s12, $0xb8;
	[tilespmem:$0x1F000] =	vst v63  }
0x6a: {  	_ =	swait.ge [sflag:s23], $0x2000  }
0x6b: {  	[sflag:s23] =	ssyncset.done $0x0  }
0x6c: {  	s11 =	sadd.s32 $0x1580, s24;
	[sflag:s23] =	ssyncadd.s32 $0xFFFFE000  }
0x6d: {  	[spmem:s2] =	stream.indirect.scatter.add.f32 [tilespmem:s19], [sflag:$0x8], $0x80, s11, s12, $0xb8;
	[tilespmem:$0x1F000] =	vst v63  }
0x6e: {  	_ =	swait.ge [sflag:s25], $0x2000  }
0x6f: {  	[sflag:s25] =	ssyncset.done $0x0  }
0x70: {  	s11 =	sadd.s32 $0x200, s24;
	[sflag:s25] =	ssyncadd.s32 $0xFFFFE000  }
0x71: {  	[tilespmem:s13], [sflag:$0x1] =	stream.indirect.gather [hbm4b:s4+s12], $0x80, s11, s12, $0xb8;
	[tilespmem:$0x1F000] =	vst v63  }
0x72: {  	_ =	swait.ge [sflag:s26], $0x2000  }
0x73: {  	[sflag:s26] =	ssyncset.done $0x0  }
0x74: {  	s11 =	sadd.s32 $0x280, s24;
	[sflag:s26] =	ssyncadd.s32 $0xFFFFE000  }
0x75: {  	[tilespmem:s15], [sflag:$0x2] =	stream.indirect.gather [hbm4b:s4+s12], $0x80, s11, s12, $0xb8;
	[tilespmem:$0x1F000] =	vst v63  }
0x76: {  	_ =	swait.ge [sflag:s28], $0x2000  }
0x77: {  	[sflag:s28] =	ssyncset.done $0x0  }
.Ltmp2:
0x78: {  	s11 =	sadd.s32 $0x300, s24;
	[sflag:s28] =	ssyncadd.s32 $0xFFFFE000;
	(pc) =	sbr.rel @p0 .LBB2_6-.Ltmp2, $4  }
0x79: {  	[tilespmem:s17], [sflag:$0x3] =	stream.indirect.gather [hbm4b:s4+s12], $0x80, s11, s12, $0xb8;
	[tilespmem:$0x1F000] =	vst v63  }
0x7a: {  	_ =	swait.ge [sflag:s29], $0x2000  }
0x7b: {  	[sflag:s29] =	ssyncset.done $0x0  }
0x7c: {  	s24 =	sadd.s32 $0x380, s24;
	[sflag:s29] =	ssyncadd.s32 $0xFFFFE000  }
0x7d: {  	[tilespmem:s19], [sflag:$0x4] =	stream.indirect.gather [hbm4b:s4+s12], $0x80, s24, s12, $0xb8;
	[tilespmem:$0x1F000] =	vst v63  }
0x7e: {  	_ =	swait.ge [sflag:s20], $0x2000  }
0x7f: {  	[sflag:s20] =	ssyncset.done $0x0  }
0x80: {  	[sflag:s20] =	ssyncadd.s32 $0xFFFFE000  }
0x81: {  	[spmem:s2] =	stream.indirect.scatter.add.f32 [tilespmem:s13], [sflag:$0x9], $0x80, s30, s12, $0xb8;
	[tilespmem:$0x1F000] =	vst v63  }
0x82: {  	_ =	swait.ge [sflag:s10], $0x2000  }
0x83: {  	[sflag:s10] =	ssyncset.done $0x0  }
0x84: {  	[sflag:s10] =	ssyncadd.s32 $0xFFFFE000  }
0x85: {  	_ =	swait.ge [sflag:s21], $0x2000  }
0x86: {  	[sflag:s21] =	ssyncset.done $0x0  }
0x87: {  	[sflag:s21] =	ssyncadd.s32 $0xFFFFE000  }
0x88: {  	[spmem:s2] =	stream.indirect.scatter.add.f32 [tilespmem:s15], [sflag:$0x9], $0x80, s31, s12, $0xb8;
	[tilespmem:$0x1F000] =	vst v63  }
0x89: {  	_ =	swait.ge [sflag:s10], $0x2000  }
0x8a: {  	[sflag:s10] =	ssyncset.done $0x0  }
0x8b: {  	[sflag:s10] =	ssyncadd.s32 $0xFFFFE000  }
0x8c: {  	_ =	swait.ge [sflag:s22], $0x2000  }
0x8d: {  	[sflag:s22] =	ssyncset.done $0x0  }
0x8e: {  	[sflag:s22] =	ssyncadd.s32 $0xFFFFE000  }
0x8f: {  	[spmem:s2] =	stream.indirect.scatter.add.f32 [tilespmem:s17], [sflag:$0x9], $0x80, s1, s12, $0xb8;
	[tilespmem:$0x1F000] =	vst v63  }
0x90: {  	_ =	swait.ge [sflag:s10], $0x2000  }
0x91: {  	[sflag:s10] =	ssyncset.done $0x0  }
0x92: {  	[sflag:s10] =	ssyncadd.s32 $0xFFFFE000  }
0x93: {  	_ =	swait.ge [sflag:s23], $0x2000  }
0x94: {  	[sflag:s23] =	ssyncset.done $0x0  }
0x95: {  	[sflag:s23] =	ssyncadd.s32 $0xFFFFE000  }
0x96: {  	[spmem:s2] =	stream.indirect.scatter.add.f32 [tilespmem:s19], [sflag:$0x9], $0x80, s0, s12, $0xb8;
	[tilespmem:$0x1F000] =	vst v63  }
0x97: {  	_ =	swait.ge [sflag:s10], $0x2000  }
0x98: {  	[sflag:s10] =	ssyncset.done $0x0  }
0x99: {  	s8 =	sadd.s32 $0x280, s6;
	s11 =	simm.s32 $0x0;
	[sflag:s10] =	ssyncadd.s32 $0xFFFFE000  }
0x9a: {  	[tilespmem:s11], [sflag:$0x9] =	stream.linear.gather [hbm4b:s8+s11], $0x1400, $0x38;
	[tilespmem:$0x1F000] =	vst v63  }
0x9b: {  	_ =	swait.ge [sflag:s10], $0x1400  }
0x9c: {  	[sflag:s10] =	ssyncset.done $0x0  }
0x9d: {  	s24 =	simm.s32 $0x1400;
	s8 =	sadd.s32 $0x280, s7;
	[sflag:s10] =	ssyncadd.s32 $0xFFFFEC00  }
0x9e: {  	[tilespmem:s24], [sflag:$0x9] =	stream.linear.gather [hbm4b:s8+s11], $0x1400, $0x38;
	[tilespmem:$0x1F000] =	vst v63  }
0x9f: {  	_ =	swait.ge [sflag:s10], $0x1400  }
0xa0: {  	[sflag:s10] =	ssyncset.done $0x0  }
0xa1: {  	[sflag:s10] =	ssyncadd.s32 $0xFFFFEC00  }
0xa2: {  	[tilespmem:s13], [sflag:$0x1] =	stream.indirect.gather [hbm4b:s4+s12], $0x80, s11, s12, $0xb8;
	[tilespmem:$0x1F000] =	vst v63  }
0xa3: {  	_ = 	snop  }
0xa4: {  	[tilespmem:s15], [sflag:$0x2] =	stream.indirect.gather [hbm4b:s4+s12], $0x80, s14, s12, $0xb8;
	[tilespmem:$0x1F000] =	vst v63  }
0xa5: {  	_ = 	snop  }
0xa6: {  	[tilespmem:s17], [sflag:$0x3] =	stream.indirect.gather [hbm4b:s4+s12], $0x80, s16, s12, $0xb8;
	[tilespmem:$0x1F000] =	vst v63  }
0xa7: {  	_ = 	snop  }
0xa8: {  	[tilespmem:s19], [sflag:$0x4] =	stream.indirect.gather [hbm4b:s4+s12], $0x80, s18, s12, $0xb8;
	[tilespmem:$0x1F000] =	vst v63  }
0xa9: {  	_ =	swait.ge [sflag:s20], $0x2000  }
0xaa: {  	[sflag:s20] =	ssyncset.done $0x0  }
0xab: {  	s24 =	simm.s32 $0x1400;
	[sflag:s20] =	ssyncadd.s32 $0xFFFFE000  }
0xac: {  	[spmem:s2] =	stream.indirect.scatter.add.f32 [tilespmem:s13], [sflag:$0x5], $0x80, s24, s12, $0xb8;
	[tilespmem:$0x1F000] =	vst v63  }
0xad: {  	_ =	swait.ge [sflag:s21], $0x2000  }
0xae: {  	[sflag:s21] =	ssyncset.done $0x0  }
0xaf: {  	s11 =	simm.s32 $0x1480;
	[sflag:s21] =	ssyncadd.s32 $0xFFFFE000  }
0xb0: {  	[spmem:s2] =	stream.indirect.scatter.add.f32 [tilespmem:s15], [sflag:$0x6], $0x80, s11, s12, $0xb8;
	[tilespmem:$0x1F000] =	vst v63  }
0xb1: {  	_ =	swait.ge [sflag:s22], $0x2000  }
0xb2: {  	[sflag:s22] =	ssyncset.done $0x0  }
0xb3: {  	s24 =	simm.s32 $0x1500;
	[sflag:s22] =	ssyncadd.s32 $0xFFFFE000  }
0xb4: {  	[spmem:s2] =	stream.indirect.scatter.add.f32 [tilespmem:s17], [sflag:$0x7], $0x80, s24, s12, $0xb8;
	[tilespmem:$0x1F000] =	vst v63  }
0xb5: {  	_ =	swait.ge [sflag:s23], $0x2000  }
0xb6: {  	[sflag:s23] =	ssyncset.done $0x0  }
0xb7: {  	s11 =	simm.s32 $0x1580;
	[sflag:s23] =	ssyncadd.s32 $0xFFFFE000  }
0xb8: {  	[spmem:s2] =	stream.indirect.scatter.add.f32 [tilespmem:s19], [sflag:$0x8], $0x80, s11, s12, $0xb8;
	[tilespmem:$0x1F000] =	vst v63  }
0xb9: {  	_ =	swait.ge [sflag:s25], $0x2000  }
0xba: {  	[sflag:s25] =	ssyncset.done $0x0  }
0xbb: {  	s24 =	simm.s32 $0x200;
	[sflag:s25] =	ssyncadd.s32 $0xFFFFE000  }
0xbc: {  	[tilespmem:s13], [sflag:$0x1] =	stream.indirect.gather [hbm4b:s4+s12], $0x80, s24, s12, $0xb8;
	[tilespmem:$0x1F000] =	vst v63  }
0xbd: {  	_ =	swait.ge [sflag:s26], $0x2000  }
0xbe: {  	[sflag:s26] =	ssyncset.done $0x0  }
0xbf: {  	s11 =	simm.s32 $0x280;
	[sflag:s26] =	ssyncadd.s32 $0xFFFFE000  }
0xc0: {  	[tilespmem:s15], [sflag:$0x2] =	stream.indirect.gather [hbm4b:s4+s12], $0x80, s11, s12, $0xb8;
	[tilespmem:$0x1F000] =	vst v63  }
0xc1: {  	_ =	swait.ge [sflag:s28], $0x2000  }
0xc2: {  	[sflag:s28] =	ssyncset.done $0x0  }
0xc3: {  	s24 =	simm.s32 $0x300;
	[sflag:s28] =	ssyncadd.s32 $0xFFFFE000  }
0xc4: {  	[tilespmem:s17], [sflag:$0x3] =	stream.indirect.gather [hbm4b:s4+s12], $0x80, s24, s12, $0xb8;
	[tilespmem:$0x1F000] =	vst v63  }
0xc5: {  	_ =	swait.ge [sflag:s29], $0x2000  }
0xc6: {  	[sflag:s29] =	ssyncset.done $0x0  }
0xc7: {  	s8 =	simm.s32 $0x800;
	s24 =	simm.s32 $0x380;
	[sflag:s29] =	ssyncadd.s32 $0xFFFFE000  }
.LBB2_8:
0xc8: {  	[tilespmem:s19], [sflag:$0x4] =	stream.indirect.gather [hbm4b:s4+s12], $0x80, s24, s12, $0xb8;
	[tilespmem:$0x1F000] =	vst v63  }
0xc9: {  	s11 =	smov.u32 s8  }
0xca: {  	p0 =	sne.s32 s8, $0x4000;
	s8 =	sadd.s32 $0x800, s8;
	_ =	swait.ge [sflag:s20], $0x2000  }
0xcb: {  	s24 =	sshra.s32 s11, $0x2;
	[sflag:s20] =	ssyncset.done $0x0  }
0xcc: {  	s11 =	sadd.s32 $0x1400, s24;
	[sflag:s20] =	ssyncadd.s32 $0xFFFFE000  }
0xcd: {  	[spmem:s2] =	stream.indirect.scatter.add.f32 [tilespmem:s13], [sflag:$0x5], $0x80, s11, s12, $0xb8;
	[tilespmem:$0x1F000] =	vst v63  }
0xce: {  	_ =	swait.ge [sflag:s21], $0x2000  }
0xcf: {  	[sflag:s21] =	ssyncset.done $0x0  }
0xd0: {  	s11 =	sadd.s32 $0x1480, s24;
	[sflag:s21] =	ssyncadd.s32 $0xFFFFE000  }
0xd1: {  	[spmem:s2] =	stream.indirect.scatter.add.f32 [tilespmem:s15], [sflag:$0x6], $0x80, s11, s12, $0xb8;
	[tilespmem:$0x1F000] =	vst v63  }
0xd2: {  	_ =	swait.ge [sflag:s22], $0x2000  }
0xd3: {  	[sflag:s22] =	ssyncset.done $0x0  }
0xd4: {  	s11 =	sadd.s32 $0x1500, s24;
	[sflag:s22] =	ssyncadd.s32 $0xFFFFE000  }
0xd5: {  	[spmem:s2] =	stream.indirect.scatter.add.f32 [tilespmem:s17], [sflag:$0x7], $0x80, s11, s12, $0xb8;
	[tilespmem:$0x1F000] =	vst v63  }
0xd6: {  	_ =	swait.ge [sflag:s23], $0x2000  }
0xd7: {  	[sflag:s23] =	ssyncset.done $0x0  }
0xd8: {  	s11 =	sadd.s32 $0x1580, s24;
	[sflag:s23] =	ssyncadd.s32 $0xFFFFE000  }
0xd9: {  	[spmem:s2] =	stream.indirect.scatter.add.f32 [tilespmem:s19], [sflag:$0x8], $0x80, s11, s12, $0xb8;
	[tilespmem:$0x1F000] =	vst v63  }
0xda: {  	_ =	swait.ge [sflag:s25], $0x2000  }
0xdb: {  	[sflag:s25] =	ssyncset.done $0x0  }
0xdc: {  	s11 =	sadd.s32 $0x200, s24;
	[sflag:s25] =	ssyncadd.s32 $0xFFFFE000  }
0xdd: {  	[tilespmem:s13], [sflag:$0x1] =	stream.indirect.gather [hbm4b:s4+s12], $0x80, s11, s12, $0xb8;
	[tilespmem:$0x1F000] =	vst v63  }
0xde: {  	_ =	swait.ge [sflag:s26], $0x2000  }
0xdf: {  	[sflag:s26] =	ssyncset.done $0x0  }
0xe0: {  	s11 =	sadd.s32 $0x280, s24;
	[sflag:s26] =	ssyncadd.s32 $0xFFFFE000  }
0xe1: {  	[tilespmem:s15], [sflag:$0x2] =	stream.indirect.gather [hbm4b:s4+s12], $0x80, s11, s12, $0xb8;
	[tilespmem:$0x1F000] =	vst v63  }
0xe2: {  	_ =	swait.ge [sflag:s28], $0x2000  }
0xe3: {  	[sflag:s28] =	ssyncset.done $0x0  }
.Ltmp3:
0xe4: {  	s11 =	sadd.s32 $0x300, s24;
	[sflag:s28] =	ssyncadd.s32 $0xFFFFE000;
	(pc) =	sbr.rel @p0 .LBB2_8-.Ltmp3, $4  }
0xe5: {  	[tilespmem:s17], [sflag:$0x3] =	stream.indirect.gather [hbm4b:s4+s12], $0x80, s11, s12, $0xb8;
	[tilespmem:$0x1F000] =	vst v63  }
0xe6: {  	_ =	swait.ge [sflag:s29], $0x2000  }
0xe7: {  	[sflag:s29] =	ssyncset.done $0x0  }
0xe8: {  	s24 =	sadd.s32 $0x380, s24;
	[sflag:s29] =	ssyncadd.s32 $0xFFFFE000  }
0xe9: {  	[tilespmem:s19], [sflag:$0x4] =	stream.indirect.gather [hbm4b:s4+s12], $0x80, s24, s12, $0xb8;
	[tilespmem:$0x1F000] =	vst v63  }
0xea: {  	_ =	swait.ge [sflag:s20], $0x2000  }
0xeb: {  	[sflag:s20] =	ssyncset.done $0x0  }
0xec: {  	[sflag:s20] =	ssyncadd.s32 $0xFFFFE000  }
0xed: {  	[spmem:s2] =	stream.indirect.scatter.add.f32 [tilespmem:s13], [sflag:$0x9], $0x80, s30, s12, $0xb8;
	[tilespmem:$0x1F000] =	vst v63  }
0xee: {  	_ =	swait.ge [sflag:s10], $0x2000  }
0xef: {  	[sflag:s10] =	ssyncset.done $0x0  }
0xf0: {  	[sflag:s10] =	ssyncadd.s32 $0xFFFFE000  }
0xf1: {  	_ =	swait.ge [sflag:s21], $0x2000  }
0xf2: {  	[sflag:s21] =	ssyncset.done $0x0  }
0xf3: {  	[sflag:s21] =	ssyncadd.s32 $0xFFFFE000  }
0xf4: {  	[spmem:s2] =	stream.indirect.scatter.add.f32 [tilespmem:s15], [sflag:$0x9], $0x80, s31, s12, $0xb8;
	[tilespmem:$0x1F000] =	vst v63  }
0xf5: {  	_ =	swait.ge [sflag:s10], $0x2000  }
0xf6: {  	[sflag:s10] =	ssyncset.done $0x0  }
0xf7: {  	[sflag:s10] =	ssyncadd.s32 $0xFFFFE000  }
0xf8: {  	_ =	swait.ge [sflag:s22], $0x2000  }
0xf9: {  	[sflag:s22] =	ssyncset.done $0x0  }
0xfa: {  	[sflag:s22] =	ssyncadd.s32 $0xFFFFE000  }
0xfb: {  	[spmem:s2] =	stream.indirect.scatter.add.f32 [tilespmem:s17], [sflag:$0x9], $0x80, s1, s12, $0xb8;
	[tilespmem:$0x1F000] =	vst v63  }
0xfc: {  	_ =	swait.ge [sflag:s10], $0x2000  }
0xfd: {  	[sflag:s10] =	ssyncset.done $0x0  }
0xfe: {  	[sflag:s10] =	ssyncadd.s32 $0xFFFFE000  }
0xff: {  	_ =	swait.ge [sflag:s23], $0x2000  }
0x100: {  	[sflag:s23] =	ssyncset.done $0x0  }
0x101: {  	[sflag:s23] =	ssyncadd.s32 $0xFFFFE000  }
0x102: {  	[spmem:s2] =	stream.indirect.scatter.add.f32 [tilespmem:s19], [sflag:$0x9], $0x80, s0, s12, $0xb8;
	[tilespmem:$0x1F000] =	vst v63  }
0x103: {  	_ =	swait.ge [sflag:s10], $0x2000  }
0x104: {  	[sflag:s10] =	ssyncset.done $0x0  }
0x105: {  	s8 =	sadd.s32 $0x500, s6;
	s11 =	simm.s32 $0x0;
	[sflag:s10] =	ssyncadd.s32 $0xFFFFE000  }
0x106: {  	[tilespmem:s11], [sflag:$0x9] =	stream.linear.gather [hbm4b:s8+s11], $0x1400, $0x38;
	[tilespmem:$0x1F000] =	vst v63  }
0x107: {  	_ =	swait.ge [sflag:s10], $0x1400  }
0x108: {  	[sflag:s10] =	ssyncset.done $0x0  }
0x109: {  	s24 =	simm.s32 $0x1400;
	s8 =	sadd.s32 $0x500, s7;
	[sflag:s10] =	ssyncadd.s32 $0xFFFFEC00  }
0x10a: {  	[tilespmem:s24], [sflag:$0x9] =	stream.linear.gather [hbm4b:s8+s11], $0x1400, $0x38;
	[tilespmem:$0x1F000] =	vst v63  }
0x10b: {  	_ =	swait.ge [sflag:s10], $0x1400  }
0x10c: {  	[sflag:s10] =	ssyncset.done $0x0  }
0x10d: {  	[sflag:s10] =	ssyncadd.s32 $0xFFFFEC00  }
0x10e: {  	[tilespmem:s13], [sflag:$0x1] =	stream.indirect.gather [hbm4b:s4+s12], $0x80, s11, s12, $0xb8;
	[tilespmem:$0x1F000] =	vst v63  }
0x10f: {  	_ = 	snop  }
0x110: {  	[tilespmem:s15], [sflag:$0x2] =	stream.indirect.gather [hbm4b:s4+s12], $0x80, s14, s12, $0xb8;
	[tilespmem:$0x1F000] =	vst v63  }
0x111: {  	_ = 	snop  }
0x112: {  	[tilespmem:s17], [sflag:$0x3] =	stream.indirect.gather [hbm4b:s4+s12], $0x80, s16, s12, $0xb8;
	[tilespmem:$0x1F000] =	vst v63  }
0x113: {  	_ = 	snop  }
0x114: {  	[tilespmem:s19], [sflag:$0x4] =	stream.indirect.gather [hbm4b:s4+s12], $0x80, s18, s12, $0xb8;
	[tilespmem:$0x1F000] =	vst v63  }
0x115: {  	_ =	swait.ge [sflag:s20], $0x2000  }
0x116: {  	[sflag:s20] =	ssyncset.done $0x0  }
0x117: {  	s24 =	simm.s32 $0x1400;
	[sflag:s20] =	ssyncadd.s32 $0xFFFFE000  }
0x118: {  	[spmem:s2] =	stream.indirect.scatter.add.f32 [tilespmem:s13], [sflag:$0x5], $0x80, s24, s12, $0xb8;
	[tilespmem:$0x1F000] =	vst v63  }
0x119: {  	_ =	swait.ge [sflag:s21], $0x2000  }
0x11a: {  	[sflag:s21] =	ssyncset.done $0x0  }
0x11b: {  	s11 =	simm.s32 $0x1480;
	[sflag:s21] =	ssyncadd.s32 $0xFFFFE000  }
0x11c: {  	[spmem:s2] =	stream.indirect.scatter.add.f32 [tilespmem:s15], [sflag:$0x6], $0x80, s11, s12, $0xb8;
	[tilespmem:$0x1F000] =	vst v63  }
0x11d: {  	_ =	swait.ge [sflag:s22], $0x2000  }
0x11e: {  	[sflag:s22] =	ssyncset.done $0x0  }
0x11f: {  	s24 =	simm.s32 $0x1500;
	[sflag:s22] =	ssyncadd.s32 $0xFFFFE000  }
0x120: {  	[spmem:s2] =	stream.indirect.scatter.add.f32 [tilespmem:s17], [sflag:$0x7], $0x80, s24, s12, $0xb8;
	[tilespmem:$0x1F000] =	vst v63  }
0x121: {  	_ =	swait.ge [sflag:s23], $0x2000  }
0x122: {  	[sflag:s23] =	ssyncset.done $0x0  }
0x123: {  	s11 =	simm.s32 $0x1580;
	[sflag:s23] =	ssyncadd.s32 $0xFFFFE000  }
0x124: {  	[spmem:s2] =	stream.indirect.scatter.add.f32 [tilespmem:s19], [sflag:$0x8], $0x80, s11, s12, $0xb8;
	[tilespmem:$0x1F000] =	vst v63  }
0x125: {  	_ =	swait.ge [sflag:s25], $0x2000  }
0x126: {  	[sflag:s25] =	ssyncset.done $0x0  }
0x127: {  	s24 =	simm.s32 $0x200;
	[sflag:s25] =	ssyncadd.s32 $0xFFFFE000  }
0x128: {  	[tilespmem:s13], [sflag:$0x1] =	stream.indirect.gather [hbm4b:s4+s12], $0x80, s24, s12, $0xb8;
	[tilespmem:$0x1F000] =	vst v63  }
0x129: {  	_ =	swait.ge [sflag:s26], $0x2000  }
0x12a: {  	[sflag:s26] =	ssyncset.done $0x0  }
0x12b: {  	s11 =	simm.s32 $0x280;
	[sflag:s26] =	ssyncadd.s32 $0xFFFFE000  }
0x12c: {  	[tilespmem:s15], [sflag:$0x2] =	stream.indirect.gather [hbm4b:s4+s12], $0x80, s11, s12, $0xb8;
	[tilespmem:$0x1F000] =	vst v63  }
0x12d: {  	_ =	swait.ge [sflag:s28], $0x2000  }
0x12e: {  	[sflag:s28] =	ssyncset.done $0x0  }
0x12f: {  	s24 =	simm.s32 $0x300;
	[sflag:s28] =	ssyncadd.s32 $0xFFFFE000  }
0x130: {  	[tilespmem:s17], [sflag:$0x3] =	stream.indirect.gather [hbm4b:s4+s12], $0x80, s24, s12, $0xb8;
	[tilespmem:$0x1F000] =	vst v63  }
0x131: {  	_ =	swait.ge [sflag:s29], $0x2000  }
0x132: {  	[sflag:s29] =	ssyncset.done $0x0  }
0x133: {  	s8 =	simm.s32 $0x800;
	s24 =	simm.s32 $0x380;
	[sflag:s29] =	ssyncadd.s32 $0xFFFFE000  }
.LBB2_10:
0x134: {  	[tilespmem:s19], [sflag:$0x4] =	stream.indirect.gather [hbm4b:s4+s12], $0x80, s24, s12, $0xb8;
	[tilespmem:$0x1F000] =	vst v63  }
0x135: {  	s11 =	smov.u32 s8  }
0x136: {  	p0 =	sne.s32 s8, $0x4000;
	s8 =	sadd.s32 $0x800, s8;
	_ =	swait.ge [sflag:s20], $0x2000  }
0x137: {  	s24 =	sshra.s32 s11, $0x2;
	[sflag:s20] =	ssyncset.done $0x0  }
0x138: {  	s11 =	sadd.s32 $0x1400, s24;
	[sflag:s20] =	ssyncadd.s32 $0xFFFFE000  }
0x139: {  	[spmem:s2] =	stream.indirect.scatter.add.f32 [tilespmem:s13], [sflag:$0x5], $0x80, s11, s12, $0xb8;
	[tilespmem:$0x1F000] =	vst v63  }
0x13a: {  	_ =	swait.ge [sflag:s21], $0x2000  }
0x13b: {  	[sflag:s21] =	ssyncset.done $0x0  }
0x13c: {  	s11 =	sadd.s32 $0x1480, s24;
	[sflag:s21] =	ssyncadd.s32 $0xFFFFE000  }
0x13d: {  	[spmem:s2] =	stream.indirect.scatter.add.f32 [tilespmem:s15], [sflag:$0x6], $0x80, s11, s12, $0xb8;
	[tilespmem:$0x1F000] =	vst v63  }
0x13e: {  	_ =	swait.ge [sflag:s22], $0x2000  }
0x13f: {  	[sflag:s22] =	ssyncset.done $0x0  }
0x140: {  	s11 =	sadd.s32 $0x1500, s24;
	[sflag:s22] =	ssyncadd.s32 $0xFFFFE000  }
0x141: {  	[spmem:s2] =	stream.indirect.scatter.add.f32 [tilespmem:s17], [sflag:$0x7], $0x80, s11, s12, $0xb8;
	[tilespmem:$0x1F000] =	vst v63  }
0x142: {  	_ =	swait.ge [sflag:s23], $0x2000  }
0x143: {  	[sflag:s23] =	ssyncset.done $0x0  }
0x144: {  	s11 =	sadd.s32 $0x1580, s24;
	[sflag:s23] =	ssyncadd.s32 $0xFFFFE000  }
0x145: {  	[spmem:s2] =	stream.indirect.scatter.add.f32 [tilespmem:s19], [sflag:$0x8], $0x80, s11, s12, $0xb8;
	[tilespmem:$0x1F000] =	vst v63  }
0x146: {  	_ =	swait.ge [sflag:s25], $0x2000  }
0x147: {  	[sflag:s25] =	ssyncset.done $0x0  }
0x148: {  	s11 =	sadd.s32 $0x200, s24;
	[sflag:s25] =	ssyncadd.s32 $0xFFFFE000  }
0x149: {  	[tilespmem:s13], [sflag:$0x1] =	stream.indirect.gather [hbm4b:s4+s12], $0x80, s11, s12, $0xb8;
	[tilespmem:$0x1F000] =	vst v63  }
0x14a: {  	_ =	swait.ge [sflag:s26], $0x2000  }
0x14b: {  	[sflag:s26] =	ssyncset.done $0x0  }
0x14c: {  	s11 =	sadd.s32 $0x280, s24;
	[sflag:s26] =	ssyncadd.s32 $0xFFFFE000  }
0x14d: {  	[tilespmem:s15], [sflag:$0x2] =	stream.indirect.gather [hbm4b:s4+s12], $0x80, s11, s12, $0xb8;
	[tilespmem:$0x1F000] =	vst v63  }
0x14e: {  	_ =	swait.ge [sflag:s28], $0x2000  }
0x14f: {  	[sflag:s28] =	ssyncset.done $0x0  }
.Ltmp4:
0x150: {  	s11 =	sadd.s32 $0x300, s24;
	[sflag:s28] =	ssyncadd.s32 $0xFFFFE000;
	(pc) =	sbr.rel @p0 .LBB2_10-.Ltmp4, $4  }
0x151: {  	[tilespmem:s17], [sflag:$0x3] =	stream.indirect.gather [hbm4b:s4+s12], $0x80, s11, s12, $0xb8;
	[tilespmem:$0x1F000] =	vst v63  }
0x152: {  	_ =	swait.ge [sflag:s29], $0x2000  }
0x153: {  	[sflag:s29] =	ssyncset.done $0x0  }
0x154: {  	s24 =	sadd.s32 $0x380, s24;
	[sflag:s29] =	ssyncadd.s32 $0xFFFFE000  }
0x155: {  	[tilespmem:s19], [sflag:$0x4] =	stream.indirect.gather [hbm4b:s4+s12], $0x80, s24, s12, $0xb8;
	[tilespmem:$0x1F000] =	vst v63  }
0x156: {  	_ =	swait.ge [sflag:s20], $0x2000  }
0x157: {  	[sflag:s20] =	ssyncset.done $0x0  }
0x158: {  	[sflag:s20] =	ssyncadd.s32 $0xFFFFE000  }
0x159: {  	[spmem:s2] =	stream.indirect.scatter.add.f32 [tilespmem:s13], [sflag:$0x9], $0x80, s30, s12, $0xb8;
	[tilespmem:$0x1F000] =	vst v63  }
0x15a: {  	_ =	swait.ge [sflag:s10], $0x2000  }
0x15b: {  	[sflag:s10] =	ssyncset.done $0x0  }
0x15c: {  	[sflag:s10] =	ssyncadd.s32 $0xFFFFE000  }
0x15d: {  	_ =	swait.ge [sflag:s21], $0x2000  }
0x15e: {  	[sflag:s21] =	ssyncset.done $0x0  }
0x15f: {  	[sflag:s21] =	ssyncadd.s32 $0xFFFFE000  }
0x160: {  	[spmem:s2] =	stream.indirect.scatter.add.f32 [tilespmem:s15], [sflag:$0x9], $0x80, s31, s12, $0xb8;
	[tilespmem:$0x1F000] =	vst v63  }
0x161: {  	_ =	swait.ge [sflag:s10], $0x2000  }
0x162: {  	[sflag:s10] =	ssyncset.done $0x0  }
0x163: {  	[sflag:s10] =	ssyncadd.s32 $0xFFFFE000  }
0x164: {  	_ =	swait.ge [sflag:s22], $0x2000  }
0x165: {  	[sflag:s22] =	ssyncset.done $0x0  }
0x166: {  	[sflag:s22] =	ssyncadd.s32 $0xFFFFE000  }
0x167: {  	[spmem:s2] =	stream.indirect.scatter.add.f32 [tilespmem:s17], [sflag:$0x9], $0x80, s1, s12, $0xb8;
	[tilespmem:$0x1F000] =	vst v63  }
0x168: {  	_ =	swait.ge [sflag:s10], $0x2000  }
0x169: {  	[sflag:s10] =	ssyncset.done $0x0  }
0x16a: {  	[sflag:s10] =	ssyncadd.s32 $0xFFFFE000  }
0x16b: {  	_ =	swait.ge [sflag:s23], $0x2000  }
0x16c: {  	[sflag:s23] =	ssyncset.done $0x0  }
0x16d: {  	[sflag:s23] =	ssyncadd.s32 $0xFFFFE000  }
0x16e: {  	[spmem:s2] =	stream.indirect.scatter.add.f32 [tilespmem:s19], [sflag:$0x9], $0x80, s0, s12, $0xb8;
	[tilespmem:$0x1F000] =	vst v63  }
0x16f: {  	_ =	swait.ge [sflag:s10], $0x2000  }
0x170: {  	[sflag:s10] =	ssyncset.done $0x0  }
0x171: {  	s8 =	sadd.s32 $0x780, s6;
	s11 =	simm.s32 $0x0;
	[sflag:s10] =	ssyncadd.s32 $0xFFFFE000  }
0x172: {  	[tilespmem:s11], [sflag:$0x9] =	stream.linear.gather [hbm4b:s8+s11], $0x1400, $0x38;
	[tilespmem:$0x1F000] =	vst v63  }
0x173: {  	_ =	swait.ge [sflag:s10], $0x1400  }
0x174: {  	[sflag:s10] =	ssyncset.done $0x0  }
0x175: {  	s24 =	simm.s32 $0x1400;
	s8 =	sadd.s32 $0x780, s7;
	[sflag:s10] =	ssyncadd.s32 $0xFFFFEC00  }
0x176: {  	[tilespmem:s24], [sflag:$0x9] =	stream.linear.gather [hbm4b:s8+s11], $0x1400, $0x38;
	[tilespmem:$0x1F000] =	vst v63  }
0x177: {  	_ =	swait.ge [sflag:s10], $0x1400  }
0x178: {  	[sflag:s10] =	ssyncset.done $0x0  }
0x179: {  	[sflag:s10] =	ssyncadd.s32 $0xFFFFEC00  }
0x17a: {  	[tilespmem:s13], [sflag:$0x1] =	stream.indirect.gather [hbm4b:s4+s12], $0x80, s11, s12, $0xb8;
	[tilespmem:$0x1F000] =	vst v63  }
0x17b: {  	_ = 	snop  }
0x17c: {  	[tilespmem:s15], [sflag:$0x2] =	stream.indirect.gather [hbm4b:s4+s12], $0x80, s14, s12, $0xb8;
	[tilespmem:$0x1F000] =	vst v63  }
0x17d: {  	_ = 	snop  }
0x17e: {  	[tilespmem:s17], [sflag:$0x3] =	stream.indirect.gather [hbm4b:s4+s12], $0x80, s16, s12, $0xb8;
	[tilespmem:$0x1F000] =	vst v63  }
0x17f: {  	_ = 	snop  }
0x180: {  	[tilespmem:s19], [sflag:$0x4] =	stream.indirect.gather [hbm4b:s4+s12], $0x80, s18, s12, $0xb8;
	[tilespmem:$0x1F000] =	vst v63  }
0x181: {  	_ =	swait.ge [sflag:s20], $0x2000  }
0x182: {  	[sflag:s20] =	ssyncset.done $0x0  }
0x183: {  	s24 =	simm.s32 $0x1400;
	[sflag:s20] =	ssyncadd.s32 $0xFFFFE000  }
0x184: {  	[spmem:s2] =	stream.indirect.scatter.add.f32 [tilespmem:s13], [sflag:$0x5], $0x80, s24, s12, $0xb8;
	[tilespmem:$0x1F000] =	vst v63  }
0x185: {  	_ =	swait.ge [sflag:s21], $0x2000  }
0x186: {  	[sflag:s21] =	ssyncset.done $0x0  }
0x187: {  	s11 =	simm.s32 $0x1480;
	[sflag:s21] =	ssyncadd.s32 $0xFFFFE000  }
0x188: {  	[spmem:s2] =	stream.indirect.scatter.add.f32 [tilespmem:s15], [sflag:$0x6], $0x80, s11, s12, $0xb8;
	[tilespmem:$0x1F000] =	vst v63  }
0x189: {  	_ =	swait.ge [sflag:s22], $0x2000  }
0x18a: {  	[sflag:s22] =	ssyncset.done $0x0  }
0x18b: {  	s24 =	simm.s32 $0x1500;
	[sflag:s22] =	ssyncadd.s32 $0xFFFFE000  }
0x18c: {  	[spmem:s2] =	stream.indirect.scatter.add.f32 [tilespmem:s17], [sflag:$0x7], $0x80, s24, s12, $0xb8;
	[tilespmem:$0x1F000] =	vst v63  }
0x18d: {  	_ =	swait.ge [sflag:s23], $0x2000  }
0x18e: {  	[sflag:s23] =	ssyncset.done $0x0  }
0x18f: {  	s11 =	simm.s32 $0x1580;
	[sflag:s23] =	ssyncadd.s32 $0xFFFFE000  }
0x190: {  	[spmem:s2] =	stream.indirect.scatter.add.f32 [tilespmem:s19], [sflag:$0x8], $0x80, s11, s12, $0xb8;
	[tilespmem:$0x1F000] =	vst v63  }
0x191: {  	_ =	swait.ge [sflag:s25], $0x2000  }
0x192: {  	[sflag:s25] =	ssyncset.done $0x0  }
0x193: {  	s24 =	simm.s32 $0x200;
	[sflag:s25] =	ssyncadd.s32 $0xFFFFE000  }
0x194: {  	[tilespmem:s13], [sflag:$0x1] =	stream.indirect.gather [hbm4b:s4+s12], $0x80, s24, s12, $0xb8;
	[tilespmem:$0x1F000] =	vst v63  }
0x195: {  	_ =	swait.ge [sflag:s26], $0x2000  }
0x196: {  	[sflag:s26] =	ssyncset.done $0x0  }
0x197: {  	s11 =	simm.s32 $0x280;
	[sflag:s26] =	ssyncadd.s32 $0xFFFFE000  }
0x198: {  	[tilespmem:s15], [sflag:$0x2] =	stream.indirect.gather [hbm4b:s4+s12], $0x80, s11, s12, $0xb8;
	[tilespmem:$0x1F000] =	vst v63  }
0x199: {  	_ =	swait.ge [sflag:s28], $0x2000  }
0x19a: {  	[sflag:s28] =	ssyncset.done $0x0  }
0x19b: {  	s24 =	simm.s32 $0x300;
	[sflag:s28] =	ssyncadd.s32 $0xFFFFE000  }
0x19c: {  	[tilespmem:s17], [sflag:$0x3] =	stream.indirect.gather [hbm4b:s4+s12], $0x80, s24, s12, $0xb8;
	[tilespmem:$0x1F000] =	vst v63  }
0x19d: {  	_ =	swait.ge [sflag:s29], $0x2000  }
0x19e: {  	[sflag:s29] =	ssyncset.done $0x0  }
0x19f: {  	s8 =	simm.s32 $0x800;
	s24 =	simm.s32 $0x380;
	[sflag:s29] =	ssyncadd.s32 $0xFFFFE000  }
.LBB2_12:
0x1a0: {  	[tilespmem:s19], [sflag:$0x4] =	stream.indirect.gather [hbm4b:s4+s12], $0x80, s24, s12, $0xb8;
	[tilespmem:$0x1F000] =	vst v63  }
0x1a1: {  	s11 =	smov.u32 s8  }
0x1a2: {  	p0 =	sne.s32 s8, $0x4000;
	s8 =	sadd.s32 $0x800, s8;
	_ =	swait.ge [sflag:s20], $0x2000  }
0x1a3: {  	s24 =	sshra.s32 s11, $0x2;
	[sflag:s20] =	ssyncset.done $0x0  }
0x1a4: {  	s11 =	sadd.s32 $0x1400, s24;
	[sflag:s20] =	ssyncadd.s32 $0xFFFFE000  }
0x1a5: {  	[spmem:s2] =	stream.indirect.scatter.add.f32 [tilespmem:s13], [sflag:$0x5], $0x80, s11, s12, $0xb8;
	[tilespmem:$0x1F000] =	vst v63  }
0x1a6: {  	_ =	swait.ge [sflag:s21], $0x2000  }
0x1a7: {  	[sflag:s21] =	ssyncset.done $0x0  }
0x1a8: {  	s11 =	sadd.s32 $0x1480, s24;
	[sflag:s21] =	ssyncadd.s32 $0xFFFFE000  }
0x1a9: {  	[spmem:s2] =	stream.indirect.scatter.add.f32 [tilespmem:s15], [sflag:$0x6], $0x80, s11, s12, $0xb8;
	[tilespmem:$0x1F000] =	vst v63  }
0x1aa: {  	_ =	swait.ge [sflag:s22], $0x2000  }
0x1ab: {  	[sflag:s22] =	ssyncset.done $0x0  }
0x1ac: {  	s11 =	sadd.s32 $0x1500, s24;
	[sflag:s22] =	ssyncadd.s32 $0xFFFFE000  }
0x1ad: {  	[spmem:s2] =	stream.indirect.scatter.add.f32 [tilespmem:s17], [sflag:$0x7], $0x80, s11, s12, $0xb8;
	[tilespmem:$0x1F000] =	vst v63  }
0x1ae: {  	_ =	swait.ge [sflag:s23], $0x2000  }
0x1af: {  	[sflag:s23] =	ssyncset.done $0x0  }
0x1b0: {  	s11 =	sadd.s32 $0x1580, s24;
	[sflag:s23] =	ssyncadd.s32 $0xFFFFE000  }
0x1b1: {  	[spmem:s2] =	stream.indirect.scatter.add.f32 [tilespmem:s19], [sflag:$0x8], $0x80, s11, s12, $0xb8;
	[tilespmem:$0x1F000] =	vst v63  }
0x1b2: {  	_ =	swait.ge [sflag:s25], $0x2000  }
0x1b3: {  	[sflag:s25] =	ssyncset.done $0x0  }
0x1b4: {  	s11 =	sadd.s32 $0x200, s24;
	[sflag:s25] =	ssyncadd.s32 $0xFFFFE000  }
0x1b5: {  	[tilespmem:s13], [sflag:$0x1] =	stream.indirect.gather [hbm4b:s4+s12], $0x80, s11, s12, $0xb8;
	[tilespmem:$0x1F000] =	vst v63  }
0x1b6: {  	_ =	swait.ge [sflag:s26], $0x2000  }
0x1b7: {  	[sflag:s26] =	ssyncset.done $0x0  }
0x1b8: {  	s11 =	sadd.s32 $0x280, s24;
	[sflag:s26] =	ssyncadd.s32 $0xFFFFE000  }
0x1b9: {  	[tilespmem:s15], [sflag:$0x2] =	stream.indirect.gather [hbm4b:s4+s12], $0x80, s11, s12, $0xb8;
	[tilespmem:$0x1F000] =	vst v63  }
0x1ba: {  	_ =	swait.ge [sflag:s28], $0x2000  }
0x1bb: {  	[sflag:s28] =	ssyncset.done $0x0  }
.Ltmp5:
0x1bc: {  	s11 =	sadd.s32 $0x300, s24;
	[sflag:s28] =	ssyncadd.s32 $0xFFFFE000;
	(pc) =	sbr.rel @p0 .LBB2_12-.Ltmp5, $4  }
0x1bd: {  	[tilespmem:s17], [sflag:$0x3] =	stream.indirect.gather [hbm4b:s4+s12], $0x80, s11, s12, $0xb8;
	[tilespmem:$0x1F000] =	vst v63  }
0x1be: {  	_ =	swait.ge [sflag:s29], $0x2000  }
0x1bf: {  	[sflag:s29] =	ssyncset.done $0x0  }
0x1c0: {  	s24 =	sadd.s32 $0x380, s24;
	[sflag:s29] =	ssyncadd.s32 $0xFFFFE000  }
0x1c1: {  	[tilespmem:s19], [sflag:$0x4] =	stream.indirect.gather [hbm4b:s4+s12], $0x80, s24, s12, $0xb8;
	[tilespmem:$0x1F000] =	vst v63  }
0x1c2: {  	_ =	swait.ge [sflag:s20], $0x2000  }
0x1c3: {  	[sflag:s20] =	ssyncset.done $0x0  }
0x1c4: {  	[sflag:s20] =	ssyncadd.s32 $0xFFFFE000  }
0x1c5: {  	[spmem:s2] =	stream.indirect.scatter.add.f32 [tilespmem:s13], [sflag:$0x9], $0x80, s30, s12, $0xb8;
	[tilespmem:$0x1F000] =	vst v63  }
0x1c6: {  	_ =	swait.ge [sflag:s10], $0x2000  }
0x1c7: {  	[sflag:s10] =	ssyncset.done $0x0  }
0x1c8: {  	[sflag:s10] =	ssyncadd.s32 $0xFFFFE000  }
0x1c9: {  	_ =	swait.ge [sflag:s21], $0x2000  }
0x1ca: {  	[sflag:s21] =	ssyncset.done $0x0  }
0x1cb: {  	[sflag:s21] =	ssyncadd.s32 $0xFFFFE000  }
0x1cc: {  	[spmem:s2] =	stream.indirect.scatter.add.f32 [tilespmem:s15], [sflag:$0x9], $0x80, s31, s12, $0xb8;
	[tilespmem:$0x1F000] =	vst v63  }
0x1cd: {  	_ =	swait.ge [sflag:s10], $0x2000  }
0x1ce: {  	[sflag:s10] =	ssyncset.done $0x0  }
0x1cf: {  	[sflag:s10] =	ssyncadd.s32 $0xFFFFE000  }
0x1d0: {  	_ =	swait.ge [sflag:s22], $0x2000  }
0x1d1: {  	[sflag:s22] =	ssyncset.done $0x0  }
0x1d2: {  	[sflag:s22] =	ssyncadd.s32 $0xFFFFE000  }
0x1d3: {  	[spmem:s2] =	stream.indirect.scatter.add.f32 [tilespmem:s17], [sflag:$0x9], $0x80, s1, s12, $0xb8;
	[tilespmem:$0x1F000] =	vst v63  }
0x1d4: {  	_ =	swait.ge [sflag:s10], $0x2000  }
0x1d5: {  	[sflag:s10] =	ssyncset.done $0x0  }
0x1d6: {  	[sflag:s10] =	ssyncadd.s32 $0xFFFFE000  }
0x1d7: {  	_ =	swait.ge [sflag:s23], $0x2000  }
0x1d8: {  	[sflag:s23] =	ssyncset.done $0x0  }
0x1d9: {  	[sflag:s23] =	ssyncadd.s32 $0xFFFFE000  }
0x1da: {  	[spmem:s2] =	stream.indirect.scatter.add.f32 [tilespmem:s19], [sflag:$0x9], $0x80, s0, s12, $0xb8;
	[tilespmem:$0x1F000] =	vst v63  }
0x1db: {  	_ =	swait.ge [sflag:s10], $0x2000  }
0x1dc: {  	[sflag:s10] =	ssyncset.done $0x0  }
0x1dd: {  	s8 =	stileid.u32;
	[sflag:s10] =	ssyncadd.s32 $0xFFFFE000  }
0x1de: {  	s8 =	sshll.u32 s8, $0x6;
	[bflag:$0x0] =	sbarrier.arrive $0xFFFF  }
0x1df: {  	s11 =	sshrl.u32 s5, $0x3;
	s8 =	sor.u32 $0x1C09, s8;
	s24 =	rddreg [dreg:$0x4]  }
0x1e0: {  	[hbm:s24], [sflag:s8] =	dma.local [spmem:s11], $0x2800  }
0x1e1: {  	_ =	swait.ge [sflag:s10], $0x2800  }
0x1e2: {  	s3 =	sadd.s32 $0x1, s3;
	s24 =	rddreg [dreg:$0x3]  }
0x1e3: {  	p0 =	sne.s32 s3, s24  }
.Ltmp6:
0x1e4: {  	_ = 	snop;
	(pc) =	sbr.rel @p0 .LBB2_1-.Ltmp6, $3  }
0x1e5: {  	_ =	sdelay $0x1  }
0x1e6: {  	[sflag:s10] =	ssyncset.done $0x0  }
0x1e7: {  	[sflag:s10] =	ssyncadd.s32 $0xFFFFD800  }
0x1e8: {  	_ =	sfence.sel $0x180000  }
0x1e9: {  	[bflag:$0x0] =	sbarrier.arrive $0xFFFF  }
0x1ea: {  	_ =	strace $0x9000004A  }
0x1eb: {  	s0 =	stileid.u32;
	[bflag:$0x2] =	sbarrier.arrive $0xFFFF  }
0x1ec: {  	p0 =	sne.s32 s0, $0x0;
	s0 =	rddreg [dreg:$0x2]  }
0x1ed: {  	s0 =	sadd.s32 @!p0 $0x100000, s0  }
0x1ee: {  	[sflag:s0] =	ssyncadd.tile.s32 @!p0 $0x1;
	_ =	shalt  }
.Lfunc_end2:
_tile_overlayer_lowered:
.L_overlay_start_2:
0x1ef: {  	(tag) =	ssettag $0x2  }
0x1f0: {  	s0 =	rddreg [dreg:$0x0];
	s2 =	stileid.u32  }
0x1f1: {  	s1 =	rddreg [dreg:$0x1];
	p0 =	sne.s32 s2, $0x0  }
0x1f2: {  	s3 =	rddreg [dreg:$0x2];
	[bflag:$0x3] =	sbarrier.arrive $0xFFFF;
	s2 =	simm.s32 @!p0 $0x1C09  }
0x1f3: {  	[timem:s3], [sflag:s2] =	dma.local @!p0 [hbm:s0], s1  }
0x1f4: {  	s0 =	simm.s32 @!p0 $0x9  }
0x1f5: {  	_ =	swait.ge @!p0 [sflag:s0], s1  }
0x1f6: {  	s1 =	ssub.s32 @!p0 $0x0, s1;
	[sflag:s0] =	ssyncset.done @!p0 $0x0  }
0x1f7: {  	[sflag:s0] =	ssyncadd.s32 @!p0 s1  }
0x1f8: {  	[bflag:$0x3] =	sbarrier.arrive $0xFFFF  }
0x1f9: {  	_ =	shalt  }

</sc_bundles>
